<compile_context>
chip_gen: v7x
topology: tpu7x:2x2x1
jax: 0.10.2.dev20260603
libtpu: 0.0.44.dev20260713+nightly
codegen_flags: <defaults>
</compile_context>

<pallas_src>
import functools

import jax
import jax.numpy as jnp
from jax import lax
from jax.experimental import pallas as pl
from jax.experimental.pallas import tpu as pltpu
from jax.experimental.pallas import tpu_sc as plsc

NN = 10000
EE = 320000
D = 128
NC, NS, L = 2, 16, 16
NW = NC * NS
NP = 10240
CH = 128
NCHK = 80
EPW = NCHK * CH
EPAD = NW * EPW
RPT = NP // NS
NR = NP // CH

_mesh = plsc.VectorSubcoreMesh(
    core_axis_name="c", subcore_axis_name="s", num_cores=NC, num_subcores=NS
)


@functools.partial(
    pl.kernel,
    out_type=jax.ShapeDtypeStruct((NW * NR, CH), jnp.float32),
    mesh=_mesh,
    scratch_types=[
        pltpu.VMEM((NCHK, CH), jnp.int32),
        pltpu.VMEM((NR, CH), jnp.float32),
    ],
    compiler_params=pltpu.CompilerParams(needs_layout_passes=False),
)
def _deg_kernel(dst_hbm, out_hbm, idx_v, hist_v):
    c = lax.axis_index("c")
    s = lax.axis_index("s")
    wid = s * NC + c

    pltpu.sync_copy(dst_hbm.at[pl.ds(wid * NCHK, NCHK)], idx_v)

    def fz(i, _):
        for k in range(CH // L):
            hist_v[i, pl.ds(k * L, L)] = jnp.zeros((L,), jnp.float32)
        return 0
    lax.fori_loop(0, NR, fz, 0)

    ones16 = jnp.ones((L,), jnp.float32)

    def fe(j, _):
        for k in range(CH // L):
            idx = idx_v[j, pl.ds(k * L, L)]
            row = lax.shift_right_logical(idx, 7)
            col = lax.bitwise_and(idx, 127)
            plsc.addupdate_scatter(hist_v, [row, col], ones16)
        return 0
    lax.fori_loop(0, NCHK, fe, 0)

    pltpu.sync_copy(hist_v, out_hbm.at[pl.ds(wid * NR, NR)])


NBUF = 2


HALF = NCHK // 2


@functools.partial(
    pl.kernel,
    out_type=jax.ShapeDtypeStruct((NC * NP, D), jnp.float32),
    mesh=_mesh,
    scratch_types=[
        pltpu.VMEM((HALF, CH), jnp.int32),
        pltpu.VMEM((HALF, CH), jnp.int32),
        pltpu.VMEM((NBUF, CH, D // 2), jnp.int32),
        pltpu.VMEM((CH, D), jnp.float32),
        pltpu.VMEM_SHARED((NP, D), jnp.float32),
        [pltpu.SemaphoreType.DMA] * NBUF,
        pltpu.SemaphoreType.DMA,
    ],
    compiler_params=pltpu.CompilerParams(needs_layout_passes=False,
                                         use_tc_tiling_on_sc=False),
)
def _mp_kernel(g_hbm, src_hbm, dst_hbm, out_hbm, si_v, di_v, rbf_v, rf_v,
               acc, gsem, ssem):
    c = lax.axis_index("c")
    s = lax.axis_index("s")
    wid = s * NC + c

    def fz(i, _):
        for k in range(D // L):
            rf_v[i, pl.ds(k * L, L)] = jnp.zeros((L,), jnp.float32)
        return 0
    lax.fori_loop(0, CH, fz, 0)

    def clear(t, _):
        pltpu.sync_copy(rf_v, acc.at[pl.ds(s * RPT + t * CH, CH)])
        return 0
    lax.fori_loop(0, RPT // CH, clear, 0)
    plsc.subcore_barrier()

    mask_hi = jnp.full((L,), -65536, jnp.int32)

    for h in range(NCHK // HALF):
        base = wid * NCHK + h * HALF
        pltpu.sync_copy(src_hbm.at[pl.ds(base, HALF)], si_v)
        pltpu.sync_copy(dst_hbm.at[pl.ds(base, HALF)], di_v)
        for b in range(NBUF):
            pltpu.async_copy(g_hbm.at[si_v.at[b]], rbf_v.at[b], gsem[b])

        def step(tt, _):
            for b in range(NBUF):
                t = tt * NBUF + b
                pltpu.make_async_copy(g_hbm.at[si_v.at[t]], rbf_v.at[b],
                                      gsem[b]).wait()

                def conv(r, _):
                    for g in range(D // 32):
                        u = rbf_v[b, r, pl.ds(g * L, L)]
                        lo = plsc.bitcast(lax.shift_left(u, 16), jnp.float32)
                        hi = plsc.bitcast(lax.bitwise_and(u, mask_hi),
                                          jnp.float32)
                        rf_v[r, pl.ds(g * 32, L)] = lo
                        rf_v[r, pl.ds(g * 32 + L, L)] = hi
                    return 0
                lax.fori_loop(0, CH, conv, 0)

                pltpu.async_copy(rf_v, acc.at[di_v.at[t]], ssem, add=True)
                pltpu.make_async_copy(rf_v, acc.at[di_v.at[t]], ssem).wait()

                @pl.when(t + NBUF < HALF)
                def _():
                    pltpu.async_copy(g_hbm.at[si_v.at[t + NBUF]],
                                     rbf_v.at[b], gsem[b])
            return 0
        lax.fori_loop(0, HALF // NBUF, step, 0)
    plsc.subcore_barrier()

    def wout(t, _):
        pltpu.sync_copy(acc.at[pl.ds(s * RPT + t * CH, CH)], rf_v)
        pltpu.sync_copy(rf_v,
                        out_hbm.at[pl.ds(c * NP + s * RPT + t * CH, CH)])
        return 0
    lax.fori_loop(0, RPT // CH, wout, 0)


@functools.partial(
    pl.kernel,
    out_type=jax.ShapeDtypeStruct((NW * NCHK, CH), jnp.float32),
    mesh=_mesh,
    scratch_types=[
        pltpu.VMEM((NP * 2,), jnp.float32),
        pltpu.VMEM((NCHK, CH), jnp.int32),
        pltpu.VMEM((NCHK, CH), jnp.int32),
        pltpu.VMEM((NCHK, CH), jnp.float32),
    ],
    compiler_params=pltpu.CompilerParams(needs_layout_passes=False),
)
def _head_kernel(pq_hbm, src_hbm, dst_hbm, out_hbm, pq_v, si_v, di_v, o_v):
    c = lax.axis_index("c")
    s = lax.axis_index("s")
    wid = s * NC + c

    pltpu.sync_copy(pq_hbm, pq_v)
    pltpu.sync_copy(src_hbm.at[pl.ds(wid * NCHK, NCHK)], si_v)
    pltpu.sync_copy(dst_hbm.at[pl.ds(wid * NCHK, NCHK)], di_v)

    one16 = jnp.ones((L,), jnp.int32)

    def chunk(j, _):
        for k in range(CH // L):
            sl = pl.ds(k * L, L)
            sidx = si_v[j, sl]
            didx = di_v[j, sl]
            p = plsc.load_gather(pq_v, [sidx * 2])
            q = plsc.load_gather(pq_v, [didx * 2 + one16])
            o_v[j, sl] = p + q
        return 0
    lax.fori_loop(0, NCHK, chunk, 0)

    pltpu.sync_copy(o_v, out_hbm.at[pl.ds(wid * NCHK, NCHK)])


GB = 1024
NGB = NP // GB


def _pack_cols(g):
    a = jnp.concatenate([g[:, o : o + 16] for o in (0, 32, 64, 96)], axis=1)
    b = jnp.concatenate([g[:, o : o + 16] for o in (16, 48, 80, 112)], axis=1)
    au = lax.bitcast_convert_type(a.astype(jnp.bfloat16), jnp.uint16)
    bu = lax.bitcast_convert_type(b.astype(jnp.bfloat16), jnp.uint16)
    word = au.astype(jnp.uint32) | (bu.astype(jnp.uint32) << 16)
    return lax.bitcast_convert_type(word, jnp.int32)


def _tc_a_body(x_ref, w_ref, dg_ref, g_ref, dis_ref, gb_ref):
    deg = jnp.sum(dg_ref[:, :, :], axis=0) + 1.0
    dis_t = jnp.transpose(lax.rsqrt(deg))
    h = jnp.dot(x_ref[:, :], w_ref[:, :], preferred_element_type=jnp.float32)
    for j in range(GB // CH):
        dcol = dis_t[:, j : j + 1]
        lo, hi = j * CH, (j + 1) * CH
        g = dcol * h[lo:hi, :]
        g_ref[lo:hi, :] = g
        gb_ref[lo:hi, :] = _pack_cols(g)
        dis_ref[lo:hi, :] = dcol


_tc_a = pl.pallas_call(
    _tc_a_body,
    grid=(NGB,),
    in_specs=[
        pl.BlockSpec((GB, D), lambda i: (i, 0)),
        pl.BlockSpec((D, D), lambda i: (0, 0)),
        pl.BlockSpec((NW, GB // CH, CH), lambda i: (0, i, 0)),
    ],
    out_specs=[
        pl.BlockSpec((GB, D), lambda i: (i, 0)),
        pl.BlockSpec((GB, 1), lambda i: (i, 0)),
        pl.BlockSpec((GB, D // 2), lambda i: (i, 0)),
    ],
    out_shape=[
        jax.ShapeDtypeStruct((NP, D), jnp.float32),
        jax.ShapeDtypeStruct((NP, 1), jnp.float32),
        jax.ShapeDtypeStruct((NP, D // 2), jnp.int32),
    ],
)


def _tc_b_body(s_ref, g_ref, dis_ref, w_ref, b_ref, o_ref, ob_ref):
    dis = dis_ref[:, :]
    t = dis * (s_ref[0] + s_ref[1] + g_ref[:, :]) + b_ref[:, :]
    t = jnp.maximum(t, 0.0)
    h = jnp.dot(t, w_ref[:, :], preferred_element_type=jnp.float32)
    g = dis * h
    o_ref[:, :] = g
    ob_ref[:, :] = _pack_cols(g)


_tc_b = pl.pallas_call(
    _tc_b_body,
    grid=(NP // CH,),
    in_specs=[
        pl.BlockSpec((2, CH, D), lambda i: (0, i, 0)),
        pl.BlockSpec((CH, D), lambda i: (i, 0)),
        pl.BlockSpec((CH, 1), lambda i: (i, 0)),
        pl.BlockSpec((D, D), lambda i: (0, 0)),
        pl.BlockSpec((1, D), lambda i: (0, 0)),
    ],
    out_specs=[
        pl.BlockSpec((CH, D), lambda i: (i, 0)),
        pl.BlockSpec((CH, D // 2), lambda i: (i, 0)),
    ],
    out_shape=[
        jax.ShapeDtypeStruct((NP, D), jnp.float32),
        jax.ShapeDtypeStruct((NP, D // 2), jnp.int32),
    ],
)


def _tc_c_body(s_ref, g_ref, dis_ref, w_ref, b_ref, bfc_ref, o_ref):
    dis = dis_ref[:, :]
    t = dis * (s_ref[0] + s_ref[1] + g_ref[:, :]) + b_ref[:, :]
    t = jnp.maximum(t, 0.0)
    pq = jnp.dot(t, w_ref[:, :], preferred_element_type=jnp.float32)
    o_ref[:, :] = pq + 0.5 * bfc_ref[0, 0]


_tc_c = pl.pallas_call(
    _tc_c_body,
    grid=(NP // CH,),
    in_specs=[
        pl.BlockSpec((2, CH, D), lambda i: (0, i, 0)),
        pl.BlockSpec((CH, D), lambda i: (i, 0)),
        pl.BlockSpec((CH, 1), lambda i: (i, 0)),
        pl.BlockSpec((D, 2), lambda i: (0, 0)),
        pl.BlockSpec((1, D), lambda i: (0, 0)),
        pl.BlockSpec(memory_space=pltpu.SMEM),
    ],
    out_specs=pl.BlockSpec((CH, 2), lambda i: (i, 0)),
    out_shape=jax.ShapeDtypeStruct((NP, 2), jnp.float32),
)


def kernel(x, edge_index, W1, b1, W2, b2, Wfc, bfc):
    src = edge_index[0]
    dst = edge_index[1]
    pad = jnp.full((EPAD - EE,), NN, dtype=src.dtype)
    srcp = jnp.concatenate([src, pad]).reshape(NW * NCHK, CH)
    dstp = jnp.concatenate([dst, pad]).reshape(NW * NCHK, CH)
    xp = jnp.concatenate([x, jnp.zeros((NP - NN, D), x.dtype)], axis=0)

    dg = _deg_kernel(dstp).reshape(NW, NR, CH)
    g1, dis, g1b = _tc_a(xp, W1, dg)
    s1 = _mp_kernel(g1b, srcp, dstp).reshape(NC, NP, D)
    g2, g2b = _tc_b(s1, g1, dis, W2, b1.reshape(1, D))
    s2 = _mp_kernel(g2b, srcp, dstp).reshape(NC, NP, D)
    wpq = jnp.stack([Wfc[:D, 0], Wfc[D:, 0]], axis=1)
    pq = _tc_c(s2, g2, dis, wpq, b2.reshape(1, D), bfc.reshape(1, 1))
    pred = _head_kernel(pq.reshape(-1), srcp, dstp)
    return pred.reshape(-1)[:EE]

# --- scband reference (transcript-rebuilt; emitter-appended) ---
"""Pipeline reference for scband-gcn-6390911336843 (READ-ONLY COPY).

The authoritative reference and input builder live on the scoring server;
editing this copy changes nothing except your own understanding.
"""

import jax, jax.numpy as jnp
import numpy as np

N = 10000
E = 320000
D_IN = 128
D_HID = 128
D_OUT = 1


def _gcn_conv(x, edge_index, W, b, num_nodes):
    # PyG GCNConv: add self loops, symmetric normalization, then propagate.
    src = edge_index[0]
    dst = edge_index[1]
    loop = jnp.arange(num_nodes, dtype=src.dtype)
    src = jnp.concatenate([src, loop])
    dst = jnp.concatenate([dst, loop])
    ones = jnp.ones(src.shape[0], dtype=jnp.float32)
    deg = jax.ops.segment_sum(ones, dst, num_segments=num_nodes)
    deg_inv_sqrt = jnp.where(deg > 0, 1.0 / jnp.sqrt(deg), 0.0)
    norm = deg_inv_sqrt[src] * deg_inv_sqrt[dst]
    h = x @ W
    msg = norm[:, None] * h[src]
    out = jax.ops.segment_sum(msg, dst, num_segments=num_nodes)
    return out + b


def setup_inputs(seed: int = 0) -> dict:
    key = jax.random.key(seed)
    ks = jax.random.split(key, 8)
    x = jax.random.normal(ks[0], (N, D_IN), dtype=jnp.float32)
    edge_index = jax.random.randint(ks[1], (2, E), 0, N, dtype=jnp.int32)
    W1 = jax.random.normal(ks[2], (D_IN, D_HID), dtype=jnp.float32) * (1.0 / np.sqrt(D_IN))
    b1 = jnp.zeros((D_HID,), dtype=jnp.float32)
    W2 = jax.random.normal(ks[3], (D_HID, D_HID), dtype=jnp.float32) * (1.0 / np.sqrt(D_HID))
    b2 = jnp.zeros((D_HID,), dtype=jnp.float32)
    Wfc = jax.random.normal(ks[4], (2 * D_HID, D_OUT), dtype=jnp.float32) * (1.0 / np.sqrt(2 * D_HID))
    bfc = jnp.zeros((D_OUT,), dtype=jnp.float32)
    return {"x": x, "edge_index": edge_index, "W1": W1, "b1": b1, "W2": W2, "b2": b2, "Wfc": Wfc, "bfc": bfc}


def reference(x, edge_index, W1, b1, W2, b2, Wfc, bfc):
    h = _gcn_conv(x, edge_index, W1, b1, N)
    h = jax.nn.relu(h)
    h = _gcn_conv(h, edge_index, W2, b2, N)
    h = jax.nn.relu(h)
    h_src = h[edge_index[0]]
    h_dst = h[edge_index[1]]
    edge_feat = jnp.concatenate([h_src, h_dst], axis=1)
    edge_pred = edge_feat @ Wfc + bfc
    return jnp.squeeze(edge_pred)

if __name__ == "__main__":
    import jax
    _d = setup_inputs()
    print(jax.jit(kernel)(*tuple(_d.values())))

</pallas_src>

<mosaic_0001>
#map = affine_map<(d0, d1) -> (0, 0)>
module attributes {stable_mosaic.version = 14 : i64} {
  func.func @_mp_kernel(%arg0: i32, %arg1: i32, %arg2: memref<10240x64xi32, #tpu.memory_space<hbm>>, %arg3: memref<2560x128xi32, #tpu.memory_space<hbm>>, %arg4: memref<2560x128xi32, #tpu.memory_space<hbm>>, %arg5: memref<20480x128xf32, #tpu.memory_space<hbm>>, %arg6: memref<40x128xi32, #tpu.memory_space<vmem>>, %arg7: memref<40x128xi32, #tpu.memory_space<vmem>>, %arg8: memref<2x128x64xi32, #tpu.memory_space<vmem>>, %arg9: memref<128x128xf32, #tpu.memory_space<vmem>>, %arg10: memref<10240x128xf32, #tpu.memory_space<vmem_shared>>, %arg11: memref<!tpu.dma_semaphore, #tpu.memory_space<semaphore_mem>>, %arg12: memref<!tpu.dma_semaphore, #tpu.memory_space<semaphore_mem>>, %arg13: memref<!tpu.dma_semaphore, #tpu.memory_space<semaphore_mem>>) attributes {dimension_semantics = [#tpu.dimension_semantics<core_parallel>, #tpu.dimension_semantics<subcore_parallel>], iteration_bounds = array<i64: 2, 16>, scalar_prefetch = 0 : i64, scratch_operands = 8 : i64, tpu.core_type = #tpu.core_type<sc_vector_subcore>, window_params = [{transform_indices = #map}, {transform_indices = #map}, {transform_indices = #map}, {transform_indices = #map}]} {
    %mul3A = arith.constant 2 : i32
    %mul3A_0 = arith.muli %arg1, %mul3A : i32
    %add3A = arith.addi %mul3A_0, %arg0 : i32
    %scan3A = arith.constant 0 : i32
    %scan3A_1 = arith.constant 0 : i32
    %scan3A_2 = arith.constant 128 : i32
    %scan3A_3 = arith.addi %scan3A_1, %scan3A_2 : i32
    %scan3A_4 = arith.constant 1 : i32
    %scan3A_5 = scf.for %scan3A_92 = %scan3A_1 to %scan3A_3 step %scan3A_4 iter_args(%scan3A_93 = %scan3A) -> (i32)  : i32 {
      %broadcast_in_dim3A_94 = arith.constant 0.000000e+00 : f32
      %broadcast_in_dim3A_95 = vector.broadcast %broadcast_in_dim3A_94 : f32 to vector<16xf32>
      %swap3A = arith.index_cast %scan3A_92 : i32 to index
      %swap3A_96 = arith.constant 0 : index
      %swap3A_97 = tpu.vector_load %arg9[%swap3A, %swap3A_96] {strides = array<i32>} : memref<128x128xf32, #tpu.memory_space<vmem>>, vector<16xf32>,
      tpu.vector_store %arg9[%swap3A, %swap3A_96], %broadcast_in_dim3A_95 {strides = array<i32>} : memref<128x128xf32, #tpu.memory_space<vmem>>, vector<16xf32>,
      %broadcast_in_dim3A_98 = arith.constant 0.000000e+00 : f32
      %broadcast_in_dim3A_99 = vector.broadcast %broadcast_in_dim3A_98 : f32 to vector<16xf32>
      %swap3A_100 = arith.index_cast %scan3A_92 : i32 to index
      %swap3A_101 = arith.constant 16 : index
      %swap3A_102 = tpu.vector_load %arg9[%swap3A_100, %swap3A_101] {strides = array<i32>} : memref<128x128xf32, #tpu.memory_space<vmem>>, vector<16xf32>,
      tpu.vector_store %arg9[%swap3A_100, %swap3A_101], %broadcast_in_dim3A_99 {strides = array<i32>} : memref<128x128xf32, #tpu.memory_space<vmem>>, vector<16xf32>,
      %broadcast_in_dim3A_103 = arith.constant 0.000000e+00 : f32
      %broadcast_in_dim3A_104 = vector.broadcast %broadcast_in_dim3A_103 : f32 to vector<16xf32>
      %swap3A_105 = arith.index_cast %scan3A_92 : i32 to index
      %swap3A_106 = arith.constant 32 : index
      %swap3A_107 = tpu.vector_load %arg9[%swap3A_105, %swap3A_106] {strides = array<i32>} : memref<128x128xf32, #tpu.memory_space<vmem>>, vector<16xf32>,
      tpu.vector_store %arg9[%swap3A_105, %swap3A_106], %broadcast_in_dim3A_104 {strides = array<i32>} : memref<128x128xf32, #tpu.memory_space<vmem>>, vector<16xf32>,
      %broadcast_in_dim3A_108 = arith.constant 0.000000e+00 : f32
      %broadcast_in_dim3A_109 = vector.broadcast %broadcast_in_dim3A_108 : f32 to vector<16xf32>
      %swap3A_110 = arith.index_cast %scan3A_92 : i32 to index
      %swap3A_111 = arith.constant 48 : index
      %swap3A_112 = tpu.vector_load %arg9[%swap3A_110, %swap3A_111] {strides = array<i32>} : memref<128x128xf32, #tpu.memory_space<vmem>>, vector<16xf32>,
      tpu.vector_store %arg9[%swap3A_110, %swap3A_111], %broadcast_in_dim3A_109 {strides = array<i32>} : memref<128x128xf32, #tpu.memory_space<vmem>>, vector<16xf32>,
      %broadcast_in_dim3A_113 = arith.constant 0.000000e+00 : f32
      %broadcast_in_dim3A_114 = vector.broadcast %broadcast_in_dim3A_113 : f32 to vector<16xf32>
      %swap3A_115 = arith.index_cast %scan3A_92 : i32 to index
      %swap3A_116 = arith.constant 64 : index
      %swap3A_117 = tpu.vector_load %arg9[%swap3A_115, %swap3A_116] {strides = array<i32>} : memref<128x128xf32, #tpu.memory_space<vmem>>, vector<16xf32>,
      tpu.vector_store %arg9[%swap3A_115, %swap3A_116], %broadcast_in_dim3A_114 {strides = array<i32>} : memref<128x128xf32, #tpu.memory_space<vmem>>, vector<16xf32>,
      %broadcast_in_dim3A_118 = arith.constant 0.000000e+00 : f32
      %broadcast_in_dim3A_119 = vector.broadcast %broadcast_in_dim3A_118 : f32 to vector<16xf32>
      %swap3A_120 = arith.index_cast %scan3A_92 : i32 to index
      %swap3A_121 = arith.constant 80 : index
      %swap3A_122 = tpu.vector_load %arg9[%swap3A_120, %swap3A_121] {strides = array<i32>} : memref<128x128xf32, #tpu.memory_space<vmem>>, vector<16xf32>,
      tpu.vector_store %arg9[%swap3A_120, %swap3A_121], %broadcast_in_dim3A_119 {strides = array<i32>} : memref<128x128xf32, #tpu.memory_space<vmem>>, vector<16xf32>,
      %broadcast_in_dim3A_123 = arith.constant 0.000000e+00 : f32
      %broadcast_in_dim3A_124 = vector.broadcast %broadcast_in_dim3A_123 : f32 to vector<16xf32>
      %swap3A_125 = arith.index_cast %scan3A_92 : i32 to index
      %swap3A_126 = arith.constant 96 : index
      %swap3A_127 = tpu.vector_load %arg9[%swap3A_125, %swap3A_126] {strides = array<i32>} : memref<128x128xf32, #tpu.memory_space<vmem>>, vector<16xf32>,
      tpu.vector_store %arg9[%swap3A_125, %swap3A_126], %broadcast_in_dim3A_124 {strides = array<i32>} : memref<128x128xf32, #tpu.memory_space<vmem>>, vector<16xf32>,
      %broadcast_in_dim3A_128 = arith.constant 0.000000e+00 : f32
      %broadcast_in_dim3A_129 = vector.broadcast %broadcast_in_dim3A_128 : f32 to vector<16xf32>
      %swap3A_130 = arith.index_cast %scan3A_92 : i32 to index
      %swap3A_131 = arith.constant 112 : index
      %swap3A_132 = tpu.vector_load %arg9[%swap3A_130, %swap3A_131] {strides = array<i32>} : memref<128x128xf32, #tpu.memory_space<vmem>>, vector<16xf32>,
      tpu.vector_store %arg9[%swap3A_130, %swap3A_131], %broadcast_in_dim3A_129 {strides = array<i32>} : memref<128x128xf32, #tpu.memory_space<vmem>>, vector<16xf32>,
      %scan3A_133 = arith.constant 0 : i32
      scf.yield %scan3A_133 : i32
    }
    %scan3A_6 = arith.constant 128 : i32
    %scan3A_7 = arith.constant 0 : i32
    %scan3A_8 = arith.constant 0 : i32
    %scan3A_9 = arith.constant 5 : i32
    %scan3A_10 = arith.addi %scan3A_8, %scan3A_9 : i32
    %scan3A_11 = arith.constant 1 : i32
    %scan3A_12 = scf.for %scan3A_92 = %scan3A_8 to %scan3A_10 step %scan3A_11 iter_args(%scan3A_93 = %scan3A_7) -> (i32)  : i32 {
      %mul3A_94 = arith.constant 640 : i32
      %mul3A_95 = arith.muli %arg1, %mul3A_94 : i32
      %mul3A_96 = arith.constant 128 : i32
      %mul3A_97 = arith.muli %scan3A_92, %mul3A_96 : i32
      %add3A_98 = arith.addi %mul3A_95, %mul3A_97 : i32
      "tpu.region"() ({
        %run_scoped3A = tpu.sem_alloc : memref<!tpu.dma_semaphore, #tpu.memory_space<semaphore_mem>>
        %dma_start3A_100 = arith.constant 0 : i32
        %dma_start3A_101 = tpu.memref_slice %arg10[%add3A_98, %dma_start3A_100] : memref<10240x128xf32, #tpu.memory_space<vmem_shared>> -> memref<128x128xf32, #tpu.memory_space<vmem_shared>>
        %dma_start3A_102 = arith.constant 0 : i32
        %dma_start3A_103 = tpu.memref_slice %arg10[%add3A_98, %dma_start3A_102] : memref<10240x128xf32, #tpu.memory_space<vmem_shared>> -> memref<128x128xf32, #tpu.memory_space<vmem_shared>>
        tpu.enqueue_dma source(%arg9 : memref<128x128xf32, #tpu.memory_space<vmem>>) target(%dma_start3A_103 : memref<128x128xf32, #tpu.memory_space<vmem_shared>>) target_semaphore(%run_scoped3A : memref<!tpu.dma_semaphore, #tpu.memory_space<semaphore_mem>>)
        %dma_wait3A = arith.constant 0 : i32
        %dma_wait3A_104 = tpu.memref_slice %arg10[%add3A_98, %dma_wait3A] : memref<10240x128xf32, #tpu.memory_space<vmem_shared>> -> memref<128x128xf32, #tpu.memory_space<vmem_shared>>
        %dma_wait3A_105 = arith.constant 0 : i32
        %dma_wait3A_106 = tpu.memref_slice %arg10[%add3A_98, %dma_wait3A_105] : memref<10240x128xf32, #tpu.memory_space<vmem_shared>> -> memref<128x128xf32, #tpu.memory_space<vmem_shared>>
        tpu.wait_dma2 semaphore(%run_scoped3A : memref<!tpu.dma_semaphore, #tpu.memory_space<semaphore_mem>>) src(%arg9 : memref<128x128xf32, #tpu.memory_space<vmem>>) dst(%dma_wait3A_106 : memref<128x128xf32, #tpu.memory_space<vmem_shared>>)
        tpu.yield
      }) : () -> ()
      %scan3A_99 = arith.constant 0 : i32
      scf.yield %scan3A_99 : i32
    }
    %scan3A_13 = arith.constant 5 : i32
    %barrier3A = arith.constant 0 : index
    tpu.barrier barrier_id(%barrier3A)
    %broadcast_in_dim3A = arith.constant -65536 : i32
    %broadcast_in_dim3A_14 = vector.broadcast %broadcast_in_dim3A : i32 to vector<16xi32>
    %mul3A_15 = arith.constant 80 : i32
    %mul3A_16 = arith.muli %add3A, %mul3A_15 : i32
    %add3A_17 = arith.constant 0 : i32
    %add3A_18 = arith.addi %mul3A_16, %add3A_17 : i32
    "tpu.region"() ({
      %run_scoped3A = tpu.sem_alloc : memref<!tpu.dma_semaphore, #tpu.memory_space<semaphore_mem>>
      %dma_start3A_92 = arith.constant 0 : i32
      %dma_start3A_93 = tpu.memref_slice %arg3[%add3A_18, %dma_start3A_92] : memref<2560x128xi32, #tpu.memory_space<hbm>> -> memref<40x128xi32, #tpu.memory_space<hbm>>
      %dma_start3A_94 = arith.constant 0 : i32
      %dma_start3A_95 = tpu.memref_slice %arg3[%add3A_18, %dma_start3A_94] : memref<2560x128xi32, #tpu.memory_space<hbm>> -> memref<40x128xi32, #tpu.memory_space<hbm>>
      tpu.enqueue_dma source(%dma_start3A_95 : memref<40x128xi32, #tpu.memory_space<hbm>>) target(%arg6 : memref<40x128xi32, #tpu.memory_space<vmem>>) target_semaphore(%run_scoped3A : memref<!tpu.dma_semaphore, #tpu.memory_space<semaphore_mem>>)
      %dma_wait3A = arith.constant 0 : i32
      %dma_wait3A_96 = tpu.memref_slice %arg3[%add3A_18, %dma_wait3A] : memref<2560x128xi32, #tpu.memory_space<hbm>> -> memref<40x128xi32, #tpu.memory_space<hbm>>
      %dma_wait3A_97 = arith.constant 0 : i32
      %dma_wait3A_98 = tpu.memref_slice %arg3[%add3A_18, %dma_wait3A_97] : memref<2560x128xi32, #tpu.memory_space<hbm>> -> memref<40x128xi32, #tpu.memory_space<hbm>>
      tpu.wait_dma2 semaphore(%run_scoped3A : memref<!tpu.dma_semaphore, #tpu.memory_space<semaphore_mem>>) src(%dma_wait3A_98 : memref<40x128xi32, #tpu.memory_space<hbm>>) dst(%arg6 : memref<40x128xi32, #tpu.memory_space<vmem>>)
      tpu.yield
    }) : () -> ()
    "tpu.region"() ({
      %run_scoped3A = tpu.sem_alloc : memref<!tpu.dma_semaphore, #tpu.memory_space<semaphore_mem>>
      %dma_start3A_92 = arith.constant 0 : i32
      %dma_start3A_93 = tpu.memref_slice %arg4[%add3A_18, %dma_start3A_92] : memref<2560x128xi32, #tpu.memory_space<hbm>> -> memref<40x128xi32, #tpu.memory_space<hbm>>
      %dma_start3A_94 = arith.constant 0 : i32
      %dma_start3A_95 = tpu.memref_slice %arg4[%add3A_18, %dma_start3A_94] : memref<2560x128xi32, #tpu.memory_space<hbm>> -> memref<40x128xi32, #tpu.memory_space<hbm>>
      tpu.enqueue_dma source(%dma_start3A_95 : memref<40x128xi32, #tpu.memory_space<hbm>>) target(%arg7 : memref<40x128xi32, #tpu.memory_space<vmem>>) target_semaphore(%run_scoped3A : memref<!tpu.dma_semaphore, #tpu.memory_space<semaphore_mem>>)
      %dma_wait3A = arith.constant 0 : i32
      %dma_wait3A_96 = tpu.memref_slice %arg4[%add3A_18, %dma_wait3A] : memref<2560x128xi32, #tpu.memory_space<hbm>> -> memref<40x128xi32, #tpu.memory_space<hbm>>
      %dma_wait3A_97 = arith.constant 0 : i32
      %dma_wait3A_98 = tpu.memref_slice %arg4[%add3A_18, %dma_wait3A_97] : memref<2560x128xi32, #tpu.memory_space<hbm>> -> memref<40x128xi32, #tpu.memory_space<hbm>>
      tpu.wait_dma2 semaphore(%run_scoped3A : memref<!tpu.dma_semaphore, #tpu.memory_space<semaphore_mem>>) src(%dma_wait3A_98 : memref<40x128xi32, #tpu.memory_space<hbm>>) dst(%arg7 : memref<40x128xi32, #tpu.memory_space<vmem>>)
      tpu.yield
    }) : () -> ()
    %dma_start3A = arith.constant 0 : i32
    %dma_start3A_19 = arith.constant 0 : i32
    %dma_start3A_20 = arith.constant 0 : i32
    %dma_start3A_21 = arith.constant 0 : i32
    %dma_start3A_22 = tpu.memref_slice %arg8[%dma_start3A_19, %dma_start3A_20, %dma_start3A_21] : memref<2x128x64xi32, #tpu.memory_space<vmem>> -> memref<1x128x64xi32, #tpu.memory_space<vmem>>
    %dma_start3A_23 = tpu.memref_squeeze %dma_start3A_22 : memref<1x128x64xi32, #tpu.memory_space<vmem>> -> memref<128x64xi32, #tpu.memory_space<vmem>>
    %dma_start3A_24 = arith.constant 0 : i32
    %dma_start3A_25 = tpu.memref_slice %arg6[%dma_start3A, %dma_start3A_24] : memref<40x128xi32, #tpu.memory_space<vmem>> -> memref<1x128xi32, #tpu.memory_space<vmem>>
    %dma_start3A_26 = tpu.memref_squeeze %dma_start3A_25 : memref<1x128xi32, #tpu.memory_space<vmem>> -> memref<128xi32, #tpu.memory_space<vmem>>
    %dma_start3A_27 = arith.constant 0 : i32
    %dma_start3A_28 = arith.constant 0 : i32
    %dma_start3A_29 = tpu.memref_slice %arg2[%dma_start3A_27, %dma_start3A_28] : memref<10240x64xi32, #tpu.memory_space<hbm>> -> memref<10240x64xi32, #tpu.memory_space<hbm>>
    tpu.enqueue_indirect_dma source(%dma_start3A_29 : memref<10240x64xi32, #tpu.memory_space<hbm>>) target(%dma_start3A_23 : memref<128x64xi32, #tpu.memory_space<vmem>>) offsets(%dma_start3A_26 : memref<128xi32, #tpu.memory_space<vmem>>) semaphore(%arg11 : memref<!tpu.dma_semaphore, #tpu.memory_space<semaphore_mem>>)
    %dma_start3A_30 = arith.constant 1 : i32
    %dma_start3A_31 = arith.constant 1 : i32
    %dma_start3A_32 = arith.constant 0 : i32
    %dma_start3A_33 = arith.constant 0 : i32
    %dma_start3A_34 = tpu.memref_slice %arg8[%dma_start3A_31, %dma_start3A_32, %dma_start3A_33] : memref<2x128x64xi32, #tpu.memory_space<vmem>> -> memref<1x128x64xi32, #tpu.memory_space<vmem>>
    %dma_start3A_35 = tpu.memref_squeeze %dma_start3A_34 : memref<1x128x64xi32, #tpu.memory_space<vmem>> -> memref<128x64xi32, #tpu.memory_space<vmem>>
    %dma_start3A_36 = arith.constant 0 : i32
    %dma_start3A_37 = tpu.memref_slice %arg6[%dma_start3A_30, %dma_start3A_36] : memref<40x128xi32, #tpu.memory_space<vmem>> -> memref<1x128xi32, #tpu.memory_space<vmem>>
    %dma_start3A_38 = tpu.memref_squeeze %dma_start3A_37 : memref<1x128xi32, #tpu.memory_space<vmem>> -> memref<128xi32, #tpu.memory_space<vmem>>
    %dma_start3A_39 = arith.constant 0 : i32
    %dma_start3A_40 = arith.constant 0 : i32
    %dma_start3A_41 = tpu.memref_slice %arg2[%dma_start3A_39, %dma_start3A_40] : memref<10240x64xi32, #tpu.memory_space<hbm>> -> memref<10240x64xi32, #tpu.memory_space<hbm>>
    tpu.enqueue_indirect_dma source(%dma_start3A_41 : memref<10240x64xi32, #tpu.memory_space<hbm>>) target(%dma_start3A_35 : memref<128x64xi32, #tpu.memory_space<vmem>>) offsets(%dma_start3A_38 : memref<128xi32, #tpu.memory_space<vmem>>) semaphore(%arg12 : memref<!tpu.dma_semaphore, #tpu.memory_space<semaphore_mem>>)
    %scan3A_42 = arith.constant 0 : i32
    %scan3A_43 = arith.constant 0 : i32
    %scan3A_44 = arith.constant 20 : i32
    %scan3A_45 = arith.addi %scan3A_43, %scan3A_44 : i32
    %scan3A_46 = arith.constant 1 : i32
    %scan3A_47 = scf.for %scan3A_92 = %scan3A_43 to %scan3A_45 step %scan3A_46 iter_args(%scan3A_93 = %scan3A_42) -> (i32)  : i32 {
      %mul3A_94 = arith.constant 2 : i32
      %mul3A_95 = arith.muli %scan3A_92, %mul3A_94 : i32
      %add3A_96 = arith.constant 0 : i32
      %add3A_97 = arith.addi %mul3A_95, %add3A_96 : i32
      %dma_wait3A = arith.constant 0 : i32
      %dma_wait3A_98 = arith.constant 0 : i32
      %dma_wait3A_99 = arith.constant 0 : i32
      %dma_wait3A_100 = tpu.memref_slice %arg8[%dma_wait3A, %dma_wait3A_98, %dma_wait3A_99] : memref<2x128x64xi32, #tpu.memory_space<vmem>> -> memref<1x128x64xi32, #tpu.memory_space<vmem>>
      %dma_wait3A_101 = tpu.memref_squeeze %dma_wait3A_100 : memref<1x128x64xi32, #tpu.memory_space<vmem>> -> memref<128x64xi32, #tpu.memory_space<vmem>>
      %dma_wait3A_102 = arith.constant 0 : i32
      %dma_wait3A_103 = tpu.memref_slice %arg6[%add3A_97, %dma_wait3A_102] : memref<40x128xi32, #tpu.memory_space<vmem>> -> memref<1x128xi32, #tpu.memory_space<vmem>>
      %dma_wait3A_104 = tpu.memref_squeeze %dma_wait3A_103 : memref<1x128xi32, #tpu.memory_space<vmem>> -> memref<128xi32, #tpu.memory_space<vmem>>
      %dma_wait3A_105 = arith.constant 0 : i32
      %dma_wait3A_106 = arith.constant 0 : i32
      %dma_wait3A_107 = tpu.memref_slice %arg2[%dma_wait3A_105, %dma_wait3A_106] : memref<10240x64xi32, #tpu.memory_space<hbm>> -> memref<10240x64xi32, #tpu.memory_space<hbm>>
      tpu.wait_indirect_dma semaphore(%arg11 : memref<!tpu.dma_semaphore, #tpu.memory_space<semaphore_mem>>) src(%dma_wait3A_107 : memref<10240x64xi32, #tpu.memory_space<hbm>>) dst(%dma_wait3A_101 : memref<128x64xi32, #tpu.memory_space<vmem>>)
      %scan3A_108 = arith.constant 0 : i32
      %scan3A_109 = arith.constant 0 : i32
      %scan3A_110 = arith.constant 128 : i32
      %scan3A_111 = arith.addi %scan3A_109, %scan3A_110 : i32
      %scan3A_112 = arith.constant 1 : i32
      %scan3A_113 = scf.for %scan3A_173 = %scan3A_109 to %scan3A_111 step %scan3A_112 iter_args(%scan3A_174 = %scan3A_108) -> (i32)  : i32 {
        %get3A = arith.constant 0 : i32
        %get3A_175 = arith.index_cast %get3A : i32 to index
        %get3A_176 = arith.index_cast %scan3A_173 : i32 to index
        %get3A_177 = arith.constant 0 : index
        %get3A_178 = tpu.vector_load %arg8[%get3A_175, %get3A_176, %get3A_177] {strides = array<i32>} : memref<2x128x64xi32, #tpu.memory_space<vmem>>, vector<16xi32>,
        %shift_left3A = arith.constant 16 : i32
        %shift_left3A_179 = vector.broadcast %shift_left3A : i32 to vector<16xi32>
        %shift_left3A_180 = arith.shli %get3A_178, %shift_left3A_179 : vector<16xi32>
        %bitcast3A = vector.bitcast %shift_left3A_180 : vector<16xi32> to vector<16xf32>
        %and3A = arith.andi %get3A_178, %broadcast_in_dim3A_14 : vector<16xi32>
        %bitcast3A_181 = vector.bitcast %and3A : vector<16xi32> to vector<16xf32>
        %swap3A = arith.index_cast %scan3A_173 : i32 to index
        %swap3A_182 = arith.constant 0 : index
        %swap3A_183 = tpu.vector_load %arg9[%swap3A, %swap3A_182] {strides = array<i32>} : memref<128x128xf32, #tpu.memory_space<vmem>>, vector<16xf32>,
        tpu.vector_store %arg9[%swap3A, %swap3A_182], %bitcast3A {strides = array<i32>} : memref<128x128xf32, #tpu.memory_space<vmem>>, vector<16xf32>,
        %swap3A_184 = arith.index_cast %scan3A_173 : i32 to index
        %swap3A_185 = arith.constant 16 : index
        %swap3A_186 = tpu.vector_load %arg9[%swap3A_184, %swap3A_185] {strides = array<i32>} : memref<128x128xf32, #tpu.memory_space<vmem>>, vector<16xf32>,
        tpu.vector_store %arg9[%swap3A_184, %swap3A_185], %bitcast3A_181 {strides = array<i32>} : memref<128x128xf32, #tpu.memory_space<vmem>>, vector<16xf32>,
        %get3A_187 = arith.constant 0 : i32
        %get3A_188 = arith.index_cast %get3A_187 : i32 to index
        %get3A_189 = arith.index_cast %scan3A_173 : i32 to index
        %get3A_190 = arith.constant 16 : index
        %get3A_191 = tpu.vector_load %arg8[%get3A_188, %get3A_189, %get3A_190] {strides = array<i32>} : memref<2x128x64xi32, #tpu.memory_space<vmem>>, vector<16xi32>,
        %shift_left3A_192 = arith.constant 16 : i32
        %shift_left3A_193 = vector.broadcast %shift_left3A_192 : i32 to vector<16xi32>
        %shift_left3A_194 = arith.shli %get3A_191, %shift_left3A_193 : vector<16xi32>
        %bitcast3A_195 = vector.bitcast %shift_left3A_194 : vector<16xi32> to vector<16xf32>
        %and3A_196 = arith.andi %get3A_191, %broadcast_in_dim3A_14 : vector<16xi32>
        %bitcast3A_197 = vector.bitcast %and3A_196 : vector<16xi32> to vector<16xf32>
        %swap3A_198 = arith.index_cast %scan3A_173 : i32 to index
        %swap3A_199 = arith.constant 32 : index
        %swap3A_200 = tpu.vector_load %arg9[%swap3A_198, %swap3A_199] {strides = array<i32>} : memref<128x128xf32, #tpu.memory_space<vmem>>, vector<16xf32>,
        tpu.vector_store %arg9[%swap3A_198, %swap3A_199], %bitcast3A_195 {strides = array<i32>} : memref<128x128xf32, #tpu.memory_space<vmem>>, vector<16xf32>,
        %swap3A_201 = arith.index_cast %scan3A_173 : i32 to index
        %swap3A_202 = arith.constant 48 : index
        %swap3A_203 = tpu.vector_load %arg9[%swap3A_201, %swap3A_202] {strides = array<i32>} : memref<128x128xf32, #tpu.memory_space<vmem>>, vector<16xf32>,
        tpu.vector_store %arg9[%swap3A_201, %swap3A_202], %bitcast3A_197 {strides = array<i32>} : memref<128x128xf32, #tpu.memory_space<vmem>>, vector<16xf32>,
        %get3A_204 = arith.constant 0 : i32
        %get3A_205 = arith.index_cast %get3A_204 : i32 to index
        %get3A_206 = arith.index_cast %scan3A_173 : i32 to index
        %get3A_207 = arith.constant 32 : index
        %get3A_208 = tpu.vector_load %arg8[%get3A_205, %get3A_206, %get3A_207] {strides = array<i32>} : memref<2x128x64xi32, #tpu.memory_space<vmem>>, vector<16xi32>,
        %shift_left3A_209 = arith.constant 16 : i32
        %shift_left3A_210 = vector.broadcast %shift_left3A_209 : i32 to vector<16xi32>
        %shift_left3A_211 = arith.shli %get3A_208, %shift_left3A_210 : vector<16xi32>
        %bitcast3A_212 = vector.bitcast %shift_left3A_211 : vector<16xi32> to vector<16xf32>
        %and3A_213 = arith.andi %get3A_208, %broadcast_in_dim3A_14 : vector<16xi32>
        %bitcast3A_214 = vector.bitcast %and3A_213 : vector<16xi32> to vector<16xf32>
        %swap3A_215 = arith.index_cast %scan3A_173 : i32 to index
        %swap3A_216 = arith.constant 64 : index
        %swap3A_217 = tpu.vector_load %arg9[%swap3A_215, %swap3A_216] {strides = array<i32>} : memref<128x128xf32, #tpu.memory_space<vmem>>, vector<16xf32>,
        tpu.vector_store %arg9[%swap3A_215, %swap3A_216], %bitcast3A_212 {strides = array<i32>} : memref<128x128xf32, #tpu.memory_space<vmem>>, vector<16xf32>,
        %swap3A_218 = arith.index_cast %scan3A_173 : i32 to index
        %swap3A_219 = arith.constant 80 : index
        %swap3A_220 = tpu.vector_load %arg9[%swap3A_218, %swap3A_219] {strides = array<i32>} : memref<128x128xf32, #tpu.memory_space<vmem>>, vector<16xf32>,
        tpu.vector_store %arg9[%swap3A_218, %swap3A_219], %bitcast3A_214 {strides = array<i32>} : memref<128x128xf32, #tpu.memory_space<vmem>>, vector<16xf32>,
        %get3A_221 = arith.constant 0 : i32
        %get3A_222 = arith.index_cast %get3A_221 : i32 to index
        %get3A_223 = arith.index_cast %scan3A_173 : i32 to index
        %get3A_224 = arith.constant 48 : index
        %get3A_225 = tpu.vector_load %arg8[%get3A_222, %get3A_223, %get3A_224] {strides = array<i32>} : memref<2x128x64xi32, #tpu.memory_space<vmem>>, vector<16xi32>,
        %shift_left3A_226 = arith.constant 16 : i32
        %shift_left3A_227 = vector.broadcast %shift_left3A_226 : i32 to vector<16xi32>
        %shift_left3A_228 = arith.shli %get3A_225, %shift_left3A_227 : vector<16xi32>
        %bitcast3A_229 = vector.bitcast %shift_left3A_228 : vector<16xi32> to vector<16xf32>
        %and3A_230 = arith.andi %get3A_225, %broadcast_in_dim3A_14 : vector<16xi32>
        %bitcast3A_231 = vector.bitcast %and3A_230 : vector<16xi32> to vector<16xf32>
        %swap3A_232 = arith.index_cast %scan3A_173 : i32 to index
        %swap3A_233 = arith.constant 96 : index
        %swap3A_234 = tpu.vector_load %arg9[%swap3A_232, %swap3A_233] {strides = array<i32>} : memref<128x128xf32, #tpu.memory_space<vmem>>, vector<16xf32>,
        tpu.vector_store %arg9[%swap3A_232, %swap3A_233], %bitcast3A_229 {strides = array<i32>} : memref<128x128xf32, #tpu.memory_space<vmem>>, vector<16xf32>,
        %swap3A_235 = arith.index_cast %scan3A_173 : i32 to index
        %swap3A_236 = arith.constant 112 : index
        %swap3A_237 = tpu.vector_load %arg9[%swap3A_235, %swap3A_236] {strides = array<i32>} : memref<128x128xf32, #tpu.memory_space<vmem>>, vector<16xf32>,
        tpu.vector_store %arg9[%swap3A_235, %swap3A_236], %bitcast3A_231 {strides = array<i32>} : memref<128x128xf32, #tpu.memory_space<vmem>>, vector<16xf32>,
        %scan3A_238 = arith.constant 0 : i32
        scf.yield %scan3A_238 : i32
      }
      %scan3A_114 = arith.constant 128 : i32
      %dma_start3A_115 = arith.constant 0 : i32
      %dma_start3A_116 = tpu.memref_slice %arg7[%add3A_97, %dma_start3A_115] : memref<40x128xi32, #tpu.memory_space<vmem>> -> memref<1x128xi32, #tpu.memory_space<vmem>>
      %dma_start3A_117 = tpu.memref_squeeze %dma_start3A_116 : memref<1x128xi32, #tpu.memory_space<vmem>> -> memref<128xi32, #tpu.memory_space<vmem>>
      %dma_start3A_118 = arith.constant 0 : i32
      %dma_start3A_119 = arith.constant 0 : i32
      %dma_start3A_120 = tpu.memref_slice %arg10[%dma_start3A_118, %dma_start3A_119] : memref<10240x128xf32, #tpu.memory_space<vmem_shared>> -> memref<10240x128xf32, #tpu.memory_space<vmem_shared>>
      tpu.enqueue_indirect_dma source(%arg9 : memref<128x128xf32, #tpu.memory_space<vmem>>) target(%dma_start3A_120 : memref<10240x128xf32, #tpu.memory_space<vmem_shared>>) offsets(%dma_start3A_117 : memref<128xi32, #tpu.memory_space<vmem>>) semaphore(%arg13 : memref<!tpu.dma_semaphore, #tpu.memory_space<semaphore_mem>>) {add = true}
      %dma_wait3A_121 = arith.constant 0 : i32
      %dma_wait3A_122 = tpu.memref_slice %arg7[%add3A_97, %dma_wait3A_121] : memref<40x128xi32, #tpu.memory_space<vmem>> -> memref<1x128xi32, #tpu.memory_space<vmem>>
      %dma_wait3A_123 = tpu.memref_squeeze %dma_wait3A_122 : memref<1x128xi32, #tpu.memory_space<vmem>> -> memref<128xi32, #tpu.memory_space<vmem>>
      %dma_wait3A_124 = arith.constant 0 : i32
      %dma_wait3A_125 = arith.constant 0 : i32
      %dma_wait3A_126 = tpu.memref_slice %arg10[%dma_wait3A_124, %dma_wait3A_125] : memref<10240x128xf32, #tpu.memory_space<vmem_shared>> -> memref<10240x128xf32, #tpu.memory_space<vmem_shared>>
      tpu.wait_indirect_dma semaphore(%arg13 : memref<!tpu.dma_semaphore, #tpu.memory_space<semaphore_mem>>) src(%arg9 : memref<128x128xf32, #tpu.memory_space<vmem>>) dst(%dma_wait3A_126 : memref<10240x128xf32, #tpu.memory_space<vmem_shared>>)
      %add3A_127 = arith.constant 2 : i32
      %add3A_128 = arith.addi %add3A_97, %add3A_127 : i32
      %lt3A = arith.constant 40 : i32
      %lt3A_129 = arith.cmpi slt, %add3A_128, %lt3A : i32
      %convert_element_type3A = arith.extui %lt3A_129 : i1 to i32
      %cond3A = arith.constant 0 : i32
      %cond3A_130 = arith.cmpi ne, %convert_element_type3A, %cond3A : i32
      scf.if %cond3A_130 {
        %add3A_173 = arith.constant 2 : i32
        %add3A_174 = arith.addi %add3A_97, %add3A_173 : i32
        %dma_start3A_175 = arith.constant 0 : i32
        %dma_start3A_176 = arith.constant 0 : i32
        %dma_start3A_177 = arith.constant 0 : i32
        %dma_start3A_178 = tpu.memref_slice %arg8[%dma_start3A_175, %dma_start3A_176, %dma_start3A_177] : memref<2x128x64xi32, #tpu.memory_space<vmem>> -> memref<1x128x64xi32, #tpu.memory_space<vmem>>
        %dma_start3A_179 = tpu.memref_squeeze %dma_start3A_178 : memref<1x128x64xi32, #tpu.memory_space<vmem>> -> memref<128x64xi32, #tpu.memory_space<vmem>>
        %dma_start3A_180 = arith.constant 0 : i32
        %dma_start3A_181 = tpu.memref_slice %arg6[%add3A_174, %dma_start3A_180] : memref<40x128xi32, #tpu.memory_space<vmem>> -> memref<1x128xi32, #tpu.memory_space<vmem>>
        %dma_start3A_182 = tpu.memref_squeeze %dma_start3A_181 : memref<1x128xi32, #tpu.memory_space<vmem>> -> memref<128xi32, #tpu.memory_space<vmem>>
        %dma_start3A_183 = arith.constant 0 : i32
        %dma_start3A_184 = arith.constant 0 : i32
        %dma_start3A_185 = tpu.memref_slice %arg2[%dma_start3A_183, %dma_start3A_184] : memref<10240x64xi32, #tpu.memory_space<hbm>> -> memref<10240x64xi32, #tpu.memory_space<hbm>>
        tpu.enqueue_indirect_dma source(%dma_start3A_185 : memref<10240x64xi32, #tpu.memory_space<hbm>>) target(%dma_start3A_179 : memref<128x64xi32, #tpu.memory_space<vmem>>) offsets(%dma_start3A_182 : memref<128xi32, #tpu.memory_space<vmem>>) semaphore(%arg11 : memref<!tpu.dma_semaphore, #tpu.memory_space<semaphore_mem>>)
      } else {
      }
      %mul3A_131 = arith.constant 2 : i32
      %mul3A_132 = arith.muli %scan3A_92, %mul3A_131 : i32
      %add3A_133 = arith.constant 1 : i32
      %add3A_134 = arith.addi %mul3A_132, %add3A_133 : i32
      %dma_wait3A_135 = arith.constant 1 : i32
      %dma_wait3A_136 = arith.constant 0 : i32
      %dma_wait3A_137 = arith.constant 0 : i32
      %dma_wait3A_138 = tpu.memref_slice %arg8[%dma_wait3A_135, %dma_wait3A_136, %dma_wait3A_137] : memref<2x128x64xi32, #tpu.memory_space<vmem>> -> memref<1x128x64xi32, #tpu.memory_space<vmem>>
      %dma_wait3A_139 = tpu.memref_squeeze %dma_wait3A_138 : memref<1x128x64xi32, #tpu.memory_space<vmem>> -> memref<128x64xi32, #tpu.memory_space<vmem>>
      %dma_wait3A_140 = arith.constant 0 : i32
      %dma_wait3A_141 = tpu.memref_slice %arg6[%add3A_134, %dma_wait3A_140] : memref<40x128xi32, #tpu.memory_space<vmem>> -> memref<1x128xi32, #tpu.memory_space<vmem>>
      %dma_wait3A_142 = tpu.memref_squeeze %dma_wait3A_141 : memref<1x128xi32, #tpu.memory_space<vmem>> -> memref<128xi32, #tpu.memory_space<vmem>>
      %dma_wait3A_143 = arith.constant 0 : i32
      %dma_wait3A_144 = arith.constant 0 : i32
      %dma_wait3A_145 = tpu.memref_slice %arg2[%dma_wait3A_143, %dma_wait3A_144] : memref<10240x64xi32, #tpu.memory_space<hbm>> -> memref<10240x64xi32, #tpu.memory_space<hbm>>
      tpu.wait_indirect_dma semaphore(%arg12 : memref<!tpu.dma_semaphore, #tpu.memory_space<semaphore_mem>>) src(%dma_wait3A_145 : memref<10240x64xi32, #tpu.memory_space<hbm>>) dst(%dma_wait3A_139 : memref<128x64xi32, #tpu.memory_space<vmem>>)
      %scan3A_146 = arith.constant 0 : i32
      %scan3A_147 = arith.constant 0 : i32
      %scan3A_148 = arith.constant 128 : i32
      %scan3A_149 = arith.addi %scan3A_147, %scan3A_148 : i32
      %scan3A_150 = arith.constant 1 : i32
      %scan3A_151 = scf.for %scan3A_173 = %scan3A_147 to %scan3A_149 step %scan3A_150 iter_args(%scan3A_174 = %scan3A_146) -> (i32)  : i32 {
        %get3A = arith.constant 1 : i32
        %get3A_175 = arith.index_cast %get3A : i32 to index
        %get3A_176 = arith.index_cast %scan3A_173 : i32 to index
        %get3A_177 = arith.constant 0 : index
        %get3A_178 = tpu.vector_load %arg8[%get3A_175, %get3A_176, %get3A_177] {strides = array<i32>} : memref<2x128x64xi32, #tpu.memory_space<vmem>>, vector<16xi32>,
        %shift_left3A = arith.constant 16 : i32
        %shift_left3A_179 = vector.broadcast %shift_left3A : i32 to vector<16xi32>
        %shift_left3A_180 = arith.shli %get3A_178, %shift_left3A_179 : vector<16xi32>
        %bitcast3A = vector.bitcast %shift_left3A_180 : vector<16xi32> to vector<16xf32>
        %and3A = arith.andi %get3A_178, %broadcast_in_dim3A_14 : vector<16xi32>
        %bitcast3A_181 = vector.bitcast %and3A : vector<16xi32> to vector<16xf32>
        %swap3A = arith.index_cast %scan3A_173 : i32 to index
        %swap3A_182 = arith.constant 0 : index
        %swap3A_183 = tpu.vector_load %arg9[%swap3A, %swap3A_182] {strides = array<i32>} : memref<128x128xf32, #tpu.memory_space<vmem>>, vector<16xf32>,
        tpu.vector_store %arg9[%swap3A, %swap3A_182], %bitcast3A {strides = array<i32>} : memref<128x128xf32, #tpu.memory_space<vmem>>, vector<16xf32>,
        %swap3A_184 = arith.index_cast %scan3A_173 : i32 to index
        %swap3A_185 = arith.constant 16 : index
        %swap3A_186 = tpu.vector_load %arg9[%swap3A_184, %swap3A_185] {strides = array<i32>} : memref<128x128xf32, #tpu.memory_space<vmem>>, vector<16xf32>,
        tpu.vector_store %arg9[%swap3A_184, %swap3A_185], %bitcast3A_181 {strides = array<i32>} : memref<128x128xf32, #tpu.memory_space<vmem>>, vector<16xf32>,
        %get3A_187 = arith.constant 1 : i32
        %get3A_188 = arith.index_cast %get3A_187 : i32 to index
        %get3A_189 = arith.index_cast %scan3A_173 : i32 to index
        %get3A_190 = arith.constant 16 : index
        %get3A_191 = tpu.vector_load %arg8[%get3A_188, %get3A_189, %get3A_190] {strides = array<i32>} : memref<2x128x64xi32, #tpu.memory_space<vmem>>, vector<16xi32>,
        %shift_left3A_192 = arith.constant 16 : i32
        %shift_left3A_193 = vector.broadcast %shift_left3A_192 : i32 to vector<16xi32>
        %shift_left3A_194 = arith.shli %get3A_191, %shift_left3A_193 : vector<16xi32>
        %bitcast3A_195 = vector.bitcast %shift_left3A_194 : vector<16xi32> to vector<16xf32>
        %and3A_196 = arith.andi %get3A_191, %broadcast_in_dim3A_14 : vector<16xi32>
        %bitcast3A_197 = vector.bitcast %and3A_196 : vector<16xi32> to vector<16xf32>
        %swap3A_198 = arith.index_cast %scan3A_173 : i32 to index
        %swap3A_199 = arith.constant 32 : index
        %swap3A_200 = tpu.vector_load %arg9[%swap3A_198, %swap3A_199] {strides = array<i32>} : memref<128x128xf32, #tpu.memory_space<vmem>>, vector<16xf32>,
        tpu.vector_store %arg9[%swap3A_198, %swap3A_199], %bitcast3A_195 {strides = array<i32>} : memref<128x128xf32, #tpu.memory_space<vmem>>, vector<16xf32>,
        %swap3A_201 = arith.index_cast %scan3A_173 : i32 to index
        %swap3A_202 = arith.constant 48 : index
        %swap3A_203 = tpu.vector_load %arg9[%swap3A_201, %swap3A_202] {strides = array<i32>} : memref<128x128xf32, #tpu.memory_space<vmem>>, vector<16xf32>,
        tpu.vector_store %arg9[%swap3A_201, %swap3A_202], %bitcast3A_197 {strides = array<i32>} : memref<128x128xf32, #tpu.memory_space<vmem>>, vector<16xf32>,
        %get3A_204 = arith.constant 1 : i32
        %get3A_205 = arith.index_cast %get3A_204 : i32 to index
        %get3A_206 = arith.index_cast %scan3A_173 : i32 to index
        %get3A_207 = arith.constant 32 : index
        %get3A_208 = tpu.vector_load %arg8[%get3A_205, %get3A_206, %get3A_207] {strides = array<i32>} : memref<2x128x64xi32, #tpu.memory_space<vmem>>, vector<16xi32>,
        %shift_left3A_209 = arith.constant 16 : i32
        %shift_left3A_210 = vector.broadcast %shift_left3A_209 : i32 to vector<16xi32>
        %shift_left3A_211 = arith.shli %get3A_208, %shift_left3A_210 : vector<16xi32>
        %bitcast3A_212 = vector.bitcast %shift_left3A_211 : vector<16xi32> to vector<16xf32>
        %and3A_213 = arith.andi %get3A_208, %broadcast_in_dim3A_14 : vector<16xi32>
        %bitcast3A_214 = vector.bitcast %and3A_213 : vector<16xi32> to vector<16xf32>
        %swap3A_215 = arith.index_cast %scan3A_173 : i32 to index
        %swap3A_216 = arith.constant 64 : index
        %swap3A_217 = tpu.vector_load %arg9[%swap3A_215, %swap3A_216] {strides = array<i32>} : memref<128x128xf32, #tpu.memory_space<vmem>>, vector<16xf32>,
        tpu.vector_store %arg9[%swap3A_215, %swap3A_216], %bitcast3A_212 {strides = array<i32>} : memref<128x128xf32, #tpu.memory_space<vmem>>, vector<16xf32>,
        %swap3A_218 = arith.index_cast %scan3A_173 : i32 to index
        %swap3A_219 = arith.constant 80 : index
        %swap3A_220 = tpu.vector_load %arg9[%swap3A_218, %swap3A_219] {strides = array<i32>} : memref<128x128xf32, #tpu.memory_space<vmem>>, vector<16xf32>,
        tpu.vector_store %arg9[%swap3A_218, %swap3A_219], %bitcast3A_214 {strides = array<i32>} : memref<128x128xf32, #tpu.memory_space<vmem>>, vector<16xf32>,
        %get3A_221 = arith.constant 1 : i32
        %get3A_222 = arith.index_cast %get3A_221 : i32 to index
        %get3A_223 = arith.index_cast %scan3A_173 : i32 to index
        %get3A_224 = arith.constant 48 : index
        %get3A_225 = tpu.vector_load %arg8[%get3A_222, %get3A_223, %get3A_224] {strides = array<i32>} : memref<2x128x64xi32, #tpu.memory_space<vmem>>, vector<16xi32>,
        %shift_left3A_226 = arith.constant 16 : i32
        %shift_left3A_227 = vector.broadcast %shift_left3A_226 : i32 to vector<16xi32>
        %shift_left3A_228 = arith.shli %get3A_225, %shift_left3A_227 : vector<16xi32>
        %bitcast3A_229 = vector.bitcast %shift_left3A_228 : vector<16xi32> to vector<16xf32>
        %and3A_230 = arith.andi %get3A_225, %broadcast_in_dim3A_14 : vector<16xi32>
        %bitcast3A_231 = vector.bitcast %and3A_230 : vector<16xi32> to vector<16xf32>
        %swap3A_232 = arith.index_cast %scan3A_173 : i32 to index
        %swap3A_233 = arith.constant 96 : index
        %swap3A_234 = tpu.vector_load %arg9[%swap3A_232, %swap3A_233] {strides = array<i32>} : memref<128x128xf32, #tpu.memory_space<vmem>>, vector<16xf32>,
        tpu.vector_store %arg9[%swap3A_232, %swap3A_233], %bitcast3A_229 {strides = array<i32>} : memref<128x128xf32, #tpu.memory_space<vmem>>, vector<16xf32>,
        %swap3A_235 = arith.index_cast %scan3A_173 : i32 to index
        %swap3A_236 = arith.constant 112 : index
        %swap3A_237 = tpu.vector_load %arg9[%swap3A_235, %swap3A_236] {strides = array<i32>} : memref<128x128xf32, #tpu.memory_space<vmem>>, vector<16xf32>,
        tpu.vector_store %arg9[%swap3A_235, %swap3A_236], %bitcast3A_231 {strides = array<i32>} : memref<128x128xf32, #tpu.memory_space<vmem>>, vector<16xf32>,
        %scan3A_238 = arith.constant 0 : i32
        scf.yield %scan3A_238 : i32
      }
      %scan3A_152 = arith.constant 128 : i32
      %dma_start3A_153 = arith.constant 0 : i32
      %dma_start3A_154 = tpu.memref_slice %arg7[%add3A_134, %dma_start3A_153] : memref<40x128xi32, #tpu.memory_space<vmem>> -> memref<1x128xi32, #tpu.memory_space<vmem>>
      %dma_start3A_155 = tpu.memref_squeeze %dma_start3A_154 : memref<1x128xi32, #tpu.memory_space<vmem>> -> memref<128xi32, #tpu.memory_space<vmem>>
      %dma_start3A_156 = arith.constant 0 : i32
      %dma_start3A_157 = arith.constant 0 : i32
      %dma_start3A_158 = tpu.memref_slice %arg10[%dma_start3A_156, %dma_start3A_157] : memref<10240x128xf32, #tpu.memory_space<vmem_shared>> -> memref<10240x128xf32, #tpu.memory_space<vmem_shared>>
      tpu.enqueue_indirect_dma source(%arg9 : memref<128x128xf32, #tpu.memory_space<vmem>>) target(%dma_start3A_158 : memref<10240x128xf32, #tpu.memory_space<vmem_shared>>) offsets(%dma_start3A_155 : memref<128xi32, #tpu.memory_space<vmem>>) semaphore(%arg13 : memref<!tpu.dma_semaphore, #tpu.memory_space<semaphore_mem>>) {add = true}
      %dma_wait3A_159 = arith.constant 0 : i32
      %dma_wait3A_160 = tpu.memref_slice %arg7[%add3A_134, %dma_wait3A_159] : memref<40x128xi32, #tpu.memory_space<vmem>> -> memref<1x128xi32, #tpu.memory_space<vmem>>
      %dma_wait3A_161 = tpu.memref_squeeze %dma_wait3A_160 : memref<1x128xi32, #tpu.memory_space<vmem>> -> memref<128xi32, #tpu.memory_space<vmem>>
      %dma_wait3A_162 = arith.constant 0 : i32
      %dma_wait3A_163 = arith.constant 0 : i32
      %dma_wait3A_164 = tpu.memref_slice %arg10[%dma_wait3A_162, %dma_wait3A_163] : memref<10240x128xf32, #tpu.memory_space<vmem_shared>> -> memref<10240x128xf32, #tpu.memory_space<vmem_shared>>
      tpu.wait_indirect_dma semaphore(%arg13 : memref<!tpu.dma_semaphore, #tpu.memory_space<semaphore_mem>>) src(%arg9 : memref<128x128xf32, #tpu.memory_space<vmem>>) dst(%dma_wait3A_164 : memref<10240x128xf32, #tpu.memory_space<vmem_shared>>)
      %add3A_165 = arith.constant 2 : i32
      %add3A_166 = arith.addi %add3A_134, %add3A_165 : i32
      %lt3A_167 = arith.constant 40 : i32
      %lt3A_168 = arith.cmpi slt, %add3A_166, %lt3A_167 : i32
      %convert_element_type3A_169 = arith.extui %lt3A_168 : i1 to i32
      %cond3A_170 = arith.constant 0 : i32
      %cond3A_171 = arith.cmpi ne, %convert_element_type3A_169, %cond3A_170 : i32
      scf.if %cond3A_171 {
        %add3A_173 = arith.constant 2 : i32
        %add3A_174 = arith.addi %add3A_134, %add3A_173 : i32
        %dma_start3A_175 = arith.constant 1 : i32
        %dma_start3A_176 = arith.constant 0 : i32
        %dma_start3A_177 = arith.constant 0 : i32
        %dma_start3A_178 = tpu.memref_slice %arg8[%dma_start3A_175, %dma_start3A_176, %dma_start3A_177] : memref<2x128x64xi32, #tpu.memory_space<vmem>> -> memref<1x128x64xi32, #tpu.memory_space<vmem>>
        %dma_start3A_179 = tpu.memref_squeeze %dma_start3A_178 : memref<1x128x64xi32, #tpu.memory_space<vmem>> -> memref<128x64xi32, #tpu.memory_space<vmem>>
        %dma_start3A_180 = arith.constant 0 : i32
        %dma_start3A_181 = tpu.memref_slice %arg6[%add3A_174, %dma_start3A_180] : memref<40x128xi32, #tpu.memory_space<vmem>> -> memref<1x128xi32, #tpu.memory_space<vmem>>
        %dma_start3A_182 = tpu.memref_squeeze %dma_start3A_181 : memref<1x128xi32, #tpu.memory_space<vmem>> -> memref<128xi32, #tpu.memory_space<vmem>>
        %dma_start3A_183 = arith.constant 0 : i32
        %dma_start3A_184 = arith.constant 0 : i32
        %dma_start3A_185 = tpu.memref_slice %arg2[%dma_start3A_183, %dma_start3A_184] : memref<10240x64xi32, #tpu.memory_space<hbm>> -> memref<10240x64xi32, #tpu.memory_space<hbm>>
        tpu.enqueue_indirect_dma source(%dma_start3A_185 : memref<10240x64xi32, #tpu.memory_space<hbm>>) target(%dma_start3A_179 : memref<128x64xi32, #tpu.memory_space<vmem>>) offsets(%dma_start3A_182 : memref<128xi32, #tpu.memory_space<vmem>>) semaphore(%arg12 : memref<!tpu.dma_semaphore, #tpu.memory_space<semaphore_mem>>)
      } else {
      }
      %scan3A_172 = arith.constant 0 : i32
      scf.yield %scan3A_172 : i32
    }
    %scan3A_48 = arith.constant 20 : i32
    %mul3A_49 = arith.constant 80 : i32
    %mul3A_50 = arith.muli %add3A, %mul3A_49 : i32
    %add3A_51 = arith.constant 40 : i32
    %add3A_52 = arith.addi %mul3A_50, %add3A_51 : i32
    "tpu.region"() ({
      %run_scoped3A = tpu.sem_alloc : memref<!tpu.dma_semaphore, #tpu.memory_space<semaphore_mem>>
      %dma_start3A_92 = arith.constant 0 : i32
      %dma_start3A_93 = tpu.memref_slice %arg3[%add3A_52, %dma_start3A_92] : memref<2560x128xi32, #tpu.memory_space<hbm>> -> memref<40x128xi32, #tpu.memory_space<hbm>>
      %dma_start3A_94 = arith.constant 0 : i32
      %dma_start3A_95 = tpu.memref_slice %arg3[%add3A_52, %dma_start3A_94] : memref<2560x128xi32, #tpu.memory_space<hbm>> -> memref<40x128xi32, #tpu.memory_space<hbm>>
      tpu.enqueue_dma source(%dma_start3A_95 : memref<40x128xi32, #tpu.memory_space<hbm>>) target(%arg6 : memref<40x128xi32, #tpu.memory_space<vmem>>) target_semaphore(%run_scoped3A : memref<!tpu.dma_semaphore, #tpu.memory_space<semaphore_mem>>)
      %dma_wait3A = arith.constant 0 : i32
      %dma_wait3A_96 = tpu.memref_slice %arg3[%add3A_52, %dma_wait3A] : memref<2560x128xi32, #tpu.memory_space<hbm>> -> memref<40x128xi32, #tpu.memory_space<hbm>>
      %dma_wait3A_97 = arith.constant 0 : i32
      %dma_wait3A_98 = tpu.memref_slice %arg3[%add3A_52, %dma_wait3A_97] : memref<2560x128xi32, #tpu.memory_space<hbm>> -> memref<40x128xi32, #tpu.memory_space<hbm>>
      tpu.wait_dma2 semaphore(%run_scoped3A : memref<!tpu.dma_semaphore, #tpu.memory_space<semaphore_mem>>) src(%dma_wait3A_98 : memref<40x128xi32, #tpu.memory_space<hbm>>) dst(%arg6 : memref<40x128xi32, #tpu.memory_space<vmem>>)
      tpu.yield
    }) : () -> ()
    "tpu.region"() ({
      %run_scoped3A = tpu.sem_alloc : memref<!tpu.dma_semaphore, #tpu.memory_space<semaphore_mem>>
      %dma_start3A_92 = arith.constant 0 : i32
      %dma_start3A_93 = tpu.memref_slice %arg4[%add3A_52, %dma_start3A_92] : memref<2560x128xi32, #tpu.memory_space<hbm>> -> memref<40x128xi32, #tpu.memory_space<hbm>>
      %dma_start3A_94 = arith.constant 0 : i32
      %dma_start3A_95 = tpu.memref_slice %arg4[%add3A_52, %dma_start3A_94] : memref<2560x128xi32, #tpu.memory_space<hbm>> -> memref<40x128xi32, #tpu.memory_space<hbm>>
      tpu.enqueue_dma source(%dma_start3A_95 : memref<40x128xi32, #tpu.memory_space<hbm>>) target(%arg7 : memref<40x128xi32, #tpu.memory_space<vmem>>) target_semaphore(%run_scoped3A : memref<!tpu.dma_semaphore, #tpu.memory_space<semaphore_mem>>)
      %dma_wait3A = arith.constant 0 : i32
      %dma_wait3A_96 = tpu.memref_slice %arg4[%add3A_52, %dma_wait3A] : memref<2560x128xi32, #tpu.memory_space<hbm>> -> memref<40x128xi32, #tpu.memory_space<hbm>>
      %dma_wait3A_97 = arith.constant 0 : i32
      %dma_wait3A_98 = tpu.memref_slice %arg4[%add3A_52, %dma_wait3A_97] : memref<2560x128xi32, #tpu.memory_space<hbm>> -> memref<40x128xi32, #tpu.memory_space<hbm>>
      tpu.wait_dma2 semaphore(%run_scoped3A : memref<!tpu.dma_semaphore, #tpu.memory_space<semaphore_mem>>) src(%dma_wait3A_98 : memref<40x128xi32, #tpu.memory_space<hbm>>) dst(%arg7 : memref<40x128xi32, #tpu.memory_space<vmem>>)
      tpu.yield
    }) : () -> ()
    %dma_start3A_53 = arith.constant 0 : i32
    %dma_start3A_54 = arith.constant 0 : i32
    %dma_start3A_55 = arith.constant 0 : i32
    %dma_start3A_56 = arith.constant 0 : i32
    %dma_start3A_57 = tpu.memref_slice %arg8[%dma_start3A_54, %dma_start3A_55, %dma_start3A_56] : memref<2x128x64xi32, #tpu.memory_space<vmem>> -> memref<1x128x64xi32, #tpu.memory_space<vmem>>
    %dma_start3A_58 = tpu.memref_squeeze %dma_start3A_57 : memref<1x128x64xi32, #tpu.memory_space<vmem>> -> memref<128x64xi32, #tpu.memory_space<vmem>>
    %dma_start3A_59 = arith.constant 0 : i32
    %dma_start3A_60 = tpu.memref_slice %arg6[%dma_start3A_53, %dma_start3A_59] : memref<40x128xi32, #tpu.memory_space<vmem>> -> memref<1x128xi32, #tpu.memory_space<vmem>>
    %dma_start3A_61 = tpu.memref_squeeze %dma_start3A_60 : memref<1x128xi32, #tpu.memory_space<vmem>> -> memref<128xi32, #tpu.memory_space<vmem>>
    %dma_start3A_62 = arith.constant 0 : i32
    %dma_start3A_63 = arith.constant 0 : i32
    %dma_start3A_64 = tpu.memref_slice %arg2[%dma_start3A_62, %dma_start3A_63] : memref<10240x64xi32, #tpu.memory_space<hbm>> -> memref<10240x64xi32, #tpu.memory_space<hbm>>
    tpu.enqueue_indirect_dma source(%dma_start3A_64 : memref<10240x64xi32, #tpu.memory_space<hbm>>) target(%dma_start3A_58 : memref<128x64xi32, #tpu.memory_space<vmem>>) offsets(%dma_start3A_61 : memref<128xi32, #tpu.memory_space<vmem>>) semaphore(%arg11 : memref<!tpu.dma_semaphore, #tpu.memory_space<semaphore_mem>>)
    %dma_start3A_65 = arith.constant 1 : i32
    %dma_start3A_66 = arith.constant 1 : i32
    %dma_start3A_67 = arith.constant 0 : i32
    %dma_start3A_68 = arith.constant 0 : i32
    %dma_start3A_69 = tpu.memref_slice %arg8[%dma_start3A_66, %dma_start3A_67, %dma_start3A_68] : memref<2x128x64xi32, #tpu.memory_space<vmem>> -> memref<1x128x64xi32, #tpu.memory_space<vmem>>
    %dma_start3A_70 = tpu.memref_squeeze %dma_start3A_69 : memref<1x128x64xi32, #tpu.memory_space<vmem>> -> memref<128x64xi32, #tpu.memory_space<vmem>>
    %dma_start3A_71 = arith.constant 0 : i32
    %dma_start3A_72 = tpu.memref_slice %arg6[%dma_start3A_65, %dma_start3A_71] : memref<40x128xi32, #tpu.memory_space<vmem>> -> memref<1x128xi32, #tpu.memory_space<vmem>>
    %dma_start3A_73 = tpu.memref_squeeze %dma_start3A_72 : memref<1x128xi32, #tpu.memory_space<vmem>> -> memref<128xi32, #tpu.memory_space<vmem>>
    %dma_start3A_74 = arith.constant 0 : i32
    %dma_start3A_75 = arith.constant 0 : i32
    %dma_start3A_76 = tpu.memref_slice %arg2[%dma_start3A_74, %dma_start3A_75] : memref<10240x64xi32, #tpu.memory_space<hbm>> -> memref<10240x64xi32, #tpu.memory_space<hbm>>
    tpu.enqueue_indirect_dma source(%dma_start3A_76 : memref<10240x64xi32, #tpu.memory_space<hbm>>) target(%dma_start3A_70 : memref<128x64xi32, #tpu.memory_space<vmem>>) offsets(%dma_start3A_73 : memref<128xi32, #tpu.memory_space<vmem>>) semaphore(%arg12 : memref<!tpu.dma_semaphore, #tpu.memory_space<semaphore_mem>>)
    %scan3A_77 = arith.constant 0 : i32
    %scan3A_78 = arith.constant 0 : i32
    %scan3A_79 = arith.constant 20 : i32
    %scan3A_80 = arith.addi %scan3A_78, %scan3A_79 : i32
    %scan3A_81 = arith.constant 1 : i32
    %scan3A_82 = scf.for %scan3A_92 = %scan3A_78 to %scan3A_80 step %scan3A_81 iter_args(%scan3A_93 = %scan3A_77) -> (i32)  : i32 {
      %mul3A_94 = arith.constant 2 : i32
      %mul3A_95 = arith.muli %scan3A_92, %mul3A_94 : i32
      %add3A_96 = arith.constant 0 : i32
      %add3A_97 = arith.addi %mul3A_95, %add3A_96 : i32
      %dma_wait3A = arith.constant 0 : i32
      %dma_wait3A_98 = arith.constant 0 : i32
      %dma_wait3A_99 = arith.constant 0 : i32
      %dma_wait3A_100 = tpu.memref_slice %arg8[%dma_wait3A, %dma_wait3A_98, %dma_wait3A_99] : memref<2x128x64xi32, #tpu.memory_space<vmem>> -> memref<1x128x64xi32, #tpu.memory_space<vmem>>
      %dma_wait3A_101 = tpu.memref_squeeze %dma_wait3A_100 : memref<1x128x64xi32, #tpu.memory_space<vmem>> -> memref<128x64xi32, #tpu.memory_space<vmem>>
      %dma_wait3A_102 = arith.constant 0 : i32
      %dma_wait3A_103 = tpu.memref_slice %arg6[%add3A_97, %dma_wait3A_102] : memref<40x128xi32, #tpu.memory_space<vmem>> -> memref<1x128xi32, #tpu.memory_space<vmem>>
      %dma_wait3A_104 = tpu.memref_squeeze %dma_wait3A_103 : memref<1x128xi32, #tpu.memory_space<vmem>> -> memref<128xi32, #tpu.memory_space<vmem>>
      %dma_wait3A_105 = arith.constant 0 : i32
      %dma_wait3A_106 = arith.constant 0 : i32
      %dma_wait3A_107 = tpu.memref_slice %arg2[%dma_wait3A_105, %dma_wait3A_106] : memref<10240x64xi32, #tpu.memory_space<hbm>> -> memref<10240x64xi32, #tpu.memory_space<hbm>>
      tpu.wait_indirect_dma semaphore(%arg11 : memref<!tpu.dma_semaphore, #tpu.memory_space<semaphore_mem>>) src(%dma_wait3A_107 : memref<10240x64xi32, #tpu.memory_space<hbm>>) dst(%dma_wait3A_101 : memref<128x64xi32, #tpu.memory_space<vmem>>)
      %scan3A_108 = arith.constant 0 : i32
      %scan3A_109 = arith.constant 0 : i32
      %scan3A_110 = arith.constant 128 : i32
      %scan3A_111 = arith.addi %scan3A_109, %scan3A_110 : i32
      %scan3A_112 = arith.constant 1 : i32
      %scan3A_113 = scf.for %scan3A_173 = %scan3A_109 to %scan3A_111 step %scan3A_112 iter_args(%scan3A_174 = %scan3A_108) -> (i32)  : i32 {
        %get3A = arith.constant 0 : i32
        %get3A_175 = arith.index_cast %get3A : i32 to index
        %get3A_176 = arith.index_cast %scan3A_173 : i32 to index
        %get3A_177 = arith.constant 0 : index
        %get3A_178 = tpu.vector_load %arg8[%get3A_175, %get3A_176, %get3A_177] {strides = array<i32>} : memref<2x128x64xi32, #tpu.memory_space<vmem>>, vector<16xi32>,
        %shift_left3A = arith.constant 16 : i32
        %shift_left3A_179 = vector.broadcast %shift_left3A : i32 to vector<16xi32>
        %shift_left3A_180 = arith.shli %get3A_178, %shift_left3A_179 : vector<16xi32>
        %bitcast3A = vector.bitcast %shift_left3A_180 : vector<16xi32> to vector<16xf32>
        %and3A = arith.andi %get3A_178, %broadcast_in_dim3A_14 : vector<16xi32>
        %bitcast3A_181 = vector.bitcast %and3A : vector<16xi32> to vector<16xf32>
        %swap3A = arith.index_cast %scan3A_173 : i32 to index
        %swap3A_182 = arith.constant 0 : index
        %swap3A_183 = tpu.vector_load %arg9[%swap3A, %swap3A_182] {strides = array<i32>} : memref<128x128xf32, #tpu.memory_space<vmem>>, vector<16xf32>,
        tpu.vector_store %arg9[%swap3A, %swap3A_182], %bitcast3A {strides = array<i32>} : memref<128x128xf32, #tpu.memory_space<vmem>>, vector<16xf32>,
        %swap3A_184 = arith.index_cast %scan3A_173 : i32 to index
        %swap3A_185 = arith.constant 16 : index
        %swap3A_186 = tpu.vector_load %arg9[%swap3A_184, %swap3A_185] {strides = array<i32>} : memref<128x128xf32, #tpu.memory_space<vmem>>, vector<16xf32>,
        tpu.vector_store %arg9[%swap3A_184, %swap3A_185], %bitcast3A_181 {strides = array<i32>} : memref<128x128xf32, #tpu.memory_space<vmem>>, vector<16xf32>,
        %get3A_187 = arith.constant 0 : i32
        %get3A_188 = arith.index_cast %get3A_187 : i32 to index
        %get3A_189 = arith.index_cast %scan3A_173 : i32 to index
        %get3A_190 = arith.constant 16 : index
        %get3A_191 = tpu.vector_load %arg8[%get3A_188, %get3A_189, %get3A_190] {strides = array<i32>} : memref<2x128x64xi32, #tpu.memory_space<vmem>>, vector<16xi32>,
        %shift_left3A_192 = arith.constant 16 : i32
        %shift_left3A_193 = vector.broadcast %shift_left3A_192 : i32 to vector<16xi32>
        %shift_left3A_194 = arith.shli %get3A_191, %shift_left3A_193 : vector<16xi32>
        %bitcast3A_195 = vector.bitcast %shift_left3A_194 : vector<16xi32> to vector<16xf32>
        %and3A_196 = arith.andi %get3A_191, %broadcast_in_dim3A_14 : vector<16xi32>
        %bitcast3A_197 = vector.bitcast %and3A_196 : vector<16xi32> to vector<16xf32>
        %swap3A_198 = arith.index_cast %scan3A_173 : i32 to index
        %swap3A_199 = arith.constant 32 : index
        %swap3A_200 = tpu.vector_load %arg9[%swap3A_198, %swap3A_199] {strides = array<i32>} : memref<128x128xf32, #tpu.memory_space<vmem>>, vector<16xf32>,
        tpu.vector_store %arg9[%swap3A_198, %swap3A_199], %bitcast3A_195 {strides = array<i32>} : memref<128x128xf32, #tpu.memory_space<vmem>>, vector<16xf32>,
        %swap3A_201 = arith.index_cast %scan3A_173 : i32 to index
        %swap3A_202 = arith.constant 48 : index
        %swap3A_203 = tpu.vector_load %arg9[%swap3A_201, %swap3A_202] {strides = array<i32>} : memref<128x128xf32, #tpu.memory_space<vmem>>, vector<16xf32>,
        tpu.vector_store %arg9[%swap3A_201, %swap3A_202], %bitcast3A_197 {strides = array<i32>} : memref<128x128xf32, #tpu.memory_space<vmem>>, vector<16xf32>,
        %get3A_204 = arith.constant 0 : i32
        %get3A_205 = arith.index_cast %get3A_204 : i32 to index
        %get3A_206 = arith.index_cast %scan3A_173 : i32 to index
        %get3A_207 = arith.constant 32 : index
        %get3A_208 = tpu.vector_load %arg8[%get3A_205, %get3A_206, %get3A_207] {strides = array<i32>} : memref<2x128x64xi32, #tpu.memory_space<vmem>>, vector<16xi32>,
        %shift_left3A_209 = arith.constant 16 : i32
        %shift_left3A_210 = vector.broadcast %shift_left3A_209 : i32 to vector<16xi32>
        %shift_left3A_211 = arith.shli %get3A_208, %shift_left3A_210 : vector<16xi32>
        %bitcast3A_212 = vector.bitcast %shift_left3A_211 : vector<16xi32> to vector<16xf32>
        %and3A_213 = arith.andi %get3A_208, %broadcast_in_dim3A_14 : vector<16xi32>
        %bitcast3A_214 = vector.bitcast %and3A_213 : vector<16xi32> to vector<16xf32>
        %swap3A_215 = arith.index_cast %scan3A_173 : i32 to index
        %swap3A_216 = arith.constant 64 : index
        %swap3A_217 = tpu.vector_load %arg9[%swap3A_215, %swap3A_216] {strides = array<i32>} : memref<128x128xf32, #tpu.memory_space<vmem>>, vector<16xf32>,
        tpu.vector_store %arg9[%swap3A_215, %swap3A_216], %bitcast3A_212 {strides = array<i32>} : memref<128x128xf32, #tpu.memory_space<vmem>>, vector<16xf32>,
        %swap3A_218 = arith.index_cast %scan3A_173 : i32 to index
        %swap3A_219 = arith.constant 80 : index
        %swap3A_220 = tpu.vector_load %arg9[%swap3A_218, %swap3A_219] {strides = array<i32>} : memref<128x128xf32, #tpu.memory_space<vmem>>, vector<16xf32>,
        tpu.vector_store %arg9[%swap3A_218, %swap3A_219], %bitcast3A_214 {strides = array<i32>} : memref<128x128xf32, #tpu.memory_space<vmem>>, vector<16xf32>,
        %get3A_221 = arith.constant 0 : i32
        %get3A_222 = arith.index_cast %get3A_221 : i32 to index
        %get3A_223 = arith.index_cast %scan3A_173 : i32 to index
        %get3A_224 = arith.constant 48 : index
        %get3A_225 = tpu.vector_load %arg8[%get3A_222, %get3A_223, %get3A_224] {strides = array<i32>} : memref<2x128x64xi32, #tpu.memory_space<vmem>>, vector<16xi32>,
        %shift_left3A_226 = arith.constant 16 : i32
        %shift_left3A_227 = vector.broadcast %shift_left3A_226 : i32 to vector<16xi32>
        %shift_left3A_228 = arith.shli %get3A_225, %shift_left3A_227 : vector<16xi32>
        %bitcast3A_229 = vector.bitcast %shift_left3A_228 : vector<16xi32> to vector<16xf32>
        %and3A_230 = arith.andi %get3A_225, %broadcast_in_dim3A_14 : vector<16xi32>
        %bitcast3A_231 = vector.bitcast %and3A_230 : vector<16xi32> to vector<16xf32>
        %swap3A_232 = arith.index_cast %scan3A_173 : i32 to index
        %swap3A_233 = arith.constant 96 : index
        %swap3A_234 = tpu.vector_load %arg9[%swap3A_232, %swap3A_233] {strides = array<i32>} : memref<128x128xf32, #tpu.memory_space<vmem>>, vector<16xf32>,
        tpu.vector_store %arg9[%swap3A_232, %swap3A_233], %bitcast3A_229 {strides = array<i32>} : memref<128x128xf32, #tpu.memory_space<vmem>>, vector<16xf32>,
        %swap3A_235 = arith.index_cast %scan3A_173 : i32 to index
        %swap3A_236 = arith.constant 112 : index
        %swap3A_237 = tpu.vector_load %arg9[%swap3A_235, %swap3A_236] {strides = array<i32>} : memref<128x128xf32, #tpu.memory_space<vmem>>, vector<16xf32>,
        tpu.vector_store %arg9[%swap3A_235, %swap3A_236], %bitcast3A_231 {strides = array<i32>} : memref<128x128xf32, #tpu.memory_space<vmem>>, vector<16xf32>,
        %scan3A_238 = arith.constant 0 : i32
        scf.yield %scan3A_238 : i32
      }
      %scan3A_114 = arith.constant 128 : i32
      %dma_start3A_115 = arith.constant 0 : i32
      %dma_start3A_116 = tpu.memref_slice %arg7[%add3A_97, %dma_start3A_115] : memref<40x128xi32, #tpu.memory_space<vmem>> -> memref<1x128xi32, #tpu.memory_space<vmem>>
      %dma_start3A_117 = tpu.memref_squeeze %dma_start3A_116 : memref<1x128xi32, #tpu.memory_space<vmem>> -> memref<128xi32, #tpu.memory_space<vmem>>
      %dma_start3A_118 = arith.constant 0 : i32
      %dma_start3A_119 = arith.constant 0 : i32
      %dma_start3A_120 = tpu.memref_slice %arg10[%dma_start3A_118, %dma_start3A_119] : memref<10240x128xf32, #tpu.memory_space<vmem_shared>> -> memref<10240x128xf32, #tpu.memory_space<vmem_shared>>
      tpu.enqueue_indirect_dma source(%arg9 : memref<128x128xf32, #tpu.memory_space<vmem>>) target(%dma_start3A_120 : memref<10240x128xf32, #tpu.memory_space<vmem_shared>>) offsets(%dma_start3A_117 : memref<128xi32, #tpu.memory_space<vmem>>) semaphore(%arg13 : memref<!tpu.dma_semaphore, #tpu.memory_space<semaphore_mem>>) {add = true}
      %dma_wait3A_121 = arith.constant 0 : i32
      %dma_wait3A_122 = tpu.memref_slice %arg7[%add3A_97, %dma_wait3A_121] : memref<40x128xi32, #tpu.memory_space<vmem>> -> memref<1x128xi32, #tpu.memory_space<vmem>>
      %dma_wait3A_123 = tpu.memref_squeeze %dma_wait3A_122 : memref<1x128xi32, #tpu.memory_space<vmem>> -> memref<128xi32, #tpu.memory_space<vmem>>
      %dma_wait3A_124 = arith.constant 0 : i32
      %dma_wait3A_125 = arith.constant 0 : i32
      %dma_wait3A_126 = tpu.memref_slice %arg10[%dma_wait3A_124, %dma_wait3A_125] : memref<10240x128xf32, #tpu.memory_space<vmem_shared>> -> memref<10240x128xf32, #tpu.memory_space<vmem_shared>>
      tpu.wait_indirect_dma semaphore(%arg13 : memref<!tpu.dma_semaphore, #tpu.memory_space<semaphore_mem>>) src(%arg9 : memref<128x128xf32, #tpu.memory_space<vmem>>) dst(%dma_wait3A_126 : memref<10240x128xf32, #tpu.memory_space<vmem_shared>>)
      %add3A_127 = arith.constant 2 : i32
      %add3A_128 = arith.addi %add3A_97, %add3A_127 : i32
      %lt3A = arith.constant 40 : i32
      %lt3A_129 = arith.cmpi slt, %add3A_128, %lt3A : i32
      %convert_element_type3A = arith.extui %lt3A_129 : i1 to i32
      %cond3A = arith.constant 0 : i32
      %cond3A_130 = arith.cmpi ne, %convert_element_type3A, %cond3A : i32
      scf.if %cond3A_130 {
        %add3A_173 = arith.constant 2 : i32
        %add3A_174 = arith.addi %add3A_97, %add3A_173 : i32
        %dma_start3A_175 = arith.constant 0 : i32
        %dma_start3A_176 = arith.constant 0 : i32
        %dma_start3A_177 = arith.constant 0 : i32
        %dma_start3A_178 = tpu.memref_slice %arg8[%dma_start3A_175, %dma_start3A_176, %dma_start3A_177] : memref<2x128x64xi32, #tpu.memory_space<vmem>> -> memref<1x128x64xi32, #tpu.memory_space<vmem>>
        %dma_start3A_179 = tpu.memref_squeeze %dma_start3A_178 : memref<1x128x64xi32, #tpu.memory_space<vmem>> -> memref<128x64xi32, #tpu.memory_space<vmem>>
        %dma_start3A_180 = arith.constant 0 : i32
        %dma_start3A_181 = tpu.memref_slice %arg6[%add3A_174, %dma_start3A_180] : memref<40x128xi32, #tpu.memory_space<vmem>> -> memref<1x128xi32, #tpu.memory_space<vmem>>
        %dma_start3A_182 = tpu.memref_squeeze %dma_start3A_181 : memref<1x128xi32, #tpu.memory_space<vmem>> -> memref<128xi32, #tpu.memory_space<vmem>>
        %dma_start3A_183 = arith.constant 0 : i32
        %dma_start3A_184 = arith.constant 0 : i32
        %dma_start3A_185 = tpu.memref_slice %arg2[%dma_start3A_183, %dma_start3A_184] : memref<10240x64xi32, #tpu.memory_space<hbm>> -> memref<10240x64xi32, #tpu.memory_space<hbm>>
        tpu.enqueue_indirect_dma source(%dma_start3A_185 : memref<10240x64xi32, #tpu.memory_space<hbm>>) target(%dma_start3A_179 : memref<128x64xi32, #tpu.memory_space<vmem>>) offsets(%dma_start3A_182 : memref<128xi32, #tpu.memory_space<vmem>>) semaphore(%arg11 : memref<!tpu.dma_semaphore, #tpu.memory_space<semaphore_mem>>)
      } else {
      }
      %mul3A_131 = arith.constant 2 : i32
      %mul3A_132 = arith.muli %scan3A_92, %mul3A_131 : i32
      %add3A_133 = arith.constant 1 : i32
      %add3A_134 = arith.addi %mul3A_132, %add3A_133 : i32
      %dma_wait3A_135 = arith.constant 1 : i32
      %dma_wait3A_136 = arith.constant 0 : i32
      %dma_wait3A_137 = arith.constant 0 : i32
      %dma_wait3A_138 = tpu.memref_slice %arg8[%dma_wait3A_135, %dma_wait3A_136, %dma_wait3A_137] : memref<2x128x64xi32, #tpu.memory_space<vmem>> -> memref<1x128x64xi32, #tpu.memory_space<vmem>>
      %dma_wait3A_139 = tpu.memref_squeeze %dma_wait3A_138 : memref<1x128x64xi32, #tpu.memory_space<vmem>> -> memref<128x64xi32, #tpu.memory_space<vmem>>
      %dma_wait3A_140 = arith.constant 0 : i32
      %dma_wait3A_141 = tpu.memref_slice %arg6[%add3A_134, %dma_wait3A_140] : memref<40x128xi32, #tpu.memory_space<vmem>> -> memref<1x128xi32, #tpu.memory_space<vmem>>
      %dma_wait3A_142 = tpu.memref_squeeze %dma_wait3A_141 : memref<1x128xi32, #tpu.memory_space<vmem>> -> memref<128xi32, #tpu.memory_space<vmem>>
      %dma_wait3A_143 = arith.constant 0 : i32
      %dma_wait3A_144 = arith.constant 0 : i32
      %dma_wait3A_145 = tpu.memref_slice %arg2[%dma_wait3A_143, %dma_wait3A_144] : memref<10240x64xi32, #tpu.memory_space<hbm>> -> memref<10240x64xi32, #tpu.memory_space<hbm>>
      tpu.wait_indirect_dma semaphore(%arg12 : memref<!tpu.dma_semaphore, #tpu.memory_space<semaphore_mem>>) src(%dma_wait3A_145 : memref<10240x64xi32, #tpu.memory_space<hbm>>) dst(%dma_wait3A_139 : memref<128x64xi32, #tpu.memory_space<vmem>>)
      %scan3A_146 = arith.constant 0 : i32
      %scan3A_147 = arith.constant 0 : i32
      %scan3A_148 = arith.constant 128 : i32
      %scan3A_149 = arith.addi %scan3A_147, %scan3A_148 : i32
      %scan3A_150 = arith.constant 1 : i32
      %scan3A_151 = scf.for %scan3A_173 = %scan3A_147 to %scan3A_149 step %scan3A_150 iter_args(%scan3A_174 = %scan3A_146) -> (i32)  : i32 {
        %get3A = arith.constant 1 : i32
        %get3A_175 = arith.index_cast %get3A : i32 to index
        %get3A_176 = arith.index_cast %scan3A_173 : i32 to index
        %get3A_177 = arith.constant 0 : index
        %get3A_178 = tpu.vector_load %arg8[%get3A_175, %get3A_176, %get3A_177] {strides = array<i32>} : memref<2x128x64xi32, #tpu.memory_space<vmem>>, vector<16xi32>,
        %shift_left3A = arith.constant 16 : i32
        %shift_left3A_179 = vector.broadcast %shift_left3A : i32 to vector<16xi32>
        %shift_left3A_180 = arith.shli %get3A_178, %shift_left3A_179 : vector<16xi32>
        %bitcast3A = vector.bitcast %shift_left3A_180 : vector<16xi32> to vector<16xf32>
        %and3A = arith.andi %get3A_178, %broadcast_in_dim3A_14 : vector<16xi32>
        %bitcast3A_181 = vector.bitcast %and3A : vector<16xi32> to vector<16xf32>
        %swap3A = arith.index_cast %scan3A_173 : i32 to index
        %swap3A_182 = arith.constant 0 : index
        %swap3A_183 = tpu.vector_load %arg9[%swap3A, %swap3A_182] {strides = array<i32>} : memref<128x128xf32, #tpu.memory_space<vmem>>, vector<16xf32>,
        tpu.vector_store %arg9[%swap3A, %swap3A_182], %bitcast3A {strides = array<i32>} : memref<128x128xf32, #tpu.memory_space<vmem>>, vector<16xf32>,
        %swap3A_184 = arith.index_cast %scan3A_173 : i32 to index
        %swap3A_185 = arith.constant 16 : index
        %swap3A_186 = tpu.vector_load %arg9[%swap3A_184, %swap3A_185] {strides = array<i32>} : memref<128x128xf32, #tpu.memory_space<vmem>>, vector<16xf32>,
        tpu.vector_store %arg9[%swap3A_184, %swap3A_185], %bitcast3A_181 {strides = array<i32>} : memref<128x128xf32, #tpu.memory_space<vmem>>, vector<16xf32>,
        %get3A_187 = arith.constant 1 : i32
        %get3A_188 = arith.index_cast %get3A_187 : i32 to index
        %get3A_189 = arith.index_cast %scan3A_173 : i32 to index
        %get3A_190 = arith.constant 16 : index
        %get3A_191 = tpu.vector_load %arg8[%get3A_188, %get3A_189, %get3A_190] {strides = array<i32>} : memref<2x128x64xi32, #tpu.memory_space<vmem>>, vector<16xi32>,
        %shift_left3A_192 = arith.constant 16 : i32
        %shift_left3A_193 = vector.broadcast %shift_left3A_192 : i32 to vector<16xi32>
        %shift_left3A_194 = arith.shli %get3A_191, %shift_left3A_193 : vector<16xi32>
        %bitcast3A_195 = vector.bitcast %shift_left3A_194 : vector<16xi32> to vector<16xf32>
        %and3A_196 = arith.andi %get3A_191, %broadcast_in_dim3A_14 : vector<16xi32>
        %bitcast3A_197 = vector.bitcast %and3A_196 : vector<16xi32> to vector<16xf32>
        %swap3A_198 = arith.index_cast %scan3A_173 : i32 to index
        %swap3A_199 = arith.constant 32 : index
        %swap3A_200 = tpu.vector_load %arg9[%swap3A_198, %swap3A_199] {strides = array<i32>} : memref<128x128xf32, #tpu.memory_space<vmem>>, vector<16xf32>,
        tpu.vector_store %arg9[%swap3A_198, %swap3A_199], %bitcast3A_195 {strides = array<i32>} : memref<128x128xf32, #tpu.memory_space<vmem>>, vector<16xf32>,
        %swap3A_201 = arith.index_cast %scan3A_173 : i32 to index
        %swap3A_202 = arith.constant 48 : index
        %swap3A_203 = tpu.vector_load %arg9[%swap3A_201, %swap3A_202] {strides = array<i32>} : memref<128x128xf32, #tpu.memory_space<vmem>>, vector<16xf32>,
        tpu.vector_store %arg9[%swap3A_201, %swap3A_202], %bitcast3A_197 {strides = array<i32>} : memref<128x128xf32, #tpu.memory_space<vmem>>, vector<16xf32>,
        %get3A_204 = arith.constant 1 : i32
        %get3A_205 = arith.index_cast %get3A_204 : i32 to index
        %get3A_206 = arith.index_cast %scan3A_173 : i32 to index
        %get3A_207 = arith.constant 32 : index
        %get3A_208 = tpu.vector_load %arg8[%get3A_205, %get3A_206, %get3A_207] {strides = array<i32>} : memref<2x128x64xi32, #tpu.memory_space<vmem>>, vector<16xi32>,
        %shift_left3A_209 = arith.constant 16 : i32
        %shift_left3A_210 = vector.broadcast %shift_left3A_209 : i32 to vector<16xi32>
        %shift_left3A_211 = arith.shli %get3A_208, %shift_left3A_210 : vector<16xi32>
        %bitcast3A_212 = vector.bitcast %shift_left3A_211 : vector<16xi32> to vector<16xf32>
        %and3A_213 = arith.andi %get3A_208, %broadcast_in_dim3A_14 : vector<16xi32>
        %bitcast3A_214 = vector.bitcast %and3A_213 : vector<16xi32> to vector<16xf32>
        %swap3A_215 = arith.index_cast %scan3A_173 : i32 to index
        %swap3A_216 = arith.constant 64 : index
        %swap3A_217 = tpu.vector_load %arg9[%swap3A_215, %swap3A_216] {strides = array<i32>} : memref<128x128xf32, #tpu.memory_space<vmem>>, vector<16xf32>,
        tpu.vector_store %arg9[%swap3A_215, %swap3A_216], %bitcast3A_212 {strides = array<i32>} : memref<128x128xf32, #tpu.memory_space<vmem>>, vector<16xf32>,
        %swap3A_218 = arith.index_cast %scan3A_173 : i32 to index
        %swap3A_219 = arith.constant 80 : index
        %swap3A_220 = tpu.vector_load %arg9[%swap3A_218, %swap3A_219] {strides = array<i32>} : memref<128x128xf32, #tpu.memory_space<vmem>>, vector<16xf32>,
        tpu.vector_store %arg9[%swap3A_218, %swap3A_219], %bitcast3A_214 {strides = array<i32>} : memref<128x128xf32, #tpu.memory_space<vmem>>, vector<16xf32>,
        %get3A_221 = arith.constant 1 : i32
        %get3A_222 = arith.index_cast %get3A_221 : i32 to index
        %get3A_223 = arith.index_cast %scan3A_173 : i32 to index
        %get3A_224 = arith.constant 48 : index
        %get3A_225 = tpu.vector_load %arg8[%get3A_222, %get3A_223, %get3A_224] {strides = array<i32>} : memref<2x128x64xi32, #tpu.memory_space<vmem>>, vector<16xi32>,
        %shift_left3A_226 = arith.constant 16 : i32
        %shift_left3A_227 = vector.broadcast %shift_left3A_226 : i32 to vector<16xi32>
        %shift_left3A_228 = arith.shli %get3A_225, %shift_left3A_227 : vector<16xi32>
        %bitcast3A_229 = vector.bitcast %shift_left3A_228 : vector<16xi32> to vector<16xf32>
        %and3A_230 = arith.andi %get3A_225, %broadcast_in_dim3A_14 : vector<16xi32>
        %bitcast3A_231 = vector.bitcast %and3A_230 : vector<16xi32> to vector<16xf32>
        %swap3A_232 = arith.index_cast %scan3A_173 : i32 to index
        %swap3A_233 = arith.constant 96 : index
        %swap3A_234 = tpu.vector_load %arg9[%swap3A_232, %swap3A_233] {strides = array<i32>} : memref<128x128xf32, #tpu.memory_space<vmem>>, vector<16xf32>,
        tpu.vector_store %arg9[%swap3A_232, %swap3A_233], %bitcast3A_229 {strides = array<i32>} : memref<128x128xf32, #tpu.memory_space<vmem>>, vector<16xf32>,
        %swap3A_235 = arith.index_cast %scan3A_173 : i32 to index
        %swap3A_236 = arith.constant 112 : index
        %swap3A_237 = tpu.vector_load %arg9[%swap3A_235, %swap3A_236] {strides = array<i32>} : memref<128x128xf32, #tpu.memory_space<vmem>>, vector<16xf32>,
        tpu.vector_store %arg9[%swap3A_235, %swap3A_236], %bitcast3A_231 {strides = array<i32>} : memref<128x128xf32, #tpu.memory_space<vmem>>, vector<16xf32>,
        %scan3A_238 = arith.constant 0 : i32
        scf.yield %scan3A_238 : i32
      }
      %scan3A_152 = arith.constant 128 : i32
      %dma_start3A_153 = arith.constant 0 : i32
      %dma_start3A_154 = tpu.memref_slice %arg7[%add3A_134, %dma_start3A_153] : memref<40x128xi32, #tpu.memory_space<vmem>> -> memref<1x128xi32, #tpu.memory_space<vmem>>
      %dma_start3A_155 = tpu.memref_squeeze %dma_start3A_154 : memref<1x128xi32, #tpu.memory_space<vmem>> -> memref<128xi32, #tpu.memory_space<vmem>>
      %dma_start3A_156 = arith.constant 0 : i32
      %dma_start3A_157 = arith.constant 0 : i32
      %dma_start3A_158 = tpu.memref_slice %arg10[%dma_start3A_156, %dma_start3A_157] : memref<10240x128xf32, #tpu.memory_space<vmem_shared>> -> memref<10240x128xf32, #tpu.memory_space<vmem_shared>>
      tpu.enqueue_indirect_dma source(%arg9 : memref<128x128xf32, #tpu.memory_space<vmem>>) target(%dma_start3A_158 : memref<10240x128xf32, #tpu.memory_space<vmem_shared>>) offsets(%dma_start3A_155 : memref<128xi32, #tpu.memory_space<vmem>>) semaphore(%arg13 : memref<!tpu.dma_semaphore, #tpu.memory_space<semaphore_mem>>) {add = true}
      %dma_wait3A_159 = arith.constant 0 : i32
      %dma_wait3A_160 = tpu.memref_slice %arg7[%add3A_134, %dma_wait3A_159] : memref<40x128xi32, #tpu.memory_space<vmem>> -> memref<1x128xi32, #tpu.memory_space<vmem>>
      %dma_wait3A_161 = tpu.memref_squeeze %dma_wait3A_160 : memref<1x128xi32, #tpu.memory_space<vmem>> -> memref<128xi32, #tpu.memory_space<vmem>>
      %dma_wait3A_162 = arith.constant 0 : i32
      %dma_wait3A_163 = arith.constant 0 : i32
      %dma_wait3A_164 = tpu.memref_slice %arg10[%dma_wait3A_162, %dma_wait3A_163] : memref<10240x128xf32, #tpu.memory_space<vmem_shared>> -> memref<10240x128xf32, #tpu.memory_space<vmem_shared>>
      tpu.wait_indirect_dma semaphore(%arg13 : memref<!tpu.dma_semaphore, #tpu.memory_space<semaphore_mem>>) src(%arg9 : memref<128x128xf32, #tpu.memory_space<vmem>>) dst(%dma_wait3A_164 : memref<10240x128xf32, #tpu.memory_space<vmem_shared>>)
      %add3A_165 = arith.constant 2 : i32
      %add3A_166 = arith.addi %add3A_134, %add3A_165 : i32
      %lt3A_167 = arith.constant 40 : i32
      %lt3A_168 = arith.cmpi slt, %add3A_166, %lt3A_167 : i32
      %convert_element_type3A_169 = arith.extui %lt3A_168 : i1 to i32
      %cond3A_170 = arith.constant 0 : i32
      %cond3A_171 = arith.cmpi ne, %convert_element_type3A_169, %cond3A_170 : i32
      scf.if %cond3A_171 {
        %add3A_173 = arith.constant 2 : i32
        %add3A_174 = arith.addi %add3A_134, %add3A_173 : i32
        %dma_start3A_175 = arith.constant 1 : i32
        %dma_start3A_176 = arith.constant 0 : i32
        %dma_start3A_177 = arith.constant 0 : i32
        %dma_start3A_178 = tpu.memref_slice %arg8[%dma_start3A_175, %dma_start3A_176, %dma_start3A_177] : memref<2x128x64xi32, #tpu.memory_space<vmem>> -> memref<1x128x64xi32, #tpu.memory_space<vmem>>
        %dma_start3A_179 = tpu.memref_squeeze %dma_start3A_178 : memref<1x128x64xi32, #tpu.memory_space<vmem>> -> memref<128x64xi32, #tpu.memory_space<vmem>>
        %dma_start3A_180 = arith.constant 0 : i32
        %dma_start3A_181 = tpu.memref_slice %arg6[%add3A_174, %dma_start3A_180] : memref<40x128xi32, #tpu.memory_space<vmem>> -> memref<1x128xi32, #tpu.memory_space<vmem>>
        %dma_start3A_182 = tpu.memref_squeeze %dma_start3A_181 : memref<1x128xi32, #tpu.memory_space<vmem>> -> memref<128xi32, #tpu.memory_space<vmem>>
        %dma_start3A_183 = arith.constant 0 : i32
        %dma_start3A_184 = arith.constant 0 : i32
        %dma_start3A_185 = tpu.memref_slice %arg2[%dma_start3A_183, %dma_start3A_184] : memref<10240x64xi32, #tpu.memory_space<hbm>> -> memref<10240x64xi32, #tpu.memory_space<hbm>>
        tpu.enqueue_indirect_dma source(%dma_start3A_185 : memref<10240x64xi32, #tpu.memory_space<hbm>>) target(%dma_start3A_179 : memref<128x64xi32, #tpu.memory_space<vmem>>) offsets(%dma_start3A_182 : memref<128xi32, #tpu.memory_space<vmem>>) semaphore(%arg12 : memref<!tpu.dma_semaphore, #tpu.memory_space<semaphore_mem>>)
      } else {
      }
      %scan3A_172 = arith.constant 0 : i32
      scf.yield %scan3A_172 : i32
    }
    %scan3A_83 = arith.constant 20 : i32
    %barrier3A_84 = arith.constant 0 : index
    tpu.barrier barrier_id(%barrier3A_84)
    %scan3A_85 = arith.constant 0 : i32
    %scan3A_86 = arith.constant 0 : i32
    %scan3A_87 = arith.constant 5 : i32
    %scan3A_88 = arith.addi %scan3A_86, %scan3A_87 : i32
    %scan3A_89 = arith.constant 1 : i32
    %scan3A_90 = scf.for %scan3A_92 = %scan3A_86 to %scan3A_88 step %scan3A_89 iter_args(%scan3A_93 = %scan3A_85) -> (i32)  : i32 {
      %mul3A_94 = arith.constant 640 : i32
      %mul3A_95 = arith.muli %arg1, %mul3A_94 : i32
      %mul3A_96 = arith.constant 128 : i32
      %mul3A_97 = arith.muli %scan3A_92, %mul3A_96 : i32
      %add3A_98 = arith.addi %mul3A_95, %mul3A_97 : i32
      "tpu.region"() ({
        %run_scoped3A = tpu.sem_alloc : memref<!tpu.dma_semaphore, #tpu.memory_space<semaphore_mem>>
        %dma_start3A_108 = arith.constant 0 : i32
        %dma_start3A_109 = tpu.memref_slice %arg10[%add3A_98, %dma_start3A_108] : memref<10240x128xf32, #tpu.memory_space<vmem_shared>> -> memref<128x128xf32, #tpu.memory_space<vmem_shared>>
        %dma_start3A_110 = arith.constant 0 : i32
        %dma_start3A_111 = tpu.memref_slice %arg10[%add3A_98, %dma_start3A_110] : memref<10240x128xf32, #tpu.memory_space<vmem_shared>> -> memref<128x128xf32, #tpu.memory_space<vmem_shared>>
        tpu.enqueue_dma source(%dma_start3A_111 : memref<128x128xf32, #tpu.memory_space<vmem_shared>>) target(%arg9 : memref<128x128xf32, #tpu.memory_space<vmem>>) target_semaphore(%run_scoped3A : memref<!tpu.dma_semaphore, #tpu.memory_space<semaphore_mem>>)
        %dma_wait3A = arith.constant 0 : i32
        %dma_wait3A_112 = tpu.memref_slice %arg10[%add3A_98, %dma_wait3A] : memref<10240x128xf32, #tpu.memory_space<vmem_shared>> -> memref<128x128xf32, #tpu.memory_space<vmem_shared>>
        %dma_wait3A_113 = arith.constant 0 : i32
        %dma_wait3A_114 = tpu.memref_slice %arg10[%add3A_98, %dma_wait3A_113] : memref<10240x128xf32, #tpu.memory_space<vmem_shared>> -> memref<128x128xf32, #tpu.memory_space<vmem_shared>>
        tpu.wait_dma2 semaphore(%run_scoped3A : memref<!tpu.dma_semaphore, #tpu.memory_space<semaphore_mem>>) src(%dma_wait3A_114 : memref<128x128xf32, #tpu.memory_space<vmem_shared>>) dst(%arg9 : memref<128x128xf32, #tpu.memory_space<vmem>>)
        tpu.yield
      }) : () -> ()
      %mul3A_99 = arith.constant 10240 : i32
      %mul3A_100 = arith.muli %arg0, %mul3A_99 : i32
      %mul3A_101 = arith.constant 640 : i32
      %mul3A_102 = arith.muli %arg1, %mul3A_101 : i32
      %add3A_103 = arith.addi %mul3A_100, %mul3A_102 : i32
      %mul3A_104 = arith.constant 128 : i32
      %mul3A_105 = arith.muli %scan3A_92, %mul3A_104 : i32
      %add3A_106 = arith.addi %add3A_103, %mul3A_105 : i32
      "tpu.region"() ({
        %run_scoped3A = tpu.sem_alloc : memref<!tpu.dma_semaphore, #tpu.memory_space<semaphore_mem>>
        %dma_start3A_108 = arith.constant 0 : i32
        %dma_start3A_109 = tpu.memref_slice %arg5[%add3A_106, %dma_start3A_108] : memref<20480x128xf32, #tpu.memory_space<hbm>> -> memref<128x128xf32, #tpu.memory_space<hbm>>
        %dma_start3A_110 = arith.constant 0 : i32
        %dma_start3A_111 = tpu.memref_slice %arg5[%add3A_106, %dma_start3A_110] : memref<20480x128xf32, #tpu.memory_space<hbm>> -> memref<128x128xf32, #tpu.memory_space<hbm>>
        tpu.enqueue_dma source(%arg9 : memref<128x128xf32, #tpu.memory_space<vmem>>) target(%dma_start3A_111 : memref<128x128xf32, #tpu.memory_space<hbm>>) target_semaphore(%run_scoped3A : memref<!tpu.dma_semaphore, #tpu.memory_space<semaphore_mem>>)
        %dma_wait3A = arith.constant 0 : i32
        %dma_wait3A_112 = tpu.memref_slice %arg5[%add3A_106, %dma_wait3A] : memref<20480x128xf32, #tpu.memory_space<hbm>> -> memref<128x128xf32, #tpu.memory_space<hbm>>
        %dma_wait3A_113 = arith.constant 0 : i32
        %dma_wait3A_114 = tpu.memref_slice %arg5[%add3A_106, %dma_wait3A_113] : memref<20480x128xf32, #tpu.memory_space<hbm>> -> memref<128x128xf32, #tpu.memory_space<hbm>>
        tpu.wait_dma2 semaphore(%run_scoped3A : memref<!tpu.dma_semaphore, #tpu.memory_space<semaphore_mem>>) src(%arg9 : memref<128x128xf32, #tpu.memory_space<vmem>>) dst(%dma_wait3A_114 : memref<128x128xf32, #tpu.memory_space<hbm>>)
        tpu.yield
      }) : () -> ()
      %scan3A_107 = arith.constant 0 : i32
      scf.yield %scan3A_107 : i32
    }
    %scan3A_91 = arith.constant 5 : i32
    return
  }
}

#map = affine_map<(d0, d1) -> (0, 0)>
module attributes {stable_mosaic.version = 14 : i64} {
  func.func @_deg_kernel(%arg0: i32, %arg1: i32, %arg2: memref<2560x128xi32, #tpu.memory_space<hbm>>, %arg3: memref<2560x128xf32, #tpu.memory_space<hbm>>, %arg4: memref<80x128xi32, #tpu.memory_space<vmem>>, %arg5: memref<80x128xf32, #tpu.memory_space<vmem>>) attributes {dimension_semantics = [#tpu.dimension_semantics<core_parallel>, #tpu.dimension_semantics<subcore_parallel>], iteration_bounds = array<i64: 2, 16>, scalar_prefetch = 0 : i64, scratch_operands = 2 : i64, tpu.core_type = #tpu.core_type<sc_vector_subcore>, window_params = [{transform_indices = #map}, {transform_indices = #map}]} {
    %mul3A = arith.constant 2 : i32
    %mul3A_0 = arith.muli %arg1, %mul3A : i32
    %add3A = arith.addi %mul3A_0, %arg0 : i32
    %mul3A_1 = arith.constant 80 : i32
    %mul3A_2 = arith.muli %add3A, %mul3A_1 : i32
    "tpu.region"() ({
      %run_scoped3A = tpu.sem_alloc : memref<!tpu.dma_semaphore, #tpu.memory_space<semaphore_mem>>
      %dma_start3A = arith.constant 0 : i32
      %dma_start3A_19 = tpu.memref_slice %arg2[%mul3A_2, %dma_start3A] : memref<2560x128xi32, #tpu.memory_space<hbm>> -> memref<80x128xi32, #tpu.memory_space<hbm>>
      %dma_start3A_20 = arith.constant 0 : i32
      %dma_start3A_21 = tpu.memref_slice %arg2[%mul3A_2, %dma_start3A_20] : memref<2560x128xi32, #tpu.memory_space<hbm>> -> memref<80x128xi32, #tpu.memory_space<hbm>>
      tpu.enqueue_dma source(%dma_start3A_21 : memref<80x128xi32, #tpu.memory_space<hbm>>) target(%arg4 : memref<80x128xi32, #tpu.memory_space<vmem>>) target_semaphore(%run_scoped3A : memref<!tpu.dma_semaphore, #tpu.memory_space<semaphore_mem>>)
      %dma_wait3A = arith.constant 0 : i32
      %dma_wait3A_22 = tpu.memref_slice %arg2[%mul3A_2, %dma_wait3A] : memref<2560x128xi32, #tpu.memory_space<hbm>> -> memref<80x128xi32, #tpu.memory_space<hbm>>
      %dma_wait3A_23 = arith.constant 0 : i32
      %dma_wait3A_24 = tpu.memref_slice %arg2[%mul3A_2, %dma_wait3A_23] : memref<2560x128xi32, #tpu.memory_space<hbm>> -> memref<80x128xi32, #tpu.memory_space<hbm>>
      tpu.wait_dma2 semaphore(%run_scoped3A : memref<!tpu.dma_semaphore, #tpu.memory_space<semaphore_mem>>) src(%dma_wait3A_24 : memref<80x128xi32, #tpu.memory_space<hbm>>) dst(%arg4 : memref<80x128xi32, #tpu.memory_space<vmem>>)
      tpu.yield
    }) : () -> ()
    %scan3A = arith.constant 0 : i32
    %scan3A_3 = arith.constant 0 : i32
    %scan3A_4 = arith.constant 80 : i32
    %scan3A_5 = arith.addi %scan3A_3, %scan3A_4 : i32
    %scan3A_6 = arith.constant 1 : i32
    %scan3A_7 = scf.for %scan3A_19 = %scan3A_3 to %scan3A_5 step %scan3A_6 iter_args(%scan3A_20 = %scan3A) -> (i32)  : i32 {
      %broadcast_in_dim3A_21 = arith.constant 0.000000e+00 : f32
      %broadcast_in_dim3A_22 = vector.broadcast %broadcast_in_dim3A_21 : f32 to vector<16xf32>
      %swap3A = arith.index_cast %scan3A_19 : i32 to index
      %swap3A_23 = arith.constant 0 : index
      %swap3A_24 = tpu.vector_load %arg5[%swap3A, %swap3A_23] {strides = array<i32>} : memref<80x128xf32, #tpu.memory_space<vmem>>, vector<16xf32>,
      tpu.vector_store %arg5[%swap3A, %swap3A_23], %broadcast_in_dim3A_22 {strides = array<i32>} : memref<80x128xf32, #tpu.memory_space<vmem>>, vector<16xf32>,
      %broadcast_in_dim3A_25 = arith.constant 0.000000e+00 : f32
      %broadcast_in_dim3A_26 = vector.broadcast %broadcast_in_dim3A_25 : f32 to vector<16xf32>
      %swap3A_27 = arith.index_cast %scan3A_19 : i32 to index
      %swap3A_28 = arith.constant 16 : index
      %swap3A_29 = tpu.vector_load %arg5[%swap3A_27, %swap3A_28] {strides = array<i32>} : memref<80x128xf32, #tpu.memory_space<vmem>>, vector<16xf32>,
      tpu.vector_store %arg5[%swap3A_27, %swap3A_28], %broadcast_in_dim3A_26 {strides = array<i32>} : memref<80x128xf32, #tpu.memory_space<vmem>>, vector<16xf32>,
      %broadcast_in_dim3A_30 = arith.constant 0.000000e+00 : f32
      %broadcast_in_dim3A_31 = vector.broadcast %broadcast_in_dim3A_30 : f32 to vector<16xf32>
      %swap3A_32 = arith.index_cast %scan3A_19 : i32 to index
      %swap3A_33 = arith.constant 32 : index
      %swap3A_34 = tpu.vector_load %arg5[%swap3A_32, %swap3A_33] {strides = array<i32>} : memref<80x128xf32, #tpu.memory_space<vmem>>, vector<16xf32>,
      tpu.vector_store %arg5[%swap3A_32, %swap3A_33], %broadcast_in_dim3A_31 {strides = array<i32>} : memref<80x128xf32, #tpu.memory_space<vmem>>, vector<16xf32>,
      %broadcast_in_dim3A_35 = arith.constant 0.000000e+00 : f32
      %broadcast_in_dim3A_36 = vector.broadcast %broadcast_in_dim3A_35 : f32 to vector<16xf32>
      %swap3A_37 = arith.index_cast %scan3A_19 : i32 to index
      %swap3A_38 = arith.constant 48 : index
      %swap3A_39 = tpu.vector_load %arg5[%swap3A_37, %swap3A_38] {strides = array<i32>} : memref<80x128xf32, #tpu.memory_space<vmem>>, vector<16xf32>,
      tpu.vector_store %arg5[%swap3A_37, %swap3A_38], %broadcast_in_dim3A_36 {strides = array<i32>} : memref<80x128xf32, #tpu.memory_space<vmem>>, vector<16xf32>,
      %broadcast_in_dim3A_40 = arith.constant 0.000000e+00 : f32
      %broadcast_in_dim3A_41 = vector.broadcast %broadcast_in_dim3A_40 : f32 to vector<16xf32>
      %swap3A_42 = arith.index_cast %scan3A_19 : i32 to index
      %swap3A_43 = arith.constant 64 : index
      %swap3A_44 = tpu.vector_load %arg5[%swap3A_42, %swap3A_43] {strides = array<i32>} : memref<80x128xf32, #tpu.memory_space<vmem>>, vector<16xf32>,
      tpu.vector_store %arg5[%swap3A_42, %swap3A_43], %broadcast_in_dim3A_41 {strides = array<i32>} : memref<80x128xf32, #tpu.memory_space<vmem>>, vector<16xf32>,
      %broadcast_in_dim3A_45 = arith.constant 0.000000e+00 : f32
      %broadcast_in_dim3A_46 = vector.broadcast %broadcast_in_dim3A_45 : f32 to vector<16xf32>
      %swap3A_47 = arith.index_cast %scan3A_19 : i32 to index
      %swap3A_48 = arith.constant 80 : index
      %swap3A_49 = tpu.vector_load %arg5[%swap3A_47, %swap3A_48] {strides = array<i32>} : memref<80x128xf32, #tpu.memory_space<vmem>>, vector<16xf32>,
      tpu.vector_store %arg5[%swap3A_47, %swap3A_48], %broadcast_in_dim3A_46 {strides = array<i32>} : memref<80x128xf32, #tpu.memory_space<vmem>>, vector<16xf32>,
      %broadcast_in_dim3A_50 = arith.constant 0.000000e+00 : f32
      %broadcast_in_dim3A_51 = vector.broadcast %broadcast_in_dim3A_50 : f32 to vector<16xf32>
      %swap3A_52 = arith.index_cast %scan3A_19 : i32 to index
      %swap3A_53 = arith.constant 96 : index
      %swap3A_54 = tpu.vector_load %arg5[%swap3A_52, %swap3A_53] {strides = array<i32>} : memref<80x128xf32, #tpu.memory_space<vmem>>, vector<16xf32>,
      tpu.vector_store %arg5[%swap3A_52, %swap3A_53], %broadcast_in_dim3A_51 {strides = array<i32>} : memref<80x128xf32, #tpu.memory_space<vmem>>, vector<16xf32>,
      %broadcast_in_dim3A_55 = arith.constant 0.000000e+00 : f32
      %broadcast_in_dim3A_56 = vector.broadcast %broadcast_in_dim3A_55 : f32 to vector<16xf32>
      %swap3A_57 = arith.index_cast %scan3A_19 : i32 to index
      %swap3A_58 = arith.constant 112 : index
      %swap3A_59 = tpu.vector_load %arg5[%swap3A_57, %swap3A_58] {strides = array<i32>} : memref<80x128xf32, #tpu.memory_space<vmem>>, vector<16xf32>,
      tpu.vector_store %arg5[%swap3A_57, %swap3A_58], %broadcast_in_dim3A_56 {strides = array<i32>} : memref<80x128xf32, #tpu.memory_space<vmem>>, vector<16xf32>,
      %scan3A_60 = arith.constant 0 : i32
      scf.yield %scan3A_60 : i32
    }
    %scan3A_8 = arith.constant 80 : i32
    %broadcast_in_dim3A = arith.constant 1.000000e+00 : f32
    %broadcast_in_dim3A_9 = vector.broadcast %broadcast_in_dim3A : f32 to vector<16xf32>
    %scan3A_10 = arith.constant 0 : i32
    %scan3A_11 = arith.constant 0 : i32
    %scan3A_12 = arith.constant 80 : i32
    %scan3A_13 = arith.addi %scan3A_11, %scan3A_12 : i32
    %scan3A_14 = arith.constant 1 : i32
    %scan3A_15 = scf.for %scan3A_19 = %scan3A_11 to %scan3A_13 step %scan3A_14 iter_args(%scan3A_20 = %scan3A_10) -> (i32)  : i32 {
      %get3A = arith.index_cast %scan3A_19 : i32 to index
      %get3A_21 = arith.constant 0 : index
      %get3A_22 = tpu.vector_load %arg4[%get3A, %get3A_21] {strides = array<i32>} : memref<80x128xi32, #tpu.memory_space<vmem>>, vector<16xi32>,
      %shift_right_logical3A = arith.constant 7 : i32
      %shift_right_logical3A_23 = vector.broadcast %shift_right_logical3A : i32 to vector<16xi32>
      %shift_right_logical3A_24 = arith.shrui %get3A_22, %shift_right_logical3A_23 : vector<16xi32>
      %and3A = arith.constant 127 : i32
      %and3A_25 = vector.broadcast %and3A : i32 to vector<16xi32>
      %and3A_26 = arith.andi %get3A_22, %and3A_25 : vector<16xi32>
      tpu.vector_store_idx %arg5[%shift_right_logical3A_24, %and3A_26], %broadcast_in_dim3A_9 {add = true} : memref<80x128xf32, #tpu.memory_space<vmem>>[vector<16xi32>, vector<16xi32>], vector<16xf32>,
      %get3A_27 = arith.index_cast %scan3A_19 : i32 to index
      %get3A_28 = arith.constant 16 : index
      %get3A_29 = tpu.vector_load %arg4[%get3A_27, %get3A_28] {strides = array<i32>} : memref<80x128xi32, #tpu.memory_space<vmem>>, vector<16xi32>,
      %shift_right_logical3A_30 = arith.constant 7 : i32
      %shift_right_logical3A_31 = vector.broadcast %shift_right_logical3A_30 : i32 to vector<16xi32>
      %shift_right_logical3A_32 = arith.shrui %get3A_29, %shift_right_logical3A_31 : vector<16xi32>
      %and3A_33 = arith.constant 127 : i32
      %and3A_34 = vector.broadcast %and3A_33 : i32 to vector<16xi32>
      %and3A_35 = arith.andi %get3A_29, %and3A_34 : vector<16xi32>
      tpu.vector_store_idx %arg5[%shift_right_logical3A_32, %and3A_35], %broadcast_in_dim3A_9 {add = true} : memref<80x128xf32, #tpu.memory_space<vmem>>[vector<16xi32>, vector<16xi32>], vector<16xf32>,
      %get3A_36 = arith.index_cast %scan3A_19 : i32 to index
      %get3A_37 = arith.constant 32 : index
      %get3A_38 = tpu.vector_load %arg4[%get3A_36, %get3A_37] {strides = array<i32>} : memref<80x128xi32, #tpu.memory_space<vmem>>, vector<16xi32>,
      %shift_right_logical3A_39 = arith.constant 7 : i32
      %shift_right_logical3A_40 = vector.broadcast %shift_right_logical3A_39 : i32 to vector<16xi32>
      %shift_right_logical3A_41 = arith.shrui %get3A_38, %shift_right_logical3A_40 : vector<16xi32>
      %and3A_42 = arith.constant 127 : i32
      %and3A_43 = vector.broadcast %and3A_42 : i32 to vector<16xi32>
      %and3A_44 = arith.andi %get3A_38, %and3A_43 : vector<16xi32>
      tpu.vector_store_idx %arg5[%shift_right_logical3A_41, %and3A_44], %broadcast_in_dim3A_9 {add = true} : memref<80x128xf32, #tpu.memory_space<vmem>>[vector<16xi32>, vector<16xi32>], vector<16xf32>,
      %get3A_45 = arith.index_cast %scan3A_19 : i32 to index
      %get3A_46 = arith.constant 48 : index
      %get3A_47 = tpu.vector_load %arg4[%get3A_45, %get3A_46] {strides = array<i32>} : memref<80x128xi32, #tpu.memory_space<vmem>>, vector<16xi32>,
      %shift_right_logical3A_48 = arith.constant 7 : i32
      %shift_right_logical3A_49 = vector.broadcast %shift_right_logical3A_48 : i32 to vector<16xi32>
      %shift_right_logical3A_50 = arith.shrui %get3A_47, %shift_right_logical3A_49 : vector<16xi32>
      %and3A_51 = arith.constant 127 : i32
      %and3A_52 = vector.broadcast %and3A_51 : i32 to vector<16xi32>
      %and3A_53 = arith.andi %get3A_47, %and3A_52 : vector<16xi32>
      tpu.vector_store_idx %arg5[%shift_right_logical3A_50, %and3A_53], %broadcast_in_dim3A_9 {add = true} : memref<80x128xf32, #tpu.memory_space<vmem>>[vector<16xi32>, vector<16xi32>], vector<16xf32>,
      %get3A_54 = arith.index_cast %scan3A_19 : i32 to index
      %get3A_55 = arith.constant 64 : index
      %get3A_56 = tpu.vector_load %arg4[%get3A_54, %get3A_55] {strides = array<i32>} : memref<80x128xi32, #tpu.memory_space<vmem>>, vector<16xi32>,
      %shift_right_logical3A_57 = arith.constant 7 : i32
      %shift_right_logical3A_58 = vector.broadcast %shift_right_logical3A_57 : i32 to vector<16xi32>
      %shift_right_logical3A_59 = arith.shrui %get3A_56, %shift_right_logical3A_58 : vector<16xi32>
      %and3A_60 = arith.constant 127 : i32
      %and3A_61 = vector.broadcast %and3A_60 : i32 to vector<16xi32>
      %and3A_62 = arith.andi %get3A_56, %and3A_61 : vector<16xi32>
      tpu.vector_store_idx %arg5[%shift_right_logical3A_59, %and3A_62], %broadcast_in_dim3A_9 {add = true} : memref<80x128xf32, #tpu.memory_space<vmem>>[vector<16xi32>, vector<16xi32>], vector<16xf32>,
      %get3A_63 = arith.index_cast %scan3A_19 : i32 to index
      %get3A_64 = arith.constant 80 : index
      %get3A_65 = tpu.vector_load %arg4[%get3A_63, %get3A_64] {strides = array<i32>} : memref<80x128xi32, #tpu.memory_space<vmem>>, vector<16xi32>,
      %shift_right_logical3A_66 = arith.constant 7 : i32
      %shift_right_logical3A_67 = vector.broadcast %shift_right_logical3A_66 : i32 to vector<16xi32>
      %shift_right_logical3A_68 = arith.shrui %get3A_65, %shift_right_logical3A_67 : vector<16xi32>
      %and3A_69 = arith.constant 127 : i32
      %and3A_70 = vector.broadcast %and3A_69 : i32 to vector<16xi32>
      %and3A_71 = arith.andi %get3A_65, %and3A_70 : vector<16xi32>
      tpu.vector_store_idx %arg5[%shift_right_logical3A_68, %and3A_71], %broadcast_in_dim3A_9 {add = true} : memref<80x128xf32, #tpu.memory_space<vmem>>[vector<16xi32>, vector<16xi32>], vector<16xf32>,
      %get3A_72 = arith.index_cast %scan3A_19 : i32 to index
      %get3A_73 = arith.constant 96 : index
      %get3A_74 = tpu.vector_load %arg4[%get3A_72, %get3A_73] {strides = array<i32>} : memref<80x128xi32, #tpu.memory_space<vmem>>, vector<16xi32>,
      %shift_right_logical3A_75 = arith.constant 7 : i32
      %shift_right_logical3A_76 = vector.broadcast %shift_right_logical3A_75 : i32 to vector<16xi32>
      %shift_right_logical3A_77 = arith.shrui %get3A_74, %shift_right_logical3A_76 : vector<16xi32>
      %and3A_78 = arith.constant 127 : i32
      %and3A_79 = vector.broadcast %and3A_78 : i32 to vector<16xi32>
      %and3A_80 = arith.andi %get3A_74, %and3A_79 : vector<16xi32>
      tpu.vector_store_idx %arg5[%shift_right_logical3A_77, %and3A_80], %broadcast_in_dim3A_9 {add = true} : memref<80x128xf32, #tpu.memory_space<vmem>>[vector<16xi32>, vector<16xi32>], vector<16xf32>,
      %get3A_81 = arith.index_cast %scan3A_19 : i32 to index
      %get3A_82 = arith.constant 112 : index
      %get3A_83 = tpu.vector_load %arg4[%get3A_81, %get3A_82] {strides = array<i32>} : memref<80x128xi32, #tpu.memory_space<vmem>>, vector<16xi32>,
      %shift_right_logical3A_84 = arith.constant 7 : i32
      %shift_right_logical3A_85 = vector.broadcast %shift_right_logical3A_84 : i32 to vector<16xi32>
      %shift_right_logical3A_86 = arith.shrui %get3A_83, %shift_right_logical3A_85 : vector<16xi32>
      %and3A_87 = arith.constant 127 : i32
      %and3A_88 = vector.broadcast %and3A_87 : i32 to vector<16xi32>
      %and3A_89 = arith.andi %get3A_83, %and3A_88 : vector<16xi32>
      tpu.vector_store_idx %arg5[%shift_right_logical3A_86, %and3A_89], %broadcast_in_dim3A_9 {add = true} : memref<80x128xf32, #tpu.memory_space<vmem>>[vector<16xi32>, vector<16xi32>], vector<16xf32>,
      %scan3A_90 = arith.constant 0 : i32
      scf.yield %scan3A_90 : i32
    }
    %scan3A_16 = arith.constant 80 : i32
    %mul3A_17 = arith.constant 80 : i32
    %mul3A_18 = arith.muli %add3A, %mul3A_17 : i32
    "tpu.region"() ({
      %run_scoped3A = tpu.sem_alloc : memref<!tpu.dma_semaphore, #tpu.memory_space<semaphore_mem>>
      %dma_start3A = arith.constant 0 : i32
      %dma_start3A_19 = tpu.memref_slice %arg3[%mul3A_18, %dma_start3A] : memref<2560x128xf32, #tpu.memory_space<hbm>> -> memref<80x128xf32, #tpu.memory_space<hbm>>
      %dma_start3A_20 = arith.constant 0 : i32
      %dma_start3A_21 = tpu.memref_slice %arg3[%mul3A_18, %dma_start3A_20] : memref<2560x128xf32, #tpu.memory_space<hbm>> -> memref<80x128xf32, #tpu.memory_space<hbm>>
      tpu.enqueue_dma source(%arg5 : memref<80x128xf32, #tpu.memory_space<vmem>>) target(%dma_start3A_21 : memref<80x128xf32, #tpu.memory_space<hbm>>) target_semaphore(%run_scoped3A : memref<!tpu.dma_semaphore, #tpu.memory_space<semaphore_mem>>)
      %dma_wait3A = arith.constant 0 : i32
      %dma_wait3A_22 = tpu.memref_slice %arg3[%mul3A_18, %dma_wait3A] : memref<2560x128xf32, #tpu.memory_space<hbm>> -> memref<80x128xf32, #tpu.memory_space<hbm>>
      %dma_wait3A_23 = arith.constant 0 : i32
      %dma_wait3A_24 = tpu.memref_slice %arg3[%mul3A_18, %dma_wait3A_23] : memref<2560x128xf32, #tpu.memory_space<hbm>> -> memref<80x128xf32, #tpu.memory_space<hbm>>
      tpu.wait_dma2 semaphore(%run_scoped3A : memref<!tpu.dma_semaphore, #tpu.memory_space<semaphore_mem>>) src(%arg5 : memref<80x128xf32, #tpu.memory_space<vmem>>) dst(%dma_wait3A_24 : memref<80x128xf32, #tpu.memory_space<hbm>>)
      tpu.yield
    }) : () -> ()
    return
  }
}

#map = affine_map<(d0, d1) -> (0)>
#map1 = affine_map<(d0, d1) -> (0, 0)>
module attributes {stable_mosaic.version = 14 : i64} {
  func.func @_head_kernel(%arg0: i32, %arg1: i32, %arg2: memref<20480xf32, #tpu.memory_space<hbm>>, %arg3: memref<2560x128xi32, #tpu.memory_space<hbm>>, %arg4: memref<2560x128xi32, #tpu.memory_space<hbm>>, %arg5: memref<2560x128xf32, #tpu.memory_space<hbm>>, %arg6: memref<20480xf32, #tpu.memory_space<vmem>>, %arg7: memref<80x128xi32, #tpu.memory_space<vmem>>, %arg8: memref<80x128xi32, #tpu.memory_space<vmem>>, %arg9: memref<80x128xf32, #tpu.memory_space<vmem>>) attributes {dimension_semantics = [#tpu.dimension_semantics<core_parallel>, #tpu.dimension_semantics<subcore_parallel>], iteration_bounds = array<i64: 2, 16>, scalar_prefetch = 0 : i64, scratch_operands = 4 : i64, tpu.core_type = #tpu.core_type<sc_vector_subcore>, window_params = [{transform_indices = #map}, {transform_indices = #map1}, {transform_indices = #map1}, {transform_indices = #map1}]} {
    %mul3A = arith.constant 2 : i32
    %mul3A_0 = arith.muli %arg1, %mul3A : i32
    %add3A = arith.addi %mul3A_0, %arg0 : i32
    "tpu.region"() ({
      %run_scoped3A = tpu.sem_alloc : memref<!tpu.dma_semaphore, #tpu.memory_space<semaphore_mem>>
      tpu.enqueue_dma source(%arg2 : memref<20480xf32, #tpu.memory_space<hbm>>) target(%arg6 : memref<20480xf32, #tpu.memory_space<vmem>>) target_semaphore(%run_scoped3A : memref<!tpu.dma_semaphore, #tpu.memory_space<semaphore_mem>>)
      tpu.wait_dma2 semaphore(%run_scoped3A : memref<!tpu.dma_semaphore, #tpu.memory_space<semaphore_mem>>) src(%arg2 : memref<20480xf32, #tpu.memory_space<hbm>>) dst(%arg6 : memref<20480xf32, #tpu.memory_space<vmem>>)
      tpu.yield
    }) : () -> ()
    %mul3A_1 = arith.constant 80 : i32
    %mul3A_2 = arith.muli %add3A, %mul3A_1 : i32
    "tpu.region"() ({
      %run_scoped3A = tpu.sem_alloc : memref<!tpu.dma_semaphore, #tpu.memory_space<semaphore_mem>>
      %dma_start3A = arith.constant 0 : i32
      %dma_start3A_14 = tpu.memref_slice %arg3[%mul3A_2, %dma_start3A] : memref<2560x128xi32, #tpu.memory_space<hbm>> -> memref<80x128xi32, #tpu.memory_space<hbm>>
      %dma_start3A_15 = arith.constant 0 : i32
      %dma_start3A_16 = tpu.memref_slice %arg3[%mul3A_2, %dma_start3A_15] : memref<2560x128xi32, #tpu.memory_space<hbm>> -> memref<80x128xi32, #tpu.memory_space<hbm>>
      tpu.enqueue_dma source(%dma_start3A_16 : memref<80x128xi32, #tpu.memory_space<hbm>>) target(%arg7 : memref<80x128xi32, #tpu.memory_space<vmem>>) target_semaphore(%run_scoped3A : memref<!tpu.dma_semaphore, #tpu.memory_space<semaphore_mem>>)
      %dma_wait3A = arith.constant 0 : i32
      %dma_wait3A_17 = tpu.memref_slice %arg3[%mul3A_2, %dma_wait3A] : memref<2560x128xi32, #tpu.memory_space<hbm>> -> memref<80x128xi32, #tpu.memory_space<hbm>>
      %dma_wait3A_18 = arith.constant 0 : i32
      %dma_wait3A_19 = tpu.memref_slice %arg3[%mul3A_2, %dma_wait3A_18] : memref<2560x128xi32, #tpu.memory_space<hbm>> -> memref<80x128xi32, #tpu.memory_space<hbm>>
      tpu.wait_dma2 semaphore(%run_scoped3A : memref<!tpu.dma_semaphore, #tpu.memory_space<semaphore_mem>>) src(%dma_wait3A_19 : memref<80x128xi32, #tpu.memory_space<hbm>>) dst(%arg7 : memref<80x128xi32, #tpu.memory_space<vmem>>)
      tpu.yield
    }) : () -> ()
    %mul3A_3 = arith.constant 80 : i32
    %mul3A_4 = arith.muli %add3A, %mul3A_3 : i32
    "tpu.region"() ({
      %run_scoped3A = tpu.sem_alloc : memref<!tpu.dma_semaphore, #tpu.memory_space<semaphore_mem>>
      %dma_start3A = arith.constant 0 : i32
      %dma_start3A_14 = tpu.memref_slice %arg4[%mul3A_4, %dma_start3A] : memref<2560x128xi32, #tpu.memory_space<hbm>> -> memref<80x128xi32, #tpu.memory_space<hbm>>
      %dma_start3A_15 = arith.constant 0 : i32
      %dma_start3A_16 = tpu.memref_slice %arg4[%mul3A_4, %dma_start3A_15] : memref<2560x128xi32, #tpu.memory_space<hbm>> -> memref<80x128xi32, #tpu.memory_space<hbm>>
      tpu.enqueue_dma source(%dma_start3A_16 : memref<80x128xi32, #tpu.memory_space<hbm>>) target(%arg8 : memref<80x128xi32, #tpu.memory_space<vmem>>) target_semaphore(%run_scoped3A : memref<!tpu.dma_semaphore, #tpu.memory_space<semaphore_mem>>)
      %dma_wait3A = arith.constant 0 : i32
      %dma_wait3A_17 = tpu.memref_slice %arg4[%mul3A_4, %dma_wait3A] : memref<2560x128xi32, #tpu.memory_space<hbm>> -> memref<80x128xi32, #tpu.memory_space<hbm>>
      %dma_wait3A_18 = arith.constant 0 : i32
      %dma_wait3A_19 = tpu.memref_slice %arg4[%mul3A_4, %dma_wait3A_18] : memref<2560x128xi32, #tpu.memory_space<hbm>> -> memref<80x128xi32, #tpu.memory_space<hbm>>
      tpu.wait_dma2 semaphore(%run_scoped3A : memref<!tpu.dma_semaphore, #tpu.memory_space<semaphore_mem>>) src(%dma_wait3A_19 : memref<80x128xi32, #tpu.memory_space<hbm>>) dst(%arg8 : memref<80x128xi32, #tpu.memory_space<vmem>>)
      tpu.yield
    }) : () -> ()
    %broadcast_in_dim3A = arith.constant 1 : i32
    %broadcast_in_dim3A_5 = vector.broadcast %broadcast_in_dim3A : i32 to vector<16xi32>
    %scan3A = arith.constant 0 : i32
    %scan3A_6 = arith.constant 0 : i32
    %scan3A_7 = arith.constant 80 : i32
    %scan3A_8 = arith.addi %scan3A_6, %scan3A_7 : i32
    %scan3A_9 = arith.constant 1 : i32
    %scan3A_10 = scf.for %scan3A_14 = %scan3A_6 to %scan3A_8 step %scan3A_9 iter_args(%scan3A_15 = %scan3A) -> (i32)  : i32 {
      %get3A = arith.index_cast %scan3A_14 : i32 to index
      %get3A_16 = arith.constant 0 : index
      %get3A_17 = tpu.vector_load %arg7[%get3A, %get3A_16] {strides = array<i32>} : memref<80x128xi32, #tpu.memory_space<vmem>>, vector<16xi32>,
      %get3A_18 = arith.index_cast %scan3A_14 : i32 to index
      %get3A_19 = arith.constant 0 : index
      %get3A_20 = tpu.vector_load %arg8[%get3A_18, %get3A_19] {strides = array<i32>} : memref<80x128xi32, #tpu.memory_space<vmem>>, vector<16xi32>,
      %mul3A_21 = arith.constant 2 : i32
      %mul3A_22 = vector.broadcast %mul3A_21 : i32 to vector<16xi32>
      %mul3A_23 = arith.muli %get3A_17, %mul3A_22 : vector<16xi32>
      %gather3A = tpu.vector_load_idx %arg6[%mul3A_23] : memref<20480xf32, #tpu.memory_space<vmem>>[vector<16xi32>], vector<16xf32>,
      %mul3A_24 = arith.constant 2 : i32
      %mul3A_25 = vector.broadcast %mul3A_24 : i32 to vector<16xi32>
      %mul3A_26 = arith.muli %get3A_20, %mul3A_25 : vector<16xi32>
      %add3A_27 = arith.addi %mul3A_26, %broadcast_in_dim3A_5 : vector<16xi32>
      %gather3A_28 = tpu.vector_load_idx %arg6[%add3A_27] : memref<20480xf32, #tpu.memory_space<vmem>>[vector<16xi32>], vector<16xf32>,
      %add3A_29 = arith.addf %gather3A, %gather3A_28 : vector<16xf32>
      %swap3A = arith.index_cast %scan3A_14 : i32 to index
      %swap3A_30 = arith.constant 0 : index
      %swap3A_31 = tpu.vector_load %arg9[%swap3A, %swap3A_30] {strides = array<i32>} : memref<80x128xf32, #tpu.memory_space<vmem>>, vector<16xf32>,
      tpu.vector_store %arg9[%swap3A, %swap3A_30], %add3A_29 {strides = array<i32>} : memref<80x128xf32, #tpu.memory_space<vmem>>, vector<16xf32>,
      %get3A_32 = arith.index_cast %scan3A_14 : i32 to index
      %get3A_33 = arith.constant 16 : index
      %get3A_34 = tpu.vector_load %arg7[%get3A_32, %get3A_33] {strides = array<i32>} : memref<80x128xi32, #tpu.memory_space<vmem>>, vector<16xi32>,
      %get3A_35 = arith.index_cast %scan3A_14 : i32 to index
      %get3A_36 = arith.constant 16 : index
      %get3A_37 = tpu.vector_load %arg8[%get3A_35, %get3A_36] {strides = array<i32>} : memref<80x128xi32, #tpu.memory_space<vmem>>, vector<16xi32>,
      %mul3A_38 = arith.constant 2 : i32
      %mul3A_39 = vector.broadcast %mul3A_38 : i32 to vector<16xi32>
      %mul3A_40 = arith.muli %get3A_34, %mul3A_39 : vector<16xi32>
      %gather3A_41 = tpu.vector_load_idx %arg6[%mul3A_40] : memref<20480xf32, #tpu.memory_space<vmem>>[vector<16xi32>], vector<16xf32>,
      %mul3A_42 = arith.constant 2 : i32
      %mul3A_43 = vector.broadcast %mul3A_42 : i32 to vector<16xi32>
      %mul3A_44 = arith.muli %get3A_37, %mul3A_43 : vector<16xi32>
      %add3A_45 = arith.addi %mul3A_44, %broadcast_in_dim3A_5 : vector<16xi32>
      %gather3A_46 = tpu.vector_load_idx %arg6[%add3A_45] : memref<20480xf32, #tpu.memory_space<vmem>>[vector<16xi32>], vector<16xf32>,
      %add3A_47 = arith.addf %gather3A_41, %gather3A_46 : vector<16xf32>
      %swap3A_48 = arith.index_cast %scan3A_14 : i32 to index
      %swap3A_49 = arith.constant 16 : index
      %swap3A_50 = tpu.vector_load %arg9[%swap3A_48, %swap3A_49] {strides = array<i32>} : memref<80x128xf32, #tpu.memory_space<vmem>>, vector<16xf32>,
      tpu.vector_store %arg9[%swap3A_48, %swap3A_49], %add3A_47 {strides = array<i32>} : memref<80x128xf32, #tpu.memory_space<vmem>>, vector<16xf32>,
      %get3A_51 = arith.index_cast %scan3A_14 : i32 to index
      %get3A_52 = arith.constant 32 : index
      %get3A_53 = tpu.vector_load %arg7[%get3A_51, %get3A_52] {strides = array<i32>} : memref<80x128xi32, #tpu.memory_space<vmem>>, vector<16xi32>,
      %get3A_54 = arith.index_cast %scan3A_14 : i32 to index
      %get3A_55 = arith.constant 32 : index
      %get3A_56 = tpu.vector_load %arg8[%get3A_54, %get3A_55] {strides = array<i32>} : memref<80x128xi32, #tpu.memory_space<vmem>>, vector<16xi32>,
      %mul3A_57 = arith.constant 2 : i32
      %mul3A_58 = vector.broadcast %mul3A_57 : i32 to vector<16xi32>
      %mul3A_59 = arith.muli %get3A_53, %mul3A_58 : vector<16xi32>
      %gather3A_60 = tpu.vector_load_idx %arg6[%mul3A_59] : memref<20480xf32, #tpu.memory_space<vmem>>[vector<16xi32>], vector<16xf32>,
      %mul3A_61 = arith.constant 2 : i32
      %mul3A_62 = vector.broadcast %mul3A_61 : i32 to vector<16xi32>
      %mul3A_63 = arith.muli %get3A_56, %mul3A_62 : vector<16xi32>
      %add3A_64 = arith.addi %mul3A_63, %broadcast_in_dim3A_5 : vector<16xi32>
      %gather3A_65 = tpu.vector_load_idx %arg6[%add3A_64] : memref<20480xf32, #tpu.memory_space<vmem>>[vector<16xi32>], vector<16xf32>,
      %add3A_66 = arith.addf %gather3A_60, %gather3A_65 : vector<16xf32>
      %swap3A_67 = arith.index_cast %scan3A_14 : i32 to index
      %swap3A_68 = arith.constant 32 : index
      %swap3A_69 = tpu.vector_load %arg9[%swap3A_67, %swap3A_68] {strides = array<i32>} : memref<80x128xf32, #tpu.memory_space<vmem>>, vector<16xf32>,
      tpu.vector_store %arg9[%swap3A_67, %swap3A_68], %add3A_66 {strides = array<i32>} : memref<80x128xf32, #tpu.memory_space<vmem>>, vector<16xf32>,
      %get3A_70 = arith.index_cast %scan3A_14 : i32 to index
      %get3A_71 = arith.constant 48 : index
      %get3A_72 = tpu.vector_load %arg7[%get3A_70, %get3A_71] {strides = array<i32>} : memref<80x128xi32, #tpu.memory_space<vmem>>, vector<16xi32>,
      %get3A_73 = arith.index_cast %scan3A_14 : i32 to index
      %get3A_74 = arith.constant 48 : index
      %get3A_75 = tpu.vector_load %arg8[%get3A_73, %get3A_74] {strides = array<i32>} : memref<80x128xi32, #tpu.memory_space<vmem>>, vector<16xi32>,
      %mul3A_76 = arith.constant 2 : i32
      %mul3A_77 = vector.broadcast %mul3A_76 : i32 to vector<16xi32>
      %mul3A_78 = arith.muli %get3A_72, %mul3A_77 : vector<16xi32>
      %gather3A_79 = tpu.vector_load_idx %arg6[%mul3A_78] : memref<20480xf32, #tpu.memory_space<vmem>>[vector<16xi32>], vector<16xf32>,
      %mul3A_80 = arith.constant 2 : i32
      %mul3A_81 = vector.broadcast %mul3A_80 : i32 to vector<16xi32>
      %mul3A_82 = arith.muli %get3A_75, %mul3A_81 : vector<16xi32>
      %add3A_83 = arith.addi %mul3A_82, %broadcast_in_dim3A_5 : vector<16xi32>
      %gather3A_84 = tpu.vector_load_idx %arg6[%add3A_83] : memref<20480xf32, #tpu.memory_space<vmem>>[vector<16xi32>], vector<16xf32>,
      %add3A_85 = arith.addf %gather3A_79, %gather3A_84 : vector<16xf32>
      %swap3A_86 = arith.index_cast %scan3A_14 : i32 to index
      %swap3A_87 = arith.constant 48 : index
      %swap3A_88 = tpu.vector_load %arg9[%swap3A_86, %swap3A_87] {strides = array<i32>} : memref<80x128xf32, #tpu.memory_space<vmem>>, vector<16xf32>,
      tpu.vector_store %arg9[%swap3A_86, %swap3A_87], %add3A_85 {strides = array<i32>} : memref<80x128xf32, #tpu.memory_space<vmem>>, vector<16xf32>,
      %get3A_89 = arith.index_cast %scan3A_14 : i32 to index
      %get3A_90 = arith.constant 64 : index
      %get3A_91 = tpu.vector_load %arg7[%get3A_89, %get3A_90] {strides = array<i32>} : memref<80x128xi32, #tpu.memory_space<vmem>>, vector<16xi32>,
      %get3A_92 = arith.index_cast %scan3A_14 : i32 to index
      %get3A_93 = arith.constant 64 : index
      %get3A_94 = tpu.vector_load %arg8[%get3A_92, %get3A_93] {strides = array<i32>} : memref<80x128xi32, #tpu.memory_space<vmem>>, vector<16xi32>,
      %mul3A_95 = arith.constant 2 : i32
      %mul3A_96 = vector.broadcast %mul3A_95 : i32 to vector<16xi32>
      %mul3A_97 = arith.muli %get3A_91, %mul3A_96 : vector<16xi32>
      %gather3A_98 = tpu.vector_load_idx %arg6[%mul3A_97] : memref<20480xf32, #tpu.memory_space<vmem>>[vector<16xi32>], vector<16xf32>,
      %mul3A_99 = arith.constant 2 : i32
      %mul3A_100 = vector.broadcast %mul3A_99 : i32 to vector<16xi32>
      %mul3A_101 = arith.muli %get3A_94, %mul3A_100 : vector<16xi32>
      %add3A_102 = arith.addi %mul3A_101, %broadcast_in_dim3A_5 : vector<16xi32>
      %gather3A_103 = tpu.vector_load_idx %arg6[%add3A_102] : memref<20480xf32, #tpu.memory_space<vmem>>[vector<16xi32>], vector<16xf32>,
      %add3A_104 = arith.addf %gather3A_98, %gather3A_103 : vector<16xf32>
      %swap3A_105 = arith.index_cast %scan3A_14 : i32 to index
      %swap3A_106 = arith.constant 64 : index
      %swap3A_107 = tpu.vector_load %arg9[%swap3A_105, %swap3A_106] {strides = array<i32>} : memref<80x128xf32, #tpu.memory_space<vmem>>, vector<16xf32>,
      tpu.vector_store %arg9[%swap3A_105, %swap3A_106], %add3A_104 {strides = array<i32>} : memref<80x128xf32, #tpu.memory_space<vmem>>, vector<16xf32>,
      %get3A_108 = arith.index_cast %scan3A_14 : i32 to index
      %get3A_109 = arith.constant 80 : index
      %get3A_110 = tpu.vector_load %arg7[%get3A_108, %get3A_109] {strides = array<i32>} : memref<80x128xi32, #tpu.memory_space<vmem>>, vector<16xi32>,
      %get3A_111 = arith.index_cast %scan3A_14 : i32 to index
      %get3A_112 = arith.constant 80 : index
      %get3A_113 = tpu.vector_load %arg8[%get3A_111, %get3A_112] {strides = array<i32>} : memref<80x128xi32, #tpu.memory_space<vmem>>, vector<16xi32>,
      %mul3A_114 = arith.constant 2 : i32
      %mul3A_115 = vector.broadcast %mul3A_114 : i32 to vector<16xi32>
      %mul3A_116 = arith.muli %get3A_110, %mul3A_115 : vector<16xi32>
      %gather3A_117 = tpu.vector_load_idx %arg6[%mul3A_116] : memref<20480xf32, #tpu.memory_space<vmem>>[vector<16xi32>], vector<16xf32>,
      %mul3A_118 = arith.constant 2 : i32
      %mul3A_119 = vector.broadcast %mul3A_118 : i32 to vector<16xi32>
      %mul3A_120 = arith.muli %get3A_113, %mul3A_119 : vector<16xi32>
      %add3A_121 = arith.addi %mul3A_120, %broadcast_in_dim3A_5 : vector<16xi32>
      %gather3A_122 = tpu.vector_load_idx %arg6[%add3A_121] : memref<20480xf32, #tpu.memory_space<vmem>>[vector<16xi32>], vector<16xf32>,
      %add3A_123 = arith.addf %gather3A_117, %gather3A_122 : vector<16xf32>
      %swap3A_124 = arith.index_cast %scan3A_14 : i32 to index
      %swap3A_125 = arith.constant 80 : index
      %swap3A_126 = tpu.vector_load %arg9[%swap3A_124, %swap3A_125] {strides = array<i32>} : memref<80x128xf32, #tpu.memory_space<vmem>>, vector<16xf32>,
      tpu.vector_store %arg9[%swap3A_124, %swap3A_125], %add3A_123 {strides = array<i32>} : memref<80x128xf32, #tpu.memory_space<vmem>>, vector<16xf32>,
      %get3A_127 = arith.index_cast %scan3A_14 : i32 to index
      %get3A_128 = arith.constant 96 : index
      %get3A_129 = tpu.vector_load %arg7[%get3A_127, %get3A_128] {strides = array<i32>} : memref<80x128xi32, #tpu.memory_space<vmem>>, vector<16xi32>,
      %get3A_130 = arith.index_cast %scan3A_14 : i32 to index
      %get3A_131 = arith.constant 96 : index
      %get3A_132 = tpu.vector_load %arg8[%get3A_130, %get3A_131] {strides = array<i32>} : memref<80x128xi32, #tpu.memory_space<vmem>>, vector<16xi32>,
      %mul3A_133 = arith.constant 2 : i32
      %mul3A_134 = vector.broadcast %mul3A_133 : i32 to vector<16xi32>
      %mul3A_135 = arith.muli %get3A_129, %mul3A_134 : vector<16xi32>
      %gather3A_136 = tpu.vector_load_idx %arg6[%mul3A_135] : memref<20480xf32, #tpu.memory_space<vmem>>[vector<16xi32>], vector<16xf32>,
      %mul3A_137 = arith.constant 2 : i32
      %mul3A_138 = vector.broadcast %mul3A_137 : i32 to vector<16xi32>
      %mul3A_139 = arith.muli %get3A_132, %mul3A_138 : vector<16xi32>
      %add3A_140 = arith.addi %mul3A_139, %broadcast_in_dim3A_5 : vector<16xi32>
      %gather3A_141 = tpu.vector_load_idx %arg6[%add3A_140] : memref<20480xf32, #tpu.memory_space<vmem>>[vector<16xi32>], vector<16xf32>,
      %add3A_142 = arith.addf %gather3A_136, %gather3A_141 : vector<16xf32>
      %swap3A_143 = arith.index_cast %scan3A_14 : i32 to index
      %swap3A_144 = arith.constant 96 : index
      %swap3A_145 = tpu.vector_load %arg9[%swap3A_143, %swap3A_144] {strides = array<i32>} : memref<80x128xf32, #tpu.memory_space<vmem>>, vector<16xf32>,
      tpu.vector_store %arg9[%swap3A_143, %swap3A_144], %add3A_142 {strides = array<i32>} : memref<80x128xf32, #tpu.memory_space<vmem>>, vector<16xf32>,
      %get3A_146 = arith.index_cast %scan3A_14 : i32 to index
      %get3A_147 = arith.constant 112 : index
      %get3A_148 = tpu.vector_load %arg7[%get3A_146, %get3A_147] {strides = array<i32>} : memref<80x128xi32, #tpu.memory_space<vmem>>, vector<16xi32>,
      %get3A_149 = arith.index_cast %scan3A_14 : i32 to index
      %get3A_150 = arith.constant 112 : index
      %get3A_151 = tpu.vector_load %arg8[%get3A_149, %get3A_150] {strides = array<i32>} : memref<80x128xi32, #tpu.memory_space<vmem>>, vector<16xi32>,
      %mul3A_152 = arith.constant 2 : i32
      %mul3A_153 = vector.broadcast %mul3A_152 : i32 to vector<16xi32>
      %mul3A_154 = arith.muli %get3A_148, %mul3A_153 : vector<16xi32>
      %gather3A_155 = tpu.vector_load_idx %arg6[%mul3A_154] : memref<20480xf32, #tpu.memory_space<vmem>>[vector<16xi32>], vector<16xf32>,
      %mul3A_156 = arith.constant 2 : i32
      %mul3A_157 = vector.broadcast %mul3A_156 : i32 to vector<16xi32>
      %mul3A_158 = arith.muli %get3A_151, %mul3A_157 : vector<16xi32>
      %add3A_159 = arith.addi %mul3A_158, %broadcast_in_dim3A_5 : vector<16xi32>
      %gather3A_160 = tpu.vector_load_idx %arg6[%add3A_159] : memref<20480xf32, #tpu.memory_space<vmem>>[vector<16xi32>], vector<16xf32>,
      %add3A_161 = arith.addf %gather3A_155, %gather3A_160 : vector<16xf32>
      %swap3A_162 = arith.index_cast %scan3A_14 : i32 to index
      %swap3A_163 = arith.constant 112 : index
      %swap3A_164 = tpu.vector_load %arg9[%swap3A_162, %swap3A_163] {strides = array<i32>} : memref<80x128xf32, #tpu.memory_space<vmem>>, vector<16xf32>,
      tpu.vector_store %arg9[%swap3A_162, %swap3A_163], %add3A_161 {strides = array<i32>} : memref<80x128xf32, #tpu.memory_space<vmem>>, vector<16xf32>,
      %scan3A_165 = arith.constant 0 : i32
      scf.yield %scan3A_165 : i32
    }
    %scan3A_11 = arith.constant 80 : i32
    %mul3A_12 = arith.constant 80 : i32
    %mul3A_13 = arith.muli %add3A, %mul3A_12 : i32
    "tpu.region"() ({
      %run_scoped3A = tpu.sem_alloc : memref<!tpu.dma_semaphore, #tpu.memory_space<semaphore_mem>>
      %dma_start3A = arith.constant 0 : i32
      %dma_start3A_14 = tpu.memref_slice %arg5[%mul3A_13, %dma_start3A] : memref<2560x128xf32, #tpu.memory_space<hbm>> -> memref<80x128xf32, #tpu.memory_space<hbm>>
      %dma_start3A_15 = arith.constant 0 : i32
      %dma_start3A_16 = tpu.memref_slice %arg5[%mul3A_13, %dma_start3A_15] : memref<2560x128xf32, #tpu.memory_space<hbm>> -> memref<80x128xf32, #tpu.memory_space<hbm>>
      tpu.enqueue_dma source(%arg9 : memref<80x128xf32, #tpu.memory_space<vmem>>) target(%dma_start3A_16 : memref<80x128xf32, #tpu.memory_space<hbm>>) target_semaphore(%run_scoped3A : memref<!tpu.dma_semaphore, #tpu.memory_space<semaphore_mem>>)
      %dma_wait3A = arith.constant 0 : i32
      %dma_wait3A_17 = tpu.memref_slice %arg5[%mul3A_13, %dma_wait3A] : memref<2560x128xf32, #tpu.memory_space<hbm>> -> memref<80x128xf32, #tpu.memory_space<hbm>>
      %dma_wait3A_18 = arith.constant 0 : i32
      %dma_wait3A_19 = tpu.memref_slice %arg5[%mul3A_13, %dma_wait3A_18] : memref<2560x128xf32, #tpu.memory_space<hbm>> -> memref<80x128xf32, #tpu.memory_space<hbm>>
      tpu.wait_dma2 semaphore(%run_scoped3A : memref<!tpu.dma_semaphore, #tpu.memory_space<semaphore_mem>>) src(%arg9 : memref<80x128xf32, #tpu.memory_space<vmem>>) dst(%dma_wait3A_19 : memref<80x128xf32, #tpu.memory_space<hbm>>)
      tpu.yield
    }) : () -> ()
    return
  }
}

#map = affine_map<(d0, d1) -> (0, 0)>
module attributes {stable_mosaic.version = 14 : i64} {
  func.func @_mp_kernel(%arg0: i32, %arg1: i32, %arg2: memref<10240x64xi32, #tpu.memory_space<hbm>>, %arg3: memref<2560x128xi32, #tpu.memory_space<hbm>>, %arg4: memref<2560x128xi32, #tpu.memory_space<hbm>>, %arg5: memref<20480x128xf32, #tpu.memory_space<hbm>>, %arg6: memref<40x128xi32, #tpu.memory_space<vmem>>, %arg7: memref<40x128xi32, #tpu.memory_space<vmem>>, %arg8: memref<2x128x64xi32, #tpu.memory_space<vmem>>, %arg9: memref<128x128xf32, #tpu.memory_space<vmem>>, %arg10: memref<10240x128xf32, #tpu.memory_space<vmem_shared>>, %arg11: memref<!tpu.dma_semaphore, #tpu.memory_space<semaphore_mem>>, %arg12: memref<!tpu.dma_semaphore, #tpu.memory_space<semaphore_mem>>, %arg13: memref<!tpu.dma_semaphore, #tpu.memory_space<semaphore_mem>>) attributes {dimension_semantics = [#tpu.dimension_semantics<core_parallel>, #tpu.dimension_semantics<subcore_parallel>], iteration_bounds = array<i64: 2, 16>, scalar_prefetch = 0 : i64, scratch_operands = 8 : i64, tpu.core_type = #tpu.core_type<sc_vector_subcore>, window_params = [{transform_indices = #map}, {transform_indices = #map}, {transform_indices = #map}, {transform_indices = #map}]} {
    %mul3A = arith.constant 2 : i32
    %mul3A_0 = arith.muli %arg1, %mul3A : i32
    %add3A = arith.addi %mul3A_0, %arg0 : i32
    %scan3A = arith.constant 0 : i32
    %scan3A_1 = arith.constant 0 : i32
    %scan3A_2 = arith.constant 128 : i32
    %scan3A_3 = arith.addi %scan3A_1, %scan3A_2 : i32
    %scan3A_4 = arith.constant 1 : i32
    %scan3A_5 = scf.for %scan3A_92 = %scan3A_1 to %scan3A_3 step %scan3A_4 iter_args(%scan3A_93 = %scan3A) -> (i32)  : i32 {
      %broadcast_in_dim3A_94 = arith.constant 0.000000e+00 : f32
      %broadcast_in_dim3A_95 = vector.broadcast %broadcast_in_dim3A_94 : f32 to vector<16xf32>
      %swap3A = arith.index_cast %scan3A_92 : i32 to index
      %swap3A_96 = arith.constant 0 : index
      %swap3A_97 = tpu.vector_load %arg9[%swap3A, %swap3A_96] {strides = array<i32>} : memref<128x128xf32, #tpu.memory_space<vmem>>, vector<16xf32>,
      tpu.vector_store %arg9[%swap3A, %swap3A_96], %broadcast_in_dim3A_95 {strides = array<i32>} : memref<128x128xf32, #tpu.memory_space<vmem>>, vector<16xf32>,
      %broadcast_in_dim3A_98 = arith.constant 0.000000e+00 : f32
      %broadcast_in_dim3A_99 = vector.broadcast %broadcast_in_dim3A_98 : f32 to vector<16xf32>
      %swap3A_100 = arith.index_cast %scan3A_92 : i32 to index
      %swap3A_101 = arith.constant 16 : index
      %swap3A_102 = tpu.vector_load %arg9[%swap3A_100, %swap3A_101] {strides = array<i32>} : memref<128x128xf32, #tpu.memory_space<vmem>>, vector<16xf32>,
      tpu.vector_store %arg9[%swap3A_100, %swap3A_101], %broadcast_in_dim3A_99 {strides = array<i32>} : memref<128x128xf32, #tpu.memory_space<vmem>>, vector<16xf32>,
      %broadcast_in_dim3A_103 = arith.constant 0.000000e+00 : f32
      %broadcast_in_dim3A_104 = vector.broadcast %broadcast_in_dim3A_103 : f32 to vector<16xf32>
      %swap3A_105 = arith.index_cast %scan3A_92 : i32 to index
      %swap3A_106 = arith.constant 32 : index
      %swap3A_107 = tpu.vector_load %arg9[%swap3A_105, %swap3A_106] {strides = array<i32>} : memref<128x128xf32, #tpu.memory_space<vmem>>, vector<16xf32>,
      tpu.vector_store %arg9[%swap3A_105, %swap3A_106], %broadcast_in_dim3A_104 {strides = array<i32>} : memref<128x128xf32, #tpu.memory_space<vmem>>, vector<16xf32>,
      %broadcast_in_dim3A_108 = arith.constant 0.000000e+00 : f32
      %broadcast_in_dim3A_109 = vector.broadcast %broadcast_in_dim3A_108 : f32 to vector<16xf32>
      %swap3A_110 = arith.index_cast %scan3A_92 : i32 to index
      %swap3A_111 = arith.constant 48 : index
      %swap3A_112 = tpu.vector_load %arg9[%swap3A_110, %swap3A_111] {strides = array<i32>} : memref<128x128xf32, #tpu.memory_space<vmem>>, vector<16xf32>,
      tpu.vector_store %arg9[%swap3A_110, %swap3A_111], %broadcast_in_dim3A_109 {strides = array<i32>} : memref<128x128xf32, #tpu.memory_space<vmem>>, vector<16xf32>,
      %broadcast_in_dim3A_113 = arith.constant 0.000000e+00 : f32
      %broadcast_in_dim3A_114 = vector.broadcast %broadcast_in_dim3A_113 : f32 to vector<16xf32>
      %swap3A_115 = arith.index_cast %scan3A_92 : i32 to index
      %swap3A_116 = arith.constant 64 : index
      %swap3A_117 = tpu.vector_load %arg9[%swap3A_115, %swap3A_116] {strides = array<i32>} : memref<128x128xf32, #tpu.memory_space<vmem>>, vector<16xf32>,
      tpu.vector_store %arg9[%swap3A_115, %swap3A_116], %broadcast_in_dim3A_114 {strides = array<i32>} : memref<128x128xf32, #tpu.memory_space<vmem>>, vector<16xf32>,
      %broadcast_in_dim3A_118 = arith.constant 0.000000e+00 : f32
      %broadcast_in_dim3A_119 = vector.broadcast %broadcast_in_dim3A_118 : f32 to vector<16xf32>
      %swap3A_120 = arith.index_cast %scan3A_92 : i32 to index
      %swap3A_121 = arith.constant 80 : index
      %swap3A_122 = tpu.vector_load %arg9[%swap3A_120, %swap3A_121] {strides = array<i32>} : memref<128x128xf32, #tpu.memory_space<vmem>>, vector<16xf32>,
      tpu.vector_store %arg9[%swap3A_120, %swap3A_121], %broadcast_in_dim3A_119 {strides = array<i32>} : memref<128x128xf32, #tpu.memory_space<vmem>>, vector<16xf32>,
      %broadcast_in_dim3A_123 = arith.constant 0.000000e+00 : f32
      %broadcast_in_dim3A_124 = vector.broadcast %broadcast_in_dim3A_123 : f32 to vector<16xf32>
      %swap3A_125 = arith.index_cast %scan3A_92 : i32 to index
      %swap3A_126 = arith.constant 96 : index
      %swap3A_127 = tpu.vector_load %arg9[%swap3A_125, %swap3A_126] {strides = array<i32>} : memref<128x128xf32, #tpu.memory_space<vmem>>, vector<16xf32>,
      tpu.vector_store %arg9[%swap3A_125, %swap3A_126], %broadcast_in_dim3A_124 {strides = array<i32>} : memref<128x128xf32, #tpu.memory_space<vmem>>, vector<16xf32>,
      %broadcast_in_dim3A_128 = arith.constant 0.000000e+00 : f32
      %broadcast_in_dim3A_129 = vector.broadcast %broadcast_in_dim3A_128 : f32 to vector<16xf32>
      %swap3A_130 = arith.index_cast %scan3A_92 : i32 to index
      %swap3A_131 = arith.constant 112 : index
      %swap3A_132 = tpu.vector_load %arg9[%swap3A_130, %swap3A_131] {strides = array<i32>} : memref<128x128xf32, #tpu.memory_space<vmem>>, vector<16xf32>,
      tpu.vector_store %arg9[%swap3A_130, %swap3A_131], %broadcast_in_dim3A_129 {strides = array<i32>} : memref<128x128xf32, #tpu.memory_space<vmem>>, vector<16xf32>,
      %scan3A_133 = arith.constant 0 : i32
      scf.yield %scan3A_133 : i32
    }
    %scan3A_6 = arith.constant 128 : i32
    %scan3A_7 = arith.constant 0 : i32
    %scan3A_8 = arith.constant 0 : i32
    %scan3A_9 = arith.constant 5 : i32
    %scan3A_10 = arith.addi %scan3A_8, %scan3A_9 : i32
    %scan3A_11 = arith.constant 1 : i32
    %scan3A_12 = scf.for %scan3A_92 = %scan3A_8 to %scan3A_10 step %scan3A_11 iter_args(%scan3A_93 = %scan3A_7) -> (i32)  : i32 {
      %mul3A_94 = arith.constant 640 : i32
      %mul3A_95 = arith.muli %arg1, %mul3A_94 : i32
      %mul3A_96 = arith.constant 128 : i32
      %mul3A_97 = arith.muli %scan3A_92, %mul3A_96 : i32
      %add3A_98 = arith.addi %mul3A_95, %mul3A_97 : i32
      "tpu.region"() ({
        %run_scoped3A = tpu.sem_alloc : memref<!tpu.dma_semaphore, #tpu.memory_space<semaphore_mem>>
        %dma_start3A_100 = arith.constant 0 : i32
        %dma_start3A_101 = tpu.memref_slice %arg10[%add3A_98, %dma_start3A_100] : memref<10240x128xf32, #tpu.memory_space<vmem_shared>> -> memref<128x128xf32, #tpu.memory_space<vmem_shared>>
        %dma_start3A_102 = arith.constant 0 : i32
        %dma_start3A_103 = tpu.memref_slice %arg10[%add3A_98, %dma_start3A_102] : memref<10240x128xf32, #tpu.memory_space<vmem_shared>> -> memref<128x128xf32, #tpu.memory_space<vmem_shared>>
        tpu.enqueue_dma source(%arg9 : memref<128x128xf32, #tpu.memory_space<vmem>>) target(%dma_start3A_103 : memref<128x128xf32, #tpu.memory_space<vmem_shared>>) target_semaphore(%run_scoped3A : memref<!tpu.dma_semaphore, #tpu.memory_space<semaphore_mem>>)
        %dma_wait3A = arith.constant 0 : i32
        %dma_wait3A_104 = tpu.memref_slice %arg10[%add3A_98, %dma_wait3A] : memref<10240x128xf32, #tpu.memory_space<vmem_shared>> -> memref<128x128xf32, #tpu.memory_space<vmem_shared>>
        %dma_wait3A_105 = arith.constant 0 : i32
        %dma_wait3A_106 = tpu.memref_slice %arg10[%add3A_98, %dma_wait3A_105] : memref<10240x128xf32, #tpu.memory_space<vmem_shared>> -> memref<128x128xf32, #tpu.memory_space<vmem_shared>>
        tpu.wait_dma2 semaphore(%run_scoped3A : memref<!tpu.dma_semaphore, #tpu.memory_space<semaphore_mem>>) src(%arg9 : memref<128x128xf32, #tpu.memory_space<vmem>>) dst(%dma_wait3A_106 : memref<128x128xf32, #tpu.memory_space<vmem_shared>>)
        tpu.yield
      }) : () -> ()
      %scan3A_99 = arith.constant 0 : i32
      scf.yield %scan3A_99 : i32
    }
    %scan3A_13 = arith.constant 5 : i32
    %barrier3A = arith.constant 0 : index
    tpu.barrier barrier_id(%barrier3A)
    %broadcast_in_dim3A = arith.constant -65536 : i32
    %broadcast_in_dim3A_14 = vector.broadcast %broadcast_in_dim3A : i32 to vector<16xi32>
    %mul3A_15 = arith.constant 80 : i32
    %mul3A_16 = arith.muli %add3A, %mul3A_15 : i32
    %add3A_17 = arith.constant 0 : i32
    %add3A_18 = arith.addi %mul3A_16, %add3A_17 : i32
    "tpu.region"() ({
      %run_scoped3A = tpu.sem_alloc : memref<!tpu.dma_semaphore, #tpu.memory_space<semaphore_mem>>
      %dma_start3A_92 = arith.constant 0 : i32
      %dma_start3A_93 = tpu.memref_slice %arg3[%add3A_18, %dma_start3A_92] : memref<2560x128xi32, #tpu.memory_space<hbm>> -> memref<40x128xi32, #tpu.memory_space<hbm>>
      %dma_start3A_94 = arith.constant 0 : i32
      %dma_start3A_95 = tpu.memref_slice %arg3[%add3A_18, %dma_start3A_94] : memref<2560x128xi32, #tpu.memory_space<hbm>> -> memref<40x128xi32, #tpu.memory_space<hbm>>
      tpu.enqueue_dma source(%dma_start3A_95 : memref<40x128xi32, #tpu.memory_space<hbm>>) target(%arg6 : memref<40x128xi32, #tpu.memory_space<vmem>>) target_semaphore(%run_scoped3A : memref<!tpu.dma_semaphore, #tpu.memory_space<semaphore_mem>>)
      %dma_wait3A = arith.constant 0 : i32
      %dma_wait3A_96 = tpu.memref_slice %arg3[%add3A_18, %dma_wait3A] : memref<2560x128xi32, #tpu.memory_space<hbm>> -> memref<40x128xi32, #tpu.memory_space<hbm>>
      %dma_wait3A_97 = arith.constant 0 : i32
      %dma_wait3A_98 = tpu.memref_slice %arg3[%add3A_18, %dma_wait3A_97] : memref<2560x128xi32, #tpu.memory_space<hbm>> -> memref<40x128xi32, #tpu.memory_space<hbm>>
      tpu.wait_dma2 semaphore(%run_scoped3A : memref<!tpu.dma_semaphore, #tpu.memory_space<semaphore_mem>>) src(%dma_wait3A_98 : memref<40x128xi32, #tpu.memory_space<hbm>>) dst(%arg6 : memref<40x128xi32, #tpu.memory_space<vmem>>)
      tpu.yield
    }) : () -> ()
    "tpu.region"() ({
      %run_scoped3A = tpu.sem_alloc : memref<!tpu.dma_semaphore, #tpu.memory_space<semaphore_mem>>
      %dma_start3A_92 = arith.constant 0 : i32
      %dma_start3A_93 = tpu.memref_slice %arg4[%add3A_18, %dma_start3A_92] : memref<2560x128xi32, #tpu.memory_space<hbm>> -> memref<40x128xi32, #tpu.memory_space<hbm>>
      %dma_start3A_94 = arith.constant 0 : i32
      %dma_start3A_95 = tpu.memref_slice %arg4[%add3A_18, %dma_start3A_94] : memref<2560x128xi32, #tpu.memory_space<hbm>> -> memref<40x128xi32, #tpu.memory_space<hbm>>
      tpu.enqueue_dma source(%dma_start3A_95 : memref<40x128xi32, #tpu.memory_space<hbm>>) target(%arg7 : memref<40x128xi32, #tpu.memory_space<vmem>>) target_semaphore(%run_scoped3A : memref<!tpu.dma_semaphore, #tpu.memory_space<semaphore_mem>>)
      %dma_wait3A = arith.constant 0 : i32
      %dma_wait3A_96 = tpu.memref_slice %arg4[%add3A_18, %dma_wait3A] : memref<2560x128xi32, #tpu.memory_space<hbm>> -> memref<40x128xi32, #tpu.memory_space<hbm>>
      %dma_wait3A_97 = arith.constant 0 : i32
      %dma_wait3A_98 = tpu.memref_slice %arg4[%add3A_18, %dma_wait3A_97] : memref<2560x128xi32, #tpu.memory_space<hbm>> -> memref<40x128xi32, #tpu.memory_space<hbm>>
      tpu.wait_dma2 semaphore(%run_scoped3A : memref<!tpu.dma_semaphore, #tpu.memory_space<semaphore_mem>>) src(%dma_wait3A_98 : memref<40x128xi32, #tpu.memory_space<hbm>>) dst(%arg7 : memref<40x128xi32, #tpu.memory_space<vmem>>)
      tpu.yield
    }) : () -> ()
    %dma_start3A = arith.constant 0 : i32
    %dma_start3A_19 = arith.constant 0 : i32
    %dma_start3A_20 = arith.constant 0 : i32
    %dma_start3A_21 = arith.constant 0 : i32
    %dma_start3A_22 = tpu.memref_slice %arg8[%dma_start3A_19, %dma_start3A_20, %dma_start3A_21] : memref<2x128x64xi32, #tpu.memory_space<vmem>> -> memref<1x128x64xi32, #tpu.memory_space<vmem>>
    %dma_start3A_23 = tpu.memref_squeeze %dma_start3A_22 : memref<1x128x64xi32, #tpu.memory_space<vmem>> -> memref<128x64xi32, #tpu.memory_space<vmem>>
    %dma_start3A_24 = arith.constant 0 : i32
    %dma_start3A_25 = tpu.memref_slice %arg6[%dma_start3A, %dma_start3A_24] : memref<40x128xi32, #tpu.memory_space<vmem>> -> memref<1x128xi32, #tpu.memory_space<vmem>>
    %dma_start3A_26 = tpu.memref_squeeze %dma_start3A_25 : memref<1x128xi32, #tpu.memory_space<vmem>> -> memref<128xi32, #tpu.memory_space<vmem>>
    %dma_start3A_27 = arith.constant 0 : i32
    %dma_start3A_28 = arith.constant 0 : i32
    %dma_start3A_29 = tpu.memref_slice %arg2[%dma_start3A_27, %dma_start3A_28] : memref<10240x64xi32, #tpu.memory_space<hbm>> -> memref<10240x64xi32, #tpu.memory_space<hbm>>
    tpu.enqueue_indirect_dma source(%dma_start3A_29 : memref<10240x64xi32, #tpu.memory_space<hbm>>) target(%dma_start3A_23 : memref<128x64xi32, #tpu.memory_space<vmem>>) offsets(%dma_start3A_26 : memref<128xi32, #tpu.memory_space<vmem>>) semaphore(%arg11 : memref<!tpu.dma_semaphore, #tpu.memory_space<semaphore_mem>>)
    %dma_start3A_30 = arith.constant 1 : i32
    %dma_start3A_31 = arith.constant 1 : i32
    %dma_start3A_32 = arith.constant 0 : i32
    %dma_start3A_33 = arith.constant 0 : i32
    %dma_start3A_34 = tpu.memref_slice %arg8[%dma_start3A_31, %dma_start3A_32, %dma_start3A_33] : memref<2x128x64xi32, #tpu.memory_space<vmem>> -> memref<1x128x64xi32, #tpu.memory_space<vmem>>
    %dma_start3A_35 = tpu.memref_squeeze %dma_start3A_34 : memref<1x128x64xi32, #tpu.memory_space<vmem>> -> memref<128x64xi32, #tpu.memory_space<vmem>>
    %dma_start3A_36 = arith.constant 0 : i32
    %dma_start3A_37 = tpu.memref_slice %arg6[%dma_start3A_30, %dma_start3A_36] : memref<40x128xi32, #tpu.memory_space<vmem>> -> memref<1x128xi32, #tpu.memory_space<vmem>>
    %dma_start3A_38 = tpu.memref_squeeze %dma_start3A_37 : memref<1x128xi32, #tpu.memory_space<vmem>> -> memref<128xi32, #tpu.memory_space<vmem>>
    %dma_start3A_39 = arith.constant 0 : i32
    %dma_start3A_40 = arith.constant 0 : i32
    %dma_start3A_41 = tpu.memref_slice %arg2[%dma_start3A_39, %dma_start3A_40] : memref<10240x64xi32, #tpu.memory_space<hbm>> -> memref<10240x64xi32, #tpu.memory_space<hbm>>
    tpu.enqueue_indirect_dma source(%dma_start3A_41 : memref<10240x64xi32, #tpu.memory_space<hbm>>) target(%dma_start3A_35 : memref<128x64xi32, #tpu.memory_space<vmem>>) offsets(%dma_start3A_38 : memref<128xi32, #tpu.memory_space<vmem>>) semaphore(%arg12 : memref<!tpu.dma_semaphore, #tpu.memory_space<semaphore_mem>>)
    %scan3A_42 = arith.constant 0 : i32
    %scan3A_43 = arith.constant 0 : i32
    %scan3A_44 = arith.constant 20 : i32
    %scan3A_45 = arith.addi %scan3A_43, %scan3A_44 : i32
    %scan3A_46 = arith.constant 1 : i32
    %scan3A_47 = scf.for %scan3A_92 = %scan3A_43 to %scan3A_45 step %scan3A_46 iter_args(%scan3A_93 = %scan3A_42) -> (i32)  : i32 {
      %mul3A_94 = arith.constant 2 : i32
      %mul3A_95 = arith.muli %scan3A_92, %mul3A_94 : i32
      %add3A_96 = arith.constant 0 : i32
      %add3A_97 = arith.addi %mul3A_95, %add3A_96 : i32
      %dma_wait3A = arith.constant 0 : i32
      %dma_wait3A_98 = arith.constant 0 : i32
      %dma_wait3A_99 = arith.constant 0 : i32
      %dma_wait3A_100 = tpu.memref_slice %arg8[%dma_wait3A, %dma_wait3A_98, %dma_wait3A_99] : memref<2x128x64xi32, #tpu.memory_space<vmem>> -> memref<1x128x64xi32, #tpu.memory_space<vmem>>
      %dma_wait3A_101 = tpu.memref_squeeze %dma_wait3A_100 : memref<1x128x64xi32, #tpu.memory_space<vmem>> -> memref<128x64xi32, #tpu.memory_space<vmem>>
      %dma_wait3A_102 = arith.constant 0 : i32
      %dma_wait3A_103 = tpu.memref_slice %arg6[%add3A_97, %dma_wait3A_102] : memref<40x128xi32, #tpu.memory_space<vmem>> -> memref<1x128xi32, #tpu.memory_space<vmem>>
      %dma_wait3A_104 = tpu.memref_squeeze %dma_wait3A_103 : memref<1x128xi32, #tpu.memory_space<vmem>> -> memref<128xi32, #tpu.memory_space<vmem>>
      %dma_wait3A_105 = arith.constant 0 : i32
      %dma_wait3A_106 = arith.constant 0 : i32
      %dma_wait3A_107 = tpu.memref_slice %arg2[%dma_wait3A_105, %dma_wait3A_106] : memref<10240x64xi32, #tpu.memory_space<hbm>> -> memref<10240x64xi32, #tpu.memory_space<hbm>>
      tpu.wait_indirect_dma semaphore(%arg11 : memref<!tpu.dma_semaphore, #tpu.memory_space<semaphore_mem>>) src(%dma_wait3A_107 : memref<10240x64xi32, #tpu.memory_space<hbm>>) dst(%dma_wait3A_101 : memref<128x64xi32, #tpu.memory_space<vmem>>)
      %scan3A_108 = arith.constant 0 : i32
      %scan3A_109 = arith.constant 0 : i32
      %scan3A_110 = arith.constant 128 : i32
      %scan3A_111 = arith.addi %scan3A_109, %scan3A_110 : i32
      %scan3A_112 = arith.constant 1 : i32
      %scan3A_113 = scf.for %scan3A_173 = %scan3A_109 to %scan3A_111 step %scan3A_112 iter_args(%scan3A_174 = %scan3A_108) -> (i32)  : i32 {
        %get3A = arith.constant 0 : i32
        %get3A_175 = arith.index_cast %get3A : i32 to index
        %get3A_176 = arith.index_cast %scan3A_173 : i32 to index
        %get3A_177 = arith.constant 0 : index
        %get3A_178 = tpu.vector_load %arg8[%get3A_175, %get3A_176, %get3A_177] {strides = array<i32>} : memref<2x128x64xi32, #tpu.memory_space<vmem>>, vector<16xi32>,
        %shift_left3A = arith.constant 16 : i32
        %shift_left3A_179 = vector.broadcast %shift_left3A : i32 to vector<16xi32>
        %shift_left3A_180 = arith.shli %get3A_178, %shift_left3A_179 : vector<16xi32>
        %bitcast3A = vector.bitcast %shift_left3A_180 : vector<16xi32> to vector<16xf32>
        %and3A = arith.andi %get3A_178, %broadcast_in_dim3A_14 : vector<16xi32>
        %bitcast3A_181 = vector.bitcast %and3A : vector<16xi32> to vector<16xf32>
        %swap3A = arith.index_cast %scan3A_173 : i32 to index
        %swap3A_182 = arith.constant 0 : index
        %swap3A_183 = tpu.vector_load %arg9[%swap3A, %swap3A_182] {strides = array<i32>} : memref<128x128xf32, #tpu.memory_space<vmem>>, vector<16xf32>,
        tpu.vector_store %arg9[%swap3A, %swap3A_182], %bitcast3A {strides = array<i32>} : memref<128x128xf32, #tpu.memory_space<vmem>>, vector<16xf32>,
        %swap3A_184 = arith.index_cast %scan3A_173 : i32 to index
        %swap3A_185 = arith.constant 16 : index
        %swap3A_186 = tpu.vector_load %arg9[%swap3A_184, %swap3A_185] {strides = array<i32>} : memref<128x128xf32, #tpu.memory_space<vmem>>, vector<16xf32>,
        tpu.vector_store %arg9[%swap3A_184, %swap3A_185], %bitcast3A_181 {strides = array<i32>} : memref<128x128xf32, #tpu.memory_space<vmem>>, vector<16xf32>,
        %get3A_187 = arith.constant 0 : i32
        %get3A_188 = arith.index_cast %get3A_187 : i32 to index
        %get3A_189 = arith.index_cast %scan3A_173 : i32 to index
        %get3A_190 = arith.constant 16 : index
        %get3A_191 = tpu.vector_load %arg8[%get3A_188, %get3A_189, %get3A_190] {strides = array<i32>} : memref<2x128x64xi32, #tpu.memory_space<vmem>>, vector<16xi32>,
        %shift_left3A_192 = arith.constant 16 : i32
        %shift_left3A_193 = vector.broadcast %shift_left3A_192 : i32 to vector<16xi32>
        %shift_left3A_194 = arith.shli %get3A_191, %shift_left3A_193 : vector<16xi32>
        %bitcast3A_195 = vector.bitcast %shift_left3A_194 : vector<16xi32> to vector<16xf32>
        %and3A_196 = arith.andi %get3A_191, %broadcast_in_dim3A_14 : vector<16xi32>
        %bitcast3A_197 = vector.bitcast %and3A_196 : vector<16xi32> to vector<16xf32>
        %swap3A_198 = arith.index_cast %scan3A_173 : i32 to index
        %swap3A_199 = arith.constant 32 : index
        %swap3A_200 = tpu.vector_load %arg9[%swap3A_198, %swap3A_199] {strides = array<i32>} : memref<128x128xf32, #tpu.memory_space<vmem>>, vector<16xf32>,
        tpu.vector_store %arg9[%swap3A_198, %swap3A_199], %bitcast3A_195 {strides = array<i32>} : memref<128x128xf32, #tpu.memory_space<vmem>>, vector<16xf32>,
        %swap3A_201 = arith.index_cast %scan3A_173 : i32 to index
        %swap3A_202 = arith.constant 48 : index
        %swap3A_203 = tpu.vector_load %arg9[%swap3A_201, %swap3A_202] {strides = array<i32>} : memref<128x128xf32, #tpu.memory_space<vmem>>, vector<16xf32>,
        tpu.vector_store %arg9[%swap3A_201, %swap3A_202], %bitcast3A_197 {strides = array<i32>} : memref<128x128xf32, #tpu.memory_space<vmem>>, vector<16xf32>,
        %get3A_204 = arith.constant 0 : i32
        %get3A_205 = arith.index_cast %get3A_204 : i32 to index
        %get3A_206 = arith.index_cast %scan3A_173 : i32 to index
        %get3A_207 = arith.constant 32 : index
        %get3A_208 = tpu.vector_load %arg8[%get3A_205, %get3A_206, %get3A_207] {strides = array<i32>} : memref<2x128x64xi32, #tpu.memory_space<vmem>>, vector<16xi32>,
        %shift_left3A_209 = arith.constant 16 : i32
        %shift_left3A_210 = vector.broadcast %shift_left3A_209 : i32 to vector<16xi32>
        %shift_left3A_211 = arith.shli %get3A_208, %shift_left3A_210 : vector<16xi32>
        %bitcast3A_212 = vector.bitcast %shift_left3A_211 : vector<16xi32> to vector<16xf32>
        %and3A_213 = arith.andi %get3A_208, %broadcast_in_dim3A_14 : vector<16xi32>
        %bitcast3A_214 = vector.bitcast %and3A_213 : vector<16xi32> to vector<16xf32>
        %swap3A_215 = arith.index_cast %scan3A_173 : i32 to index
        %swap3A_216 = arith.constant 64 : index
        %swap3A_217 = tpu.vector_load %arg9[%swap3A_215, %swap3A_216] {strides = array<i32>} : memref<128x128xf32, #tpu.memory_space<vmem>>, vector<16xf32>,
        tpu.vector_store %arg9[%swap3A_215, %swap3A_216], %bitcast3A_212 {strides = array<i32>} : memref<128x128xf32, #tpu.memory_space<vmem>>, vector<16xf32>,
        %swap3A_218 = arith.index_cast %scan3A_173 : i32 to index
        %swap3A_219 = arith.constant 80 : index
        %swap3A_220 = tpu.vector_load %arg9[%swap3A_218, %swap3A_219] {strides = array<i32>} : memref<128x128xf32, #tpu.memory_space<vmem>>, vector<16xf32>,
        tpu.vector_store %arg9[%swap3A_218, %swap3A_219], %bitcast3A_214 {strides = array<i32>} : memref<128x128xf32, #tpu.memory_space<vmem>>, vector<16xf32>,
        %get3A_221 = arith.constant 0 : i32
        %get3A_222 = arith.index_cast %get3A_221 : i32 to index
        %get3A_223 = arith.index_cast %scan3A_173 : i32 to index
        %get3A_224 = arith.constant 48 : index
        %get3A_225 = tpu.vector_load %arg8[%get3A_222, %get3A_223, %get3A_224] {strides = array<i32>} : memref<2x128x64xi32, #tpu.memory_space<vmem>>, vector<16xi32>,
        %shift_left3A_226 = arith.constant 16 : i32
        %shift_left3A_227 = vector.broadcast %shift_left3A_226 : i32 to vector<16xi32>
        %shift_left3A_228 = arith.shli %get3A_225, %shift_left3A_227 : vector<16xi32>
        %bitcast3A_229 = vector.bitcast %shift_left3A_228 : vector<16xi32> to vector<16xf32>
        %and3A_230 = arith.andi %get3A_225, %broadcast_in_dim3A_14 : vector<16xi32>
        %bitcast3A_231 = vector.bitcast %and3A_230 : vector<16xi32> to vector<16xf32>
        %swap3A_232 = arith.index_cast %scan3A_173 : i32 to index
        %swap3A_233 = arith.constant 96 : index
        %swap3A_234 = tpu.vector_load %arg9[%swap3A_232, %swap3A_233] {strides = array<i32>} : memref<128x128xf32, #tpu.memory_space<vmem>>, vector<16xf32>,
        tpu.vector_store %arg9[%swap3A_232, %swap3A_233], %bitcast3A_229 {strides = array<i32>} : memref<128x128xf32, #tpu.memory_space<vmem>>, vector<16xf32>,
        %swap3A_235 = arith.index_cast %scan3A_173 : i32 to index
        %swap3A_236 = arith.constant 112 : index
        %swap3A_237 = tpu.vector_load %arg9[%swap3A_235, %swap3A_236] {strides = array<i32>} : memref<128x128xf32, #tpu.memory_space<vmem>>, vector<16xf32>,
        tpu.vector_store %arg9[%swap3A_235, %swap3A_236], %bitcast3A_231 {strides = array<i32>} : memref<128x128xf32, #tpu.memory_space<vmem>>, vector<16xf32>,
        %scan3A_238 = arith.constant 0 : i32
        scf.yield %scan3A_238 : i32
      }
      %scan3A_114 = arith.constant 128 : i32
      %dma_start3A_115 = arith.constant 0 : i32
      %dma_start3A_116 = tpu.memref_slice %arg7[%add3A_97, %dma_start3A_115] : memref<40x128xi32, #tpu.memory_space<vmem>> -> memref<1x128xi32, #tpu.memory_space<vmem>>
      %dma_start3A_117 = tpu.memref_squeeze %dma_start3A_116 : memref<1x128xi32, #tpu.memory_space<vmem>> -> memref<128xi32, #tpu.memory_space<vmem>>
      %dma_start3A_118 = arith.constant 0 : i32
      %dma_start3A_119 = arith.constant 0 : i32
      %dma_start3A_120 = tpu.memref_slice %arg10[%dma_start3A_118, %dma_start3A_119] : memref<10240x128xf32, #tpu.memory_space<vmem_shared>> -> memref<10240x128xf32, #tpu.memory_space<vmem_shared>>
      tpu.enqueue_indirect_dma source(%arg9 : memref<128x128xf32, #tpu.memory_space<vmem>>) target(%dma_start3A_120 : memref<10240x128xf32, #tpu.memory_space<vmem_shared>>) offsets(%dma_start3A_117 : memref<128xi32, #tpu.memory_space<vmem>>) semaphore(%arg13 : memref<!tpu.dma_semaphore, #tpu.memory_space<semaphore_mem>>) {add = true}
      %dma_wait3A_121 = arith.constant 0 : i32
      %dma_wait3A_122 = tpu.memref_slice %arg7[%add3A_97, %dma_wait3A_121] : memref<40x128xi32, #tpu.memory_space<vmem>> -> memref<1x128xi32, #tpu.memory_space<vmem>>
      %dma_wait3A_123 = tpu.memref_squeeze %dma_wait3A_122 : memref<1x128xi32, #tpu.memory_space<vmem>> -> memref<128xi32, #tpu.memory_space<vmem>>
      %dma_wait3A_124 = arith.constant 0 : i32
      %dma_wait3A_125 = arith.constant 0 : i32
      %dma_wait3A_126 = tpu.memref_slice %arg10[%dma_wait3A_124, %dma_wait3A_125] : memref<10240x128xf32, #tpu.memory_space<vmem_shared>> -> memref<10240x128xf32, #tpu.memory_space<vmem_shared>>
      tpu.wait_indirect_dma semaphore(%arg13 : memref<!tpu.dma_semaphore, #tpu.memory_space<semaphore_mem>>) src(%arg9 : memref<128x128xf32, #tpu.memory_space<vmem>>) dst(%dma_wait3A_126 : memref<10240x128xf32, #tpu.memory_space<vmem_shared>>)
      %add3A_127 = arith.constant 2 : i32
      %add3A_128 = arith.addi %add3A_97, %add3A_127 : i32
      %lt3A = arith.constant 40 : i32
      %lt3A_129 = arith.cmpi slt, %add3A_128, %lt3A : i32
      %convert_element_type3A = arith.extui %lt3A_129 : i1 to i32
      %cond3A = arith.constant 0 : i32
      %cond3A_130 = arith.cmpi ne, %convert_element_type3A, %cond3A : i32
      scf.if %cond3A_130 {
        %add3A_173 = arith.constant 2 : i32
        %add3A_174 = arith.addi %add3A_97, %add3A_173 : i32
        %dma_start3A_175 = arith.constant 0 : i32
        %dma_start3A_176 = arith.constant 0 : i32
        %dma_start3A_177 = arith.constant 0 : i32
        %dma_start3A_178 = tpu.memref_slice %arg8[%dma_start3A_175, %dma_start3A_176, %dma_start3A_177] : memref<2x128x64xi32, #tpu.memory_space<vmem>> -> memref<1x128x64xi32, #tpu.memory_space<vmem>>
        %dma_start3A_179 = tpu.memref_squeeze %dma_start3A_178 : memref<1x128x64xi32, #tpu.memory_space<vmem>> -> memref<128x64xi32, #tpu.memory_space<vmem>>
        %dma_start3A_180 = arith.constant 0 : i32
        %dma_start3A_181 = tpu.memref_slice %arg6[%add3A_174, %dma_start3A_180] : memref<40x128xi32, #tpu.memory_space<vmem>> -> memref<1x128xi32, #tpu.memory_space<vmem>>
        %dma_start3A_182 = tpu.memref_squeeze %dma_start3A_181 : memref<1x128xi32, #tpu.memory_space<vmem>> -> memref<128xi32, #tpu.memory_space<vmem>>
        %dma_start3A_183 = arith.constant 0 : i32
        %dma_start3A_184 = arith.constant 0 : i32
        %dma_start3A_185 = tpu.memref_slice %arg2[%dma_start3A_183, %dma_start3A_184] : memref<10240x64xi32, #tpu.memory_space<hbm>> -> memref<10240x64xi32, #tpu.memory_space<hbm>>
        tpu.enqueue_indirect_dma source(%dma_start3A_185 : memref<10240x64xi32, #tpu.memory_space<hbm>>) target(%dma_start3A_179 : memref<128x64xi32, #tpu.memory_space<vmem>>) offsets(%dma_start3A_182 : memref<128xi32, #tpu.memory_space<vmem>>) semaphore(%arg11 : memref<!tpu.dma_semaphore, #tpu.memory_space<semaphore_mem>>)
      } else {
      }
      %mul3A_131 = arith.constant 2 : i32
      %mul3A_132 = arith.muli %scan3A_92, %mul3A_131 : i32
      %add3A_133 = arith.constant 1 : i32
      %add3A_134 = arith.addi %mul3A_132, %add3A_133 : i32
      %dma_wait3A_135 = arith.constant 1 : i32
      %dma_wait3A_136 = arith.constant 0 : i32
      %dma_wait3A_137 = arith.constant 0 : i32
      %dma_wait3A_138 = tpu.memref_slice %arg8[%dma_wait3A_135, %dma_wait3A_136, %dma_wait3A_137] : memref<2x128x64xi32, #tpu.memory_space<vmem>> -> memref<1x128x64xi32, #tpu.memory_space<vmem>>
      %dma_wait3A_139 = tpu.memref_squeeze %dma_wait3A_138 : memref<1x128x64xi32, #tpu.memory_space<vmem>> -> memref<128x64xi32, #tpu.memory_space<vmem>>
      %dma_wait3A_140 = arith.constant 0 : i32
      %dma_wait3A_141 = tpu.memref_slice %arg6[%add3A_134, %dma_wait3A_140] : memref<40x128xi32, #tpu.memory_space<vmem>> -> memref<1x128xi32, #tpu.memory_space<vmem>>
      %dma_wait3A_142 = tpu.memref_squeeze %dma_wait3A_141 : memref<1x128xi32, #tpu.memory_space<vmem>> -> memref<128xi32, #tpu.memory_space<vmem>>
      %dma_wait3A_143 = arith.constant 0 : i32
      %dma_wait3A_144 = arith.constant 0 : i32
      %dma_wait3A_145 = tpu.memref_slice %arg2[%dma_wait3A_143, %dma_wait3A_144] : memref<10240x64xi32, #tpu.memory_space<hbm>> -> memref<10240x64xi32, #tpu.memory_space<hbm>>
      tpu.wait_indirect_dma semaphore(%arg12 : memref<!tpu.dma_semaphore, #tpu.memory_space<semaphore_mem>>) src(%dma_wait3A_145 : memref<10240x64xi32, #tpu.memory_space<hbm>>) dst(%dma_wait3A_139 : memref<128x64xi32, #tpu.memory_space<vmem>>)
      %scan3A_146 = arith.constant 0 : i32
      %scan3A_147 = arith.constant 0 : i32
      %scan3A_148 = arith.constant 128 : i32
      %scan3A_149 = arith.addi %scan3A_147, %scan3A_148 : i32
      %scan3A_150 = arith.constant 1 : i32
      %scan3A_151 = scf.for %scan3A_173 = %scan3A_147 to %scan3A_149 step %scan3A_150 iter_args(%scan3A_174 = %scan3A_146) -> (i32)  : i32 {
        %get3A = arith.constant 1 : i32
        %get3A_175 = arith.index_cast %get3A : i32 to index
        %get3A_176 = arith.index_cast %scan3A_173 : i32 to index
        %get3A_177 = arith.constant 0 : index
        %get3A_178 = tpu.vector_load %arg8[%get3A_175, %get3A_176, %get3A_177] {strides = array<i32>} : memref<2x128x64xi32, #tpu.memory_space<vmem>>, vector<16xi32>,
        %shift_left3A = arith.constant 16 : i32
        %shift_left3A_179 = vector.broadcast %shift_left3A : i32 to vector<16xi32>
        %shift_left3A_180 = arith.shli %get3A_178, %shift_left3A_179 : vector<16xi32>
        %bitcast3A = vector.bitcast %shift_left3A_180 : vector<16xi32> to vector<16xf32>
        %and3A = arith.andi %get3A_178, %broadcast_in_dim3A_14 : vector<16xi32>
        %bitcast3A_181 = vector.bitcast %and3A : vector<16xi32> to vector<16xf32>
        %swap3A = arith.index_cast %scan3A_173 : i32 to index
        %swap3A_182 = arith.constant 0 : index
        %swap3A_183 = tpu.vector_load %arg9[%swap3A, %swap3A_182] {strides = array<i32>} : memref<128x128xf32, #tpu.memory_space<vmem>>, vector<16xf32>,
        tpu.vector_store %arg9[%swap3A, %swap3A_182], %bitcast3A {strides = array<i32>} : memref<128x128xf32, #tpu.memory_space<vmem>>, vector<16xf32>,
        %swap3A_184 = arith.index_cast %scan3A_173 : i32 to index
        %swap3A_185 = arith.constant 16 : index
        %swap3A_186 = tpu.vector_load %arg9[%swap3A_184, %swap3A_185] {strides = array<i32>} : memref<128x128xf32, #tpu.memory_space<vmem>>, vector<16xf32>,
        tpu.vector_store %arg9[%swap3A_184, %swap3A_185], %bitcast3A_181 {strides = array<i32>} : memref<128x128xf32, #tpu.memory_space<vmem>>, vector<16xf32>,
        %get3A_187 = arith.constant 1 : i32
        %get3A_188 = arith.index_cast %get3A_187 : i32 to index
        %get3A_189 = arith.index_cast %scan3A_173 : i32 to index
        %get3A_190 = arith.constant 16 : index
        %get3A_191 = tpu.vector_load %arg8[%get3A_188, %get3A_189, %get3A_190] {strides = array<i32>} : memref<2x128x64xi32, #tpu.memory_space<vmem>>, vector<16xi32>,
        %shift_left3A_192 = arith.constant 16 : i32
        %shift_left3A_193 = vector.broadcast %shift_left3A_192 : i32 to vector<16xi32>
        %shift_left3A_194 = arith.shli %get3A_191, %shift_left3A_193 : vector<16xi32>
        %bitcast3A_195 = vector.bitcast %shift_left3A_194 : vector<16xi32> to vector<16xf32>
        %and3A_196 = arith.andi %get3A_191, %broadcast_in_dim3A_14 : vector<16xi32>
        %bitcast3A_197 = vector.bitcast %and3A_196 : vector<16xi32> to vector<16xf32>
        %swap3A_198 = arith.index_cast %scan3A_173 : i32 to index
        %swap3A_199 = arith.constant 32 : index
        %swap3A_200 = tpu.vector_load %arg9[%swap3A_198, %swap3A_199] {strides = array<i32>} : memref<128x128xf32, #tpu.memory_space<vmem>>, vector<16xf32>,
        tpu.vector_store %arg9[%swap3A_198, %swap3A_199], %bitcast3A_195 {strides = array<i32>} : memref<128x128xf32, #tpu.memory_space<vmem>>, vector<16xf32>,
        %swap3A_201 = arith.index_cast %scan3A_173 : i32 to index
        %swap3A_202 = arith.constant 48 : index
        %swap3A_203 = tpu.vector_load %arg9[%swap3A_201, %swap3A_202] {strides = array<i32>} : memref<128x128xf32, #tpu.memory_space<vmem>>, vector<16xf32>,
        tpu.vector_store %arg9[%swap3A_201, %swap3A_202], %bitcast3A_197 {strides = array<i32>} : memref<128x128xf32, #tpu.memory_space<vmem>>, vector<16xf32>,
        %get3A_204 = arith.constant 1 : i32
        %get3A_205 = arith.index_cast %get3A_204 : i32 to index
        %get3A_206 = arith.index_cast %scan3A_173 : i32 to index
        %get3A_207 = arith.constant 32 : index
        %get3A_208 = tpu.vector_load %arg8[%get3A_205, %get3A_206, %get3A_207] {strides = array<i32>} : memref<2x128x64xi32, #tpu.memory_space<vmem>>, vector<16xi32>,
        %shift_left3A_209 = arith.constant 16 : i32
        %shift_left3A_210 = vector.broadcast %shift_left3A_209 : i32 to vector<16xi32>
        %shift_left3A_211 = arith.shli %get3A_208, %shift_left3A_210 : vector<16xi32>
        %bitcast3A_212 = vector.bitcast %shift_left3A_211 : vector<16xi32> to vector<16xf32>
        %and3A_213 = arith.andi %get3A_208, %broadcast_in_dim3A_14 : vector<16xi32>
        %bitcast3A_214 = vector.bitcast %and3A_213 : vector<16xi32> to vector<16xf32>
        %swap3A_215 = arith.index_cast %scan3A_173 : i32 to index
        %swap3A_216 = arith.constant 64 : index
        %swap3A_217 = tpu.vector_load %arg9[%swap3A_215, %swap3A_216] {strides = array<i32>} : memref<128x128xf32, #tpu.memory_space<vmem>>, vector<16xf32>,
        tpu.vector_store %arg9[%swap3A_215, %swap3A_216], %bitcast3A_212 {strides = array<i32>} : memref<128x128xf32, #tpu.memory_space<vmem>>, vector<16xf32>,
        %swap3A_218 = arith.index_cast %scan3A_173 : i32 to index
        %swap3A_219 = arith.constant 80 : index
        %swap3A_220 = tpu.vector_load %arg9[%swap3A_218, %swap3A_219] {strides = array<i32>} : memref<128x128xf32, #tpu.memory_space<vmem>>, vector<16xf32>,
        tpu.vector_store %arg9[%swap3A_218, %swap3A_219], %bitcast3A_214 {strides = array<i32>} : memref<128x128xf32, #tpu.memory_space<vmem>>, vector<16xf32>,
        %get3A_221 = arith.constant 1 : i32
        %get3A_222 = arith.index_cast %get3A_221 : i32 to index
        %get3A_223 = arith.index_cast %scan3A_173 : i32 to index
        %get3A_224 = arith.constant 48 : index
        %get3A_225 = tpu.vector_load %arg8[%get3A_222, %get3A_223, %get3A_224] {strides = array<i32>} : memref<2x128x64xi32, #tpu.memory_space<vmem>>, vector<16xi32>,
        %shift_left3A_226 = arith.constant 16 : i32
        %shift_left3A_227 = vector.broadcast %shift_left3A_226 : i32 to vector<16xi32>
        %shift_left3A_228 = arith.shli %get3A_225, %shift_left3A_227 : vector<16xi32>
        %bitcast3A_229 = vector.bitcast %shift_left3A_228 : vector<16xi32> to vector<16xf32>
        %and3A_230 = arith.andi %get3A_225, %broadcast_in_dim3A_14 : vector<16xi32>
        %bitcast3A_231 = vector.bitcast %and3A_230 : vector<16xi32> to vector<16xf32>
        %swap3A_232 = arith.index_cast %scan3A_173 : i32 to index
        %swap3A_233 = arith.constant 96 : index
        %swap3A_234 = tpu.vector_load %arg9[%swap3A_232, %swap3A_233] {strides = array<i32>} : memref<128x128xf32, #tpu.memory_space<vmem>>, vector<16xf32>,
        tpu.vector_store %arg9[%swap3A_232, %swap3A_233], %bitcast3A_229 {strides = array<i32>} : memref<128x128xf32, #tpu.memory_space<vmem>>, vector<16xf32>,
        %swap3A_235 = arith.index_cast %scan3A_173 : i32 to index
        %swap3A_236 = arith.constant 112 : index
        %swap3A_237 = tpu.vector_load %arg9[%swap3A_235, %swap3A_236] {strides = array<i32>} : memref<128x128xf32, #tpu.memory_space<vmem>>, vector<16xf32>,
        tpu.vector_store %arg9[%swap3A_235, %swap3A_236], %bitcast3A_231 {strides = array<i32>} : memref<128x128xf32, #tpu.memory_space<vmem>>, vector<16xf32>,
        %scan3A_238 = arith.constant 0 : i32
        scf.yield %scan3A_238 : i32
      }
      %scan3A_152 = arith.constant 128 : i32
      %dma_start3A_153 = arith.constant 0 : i32
      %dma_start3A_154 = tpu.memref_slice %arg7[%add3A_134, %dma_start3A_153] : memref<40x128xi32, #tpu.memory_space<vmem>> -> memref<1x128xi32, #tpu.memory_space<vmem>>
      %dma_start3A_155 = tpu.memref_squeeze %dma_start3A_154 : memref<1x128xi32, #tpu.memory_space<vmem>> -> memref<128xi32, #tpu.memory_space<vmem>>
      %dma_start3A_156 = arith.constant 0 : i32
      %dma_start3A_157 = arith.constant 0 : i32
      %dma_start3A_158 = tpu.memref_slice %arg10[%dma_start3A_156, %dma_start3A_157] : memref<10240x128xf32, #tpu.memory_space<vmem_shared>> -> memref<10240x128xf32, #tpu.memory_space<vmem_shared>>
      tpu.enqueue_indirect_dma source(%arg9 : memref<128x128xf32, #tpu.memory_space<vmem>>) target(%dma_start3A_158 : memref<10240x128xf32, #tpu.memory_space<vmem_shared>>) offsets(%dma_start3A_155 : memref<128xi32, #tpu.memory_space<vmem>>) semaphore(%arg13 : memref<!tpu.dma_semaphore, #tpu.memory_space<semaphore_mem>>) {add = true}
      %dma_wait3A_159 = arith.constant 0 : i32
      %dma_wait3A_160 = tpu.memref_slice %arg7[%add3A_134, %dma_wait3A_159] : memref<40x128xi32, #tpu.memory_space<vmem>> -> memref<1x128xi32, #tpu.memory_space<vmem>>
      %dma_wait3A_161 = tpu.memref_squeeze %dma_wait3A_160 : memref<1x128xi32, #tpu.memory_space<vmem>> -> memref<128xi32, #tpu.memory_space<vmem>>
      %dma_wait3A_162 = arith.constant 0 : i32
      %dma_wait3A_163 = arith.constant 0 : i32
      %dma_wait3A_164 = tpu.memref_slice %arg10[%dma_wait3A_162, %dma_wait3A_163] : memref<10240x128xf32, #tpu.memory_space<vmem_shared>> -> memref<10240x128xf32, #tpu.memory_space<vmem_shared>>
      tpu.wait_indirect_dma semaphore(%arg13 : memref<!tpu.dma_semaphore, #tpu.memory_space<semaphore_mem>>) src(%arg9 : memref<128x128xf32, #tpu.memory_space<vmem>>) dst(%dma_wait3A_164 : memref<10240x128xf32, #tpu.memory_space<vmem_shared>>)
      %add3A_165 = arith.constant 2 : i32
      %add3A_166 = arith.addi %add3A_134, %add3A_165 : i32
      %lt3A_167 = arith.constant 40 : i32
      %lt3A_168 = arith.cmpi slt, %add3A_166, %lt3A_167 : i32
      %convert_element_type3A_169 = arith.extui %lt3A_168 : i1 to i32
      %cond3A_170 = arith.constant 0 : i32
      %cond3A_171 = arith.cmpi ne, %convert_element_type3A_169, %cond3A_170 : i32
      scf.if %cond3A_171 {
        %add3A_173 = arith.constant 2 : i32
        %add3A_174 = arith.addi %add3A_134, %add3A_173 : i32
        %dma_start3A_175 = arith.constant 1 : i32
        %dma_start3A_176 = arith.constant 0 : i32
        %dma_start3A_177 = arith.constant 0 : i32
        %dma_start3A_178 = tpu.memref_slice %arg8[%dma_start3A_175, %dma_start3A_176, %dma_start3A_177] : memref<2x128x64xi32, #tpu.memory_space<vmem>> -> memref<1x128x64xi32, #tpu.memory_space<vmem>>
        %dma_start3A_179 = tpu.memref_squeeze %dma_start3A_178 : memref<1x128x64xi32, #tpu.memory_space<vmem>> -> memref<128x64xi32, #tpu.memory_space<vmem>>
        %dma_start3A_180 = arith.constant 0 : i32
        %dma_start3A_181 = tpu.memref_slice %arg6[%add3A_174, %dma_start3A_180] : memref<40x128xi32, #tpu.memory_space<vmem>> -> memref<1x128xi32, #tpu.memory_space<vmem>>
        %dma_start3A_182 = tpu.memref_squeeze %dma_start3A_181 : memref<1x128xi32, #tpu.memory_space<vmem>> -> memref<128xi32, #tpu.memory_space<vmem>>
        %dma_start3A_183 = arith.constant 0 : i32
        %dma_start3A_184 = arith.constant 0 : i32
        %dma_start3A_185 = tpu.memref_slice %arg2[%dma_start3A_183, %dma_start3A_184] : memref<10240x64xi32, #tpu.memory_space<hbm>> -> memref<10240x64xi32, #tpu.memory_space<hbm>>
        tpu.enqueue_indirect_dma source(%dma_start3A_185 : memref<10240x64xi32, #tpu.memory_space<hbm>>) target(%dma_start3A_179 : memref<128x64xi32, #tpu.memory_space<vmem>>) offsets(%dma_start3A_182 : memref<128xi32, #tpu.memory_space<vmem>>) semaphore(%arg12 : memref<!tpu.dma_semaphore, #tpu.memory_space<semaphore_mem>>)
      } else {
      }
      %scan3A_172 = arith.constant 0 : i32
      scf.yield %scan3A_172 : i32
    }
    %scan3A_48 = arith.constant 20 : i32
    %mul3A_49 = arith.constant 80 : i32
    %mul3A_50 = arith.muli %add3A, %mul3A_49 : i32
    %add3A_51 = arith.constant 40 : i32
    %add3A_52 = arith.addi %mul3A_50, %add3A_51 : i32
    "tpu.region"() ({
      %run_scoped3A = tpu.sem_alloc : memref<!tpu.dma_semaphore, #tpu.memory_space<semaphore_mem>>
      %dma_start3A_92 = arith.constant 0 : i32
      %dma_start3A_93 = tpu.memref_slice %arg3[%add3A_52, %dma_start3A_92] : memref<2560x128xi32, #tpu.memory_space<hbm>> -> memref<40x128xi32, #tpu.memory_space<hbm>>
      %dma_start3A_94 = arith.constant 0 : i32
      %dma_start3A_95 = tpu.memref_slice %arg3[%add3A_52, %dma_start3A_94] : memref<2560x128xi32, #tpu.memory_space<hbm>> -> memref<40x128xi32, #tpu.memory_space<hbm>>
      tpu.enqueue_dma source(%dma_start3A_95 : memref<40x128xi32, #tpu.memory_space<hbm>>) target(%arg6 : memref<40x128xi32, #tpu.memory_space<vmem>>) target_semaphore(%run_scoped3A : memref<!tpu.dma_semaphore, #tpu.memory_space<semaphore_mem>>)
      %dma_wait3A = arith.constant 0 : i32
      %dma_wait3A_96 = tpu.memref_slice %arg3[%add3A_52, %dma_wait3A] : memref<2560x128xi32, #tpu.memory_space<hbm>> -> memref<40x128xi32, #tpu.memory_space<hbm>>
      %dma_wait3A_97 = arith.constant 0 : i32
      %dma_wait3A_98 = tpu.memref_slice %arg3[%add3A_52, %dma_wait3A_97] : memref<2560x128xi32, #tpu.memory_space<hbm>> -> memref<40x128xi32, #tpu.memory_space<hbm>>
      tpu.wait_dma2 semaphore(%run_scoped3A : memref<!tpu.dma_semaphore, #tpu.memory_space<semaphore_mem>>) src(%dma_wait3A_98 : memref<40x128xi32, #tpu.memory_space<hbm>>) dst(%arg6 : memref<40x128xi32, #tpu.memory_space<vmem>>)
      tpu.yield
    }) : () -> ()
    "tpu.region"() ({
      %run_scoped3A = tpu.sem_alloc : memref<!tpu.dma_semaphore, #tpu.memory_space<semaphore_mem>>
      %dma_start3A_92 = arith.constant 0 : i32
      %dma_start3A_93 = tpu.memref_slice %arg4[%add3A_52, %dma_start3A_92] : memref<2560x128xi32, #tpu.memory_space<hbm>> -> memref<40x128xi32, #tpu.memory_space<hbm>>
      %dma_start3A_94 = arith.constant 0 : i32
      %dma_start3A_95 = tpu.memref_slice %arg4[%add3A_52, %dma_start3A_94] : memref<2560x128xi32, #tpu.memory_space<hbm>> -> memref<40x128xi32, #tpu.memory_space<hbm>>
      tpu.enqueue_dma source(%dma_start3A_95 : memref<40x128xi32, #tpu.memory_space<hbm>>) target(%arg7 : memref<40x128xi32, #tpu.memory_space<vmem>>) target_semaphore(%run_scoped3A : memref<!tpu.dma_semaphore, #tpu.memory_space<semaphore_mem>>)
      %dma_wait3A = arith.constant 0 : i32
      %dma_wait3A_96 = tpu.memref_slice %arg4[%add3A_52, %dma_wait3A] : memref<2560x128xi32, #tpu.memory_space<hbm>> -> memref<40x128xi32, #tpu.memory_space<hbm>>
      %dma_wait3A_97 = arith.constant 0 : i32
      %dma_wait3A_98 = tpu.memref_slice %arg4[%add3A_52, %dma_wait3A_97] : memref<2560x128xi32, #tpu.memory_space<hbm>> -> memref<40x128xi32, #tpu.memory_space<hbm>>
      tpu.wait_dma2 semaphore(%run_scoped3A : memref<!tpu.dma_semaphore, #tpu.memory_space<semaphore_mem>>) src(%dma_wait3A_98 : memref<40x128xi32, #tpu.memory_space<hbm>>) dst(%arg7 : memref<40x128xi32, #tpu.memory_space<vmem>>)
      tpu.yield
    }) : () -> ()
    %dma_start3A_53 = arith.constant 0 : i32
    %dma_start3A_54 = arith.constant 0 : i32
    %dma_start3A_55 = arith.constant 0 : i32
    %dma_start3A_56 = arith.constant 0 : i32
    %dma_start3A_57 = tpu.memref_slice %arg8[%dma_start3A_54, %dma_start3A_55, %dma_start3A_56] : memref<2x128x64xi32, #tpu.memory_space<vmem>> -> memref<1x128x64xi32, #tpu.memory_space<vmem>>
    %dma_start3A_58 = tpu.memref_squeeze %dma_start3A_57 : memref<1x128x64xi32, #tpu.memory_space<vmem>> -> memref<128x64xi32, #tpu.memory_space<vmem>>
    %dma_start3A_59 = arith.constant 0 : i32
    %dma_start3A_60 = tpu.memref_slice %arg6[%dma_start3A_53, %dma_start3A_59] : memref<40x128xi32, #tpu.memory_space<vmem>> -> memref<1x128xi32, #tpu.memory_space<vmem>>
    %dma_start3A_61 = tpu.memref_squeeze %dma_start3A_60 : memref<1x128xi32, #tpu.memory_space<vmem>> -> memref<128xi32, #tpu.memory_space<vmem>>
    %dma_start3A_62 = arith.constant 0 : i32
    %dma_start3A_63 = arith.constant 0 : i32
    %dma_start3A_64 = tpu.memref_slice %arg2[%dma_start3A_62, %dma_start3A_63] : memref<10240x64xi32, #tpu.memory_space<hbm>> -> memref<10240x64xi32, #tpu.memory_space<hbm>>
    tpu.enqueue_indirect_dma source(%dma_start3A_64 : memref<10240x64xi32, #tpu.memory_space<hbm>>) target(%dma_start3A_58 : memref<128x64xi32, #tpu.memory_space<vmem>>) offsets(%dma_start3A_61 : memref<128xi32, #tpu.memory_space<vmem>>) semaphore(%arg11 : memref<!tpu.dma_semaphore, #tpu.memory_space<semaphore_mem>>)
    %dma_start3A_65 = arith.constant 1 : i32
    %dma_start3A_66 = arith.constant 1 : i32
    %dma_start3A_67 = arith.constant 0 : i32
    %dma_start3A_68 = arith.constant 0 : i32
    %dma_start3A_69 = tpu.memref_slice %arg8[%dma_start3A_66, %dma_start3A_67, %dma_start3A_68] : memref<2x128x64xi32, #tpu.memory_space<vmem>> -> memref<1x128x64xi32, #tpu.memory_space<vmem>>
    %dma_start3A_70 = tpu.memref_squeeze %dma_start3A_69 : memref<1x128x64xi32, #tpu.memory_space<vmem>> -> memref<128x64xi32, #tpu.memory_space<vmem>>
    %dma_start3A_71 = arith.constant 0 : i32
    %dma_start3A_72 = tpu.memref_slice %arg6[%dma_start3A_65, %dma_start3A_71] : memref<40x128xi32, #tpu.memory_space<vmem>> -> memref<1x128xi32, #tpu.memory_space<vmem>>
    %dma_start3A_73 = tpu.memref_squeeze %dma_start3A_72 : memref<1x128xi32, #tpu.memory_space<vmem>> -> memref<128xi32, #tpu.memory_space<vmem>>
    %dma_start3A_74 = arith.constant 0 : i32
    %dma_start3A_75 = arith.constant 0 : i32
    %dma_start3A_76 = tpu.memref_slice %arg2[%dma_start3A_74, %dma_start3A_75] : memref<10240x64xi32, #tpu.memory_space<hbm>> -> memref<10240x64xi32, #tpu.memory_space<hbm>>
    tpu.enqueue_indirect_dma source(%dma_start3A_76 : memref<10240x64xi32, #tpu.memory_space<hbm>>) target(%dma_start3A_70 : memref<128x64xi32, #tpu.memory_space<vmem>>) offsets(%dma_start3A_73 : memref<128xi32, #tpu.memory_space<vmem>>) semaphore(%arg12 : memref<!tpu.dma_semaphore, #tpu.memory_space<semaphore_mem>>)
    %scan3A_77 = arith.constant 0 : i32
    %scan3A_78 = arith.constant 0 : i32
    %scan3A_79 = arith.constant 20 : i32
    %scan3A_80 = arith.addi %scan3A_78, %scan3A_79 : i32
    %scan3A_81 = arith.constant 1 : i32
    %scan3A_82 = scf.for %scan3A_92 = %scan3A_78 to %scan3A_80 step %scan3A_81 iter_args(%scan3A_93 = %scan3A_77) -> (i32)  : i32 {
      %mul3A_94 = arith.constant 2 : i32
      %mul3A_95 = arith.muli %scan3A_92, %mul3A_94 : i32
      %add3A_96 = arith.constant 0 : i32
      %add3A_97 = arith.addi %mul3A_95, %add3A_96 : i32
      %dma_wait3A = arith.constant 0 : i32
      %dma_wait3A_98 = arith.constant 0 : i32
      %dma_wait3A_99 = arith.constant 0 : i32
      %dma_wait3A_100 = tpu.memref_slice %arg8[%dma_wait3A, %dma_wait3A_98, %dma_wait3A_99] : memref<2x128x64xi32, #tpu.memory_space<vmem>> -> memref<1x128x64xi32, #tpu.memory_space<vmem>>
      %dma_wait3A_101 = tpu.memref_squeeze %dma_wait3A_100 : memref<1x128x64xi32, #tpu.memory_space<vmem>> -> memref<128x64xi32, #tpu.memory_space<vmem>>
      %dma_wait3A_102 = arith.constant 0 : i32
      %dma_wait3A_103 = tpu.memref_slice %arg6[%add3A_97, %dma_wait3A_102] : memref<40x128xi32, #tpu.memory_space<vmem>> -> memref<1x128xi32, #tpu.memory_space<vmem>>
      %dma_wait3A_104 = tpu.memref_squeeze %dma_wait3A_103 : memref<1x128xi32, #tpu.memory_space<vmem>> -> memref<128xi32, #tpu.memory_space<vmem>>
      %dma_wait3A_105 = arith.constant 0 : i32
      %dma_wait3A_106 = arith.constant 0 : i32
      %dma_wait3A_107 = tpu.memref_slice %arg2[%dma_wait3A_105, %dma_wait3A_106] : memref<10240x64xi32, #tpu.memory_space<hbm>> -> memref<10240x64xi32, #tpu.memory_space<hbm>>
      tpu.wait_indirect_dma semaphore(%arg11 : memref<!tpu.dma_semaphore, #tpu.memory_space<semaphore_mem>>) src(%dma_wait3A_107 : memref<10240x64xi32, #tpu.memory_space<hbm>>) dst(%dma_wait3A_101 : memref<128x64xi32, #tpu.memory_space<vmem>>)
      %scan3A_108 = arith.constant 0 : i32
      %scan3A_109 = arith.constant 0 : i32
      %scan3A_110 = arith.constant 128 : i32
      %scan3A_111 = arith.addi %scan3A_109, %scan3A_110 : i32
      %scan3A_112 = arith.constant 1 : i32
      %scan3A_113 = scf.for %scan3A_173 = %scan3A_109 to %scan3A_111 step %scan3A_112 iter_args(%scan3A_174 = %scan3A_108) -> (i32)  : i32 {
        %get3A = arith.constant 0 : i32
        %get3A_175 = arith.index_cast %get3A : i32 to index
        %get3A_176 = arith.index_cast %scan3A_173 : i32 to index
        %get3A_177 = arith.constant 0 : index
        %get3A_178 = tpu.vector_load %arg8[%get3A_175, %get3A_176, %get3A_177] {strides = array<i32>} : memref<2x128x64xi32, #tpu.memory_space<vmem>>, vector<16xi32>,
        %shift_left3A = arith.constant 16 : i32
        %shift_left3A_179 = vector.broadcast %shift_left3A : i32 to vector<16xi32>
        %shift_left3A_180 = arith.shli %get3A_178, %shift_left3A_179 : vector<16xi32>
        %bitcast3A = vector.bitcast %shift_left3A_180 : vector<16xi32> to vector<16xf32>
        %and3A = arith.andi %get3A_178, %broadcast_in_dim3A_14 : vector<16xi32>
        %bitcast3A_181 = vector.bitcast %and3A : vector<16xi32> to vector<16xf32>
        %swap3A = arith.index_cast %scan3A_173 : i32 to index
        %swap3A_182 = arith.constant 0 : index
        %swap3A_183 = tpu.vector_load %arg9[%swap3A, %swap3A_182] {strides = array<i32>} : memref<128x128xf32, #tpu.memory_space<vmem>>, vector<16xf32>,
        tpu.vector_store %arg9[%swap3A, %swap3A_182], %bitcast3A {strides = array<i32>} : memref<128x128xf32, #tpu.memory_space<vmem>>, vector<16xf32>,
        %swap3A_184 = arith.index_cast %scan3A_173 : i32 to index
        %swap3A_185 = arith.constant 16 : index
        %swap3A_186 = tpu.vector_load %arg9[%swap3A_184, %swap3A_185] {strides = array<i32>} : memref<128x128xf32, #tpu.memory_space<vmem>>, vector<16xf32>,
        tpu.vector_store %arg9[%swap3A_184, %swap3A_185], %bitcast3A_181 {strides = array<i32>} : memref<128x128xf32, #tpu.memory_space<vmem>>, vector<16xf32>,
        %get3A_187 = arith.constant 0 : i32
        %get3A_188 = arith.index_cast %get3A_187 : i32 to index
        %get3A_189 = arith.index_cast %scan3A_173 : i32 to index
        %get3A_190 = arith.constant 16 : index
        %get3A_191 = tpu.vector_load %arg8[%get3A_188, %get3A_189, %get3A_190] {strides = array<i32>} : memref<2x128x64xi32, #tpu.memory_space<vmem>>, vector<16xi32>,
        %shift_left3A_192 = arith.constant 16 : i32
        %shift_left3A_193 = vector.broadcast %shift_left3A_192 : i32 to vector<16xi32>
        %shift_left3A_194 = arith.shli %get3A_191, %shift_left3A_193 : vector<16xi32>
        %bitcast3A_195 = vector.bitcast %shift_left3A_194 : vector<16xi32> to vector<16xf32>
        %and3A_196 = arith.andi %get3A_191, %broadcast_in_dim3A_14 : vector<16xi32>
        %bitcast3A_197 = vector.bitcast %and3A_196 : vector<16xi32> to vector<16xf32>
        %swap3A_198 = arith.index_cast %scan3A_173 : i32 to index
        %swap3A_199 = arith.constant 32 : index
        %swap3A_200 = tpu.vector_load %arg9[%swap3A_198, %swap3A_199] {strides = array<i32>} : memref<128x128xf32, #tpu.memory_space<vmem>>, vector<16xf32>,
        tpu.vector_store %arg9[%swap3A_198, %swap3A_199], %bitcast3A_195 {strides = array<i32>} : memref<128x128xf32, #tpu.memory_space<vmem>>, vector<16xf32>,
        %swap3A_201 = arith.index_cast %scan3A_173 : i32 to index
        %swap3A_202 = arith.constant 48 : index
        %swap3A_203 = tpu.vector_load %arg9[%swap3A_201, %swap3A_202] {strides = array<i32>} : memref<128x128xf32, #tpu.memory_space<vmem>>, vector<16xf32>,
        tpu.vector_store %arg9[%swap3A_201, %swap3A_202], %bitcast3A_197 {strides = array<i32>} : memref<128x128xf32, #tpu.memory_space<vmem>>, vector<16xf32>,
        %get3A_204 = arith.constant 0 : i32
        %get3A_205 = arith.index_cast %get3A_204 : i32 to index
        %get3A_206 = arith.index_cast %scan3A_173 : i32 to index
        %get3A_207 = arith.constant 32 : index
        %get3A_208 = tpu.vector_load %arg8[%get3A_205, %get3A_206, %get3A_207] {strides = array<i32>} : memref<2x128x64xi32, #tpu.memory_space<vmem>>, vector<16xi32>,
        %shift_left3A_209 = arith.constant 16 : i32
        %shift_left3A_210 = vector.broadcast %shift_left3A_209 : i32 to vector<16xi32>
        %shift_left3A_211 = arith.shli %get3A_208, %shift_left3A_210 : vector<16xi32>
        %bitcast3A_212 = vector.bitcast %shift_left3A_211 : vector<16xi32> to vector<16xf32>
        %and3A_213 = arith.andi %get3A_208, %broadcast_in_dim3A_14 : vector<16xi32>
        %bitcast3A_214 = vector.bitcast %and3A_213 : vector<16xi32> to vector<16xf32>
        %swap3A_215 = arith.index_cast %scan3A_173 : i32 to index
        %swap3A_216 = arith.constant 64 : index
        %swap3A_217 = tpu.vector_load %arg9[%swap3A_215, %swap3A_216] {strides = array<i32>} : memref<128x128xf32, #tpu.memory_space<vmem>>, vector<16xf32>,
        tpu.vector_store %arg9[%swap3A_215, %swap3A_216], %bitcast3A_212 {strides = array<i32>} : memref<128x128xf32, #tpu.memory_space<vmem>>, vector<16xf32>,
        %swap3A_218 = arith.index_cast %scan3A_173 : i32 to index
        %swap3A_219 = arith.constant 80 : index
        %swap3A_220 = tpu.vector_load %arg9[%swap3A_218, %swap3A_219] {strides = array<i32>} : memref<128x128xf32, #tpu.memory_space<vmem>>, vector<16xf32>,
        tpu.vector_store %arg9[%swap3A_218, %swap3A_219], %bitcast3A_214 {strides = array<i32>} : memref<128x128xf32, #tpu.memory_space<vmem>>, vector<16xf32>,
        %get3A_221 = arith.constant 0 : i32
        %get3A_222 = arith.index_cast %get3A_221 : i32 to index
        %get3A_223 = arith.index_cast %scan3A_173 : i32 to index
        %get3A_224 = arith.constant 48 : index
        %get3A_225 = tpu.vector_load %arg8[%get3A_222, %get3A_223, %get3A_224] {strides = array<i32>} : memref<2x128x64xi32, #tpu.memory_space<vmem>>, vector<16xi32>,
        %shift_left3A_226 = arith.constant 16 : i32
        %shift_left3A_227 = vector.broadcast %shift_left3A_226 : i32 to vector<16xi32>
        %shift_left3A_228 = arith.shli %get3A_225, %shift_left3A_227 : vector<16xi32>
        %bitcast3A_229 = vector.bitcast %shift_left3A_228 : vector<16xi32> to vector<16xf32>
        %and3A_230 = arith.andi %get3A_225, %broadcast_in_dim3A_14 : vector<16xi32>
        %bitcast3A_231 = vector.bitcast %and3A_230 : vector<16xi32> to vector<16xf32>
        %swap3A_232 = arith.index_cast %scan3A_173 : i32 to index
        %swap3A_233 = arith.constant 96 : index
        %swap3A_234 = tpu.vector_load %arg9[%swap3A_232, %swap3A_233] {strides = array<i32>} : memref<128x128xf32, #tpu.memory_space<vmem>>, vector<16xf32>,
        tpu.vector_store %arg9[%swap3A_232, %swap3A_233], %bitcast3A_229 {strides = array<i32>} : memref<128x128xf32, #tpu.memory_space<vmem>>, vector<16xf32>,
        %swap3A_235 = arith.index_cast %scan3A_173 : i32 to index
        %swap3A_236 = arith.constant 112 : index
        %swap3A_237 = tpu.vector_load %arg9[%swap3A_235, %swap3A_236] {strides = array<i32>} : memref<128x128xf32, #tpu.memory_space<vmem>>, vector<16xf32>,
        tpu.vector_store %arg9[%swap3A_235, %swap3A_236], %bitcast3A_231 {strides = array<i32>} : memref<128x128xf32, #tpu.memory_space<vmem>>, vector<16xf32>,
        %scan3A_238 = arith.constant 0 : i32
        scf.yield %scan3A_238 : i32
      }
      %scan3A_114 = arith.constant 128 : i32
      %dma_start3A_115 = arith.constant 0 : i32
      %dma_start3A_116 = tpu.memref_slice %arg7[%add3A_97, %dma_start3A_115] : memref<40x128xi32, #tpu.memory_space<vmem>> -> memref<1x128xi32, #tpu.memory_space<vmem>>
      %dma_start3A_117 = tpu.memref_squeeze %dma_start3A_116 : memref<1x128xi32, #tpu.memory_space<vmem>> -> memref<128xi32, #tpu.memory_space<vmem>>
      %dma_start3A_118 = arith.constant 0 : i32
      %dma_start3A_119 = arith.constant 0 : i32
      %dma_start3A_120 = tpu.memref_slice %arg10[%dma_start3A_118, %dma_start3A_119] : memref<10240x128xf32, #tpu.memory_space<vmem_shared>> -> memref<10240x128xf32, #tpu.memory_space<vmem_shared>>
      tpu.enqueue_indirect_dma source(%arg9 : memref<128x128xf32, #tpu.memory_space<vmem>>) target(%dma_start3A_120 : memref<10240x128xf32, #tpu.memory_space<vmem_shared>>) offsets(%dma_start3A_117 : memref<128xi32, #tpu.memory_space<vmem>>) semaphore(%arg13 : memref<!tpu.dma_semaphore, #tpu.memory_space<semaphore_mem>>) {add = true}
      %dma_wait3A_121 = arith.constant 0 : i32
      %dma_wait3A_122 = tpu.memref_slice %arg7[%add3A_97, %dma_wait3A_121] : memref<40x128xi32, #tpu.memory_space<vmem>> -> memref<1x128xi32, #tpu.memory_space<vmem>>
      %dma_wait3A_123 = tpu.memref_squeeze %dma_wait3A_122 : memref<1x128xi32, #tpu.memory_space<vmem>> -> memref<128xi32, #tpu.memory_space<vmem>>
      %dma_wait3A_124 = arith.constant 0 : i32
      %dma_wait3A_125 = arith.constant 0 : i32
      %dma_wait3A_126 = tpu.memref_slice %arg10[%dma_wait3A_124, %dma_wait3A_125] : memref<10240x128xf32, #tpu.memory_space<vmem_shared>> -> memref<10240x128xf32, #tpu.memory_space<vmem_shared>>
      tpu.wait_indirect_dma semaphore(%arg13 : memref<!tpu.dma_semaphore, #tpu.memory_space<semaphore_mem>>) src(%arg9 : memref<128x128xf32, #tpu.memory_space<vmem>>) dst(%dma_wait3A_126 : memref<10240x128xf32, #tpu.memory_space<vmem_shared>>)
      %add3A_127 = arith.constant 2 : i32
      %add3A_128 = arith.addi %add3A_97, %add3A_127 : i32
      %lt3A = arith.constant 40 : i32
      %lt3A_129 = arith.cmpi slt, %add3A_128, %lt3A : i32
      %convert_element_type3A = arith.extui %lt3A_129 : i1 to i32
      %cond3A = arith.constant 0 : i32
      %cond3A_130 = arith.cmpi ne, %convert_element_type3A, %cond3A : i32
      scf.if %cond3A_130 {
        %add3A_173 = arith.constant 2 : i32
        %add3A_174 = arith.addi %add3A_97, %add3A_173 : i32
        %dma_start3A_175 = arith.constant 0 : i32
        %dma_start3A_176 = arith.constant 0 : i32
        %dma_start3A_177 = arith.constant 0 : i32
        %dma_start3A_178 = tpu.memref_slice %arg8[%dma_start3A_175, %dma_start3A_176, %dma_start3A_177] : memref<2x128x64xi32, #tpu.memory_space<vmem>> -> memref<1x128x64xi32, #tpu.memory_space<vmem>>
        %dma_start3A_179 = tpu.memref_squeeze %dma_start3A_178 : memref<1x128x64xi32, #tpu.memory_space<vmem>> -> memref<128x64xi32, #tpu.memory_space<vmem>>
        %dma_start3A_180 = arith.constant 0 : i32
        %dma_start3A_181 = tpu.memref_slice %arg6[%add3A_174, %dma_start3A_180] : memref<40x128xi32, #tpu.memory_space<vmem>> -> memref<1x128xi32, #tpu.memory_space<vmem>>
        %dma_start3A_182 = tpu.memref_squeeze %dma_start3A_181 : memref<1x128xi32, #tpu.memory_space<vmem>> -> memref<128xi32, #tpu.memory_space<vmem>>
        %dma_start3A_183 = arith.constant 0 : i32
        %dma_start3A_184 = arith.constant 0 : i32
        %dma_start3A_185 = tpu.memref_slice %arg2[%dma_start3A_183, %dma_start3A_184] : memref<10240x64xi32, #tpu.memory_space<hbm>> -> memref<10240x64xi32, #tpu.memory_space<hbm>>
        tpu.enqueue_indirect_dma source(%dma_start3A_185 : memref<10240x64xi32, #tpu.memory_space<hbm>>) target(%dma_start3A_179 : memref<128x64xi32, #tpu.memory_space<vmem>>) offsets(%dma_start3A_182 : memref<128xi32, #tpu.memory_space<vmem>>) semaphore(%arg11 : memref<!tpu.dma_semaphore, #tpu.memory_space<semaphore_mem>>)
      } else {
      }
      %mul3A_131 = arith.constant 2 : i32
      %mul3A_132 = arith.muli %scan3A_92, %mul3A_131 : i32
      %add3A_133 = arith.constant 1 : i32
      %add3A_134 = arith.addi %mul3A_132, %add3A_133 : i32
      %dma_wait3A_135 = arith.constant 1 : i32
      %dma_wait3A_136 = arith.constant 0 : i32
      %dma_wait3A_137 = arith.constant 0 : i32
      %dma_wait3A_138 = tpu.memref_slice %arg8[%dma_wait3A_135, %dma_wait3A_136, %dma_wait3A_137] : memref<2x128x64xi32, #tpu.memory_space<vmem>> -> memref<1x128x64xi32, #tpu.memory_space<vmem>>
      %dma_wait3A_139 = tpu.memref_squeeze %dma_wait3A_138 : memref<1x128x64xi32, #tpu.memory_space<vmem>> -> memref<128x64xi32, #tpu.memory_space<vmem>>
      %dma_wait3A_140 = arith.constant 0 : i32
      %dma_wait3A_141 = tpu.memref_slice %arg6[%add3A_134, %dma_wait3A_140] : memref<40x128xi32, #tpu.memory_space<vmem>> -> memref<1x128xi32, #tpu.memory_space<vmem>>
      %dma_wait3A_142 = tpu.memref_squeeze %dma_wait3A_141 : memref<1x128xi32, #tpu.memory_space<vmem>> -> memref<128xi32, #tpu.memory_space<vmem>>
      %dma_wait3A_143 = arith.constant 0 : i32
      %dma_wait3A_144 = arith.constant 0 : i32
      %dma_wait3A_145 = tpu.memref_slice %arg2[%dma_wait3A_143, %dma_wait3A_144] : memref<10240x64xi32, #tpu.memory_space<hbm>> -> memref<10240x64xi32, #tpu.memory_space<hbm>>
      tpu.wait_indirect_dma semaphore(%arg12 : memref<!tpu.dma_semaphore, #tpu.memory_space<semaphore_mem>>) src(%dma_wait3A_145 : memref<10240x64xi32, #tpu.memory_space<hbm>>) dst(%dma_wait3A_139 : memref<128x64xi32, #tpu.memory_space<vmem>>)
      %scan3A_146 = arith.constant 0 : i32
      %scan3A_147 = arith.constant 0 : i32
      %scan3A_148 = arith.constant 128 : i32
      %scan3A_149 = arith.addi %scan3A_147, %scan3A_148 : i32
      %scan3A_150 = arith.constant 1 : i32
      %scan3A_151 = scf.for %scan3A_173 = %scan3A_147 to %scan3A_149 step %scan3A_150 iter_args(%scan3A_174 = %scan3A_146) -> (i32)  : i32 {
        %get3A = arith.constant 1 : i32
        %get3A_175 = arith.index_cast %get3A : i32 to index
        %get3A_176 = arith.index_cast %scan3A_173 : i32 to index
        %get3A_177 = arith.constant 0 : index
        %get3A_178 = tpu.vector_load %arg8[%get3A_175, %get3A_176, %get3A_177] {strides = array<i32>} : memref<2x128x64xi32, #tpu.memory_space<vmem>>, vector<16xi32>,
        %shift_left3A = arith.constant 16 : i32
        %shift_left3A_179 = vector.broadcast %shift_left3A : i32 to vector<16xi32>
        %shift_left3A_180 = arith.shli %get3A_178, %shift_left3A_179 : vector<16xi32>
        %bitcast3A = vector.bitcast %shift_left3A_180 : vector<16xi32> to vector<16xf32>
        %and3A = arith.andi %get3A_178, %broadcast_in_dim3A_14 : vector<16xi32>
        %bitcast3A_181 = vector.bitcast %and3A : vector<16xi32> to vector<16xf32>
        %swap3A = arith.index_cast %scan3A_173 : i32 to index
        %swap3A_182 = arith.constant 0 : index
        %swap3A_183 = tpu.vector_load %arg9[%swap3A, %swap3A_182] {strides = array<i32>} : memref<128x128xf32, #tpu.memory_space<vmem>>, vector<16xf32>,
        tpu.vector_store %arg9[%swap3A, %swap3A_182], %bitcast3A {strides = array<i32>} : memref<128x128xf32, #tpu.memory_space<vmem>>, vector<16xf32>,
        %swap3A_184 = arith.index_cast %scan3A_173 : i32 to index
        %swap3A_185 = arith.constant 16 : index
        %swap3A_186 = tpu.vector_load %arg9[%swap3A_184, %swap3A_185] {strides = array<i32>} : memref<128x128xf32, #tpu.memory_space<vmem>>, vector<16xf32>,
        tpu.vector_store %arg9[%swap3A_184, %swap3A_185], %bitcast3A_181 {strides = array<i32>} : memref<128x128xf32, #tpu.memory_space<vmem>>, vector<16xf32>,
        %get3A_187 = arith.constant 1 : i32
        %get3A_188 = arith.index_cast %get3A_187 : i32 to index
        %get3A_189 = arith.index_cast %scan3A_173 : i32 to index
        %get3A_190 = arith.constant 16 : index
        %get3A_191 = tpu.vector_load %arg8[%get3A_188, %get3A_189, %get3A_190] {strides = array<i32>} : memref<2x128x64xi32, #tpu.memory_space<vmem>>, vector<16xi32>,
        %shift_left3A_192 = arith.constant 16 : i32
        %shift_left3A_193 = vector.broadcast %shift_left3A_192 : i32 to vector<16xi32>
        %shift_left3A_194 = arith.shli %get3A_191, %shift_left3A_193 : vector<16xi32>
        %bitcast3A_195 = vector.bitcast %shift_left3A_194 : vector<16xi32> to vector<16xf32>
        %and3A_196 = arith.andi %get3A_191, %broadcast_in_dim3A_14 : vector<16xi32>
        %bitcast3A_197 = vector.bitcast %and3A_196 : vector<16xi32> to vector<16xf32>
        %swap3A_198 = arith.index_cast %scan3A_173 : i32 to index
        %swap3A_199 = arith.constant 32 : index
        %swap3A_200 = tpu.vector_load %arg9[%swap3A_198, %swap3A_199] {strides = array<i32>} : memref<128x128xf32, #tpu.memory_space<vmem>>, vector<16xf32>,
        tpu.vector_store %arg9[%swap3A_198, %swap3A_199], %bitcast3A_195 {strides = array<i32>} : memref<128x128xf32, #tpu.memory_space<vmem>>, vector<16xf32>,
        %swap3A_201 = arith.index_cast %scan3A_173 : i32 to index
        %swap3A_202 = arith.constant 48 : index
        %swap3A_203 = tpu.vector_load %arg9[%swap3A_201, %swap3A_202] {strides = array<i32>} : memref<128x128xf32, #tpu.memory_space<vmem>>, vector<16xf32>,
        tpu.vector_store %arg9[%swap3A_201, %swap3A_202], %bitcast3A_197 {strides = array<i32>} : memref<128x128xf32, #tpu.memory_space<vmem>>, vector<16xf32>,
        %get3A_204 = arith.constant 1 : i32
        %get3A_205 = arith.index_cast %get3A_204 : i32 to index
        %get3A_206 = arith.index_cast %scan3A_173 : i32 to index
        %get3A_207 = arith.constant 32 : index
        %get3A_208 = tpu.vector_load %arg8[%get3A_205, %get3A_206, %get3A_207] {strides = array<i32>} : memref<2x128x64xi32, #tpu.memory_space<vmem>>, vector<16xi32>,
        %shift_left3A_209 = arith.constant 16 : i32
        %shift_left3A_210 = vector.broadcast %shift_left3A_209 : i32 to vector<16xi32>
        %shift_left3A_211 = arith.shli %get3A_208, %shift_left3A_210 : vector<16xi32>
        %bitcast3A_212 = vector.bitcast %shift_left3A_211 : vector<16xi32> to vector<16xf32>
        %and3A_213 = arith.andi %get3A_208, %broadcast_in_dim3A_14 : vector<16xi32>
        %bitcast3A_214 = vector.bitcast %and3A_213 : vector<16xi32> to vector<16xf32>
        %swap3A_215 = arith.index_cast %scan3A_173 : i32 to index
        %swap3A_216 = arith.constant 64 : index
        %swap3A_217 = tpu.vector_load %arg9[%swap3A_215, %swap3A_216] {strides = array<i32>} : memref<128x128xf32, #tpu.memory_space<vmem>>, vector<16xf32>,
        tpu.vector_store %arg9[%swap3A_215, %swap3A_216], %bitcast3A_212 {strides = array<i32>} : memref<128x128xf32, #tpu.memory_space<vmem>>, vector<16xf32>,
        %swap3A_218 = arith.index_cast %scan3A_173 : i32 to index
        %swap3A_219 = arith.constant 80 : index
        %swap3A_220 = tpu.vector_load %arg9[%swap3A_218, %swap3A_219] {strides = array<i32>} : memref<128x128xf32, #tpu.memory_space<vmem>>, vector<16xf32>,
        tpu.vector_store %arg9[%swap3A_218, %swap3A_219], %bitcast3A_214 {strides = array<i32>} : memref<128x128xf32, #tpu.memory_space<vmem>>, vector<16xf32>,
        %get3A_221 = arith.constant 1 : i32
        %get3A_222 = arith.index_cast %get3A_221 : i32 to index
        %get3A_223 = arith.index_cast %scan3A_173 : i32 to index
        %get3A_224 = arith.constant 48 : index
        %get3A_225 = tpu.vector_load %arg8[%get3A_222, %get3A_223, %get3A_224] {strides = array<i32>} : memref<2x128x64xi32, #tpu.memory_space<vmem>>, vector<16xi32>,
        %shift_left3A_226 = arith.constant 16 : i32
        %shift_left3A_227 = vector.broadcast %shift_left3A_226 : i32 to vector<16xi32>
        %shift_left3A_228 = arith.shli %get3A_225, %shift_left3A_227 : vector<16xi32>
        %bitcast3A_229 = vector.bitcast %shift_left3A_228 : vector<16xi32> to vector<16xf32>
        %and3A_230 = arith.andi %get3A_225, %broadcast_in_dim3A_14 : vector<16xi32>
        %bitcast3A_231 = vector.bitcast %and3A_230 : vector<16xi32> to vector<16xf32>
        %swap3A_232 = arith.index_cast %scan3A_173 : i32 to index
        %swap3A_233 = arith.constant 96 : index
        %swap3A_234 = tpu.vector_load %arg9[%swap3A_232, %swap3A_233] {strides = array<i32>} : memref<128x128xf32, #tpu.memory_space<vmem>>, vector<16xf32>,
        tpu.vector_store %arg9[%swap3A_232, %swap3A_233], %bitcast3A_229 {strides = array<i32>} : memref<128x128xf32, #tpu.memory_space<vmem>>, vector<16xf32>,
        %swap3A_235 = arith.index_cast %scan3A_173 : i32 to index
        %swap3A_236 = arith.constant 112 : index
        %swap3A_237 = tpu.vector_load %arg9[%swap3A_235, %swap3A_236] {strides = array<i32>} : memref<128x128xf32, #tpu.memory_space<vmem>>, vector<16xf32>,
        tpu.vector_store %arg9[%swap3A_235, %swap3A_236], %bitcast3A_231 {strides = array<i32>} : memref<128x128xf32, #tpu.memory_space<vmem>>, vector<16xf32>,
        %scan3A_238 = arith.constant 0 : i32
        scf.yield %scan3A_238 : i32
      }
      %scan3A_152 = arith.constant 128 : i32
      %dma_start3A_153 = arith.constant 0 : i32
      %dma_start3A_154 = tpu.memref_slice %arg7[%add3A_134, %dma_start3A_153] : memref<40x128xi32, #tpu.memory_space<vmem>> -> memref<1x128xi32, #tpu.memory_space<vmem>>
      %dma_start3A_155 = tpu.memref_squeeze %dma_start3A_154 : memref<1x128xi32, #tpu.memory_space<vmem>> -> memref<128xi32, #tpu.memory_space<vmem>>
      %dma_start3A_156 = arith.constant 0 : i32
      %dma_start3A_157 = arith.constant 0 : i32
      %dma_start3A_158 = tpu.memref_slice %arg10[%dma_start3A_156, %dma_start3A_157] : memref<10240x128xf32, #tpu.memory_space<vmem_shared>> -> memref<10240x128xf32, #tpu.memory_space<vmem_shared>>
      tpu.enqueue_indirect_dma source(%arg9 : memref<128x128xf32, #tpu.memory_space<vmem>>) target(%dma_start3A_158 : memref<10240x128xf32, #tpu.memory_space<vmem_shared>>) offsets(%dma_start3A_155 : memref<128xi32, #tpu.memory_space<vmem>>) semaphore(%arg13 : memref<!tpu.dma_semaphore, #tpu.memory_space<semaphore_mem>>) {add = true}
      %dma_wait3A_159 = arith.constant 0 : i32
      %dma_wait3A_160 = tpu.memref_slice %arg7[%add3A_134, %dma_wait3A_159] : memref<40x128xi32, #tpu.memory_space<vmem>> -> memref<1x128xi32, #tpu.memory_space<vmem>>
      %dma_wait3A_161 = tpu.memref_squeeze %dma_wait3A_160 : memref<1x128xi32, #tpu.memory_space<vmem>> -> memref<128xi32, #tpu.memory_space<vmem>>
      %dma_wait3A_162 = arith.constant 0 : i32
      %dma_wait3A_163 = arith.constant 0 : i32
      %dma_wait3A_164 = tpu.memref_slice %arg10[%dma_wait3A_162, %dma_wait3A_163] : memref<10240x128xf32, #tpu.memory_space<vmem_shared>> -> memref<10240x128xf32, #tpu.memory_space<vmem_shared>>
      tpu.wait_indirect_dma semaphore(%arg13 : memref<!tpu.dma_semaphore, #tpu.memory_space<semaphore_mem>>) src(%arg9 : memref<128x128xf32, #tpu.memory_space<vmem>>) dst(%dma_wait3A_164 : memref<10240x128xf32, #tpu.memory_space<vmem_shared>>)
      %add3A_165 = arith.constant 2 : i32
      %add3A_166 = arith.addi %add3A_134, %add3A_165 : i32
      %lt3A_167 = arith.constant 40 : i32
      %lt3A_168 = arith.cmpi slt, %add3A_166, %lt3A_167 : i32
      %convert_element_type3A_169 = arith.extui %lt3A_168 : i1 to i32
      %cond3A_170 = arith.constant 0 : i32
      %cond3A_171 = arith.cmpi ne, %convert_element_type3A_169, %cond3A_170 : i32
      scf.if %cond3A_171 {
        %add3A_173 = arith.constant 2 : i32
        %add3A_174 = arith.addi %add3A_134, %add3A_173 : i32
        %dma_start3A_175 = arith.constant 1 : i32
        %dma_start3A_176 = arith.constant 0 : i32
        %dma_start3A_177 = arith.constant 0 : i32
        %dma_start3A_178 = tpu.memref_slice %arg8[%dma_start3A_175, %dma_start3A_176, %dma_start3A_177] : memref<2x128x64xi32, #tpu.memory_space<vmem>> -> memref<1x128x64xi32, #tpu.memory_space<vmem>>
        %dma_start3A_179 = tpu.memref_squeeze %dma_start3A_178 : memref<1x128x64xi32, #tpu.memory_space<vmem>> -> memref<128x64xi32, #tpu.memory_space<vmem>>
        %dma_start3A_180 = arith.constant 0 : i32
        %dma_start3A_181 = tpu.memref_slice %arg6[%add3A_174, %dma_start3A_180] : memref<40x128xi32, #tpu.memory_space<vmem>> -> memref<1x128xi32, #tpu.memory_space<vmem>>
        %dma_start3A_182 = tpu.memref_squeeze %dma_start3A_181 : memref<1x128xi32, #tpu.memory_space<vmem>> -> memref<128xi32, #tpu.memory_space<vmem>>
        %dma_start3A_183 = arith.constant 0 : i32
        %dma_start3A_184 = arith.constant 0 : i32
        %dma_start3A_185 = tpu.memref_slice %arg2[%dma_start3A_183, %dma_start3A_184] : memref<10240x64xi32, #tpu.memory_space<hbm>> -> memref<10240x64xi32, #tpu.memory_space<hbm>>
        tpu.enqueue_indirect_dma source(%dma_start3A_185 : memref<10240x64xi32, #tpu.memory_space<hbm>>) target(%dma_start3A_179 : memref<128x64xi32, #tpu.memory_space<vmem>>) offsets(%dma_start3A_182 : memref<128xi32, #tpu.memory_space<vmem>>) semaphore(%arg12 : memref<!tpu.dma_semaphore, #tpu.memory_space<semaphore_mem>>)
      } else {
      }
      %scan3A_172 = arith.constant 0 : i32
      scf.yield %scan3A_172 : i32
    }
    %scan3A_83 = arith.constant 20 : i32
    %barrier3A_84 = arith.constant 0 : index
    tpu.barrier barrier_id(%barrier3A_84)
    %scan3A_85 = arith.constant 0 : i32
    %scan3A_86 = arith.constant 0 : i32
    %scan3A_87 = arith.constant 5 : i32
    %scan3A_88 = arith.addi %scan3A_86, %scan3A_87 : i32
    %scan3A_89 = arith.constant 1 : i32
    %scan3A_90 = scf.for %scan3A_92 = %scan3A_86 to %scan3A_88 step %scan3A_89 iter_args(%scan3A_93 = %scan3A_85) -> (i32)  : i32 {
      %mul3A_94 = arith.constant 640 : i32
      %mul3A_95 = arith.muli %arg1, %mul3A_94 : i32
      %mul3A_96 = arith.constant 128 : i32
      %mul3A_97 = arith.muli %scan3A_92, %mul3A_96 : i32
      %add3A_98 = arith.addi %mul3A_95, %mul3A_97 : i32
      "tpu.region"() ({
        %run_scoped3A = tpu.sem_alloc : memref<!tpu.dma_semaphore, #tpu.memory_space<semaphore_mem>>
        %dma_start3A_108 = arith.constant 0 : i32
        %dma_start3A_109 = tpu.memref_slice %arg10[%add3A_98, %dma_start3A_108] : memref<10240x128xf32, #tpu.memory_space<vmem_shared>> -> memref<128x128xf32, #tpu.memory_space<vmem_shared>>
        %dma_start3A_110 = arith.constant 0 : i32
        %dma_start3A_111 = tpu.memref_slice %arg10[%add3A_98, %dma_start3A_110] : memref<10240x128xf32, #tpu.memory_space<vmem_shared>> -> memref<128x128xf32, #tpu.memory_space<vmem_shared>>
        tpu.enqueue_dma source(%dma_start3A_111 : memref<128x128xf32, #tpu.memory_space<vmem_shared>>) target(%arg9 : memref<128x128xf32, #tpu.memory_space<vmem>>) target_semaphore(%run_scoped3A : memref<!tpu.dma_semaphore, #tpu.memory_space<semaphore_mem>>)
        %dma_wait3A = arith.constant 0 : i32
        %dma_wait3A_112 = tpu.memref_slice %arg10[%add3A_98, %dma_wait3A] : memref<10240x128xf32, #tpu.memory_space<vmem_shared>> -> memref<128x128xf32, #tpu.memory_space<vmem_shared>>
        %dma_wait3A_113 = arith.constant 0 : i32
        %dma_wait3A_114 = tpu.memref_slice %arg10[%add3A_98, %dma_wait3A_113] : memref<10240x128xf32, #tpu.memory_space<vmem_shared>> -> memref<128x128xf32, #tpu.memory_space<vmem_shared>>
        tpu.wait_dma2 semaphore(%run_scoped3A : memref<!tpu.dma_semaphore, #tpu.memory_space<semaphore_mem>>) src(%dma_wait3A_114 : memref<128x128xf32, #tpu.memory_space<vmem_shared>>) dst(%arg9 : memref<128x128xf32, #tpu.memory_space<vmem>>)
        tpu.yield
      }) : () -> ()
      %mul3A_99 = arith.constant 10240 : i32
      %mul3A_100 = arith.muli %arg0, %mul3A_99 : i32
      %mul3A_101 = arith.constant 640 : i32
      %mul3A_102 = arith.muli %arg1, %mul3A_101 : i32
      %add3A_103 = arith.addi %mul3A_100, %mul3A_102 : i32
      %mul3A_104 = arith.constant 128 : i32
      %mul3A_105 = arith.muli %scan3A_92, %mul3A_104 : i32
      %add3A_106 = arith.addi %add3A_103, %mul3A_105 : i32
      "tpu.region"() ({
        %run_scoped3A = tpu.sem_alloc : memref<!tpu.dma_semaphore, #tpu.memory_space<semaphore_mem>>
        %dma_start3A_108 = arith.constant 0 : i32
        %dma_start3A_109 = tpu.memref_slice %arg5[%add3A_106, %dma_start3A_108] : memref<20480x128xf32, #tpu.memory_space<hbm>> -> memref<128x128xf32, #tpu.memory_space<hbm>>
        %dma_start3A_110 = arith.constant 0 : i32
        %dma_start3A_111 = tpu.memref_slice %arg5[%add3A_106, %dma_start3A_110] : memref<20480x128xf32, #tpu.memory_space<hbm>> -> memref<128x128xf32, #tpu.memory_space<hbm>>
        tpu.enqueue_dma source(%arg9 : memref<128x128xf32, #tpu.memory_space<vmem>>) target(%dma_start3A_111 : memref<128x128xf32, #tpu.memory_space<hbm>>) target_semaphore(%run_scoped3A : memref<!tpu.dma_semaphore, #tpu.memory_space<semaphore_mem>>)
        %dma_wait3A = arith.constant 0 : i32
        %dma_wait3A_112 = tpu.memref_slice %arg5[%add3A_106, %dma_wait3A] : memref<20480x128xf32, #tpu.memory_space<hbm>> -> memref<128x128xf32, #tpu.memory_space<hbm>>
        %dma_wait3A_113 = arith.constant 0 : i32
        %dma_wait3A_114 = tpu.memref_slice %arg5[%add3A_106, %dma_wait3A_113] : memref<20480x128xf32, #tpu.memory_space<hbm>> -> memref<128x128xf32, #tpu.memory_space<hbm>>
        tpu.wait_dma2 semaphore(%run_scoped3A : memref<!tpu.dma_semaphore, #tpu.memory_space<semaphore_mem>>) src(%arg9 : memref<128x128xf32, #tpu.memory_space<vmem>>) dst(%dma_wait3A_114 : memref<128x128xf32, #tpu.memory_space<hbm>>)
        tpu.yield
      }) : () -> ()
      %scan3A_107 = arith.constant 0 : i32
      scf.yield %scan3A_107 : i32
    }
    %scan3A_91 = arith.constant 5 : i32
    return
  }
}

module attributes {stable_mosaic.version = 14 : i64} {
  func.func @_tc_a_body(%arg0: i32, %arg1: memref<1024x128xf32, #tpu.memory_space<vmem>>, %arg2: memref<128x128xf32, #tpu.memory_space<vmem>>, %arg3: memref<32x8x128xf32, #tpu.memory_space<vmem>>, %arg4: memref<1024x128xf32, #tpu.memory_space<vmem>>, %arg5: memref<1024x1xf32, #tpu.memory_space<vmem>>, %arg6: memref<1024x64xi32, #tpu.memory_space<vmem>>) attributes {dimension_semantics = [#tpu.dimension_semantics<arbitrary>], iteration_bounds = array<i64: 10>, scalar_prefetch = 0 : i64, scratch_operands = 0 : i64, tpu.core_type = #tpu.core_type<tc>, window_params = [{transform_indices = @transform_0, window_bounds = array<i64: 1024, 128>}, {pipeline_mode = #tpu.pipeline_mode<synchronous>, transform_indices = @transform_1, window_bounds = array<i64: 128, 128>}, {transform_indices = @transform_2, window_bounds = array<i64: 32, 8, 128>}, {transform_indices = @transform_3, window_bounds = array<i64: 1024, 128>}, {transform_indices = @transform_4, window_bounds = array<i64: 1024, 1>}, {transform_indices = @transform_5, window_bounds = array<i64: 1024, 64>}]} {
    %get3A = arith.constant 0 : index
    %get3A_0 = arith.constant 0 : index
    %get3A_1 = arith.constant 0 : index
    %get3A_2 = vector.load %arg3[%get3A, %get3A_0, %get3A_1] : memref<32x8x128xf32, #tpu.memory_space<vmem>>, vector<32x8x128xf32>
    %reduce_sum3A = arith.constant dense<0.000000e+00> : vector<8x128xf32>
    %reduce_sum3A_3 = vector.multi_reduction <add>, %get3A_2, %reduce_sum3A [0] : vector<32x8x128xf32> to vector<8x128xf32>
    %add3A = arith.constant 1.000000e+00 : f32
    %add3A_4 = vector.broadcast %add3A : f32 to vector<8x128xf32>
    %add3A_5 = arith.addf %reduce_sum3A_3, %add3A_4 : vector<8x128xf32>
    %rsqrt3A = math.rsqrt %add3A_5 : vector<8x128xf32>
    %transpose3A = tpu.transpose %rsqrt3A, [1, 0] : vector<8x128xf32> -> vector<128x8xf32>
    %get3A_6 = arith.constant 0 : index
    %get3A_7 = arith.constant 0 : index
    %get3A_8 = vector.load %arg1[%get3A_6, %get3A_7] : memref<1024x128xf32, #tpu.memory_space<vmem>>, vector<1024x128xf32>
    %get3A_9 = arith.constant 0 : index
    %get3A_10 = arith.constant 0 : index
    %get3A_11 = vector.load %arg2[%get3A_9, %get3A_10] : memref<128x128xf32, #tpu.memory_space<vmem>>, vector<128x128xf32>
    %dot_general3A = arith.constant dense<0.000000e+00> : vector<1024x128xf32>
    %dot_general3A_12 = tpu.matmul %get3A_8, %get3A_11, %dot_general3A {dimension_numbers = #tpu.dot_dimension_numbers<[1], [0], [0], [1], [0, 0, 1, 1], [], []>, transpose_lhs_hint = false} : vector<1024x128xf32>, vector<128x128xf32>, vector<1024x128xf32> -> vector<1024x128xf32>
    %slice3A = vector.extract_strided_slice %transpose3A {offsets = [0, 0], sizes = [128, 1], strides = [1, 1]} : vector<128x8xf32> to vector<128x1xf32>
    %slice3A_13 = vector.extract_strided_slice %dot_general3A_12 {offsets = [0, 0], sizes = [128, 128], strides = [1, 1]} : vector<1024x128xf32> to vector<128x128xf32>
    %mul3A = vector.broadcast %slice3A : vector<128x1xf32> to vector<128x128xf32>
    %mul3A_14 = arith.mulf %mul3A, %slice3A_13 : vector<128x128xf32>
    %swap3A = arith.constant 0 : index
    %swap3A_15 = arith.constant 0 : index
    %swap3A_16 = vector.load %arg4[%swap3A, %swap3A_15] : memref<1024x128xf32, #tpu.memory_space<vmem>>, vector<128x128xf32>
    tpu.vector_store %arg4[%swap3A, %swap3A_15], %mul3A_14 {strides = array<i32>} : memref<1024x128xf32, #tpu.memory_space<vmem>>, vector<128x128xf32>,
    %slice3A_17 = vector.extract_strided_slice %mul3A_14 {offsets = [0, 0], sizes = [128, 16], strides = [1, 1]} : vector<128x128xf32> to vector<128x16xf32>
    %slice3A_18 = vector.extract_strided_slice %mul3A_14 {offsets = [0, 32], sizes = [128, 16], strides = [1, 1]} : vector<128x128xf32> to vector<128x16xf32>
    %slice3A_19 = vector.extract_strided_slice %mul3A_14 {offsets = [0, 64], sizes = [128, 16], strides = [1, 1]} : vector<128x128xf32> to vector<128x16xf32>
    %slice3A_20 = vector.extract_strided_slice %mul3A_14 {offsets = [0, 96], sizes = [128, 16], strides = [1, 1]} : vector<128x128xf32> to vector<128x16xf32>
    %concatenate3A = tpu.concatenate %slice3A_17, %slice3A_18, %slice3A_19, %slice3A_20 in 1 : vector<128x16xf32>, vector<128x16xf32>, vector<128x16xf32>, vector<128x16xf32> -> vector<128x64xf32>
    %slice3A_21 = vector.extract_strided_slice %mul3A_14 {offsets = [0, 16], sizes = [128, 16], strides = [1, 1]} : vector<128x128xf32> to vector<128x16xf32>
    %slice3A_22 = vector.extract_strided_slice %mul3A_14 {offsets = [0, 48], sizes = [128, 16], strides = [1, 1]} : vector<128x128xf32> to vector<128x16xf32>
    %slice3A_23 = vector.extract_strided_slice %mul3A_14 {offsets = [0, 80], sizes = [128, 16], strides = [1, 1]} : vector<128x128xf32> to vector<128x16xf32>
    %slice3A_24 = vector.extract_strided_slice %mul3A_14 {offsets = [0, 112], sizes = [128, 16], strides = [1, 1]} : vector<128x128xf32> to vector<128x16xf32>
    %concatenate3A_25 = tpu.concatenate %slice3A_21, %slice3A_22, %slice3A_23, %slice3A_24 in 1 : vector<128x16xf32>, vector<128x16xf32>, vector<128x16xf32>, vector<128x16xf32> -> vector<128x64xf32>
    %convert_element_type3A = arith.truncf %concatenate3A : vector<128x64xf32> to vector<128x64xbf16>
    %bitcast_convert_type3A = tpu.bitcast %convert_element_type3A : vector<128x64xbf16> -> vector<128x64xi16>
    %convert_element_type3A_26 = arith.truncf %concatenate3A_25 : vector<128x64xf32> to vector<128x64xbf16>
    %bitcast_convert_type3A_27 = tpu.bitcast %convert_element_type3A_26 : vector<128x64xbf16> -> vector<128x64xi16>
    %convert_element_type3A_28 = arith.extui %bitcast_convert_type3A : vector<128x64xi16> to vector<128x64xi32>
    %convert_element_type3A_29 = arith.extui %bitcast_convert_type3A_27 : vector<128x64xi16> to vector<128x64xi32>
    %shift_left3A = arith.constant 16 : i32
    %shift_left3A_30 = vector.broadcast %shift_left3A : i32 to vector<128x64xi32>
    %shift_left3A_31 = arith.shli %convert_element_type3A_29, %shift_left3A_30 : vector<128x64xi32>
    %or3A = arith.ori %convert_element_type3A_28, %shift_left3A_31 : vector<128x64xi32>
    %bitcast_convert_type3A_32 = tpu.bitcast %or3A : vector<128x64xi32> -> vector<128x64xi32>
    %swap3A_33 = arith.constant 0 : index
    %swap3A_34 = arith.constant 0 : index
    %swap3A_35 = vector.load %arg6[%swap3A_33, %swap3A_34] : memref<1024x64xi32, #tpu.memory_space<vmem>>, vector<128x64xi32>
    tpu.vector_store %arg6[%swap3A_33, %swap3A_34], %bitcast_convert_type3A_32 {strides = array<i32>} : memref<1024x64xi32, #tpu.memory_space<vmem>>, vector<128x64xi32>,
    %swap3A_36 = arith.constant 0 : index
    %swap3A_37 = arith.constant 0 : index
    %swap3A_38 = vector.load %arg5[%swap3A_36, %swap3A_37] : memref<1024x1xf32, #tpu.memory_space<vmem>>, vector<128x1xf32>
    tpu.vector_store %arg5[%swap3A_36, %swap3A_37], %slice3A {strides = array<i32>} : memref<1024x1xf32, #tpu.memory_space<vmem>>, vector<128x1xf32>,
    %slice3A_39 = vector.extract_strided_slice %transpose3A {offsets = [0, 1], sizes = [128, 1], strides = [1, 1]} : vector<128x8xf32> to vector<128x1xf32>
    %slice3A_40 = vector.extract_strided_slice %dot_general3A_12 {offsets = [128, 0], sizes = [128, 128], strides = [1, 1]} : vector<1024x128xf32> to vector<128x128xf32>
    %mul3A_41 = vector.broadcast %slice3A_39 : vector<128x1xf32> to vector<128x128xf32>
    %mul3A_42 = arith.mulf %mul3A_41, %slice3A_40 : vector<128x128xf32>
    %swap3A_43 = arith.constant 128 : index
    %swap3A_44 = arith.constant 0 : index
    %swap3A_45 = vector.load %arg4[%swap3A_43, %swap3A_44] : memref<1024x128xf32, #tpu.memory_space<vmem>>, vector<128x128xf32>
    tpu.vector_store %arg4[%swap3A_43, %swap3A_44], %mul3A_42 {strides = array<i32>} : memref<1024x128xf32, #tpu.memory_space<vmem>>, vector<128x128xf32>,
    %slice3A_46 = vector.extract_strided_slice %mul3A_42 {offsets = [0, 0], sizes = [128, 16], strides = [1, 1]} : vector<128x128xf32> to vector<128x16xf32>
    %slice3A_47 = vector.extract_strided_slice %mul3A_42 {offsets = [0, 32], sizes = [128, 16], strides = [1, 1]} : vector<128x128xf32> to vector<128x16xf32>
    %slice3A_48 = vector.extract_strided_slice %mul3A_42 {offsets = [0, 64], sizes = [128, 16], strides = [1, 1]} : vector<128x128xf32> to vector<128x16xf32>
    %slice3A_49 = vector.extract_strided_slice %mul3A_42 {offsets = [0, 96], sizes = [128, 16], strides = [1, 1]} : vector<128x128xf32> to vector<128x16xf32>
    %concatenate3A_50 = tpu.concatenate %slice3A_46, %slice3A_47, %slice3A_48, %slice3A_49 in 1 : vector<128x16xf32>, vector<128x16xf32>, vector<128x16xf32>, vector<128x16xf32> -> vector<128x64xf32>
    %slice3A_51 = vector.extract_strided_slice %mul3A_42 {offsets = [0, 16], sizes = [128, 16], strides = [1, 1]} : vector<128x128xf32> to vector<128x16xf32>
    %slice3A_52 = vector.extract_strided_slice %mul3A_42 {offsets = [0, 48], sizes = [128, 16], strides = [1, 1]} : vector<128x128xf32> to vector<128x16xf32>
    %slice3A_53 = vector.extract_strided_slice %mul3A_42 {offsets = [0, 80], sizes = [128, 16], strides = [1, 1]} : vector<128x128xf32> to vector<128x16xf32>
    %slice3A_54 = vector.extract_strided_slice %mul3A_42 {offsets = [0, 112], sizes = [128, 16], strides = [1, 1]} : vector<128x128xf32> to vector<128x16xf32>
    %concatenate3A_55 = tpu.concatenate %slice3A_51, %slice3A_52, %slice3A_53, %slice3A_54 in 1 : vector<128x16xf32>, vector<128x16xf32>, vector<128x16xf32>, vector<128x16xf32> -> vector<128x64xf32>
    %convert_element_type3A_56 = arith.truncf %concatenate3A_50 : vector<128x64xf32> to vector<128x64xbf16>
    %bitcast_convert_type3A_57 = tpu.bitcast %convert_element_type3A_56 : vector<128x64xbf16> -> vector<128x64xi16>
    %convert_element_type3A_58 = arith.truncf %concatenate3A_55 : vector<128x64xf32> to vector<128x64xbf16>
    %bitcast_convert_type3A_59 = tpu.bitcast %convert_element_type3A_58 : vector<128x64xbf16> -> vector<128x64xi16>
    %convert_element_type3A_60 = arith.extui %bitcast_convert_type3A_57 : vector<128x64xi16> to vector<128x64xi32>
    %convert_element_type3A_61 = arith.extui %bitcast_convert_type3A_59 : vector<128x64xi16> to vector<128x64xi32>
    %shift_left3A_62 = arith.constant 16 : i32
    %shift_left3A_63 = vector.broadcast %shift_left3A_62 : i32 to vector<128x64xi32>
    %shift_left3A_64 = arith.shli %convert_element_type3A_61, %shift_left3A_63 : vector<128x64xi32>
    %or3A_65 = arith.ori %convert_element_type3A_60, %shift_left3A_64 : vector<128x64xi32>
    %bitcast_convert_type3A_66 = tpu.bitcast %or3A_65 : vector<128x64xi32> -> vector<128x64xi32>
    %swap3A_67 = arith.constant 128 : index
    %swap3A_68 = arith.constant 0 : index
    %swap3A_69 = vector.load %arg6[%swap3A_67, %swap3A_68] : memref<1024x64xi32, #tpu.memory_space<vmem>>, vector<128x64xi32>
    tpu.vector_store %arg6[%swap3A_67, %swap3A_68], %bitcast_convert_type3A_66 {strides = array<i32>} : memref<1024x64xi32, #tpu.memory_space<vmem>>, vector<128x64xi32>,
    %swap3A_70 = arith.constant 128 : index
    %swap3A_71 = arith.constant 0 : index
    %swap3A_72 = vector.load %arg5[%swap3A_70, %swap3A_71] : memref<1024x1xf32, #tpu.memory_space<vmem>>, vector<128x1xf32>
    tpu.vector_store %arg5[%swap3A_70, %swap3A_71], %slice3A_39 {strides = array<i32>} : memref<1024x1xf32, #tpu.memory_space<vmem>>, vector<128x1xf32>,
    %slice3A_73 = vector.extract_strided_slice %transpose3A {offsets = [0, 2], sizes = [128, 1], strides = [1, 1]} : vector<128x8xf32> to vector<128x1xf32>
    %slice3A_74 = vector.extract_strided_slice %dot_general3A_12 {offsets = [256, 0], sizes = [128, 128], strides = [1, 1]} : vector<1024x128xf32> to vector<128x128xf32>
    %mul3A_75 = vector.broadcast %slice3A_73 : vector<128x1xf32> to vector<128x128xf32>
    %mul3A_76 = arith.mulf %mul3A_75, %slice3A_74 : vector<128x128xf32>
    %swap3A_77 = arith.constant 256 : index
    %swap3A_78 = arith.constant 0 : index
    %swap3A_79 = vector.load %arg4[%swap3A_77, %swap3A_78] : memref<1024x128xf32, #tpu.memory_space<vmem>>, vector<128x128xf32>
    tpu.vector_store %arg4[%swap3A_77, %swap3A_78], %mul3A_76 {strides = array<i32>} : memref<1024x128xf32, #tpu.memory_space<vmem>>, vector<128x128xf32>,
    %slice3A_80 = vector.extract_strided_slice %mul3A_76 {offsets = [0, 0], sizes = [128, 16], strides = [1, 1]} : vector<128x128xf32> to vector<128x16xf32>
    %slice3A_81 = vector.extract_strided_slice %mul3A_76 {offsets = [0, 32], sizes = [128, 16], strides = [1, 1]} : vector<128x128xf32> to vector<128x16xf32>
    %slice3A_82 = vector.extract_strided_slice %mul3A_76 {offsets = [0, 64], sizes = [128, 16], strides = [1, 1]} : vector<128x128xf32> to vector<128x16xf32>
    %slice3A_83 = vector.extract_strided_slice %mul3A_76 {offsets = [0, 96], sizes = [128, 16], strides = [1, 1]} : vector<128x128xf32> to vector<128x16xf32>
    %concatenate3A_84 = tpu.concatenate %slice3A_80, %slice3A_81, %slice3A_82, %slice3A_83 in 1 : vector<128x16xf32>, vector<128x16xf32>, vector<128x16xf32>, vector<128x16xf32> -> vector<128x64xf32>
    %slice3A_85 = vector.extract_strided_slice %mul3A_76 {offsets = [0, 16], sizes = [128, 16], strides = [1, 1]} : vector<128x128xf32> to vector<128x16xf32>
    %slice3A_86 = vector.extract_strided_slice %mul3A_76 {offsets = [0, 48], sizes = [128, 16], strides = [1, 1]} : vector<128x128xf32> to vector<128x16xf32>
    %slice3A_87 = vector.extract_strided_slice %mul3A_76 {offsets = [0, 80], sizes = [128, 16], strides = [1, 1]} : vector<128x128xf32> to vector<128x16xf32>
    %slice3A_88 = vector.extract_strided_slice %mul3A_76 {offsets = [0, 112], sizes = [128, 16], strides = [1, 1]} : vector<128x128xf32> to vector<128x16xf32>
    %concatenate3A_89 = tpu.concatenate %slice3A_85, %slice3A_86, %slice3A_87, %slice3A_88 in 1 : vector<128x16xf32>, vector<128x16xf32>, vector<128x16xf32>, vector<128x16xf32> -> vector<128x64xf32>
    %convert_element_type3A_90 = arith.truncf %concatenate3A_84 : vector<128x64xf32> to vector<128x64xbf16>
    %bitcast_convert_type3A_91 = tpu.bitcast %convert_element_type3A_90 : vector<128x64xbf16> -> vector<128x64xi16>
    %convert_element_type3A_92 = arith.truncf %concatenate3A_89 : vector<128x64xf32> to vector<128x64xbf16>
    %bitcast_convert_type3A_93 = tpu.bitcast %convert_element_type3A_92 : vector<128x64xbf16> -> vector<128x64xi16>
    %convert_element_type3A_94 = arith.extui %bitcast_convert_type3A_91 : vector<128x64xi16> to vector<128x64xi32>
    %convert_element_type3A_95 = arith.extui %bitcast_convert_type3A_93 : vector<128x64xi16> to vector<128x64xi32>
    %shift_left3A_96 = arith.constant 16 : i32
    %shift_left3A_97 = vector.broadcast %shift_left3A_96 : i32 to vector<128x64xi32>
    %shift_left3A_98 = arith.shli %convert_element_type3A_95, %shift_left3A_97 : vector<128x64xi32>
    %or3A_99 = arith.ori %convert_element_type3A_94, %shift_left3A_98 : vector<128x64xi32>
    %bitcast_convert_type3A_100 = tpu.bitcast %or3A_99 : vector<128x64xi32> -> vector<128x64xi32>
    %swap3A_101 = arith.constant 256 : index
    %swap3A_102 = arith.constant 0 : index
    %swap3A_103 = vector.load %arg6[%swap3A_101, %swap3A_102] : memref<1024x64xi32, #tpu.memory_space<vmem>>, vector<128x64xi32>
    tpu.vector_store %arg6[%swap3A_101, %swap3A_102], %bitcast_convert_type3A_100 {strides = array<i32>} : memref<1024x64xi32, #tpu.memory_space<vmem>>, vector<128x64xi32>,
    %swap3A_104 = arith.constant 256 : index
    %swap3A_105 = arith.constant 0 : index
    %swap3A_106 = vector.load %arg5[%swap3A_104, %swap3A_105] : memref<1024x1xf32, #tpu.memory_space<vmem>>, vector<128x1xf32>
    tpu.vector_store %arg5[%swap3A_104, %swap3A_105], %slice3A_73 {strides = array<i32>} : memref<1024x1xf32, #tpu.memory_space<vmem>>, vector<128x1xf32>,
    %slice3A_107 = vector.extract_strided_slice %transpose3A {offsets = [0, 3], sizes = [128, 1], strides = [1, 1]} : vector<128x8xf32> to vector<128x1xf32>
    %slice3A_108 = vector.extract_strided_slice %dot_general3A_12 {offsets = [384, 0], sizes = [128, 128], strides = [1, 1]} : vector<1024x128xf32> to vector<128x128xf32>
    %mul3A_109 = vector.broadcast %slice3A_107 : vector<128x1xf32> to vector<128x128xf32>
    %mul3A_110 = arith.mulf %mul3A_109, %slice3A_108 : vector<128x128xf32>
    %swap3A_111 = arith.constant 384 : index
    %swap3A_112 = arith.constant 0 : index
    %swap3A_113 = vector.load %arg4[%swap3A_111, %swap3A_112] : memref<1024x128xf32, #tpu.memory_space<vmem>>, vector<128x128xf32>
    tpu.vector_store %arg4[%swap3A_111, %swap3A_112], %mul3A_110 {strides = array<i32>} : memref<1024x128xf32, #tpu.memory_space<vmem>>, vector<128x128xf32>,
    %slice3A_114 = vector.extract_strided_slice %mul3A_110 {offsets = [0, 0], sizes = [128, 16], strides = [1, 1]} : vector<128x128xf32> to vector<128x16xf32>
    %slice3A_115 = vector.extract_strided_slice %mul3A_110 {offsets = [0, 32], sizes = [128, 16], strides = [1, 1]} : vector<128x128xf32> to vector<128x16xf32>
    %slice3A_116 = vector.extract_strided_slice %mul3A_110 {offsets = [0, 64], sizes = [128, 16], strides = [1, 1]} : vector<128x128xf32> to vector<128x16xf32>
    %slice3A_117 = vector.extract_strided_slice %mul3A_110 {offsets = [0, 96], sizes = [128, 16], strides = [1, 1]} : vector<128x128xf32> to vector<128x16xf32>
    %concatenate3A_118 = tpu.concatenate %slice3A_114, %slice3A_115, %slice3A_116, %slice3A_117 in 1 : vector<128x16xf32>, vector<128x16xf32>, vector<128x16xf32>, vector<128x16xf32> -> vector<128x64xf32>
    %slice3A_119 = vector.extract_strided_slice %mul3A_110 {offsets = [0, 16], sizes = [128, 16], strides = [1, 1]} : vector<128x128xf32> to vector<128x16xf32>
    %slice3A_120 = vector.extract_strided_slice %mul3A_110 {offsets = [0, 48], sizes = [128, 16], strides = [1, 1]} : vector<128x128xf32> to vector<128x16xf32>
    %slice3A_121 = vector.extract_strided_slice %mul3A_110 {offsets = [0, 80], sizes = [128, 16], strides = [1, 1]} : vector<128x128xf32> to vector<128x16xf32>
    %slice3A_122 = vector.extract_strided_slice %mul3A_110 {offsets = [0, 112], sizes = [128, 16], strides = [1, 1]} : vector<128x128xf32> to vector<128x16xf32>
    %concatenate3A_123 = tpu.concatenate %slice3A_119, %slice3A_120, %slice3A_121, %slice3A_122 in 1 : vector<128x16xf32>, vector<128x16xf32>, vector<128x16xf32>, vector<128x16xf32> -> vector<128x64xf32>
    %convert_element_type3A_124 = arith.truncf %concatenate3A_118 : vector<128x64xf32> to vector<128x64xbf16>
    %bitcast_convert_type3A_125 = tpu.bitcast %convert_element_type3A_124 : vector<128x64xbf16> -> vector<128x64xi16>
    %convert_element_type3A_126 = arith.truncf %concatenate3A_123 : vector<128x64xf32> to vector<128x64xbf16>
    %bitcast_convert_type3A_127 = tpu.bitcast %convert_element_type3A_126 : vector<128x64xbf16> -> vector<128x64xi16>
    %convert_element_type3A_128 = arith.extui %bitcast_convert_type3A_125 : vector<128x64xi16> to vector<128x64xi32>
    %convert_element_type3A_129 = arith.extui %bitcast_convert_type3A_127 : vector<128x64xi16> to vector<128x64xi32>
    %shift_left3A_130 = arith.constant 16 : i32
    %shift_left3A_131 = vector.broadcast %shift_left3A_130 : i32 to vector<128x64xi32>
    %shift_left3A_132 = arith.shli %convert_element_type3A_129, %shift_left3A_131 : vector<128x64xi32>
    %or3A_133 = arith.ori %convert_element_type3A_128, %shift_left3A_132 : vector<128x64xi32>
    %bitcast_convert_type3A_134 = tpu.bitcast %or3A_133 : vector<128x64xi32> -> vector<128x64xi32>
    %swap3A_135 = arith.constant 384 : index
    %swap3A_136 = arith.constant 0 : index
    %swap3A_137 = vector.load %arg6[%swap3A_135, %swap3A_136] : memref<1024x64xi32, #tpu.memory_space<vmem>>, vector<128x64xi32>
    tpu.vector_store %arg6[%swap3A_135, %swap3A_136], %bitcast_convert_type3A_134 {strides = array<i32>} : memref<1024x64xi32, #tpu.memory_space<vmem>>, vector<128x64xi32>,
    %swap3A_138 = arith.constant 384 : index
    %swap3A_139 = arith.constant 0 : index
    %swap3A_140 = vector.load %arg5[%swap3A_138, %swap3A_139] : memref<1024x1xf32, #tpu.memory_space<vmem>>, vector<128x1xf32>
    tpu.vector_store %arg5[%swap3A_138, %swap3A_139], %slice3A_107 {strides = array<i32>} : memref<1024x1xf32, #tpu.memory_space<vmem>>, vector<128x1xf32>,
    %slice3A_141 = vector.extract_strided_slice %transpose3A {offsets = [0, 4], sizes = [128, 1], strides = [1, 1]} : vector<128x8xf32> to vector<128x1xf32>
    %slice3A_142 = vector.extract_strided_slice %dot_general3A_12 {offsets = [512, 0], sizes = [128, 128], strides = [1, 1]} : vector<1024x128xf32> to vector<128x128xf32>
    %mul3A_143 = vector.broadcast %slice3A_141 : vector<128x1xf32> to vector<128x128xf32>
    %mul3A_144 = arith.mulf %mul3A_143, %slice3A_142 : vector<128x128xf32>
    %swap3A_145 = arith.constant 512 : index
    %swap3A_146 = arith.constant 0 : index
    %swap3A_147 = vector.load %arg4[%swap3A_145, %swap3A_146] : memref<1024x128xf32, #tpu.memory_space<vmem>>, vector<128x128xf32>
    tpu.vector_store %arg4[%swap3A_145, %swap3A_146], %mul3A_144 {strides = array<i32>} : memref<1024x128xf32, #tpu.memory_space<vmem>>, vector<128x128xf32>,
    %slice3A_148 = vector.extract_strided_slice %mul3A_144 {offsets = [0, 0], sizes = [128, 16], strides = [1, 1]} : vector<128x128xf32> to vector<128x16xf32>
    %slice3A_149 = vector.extract_strided_slice %mul3A_144 {offsets = [0, 32], sizes = [128, 16], strides = [1, 1]} : vector<128x128xf32> to vector<128x16xf32>
    %slice3A_150 = vector.extract_strided_slice %mul3A_144 {offsets = [0, 64], sizes = [128, 16], strides = [1, 1]} : vector<128x128xf32> to vector<128x16xf32>
    %slice3A_151 = vector.extract_strided_slice %mul3A_144 {offsets = [0, 96], sizes = [128, 16], strides = [1, 1]} : vector<128x128xf32> to vector<128x16xf32>
    %concatenate3A_152 = tpu.concatenate %slice3A_148, %slice3A_149, %slice3A_150, %slice3A_151 in 1 : vector<128x16xf32>, vector<128x16xf32>, vector<128x16xf32>, vector<128x16xf32> -> vector<128x64xf32>
    %slice3A_153 = vector.extract_strided_slice %mul3A_144 {offsets = [0, 16], sizes = [128, 16], strides = [1, 1]} : vector<128x128xf32> to vector<128x16xf32>
    %slice3A_154 = vector.extract_strided_slice %mul3A_144 {offsets = [0, 48], sizes = [128, 16], strides = [1, 1]} : vector<128x128xf32> to vector<128x16xf32>
    %slice3A_155 = vector.extract_strided_slice %mul3A_144 {offsets = [0, 80], sizes = [128, 16], strides = [1, 1]} : vector<128x128xf32> to vector<128x16xf32>
    %slice3A_156 = vector.extract_strided_slice %mul3A_144 {offsets = [0, 112], sizes = [128, 16], strides = [1, 1]} : vector<128x128xf32> to vector<128x16xf32>
    %concatenate3A_157 = tpu.concatenate %slice3A_153, %slice3A_154, %slice3A_155, %slice3A_156 in 1 : vector<128x16xf32>, vector<128x16xf32>, vector<128x16xf32>, vector<128x16xf32> -> vector<128x64xf32>
    %convert_element_type3A_158 = arith.truncf %concatenate3A_152 : vector<128x64xf32> to vector<128x64xbf16>
    %bitcast_convert_type3A_159 = tpu.bitcast %convert_element_type3A_158 : vector<128x64xbf16> -> vector<128x64xi16>
    %convert_element_type3A_160 = arith.truncf %concatenate3A_157 : vector<128x64xf32> to vector<128x64xbf16>
    %bitcast_convert_type3A_161 = tpu.bitcast %convert_element_type3A_160 : vector<128x64xbf16> -> vector<128x64xi16>
    %convert_element_type3A_162 = arith.extui %bitcast_convert_type3A_159 : vector<128x64xi16> to vector<128x64xi32>
    %convert_element_type3A_163 = arith.extui %bitcast_convert_type3A_161 : vector<128x64xi16> to vector<128x64xi32>
    %shift_left3A_164 = arith.constant 16 : i32
    %shift_left3A_165 = vector.broadcast %shift_left3A_164 : i32 to vector<128x64xi32>
    %shift_left3A_166 = arith.shli %convert_element_type3A_163, %shift_left3A_165 : vector<128x64xi32>
    %or3A_167 = arith.ori %convert_element_type3A_162, %shift_left3A_166 : vector<128x64xi32>
    %bitcast_convert_type3A_168 = tpu.bitcast %or3A_167 : vector<128x64xi32> -> vector<128x64xi32>
    %swap3A_169 = arith.constant 512 : index
    %swap3A_170 = arith.constant 0 : index
    %swap3A_171 = vector.load %arg6[%swap3A_169, %swap3A_170] : memref<1024x64xi32, #tpu.memory_space<vmem>>, vector<128x64xi32>
    tpu.vector_store %arg6[%swap3A_169, %swap3A_170], %bitcast_convert_type3A_168 {strides = array<i32>} : memref<1024x64xi32, #tpu.memory_space<vmem>>, vector<128x64xi32>,
    %swap3A_172 = arith.constant 512 : index
    %swap3A_173 = arith.constant 0 : index
    %swap3A_174 = vector.load %arg5[%swap3A_172, %swap3A_173] : memref<1024x1xf32, #tpu.memory_space<vmem>>, vector<128x1xf32>
    tpu.vector_store %arg5[%swap3A_172, %swap3A_173], %slice3A_141 {strides = array<i32>} : memref<1024x1xf32, #tpu.memory_space<vmem>>, vector<128x1xf32>,
    %slice3A_175 = vector.extract_strided_slice %transpose3A {offsets = [0, 5], sizes = [128, 1], strides = [1, 1]} : vector<128x8xf32> to vector<128x1xf32>
    %slice3A_176 = vector.extract_strided_slice %dot_general3A_12 {offsets = [640, 0], sizes = [128, 128], strides = [1, 1]} : vector<1024x128xf32> to vector<128x128xf32>
    %mul3A_177 = vector.broadcast %slice3A_175 : vector<128x1xf32> to vector<128x128xf32>
    %mul3A_178 = arith.mulf %mul3A_177, %slice3A_176 : vector<128x128xf32>
    %swap3A_179 = arith.constant 640 : index
    %swap3A_180 = arith.constant 0 : index
    %swap3A_181 = vector.load %arg4[%swap3A_179, %swap3A_180] : memref<1024x128xf32, #tpu.memory_space<vmem>>, vector<128x128xf32>
    tpu.vector_store %arg4[%swap3A_179, %swap3A_180], %mul3A_178 {strides = array<i32>} : memref<1024x128xf32, #tpu.memory_space<vmem>>, vector<128x128xf32>,
    %slice3A_182 = vector.extract_strided_slice %mul3A_178 {offsets = [0, 0], sizes = [128, 16], strides = [1, 1]} : vector<128x128xf32> to vector<128x16xf32>
    %slice3A_183 = vector.extract_strided_slice %mul3A_178 {offsets = [0, 32], sizes = [128, 16], strides = [1, 1]} : vector<128x128xf32> to vector<128x16xf32>
    %slice3A_184 = vector.extract_strided_slice %mul3A_178 {offsets = [0, 64], sizes = [128, 16], strides = [1, 1]} : vector<128x128xf32> to vector<128x16xf32>
    %slice3A_185 = vector.extract_strided_slice %mul3A_178 {offsets = [0, 96], sizes = [128, 16], strides = [1, 1]} : vector<128x128xf32> to vector<128x16xf32>
    %concatenate3A_186 = tpu.concatenate %slice3A_182, %slice3A_183, %slice3A_184, %slice3A_185 in 1 : vector<128x16xf32>, vector<128x16xf32>, vector<128x16xf32>, vector<128x16xf32> -> vector<128x64xf32>
    %slice3A_187 = vector.extract_strided_slice %mul3A_178 {offsets = [0, 16], sizes = [128, 16], strides = [1, 1]} : vector<128x128xf32> to vector<128x16xf32>
    %slice3A_188 = vector.extract_strided_slice %mul3A_178 {offsets = [0, 48], sizes = [128, 16], strides = [1, 1]} : vector<128x128xf32> to vector<128x16xf32>
    %slice3A_189 = vector.extract_strided_slice %mul3A_178 {offsets = [0, 80], sizes = [128, 16], strides = [1, 1]} : vector<128x128xf32> to vector<128x16xf32>
    %slice3A_190 = vector.extract_strided_slice %mul3A_178 {offsets = [0, 112], sizes = [128, 16], strides = [1, 1]} : vector<128x128xf32> to vector<128x16xf32>
    %concatenate3A_191 = tpu.concatenate %slice3A_187, %slice3A_188, %slice3A_189, %slice3A_190 in 1 : vector<128x16xf32>, vector<128x16xf32>, vector<128x16xf32>, vector<128x16xf32> -> vector<128x64xf32>
    %convert_element_type3A_192 = arith.truncf %concatenate3A_186 : vector<128x64xf32> to vector<128x64xbf16>
    %bitcast_convert_type3A_193 = tpu.bitcast %convert_element_type3A_192 : vector<128x64xbf16> -> vector<128x64xi16>
    %convert_element_type3A_194 = arith.truncf %concatenate3A_191 : vector<128x64xf32> to vector<128x64xbf16>
    %bitcast_convert_type3A_195 = tpu.bitcast %convert_element_type3A_194 : vector<128x64xbf16> -> vector<128x64xi16>
    %convert_element_type3A_196 = arith.extui %bitcast_convert_type3A_193 : vector<128x64xi16> to vector<128x64xi32>
    %convert_element_type3A_197 = arith.extui %bitcast_convert_type3A_195 : vector<128x64xi16> to vector<128x64xi32>
    %shift_left3A_198 = arith.constant 16 : i32
    %shift_left3A_199 = vector.broadcast %shift_left3A_198 : i32 to vector<128x64xi32>
    %shift_left3A_200 = arith.shli %convert_element_type3A_197, %shift_left3A_199 : vector<128x64xi32>
    %or3A_201 = arith.ori %convert_element_type3A_196, %shift_left3A_200 : vector<128x64xi32>
    %bitcast_convert_type3A_202 = tpu.bitcast %or3A_201 : vector<128x64xi32> -> vector<128x64xi32>
    %swap3A_203 = arith.constant 640 : index
    %swap3A_204 = arith.constant 0 : index
    %swap3A_205 = vector.load %arg6[%swap3A_203, %swap3A_204] : memref<1024x64xi32, #tpu.memory_space<vmem>>, vector<128x64xi32>
    tpu.vector_store %arg6[%swap3A_203, %swap3A_204], %bitcast_convert_type3A_202 {strides = array<i32>} : memref<1024x64xi32, #tpu.memory_space<vmem>>, vector<128x64xi32>,
    %swap3A_206 = arith.constant 640 : index
    %swap3A_207 = arith.constant 0 : index
    %swap3A_208 = vector.load %arg5[%swap3A_206, %swap3A_207] : memref<1024x1xf32, #tpu.memory_space<vmem>>, vector<128x1xf32>
    tpu.vector_store %arg5[%swap3A_206, %swap3A_207], %slice3A_175 {strides = array<i32>} : memref<1024x1xf32, #tpu.memory_space<vmem>>, vector<128x1xf32>,
    %slice3A_209 = vector.extract_strided_slice %transpose3A {offsets = [0, 6], sizes = [128, 1], strides = [1, 1]} : vector<128x8xf32> to vector<128x1xf32>
    %slice3A_210 = vector.extract_strided_slice %dot_general3A_12 {offsets = [768, 0], sizes = [128, 128], strides = [1, 1]} : vector<1024x128xf32> to vector<128x128xf32>
    %mul3A_211 = vector.broadcast %slice3A_209 : vector<128x1xf32> to vector<128x128xf32>
    %mul3A_212 = arith.mulf %mul3A_211, %slice3A_210 : vector<128x128xf32>
    %swap3A_213 = arith.constant 768 : index
    %swap3A_214 = arith.constant 0 : index
    %swap3A_215 = vector.load %arg4[%swap3A_213, %swap3A_214] : memref<1024x128xf32, #tpu.memory_space<vmem>>, vector<128x128xf32>
    tpu.vector_store %arg4[%swap3A_213, %swap3A_214], %mul3A_212 {strides = array<i32>} : memref<1024x128xf32, #tpu.memory_space<vmem>>, vector<128x128xf32>,
    %slice3A_216 = vector.extract_strided_slice %mul3A_212 {offsets = [0, 0], sizes = [128, 16], strides = [1, 1]} : vector<128x128xf32> to vector<128x16xf32>
    %slice3A_217 = vector.extract_strided_slice %mul3A_212 {offsets = [0, 32], sizes = [128, 16], strides = [1, 1]} : vector<128x128xf32> to vector<128x16xf32>
    %slice3A_218 = vector.extract_strided_slice %mul3A_212 {offsets = [0, 64], sizes = [128, 16], strides = [1, 1]} : vector<128x128xf32> to vector<128x16xf32>
    %slice3A_219 = vector.extract_strided_slice %mul3A_212 {offsets = [0, 96], sizes = [128, 16], strides = [1, 1]} : vector<128x128xf32> to vector<128x16xf32>
    %concatenate3A_220 = tpu.concatenate %slice3A_216, %slice3A_217, %slice3A_218, %slice3A_219 in 1 : vector<128x16xf32>, vector<128x16xf32>, vector<128x16xf32>, vector<128x16xf32> -> vector<128x64xf32>
    %slice3A_221 = vector.extract_strided_slice %mul3A_212 {offsets = [0, 16], sizes = [128, 16], strides = [1, 1]} : vector<128x128xf32> to vector<128x16xf32>
    %slice3A_222 = vector.extract_strided_slice %mul3A_212 {offsets = [0, 48], sizes = [128, 16], strides = [1, 1]} : vector<128x128xf32> to vector<128x16xf32>
    %slice3A_223 = vector.extract_strided_slice %mul3A_212 {offsets = [0, 80], sizes = [128, 16], strides = [1, 1]} : vector<128x128xf32> to vector<128x16xf32>
    %slice3A_224 = vector.extract_strided_slice %mul3A_212 {offsets = [0, 112], sizes = [128, 16], strides = [1, 1]} : vector<128x128xf32> to vector<128x16xf32>
    %concatenate3A_225 = tpu.concatenate %slice3A_221, %slice3A_222, %slice3A_223, %slice3A_224 in 1 : vector<128x16xf32>, vector<128x16xf32>, vector<128x16xf32>, vector<128x16xf32> -> vector<128x64xf32>
    %convert_element_type3A_226 = arith.truncf %concatenate3A_220 : vector<128x64xf32> to vector<128x64xbf16>
    %bitcast_convert_type3A_227 = tpu.bitcast %convert_element_type3A_226 : vector<128x64xbf16> -> vector<128x64xi16>
    %convert_element_type3A_228 = arith.truncf %concatenate3A_225 : vector<128x64xf32> to vector<128x64xbf16>
    %bitcast_convert_type3A_229 = tpu.bitcast %convert_element_type3A_228 : vector<128x64xbf16> -> vector<128x64xi16>
    %convert_element_type3A_230 = arith.extui %bitcast_convert_type3A_227 : vector<128x64xi16> to vector<128x64xi32>
    %convert_element_type3A_231 = arith.extui %bitcast_convert_type3A_229 : vector<128x64xi16> to vector<128x64xi32>
    %shift_left3A_232 = arith.constant 16 : i32
    %shift_left3A_233 = vector.broadcast %shift_left3A_232 : i32 to vector<128x64xi32>
    %shift_left3A_234 = arith.shli %convert_element_type3A_231, %shift_left3A_233 : vector<128x64xi32>
    %or3A_235 = arith.ori %convert_element_type3A_230, %shift_left3A_234 : vector<128x64xi32>
    %bitcast_convert_type3A_236 = tpu.bitcast %or3A_235 : vector<128x64xi32> -> vector<128x64xi32>
    %swap3A_237 = arith.constant 768 : index
    %swap3A_238 = arith.constant 0 : index
    %swap3A_239 = vector.load %arg6[%swap3A_237, %swap3A_238] : memref<1024x64xi32, #tpu.memory_space<vmem>>, vector<128x64xi32>
    tpu.vector_store %arg6[%swap3A_237, %swap3A_238], %bitcast_convert_type3A_236 {strides = array<i32>} : memref<1024x64xi32, #tpu.memory_space<vmem>>, vector<128x64xi32>,
    %swap3A_240 = arith.constant 768 : index
    %swap3A_241 = arith.constant 0 : index
    %swap3A_242 = vector.load %arg5[%swap3A_240, %swap3A_241] : memref<1024x1xf32, #tpu.memory_space<vmem>>, vector<128x1xf32>
    tpu.vector_store %arg5[%swap3A_240, %swap3A_241], %slice3A_209 {strides = array<i32>} : memref<1024x1xf32, #tpu.memory_space<vmem>>, vector<128x1xf32>,
    %slice3A_243 = vector.extract_strided_slice %transpose3A {offsets = [0, 7], sizes = [128, 1], strides = [1, 1]} : vector<128x8xf32> to vector<128x1xf32>
    %slice3A_244 = vector.extract_strided_slice %dot_general3A_12 {offsets = [896, 0], sizes = [128, 128], strides = [1, 1]} : vector<1024x128xf32> to vector<128x128xf32>
    %mul3A_245 = vector.broadcast %slice3A_243 : vector<128x1xf32> to vector<128x128xf32>
    %mul3A_246 = arith.mulf %mul3A_245, %slice3A_244 : vector<128x128xf32>
    %swap3A_247 = arith.constant 896 : index
    %swap3A_248 = arith.constant 0 : index
    %swap3A_249 = vector.load %arg4[%swap3A_247, %swap3A_248] : memref<1024x128xf32, #tpu.memory_space<vmem>>, vector<128x128xf32>
    tpu.vector_store %arg4[%swap3A_247, %swap3A_248], %mul3A_246 {strides = array<i32>} : memref<1024x128xf32, #tpu.memory_space<vmem>>, vector<128x128xf32>,
    %slice3A_250 = vector.extract_strided_slice %mul3A_246 {offsets = [0, 0], sizes = [128, 16], strides = [1, 1]} : vector<128x128xf32> to vector<128x16xf32>
    %slice3A_251 = vector.extract_strided_slice %mul3A_246 {offsets = [0, 32], sizes = [128, 16], strides = [1, 1]} : vector<128x128xf32> to vector<128x16xf32>
    %slice3A_252 = vector.extract_strided_slice %mul3A_246 {offsets = [0, 64], sizes = [128, 16], strides = [1, 1]} : vector<128x128xf32> to vector<128x16xf32>
    %slice3A_253 = vector.extract_strided_slice %mul3A_246 {offsets = [0, 96], sizes = [128, 16], strides = [1, 1]} : vector<128x128xf32> to vector<128x16xf32>
    %concatenate3A_254 = tpu.concatenate %slice3A_250, %slice3A_251, %slice3A_252, %slice3A_253 in 1 : vector<128x16xf32>, vector<128x16xf32>, vector<128x16xf32>, vector<128x16xf32> -> vector<128x64xf32>
    %slice3A_255 = vector.extract_strided_slice %mul3A_246 {offsets = [0, 16], sizes = [128, 16], strides = [1, 1]} : vector<128x128xf32> to vector<128x16xf32>
    %slice3A_256 = vector.extract_strided_slice %mul3A_246 {offsets = [0, 48], sizes = [128, 16], strides = [1, 1]} : vector<128x128xf32> to vector<128x16xf32>
    %slice3A_257 = vector.extract_strided_slice %mul3A_246 {offsets = [0, 80], sizes = [128, 16], strides = [1, 1]} : vector<128x128xf32> to vector<128x16xf32>
    %slice3A_258 = vector.extract_strided_slice %mul3A_246 {offsets = [0, 112], sizes = [128, 16], strides = [1, 1]} : vector<128x128xf32> to vector<128x16xf32>
    %concatenate3A_259 = tpu.concatenate %slice3A_255, %slice3A_256, %slice3A_257, %slice3A_258 in 1 : vector<128x16xf32>, vector<128x16xf32>, vector<128x16xf32>, vector<128x16xf32> -> vector<128x64xf32>
    %convert_element_type3A_260 = arith.truncf %concatenate3A_254 : vector<128x64xf32> to vector<128x64xbf16>
    %bitcast_convert_type3A_261 = tpu.bitcast %convert_element_type3A_260 : vector<128x64xbf16> -> vector<128x64xi16>
    %convert_element_type3A_262 = arith.truncf %concatenate3A_259 : vector<128x64xf32> to vector<128x64xbf16>
    %bitcast_convert_type3A_263 = tpu.bitcast %convert_element_type3A_262 : vector<128x64xbf16> -> vector<128x64xi16>
    %convert_element_type3A_264 = arith.extui %bitcast_convert_type3A_261 : vector<128x64xi16> to vector<128x64xi32>
    %convert_element_type3A_265 = arith.extui %bitcast_convert_type3A_263 : vector<128x64xi16> to vector<128x64xi32>
    %shift_left3A_266 = arith.constant 16 : i32
    %shift_left3A_267 = vector.broadcast %shift_left3A_266 : i32 to vector<128x64xi32>
    %shift_left3A_268 = arith.shli %convert_element_type3A_265, %shift_left3A_267 : vector<128x64xi32>
    %or3A_269 = arith.ori %convert_element_type3A_264, %shift_left3A_268 : vector<128x64xi32>
    %bitcast_convert_type3A_270 = tpu.bitcast %or3A_269 : vector<128x64xi32> -> vector<128x64xi32>
    %swap3A_271 = arith.constant 896 : index
    %swap3A_272 = arith.constant 0 : index
    %swap3A_273 = vector.load %arg6[%swap3A_271, %swap3A_272] : memref<1024x64xi32, #tpu.memory_space<vmem>>, vector<128x64xi32>
    tpu.vector_store %arg6[%swap3A_271, %swap3A_272], %bitcast_convert_type3A_270 {strides = array<i32>} : memref<1024x64xi32, #tpu.memory_space<vmem>>, vector<128x64xi32>,
    %swap3A_274 = arith.constant 896 : index
    %swap3A_275 = arith.constant 0 : index
    %swap3A_276 = vector.load %arg5[%swap3A_274, %swap3A_275] : memref<1024x1xf32, #tpu.memory_space<vmem>>, vector<128x1xf32>
    tpu.vector_store %arg5[%swap3A_274, %swap3A_275], %slice3A_243 {strides = array<i32>} : memref<1024x1xf32, #tpu.memory_space<vmem>>, vector<128x1xf32>,
    return
  }
  func.func @transform_0(%arg0: i32) -> (i32, i32) {
    %c0_i32 = arith.constant 0 : i32
    %c0_i32_0 = arith.constant 0 : i32
    return %arg0, %c0_i32 : i32, i32
  }
  func.func @transform_1(%arg0: i32) -> (i32, i32) {
    %c0_i32 = arith.constant 0 : i32
    %c0_i32_0 = arith.constant 0 : i32
    %c0_i32_1 = arith.constant 0 : i32
    return %c0_i32, %c0_i32_0 : i32, i32
  }
  func.func @transform_2(%arg0: i32) -> (i32, i32, i32) {
    %c0_i32 = arith.constant 0 : i32
    %c0_i32_0 = arith.constant 0 : i32
    %c0_i32_1 = arith.constant 0 : i32
    return %c0_i32, %arg0, %c0_i32_0 : i32, i32, i32
  }
  func.func @transform_3(%arg0: i32) -> (i32, i32) {
    %c0_i32 = arith.constant 0 : i32
    %c0_i32_0 = arith.constant 0 : i32
    return %arg0, %c0_i32 : i32, i32
  }
  func.func @transform_4(%arg0: i32) -> (i32, i32) {
    %c0_i32 = arith.constant 0 : i32
    %c0_i32_0 = arith.constant 0 : i32
    return %arg0, %c0_i32 : i32, i32
  }
  func.func @transform_5(%arg0: i32) -> (i32, i32) {
    %c0_i32 = arith.constant 0 : i32
    %c0_i32_0 = arith.constant 0 : i32
    return %arg0, %c0_i32 : i32, i32
  }
}

module attributes {stable_mosaic.version = 14 : i64} {
  func.func @_tc_b_body(%arg0: i32, %arg1: memref<2x128x128xf32, #tpu.memory_space<vmem>>, %arg2: memref<128x128xf32, #tpu.memory_space<vmem>>, %arg3: memref<128x1xf32, #tpu.memory_space<vmem>>, %arg4: memref<128x128xf32, #tpu.memory_space<vmem>>, %arg5: memref<1x128xf32, #tpu.memory_space<vmem>>, %arg6: memref<128x128xf32, #tpu.memory_space<vmem>>, %arg7: memref<128x64xi32, #tpu.memory_space<vmem>>) attributes {dimension_semantics = [#tpu.dimension_semantics<arbitrary>], iteration_bounds = array<i64: 80>, scalar_prefetch = 0 : i64, scratch_operands = 0 : i64, tpu.core_type = #tpu.core_type<tc>, window_params = [{transform_indices = @transform_0, window_bounds = array<i64: 2, 128, 128>}, {transform_indices = @transform_1, window_bounds = array<i64: 128, 128>}, {transform_indices = @transform_2, window_bounds = array<i64: 128, 1>}, {pipeline_mode = #tpu.pipeline_mode<synchronous>, transform_indices = @transform_3, window_bounds = array<i64: 128, 128>}, {pipeline_mode = #tpu.pipeline_mode<synchronous>, transform_indices = @transform_4, window_bounds = array<i64: 1, 128>}, {transform_indices = @transform_5, window_bounds = array<i64: 128, 128>}, {transform_indices = @transform_6, window_bounds = array<i64: 128, 64>}]} {
    %get3A = arith.constant 0 : index
    %get3A_0 = arith.constant 0 : index
    %get3A_1 = vector.load %arg3[%get3A, %get3A_0] : memref<128x1xf32, #tpu.memory_space<vmem>>, vector<128x1xf32>
    %get3A_2 = arith.constant 0 : index
    %get3A_3 = arith.constant 0 : index
    %get3A_4 = arith.constant 0 : index
    %get3A_5 = vector.load %arg1[%get3A_2, %get3A_3, %get3A_4] : memref<2x128x128xf32, #tpu.memory_space<vmem>>, vector<1x128x128xf32>
    %get3A_6 = vector.shape_cast %get3A_5 : vector<1x128x128xf32> to vector<128x128xf32>
    %get3A_7 = arith.constant 1 : index
    %get3A_8 = arith.constant 0 : index
    %get3A_9 = arith.constant 0 : index
    %get3A_10 = vector.load %arg1[%get3A_7, %get3A_8, %get3A_9] : memref<2x128x128xf32, #tpu.memory_space<vmem>>, vector<1x128x128xf32>
    %get3A_11 = vector.shape_cast %get3A_10 : vector<1x128x128xf32> to vector<128x128xf32>
    %add3A = arith.addf %get3A_6, %get3A_11 : vector<128x128xf32>
    %get3A_12 = arith.constant 0 : index
    %get3A_13 = arith.constant 0 : index
    %get3A_14 = vector.load %arg2[%get3A_12, %get3A_13] : memref<128x128xf32, #tpu.memory_space<vmem>>, vector<128x128xf32>
    %add3A_15 = arith.addf %add3A, %get3A_14 : vector<128x128xf32>
    %mul3A = vector.broadcast %get3A_1 : vector<128x1xf32> to vector<128x128xf32>
    %mul3A_16 = arith.mulf %mul3A, %add3A_15 : vector<128x128xf32>
    %get3A_17 = arith.constant 0 : index
    %get3A_18 = arith.constant 0 : index
    %get3A_19 = vector.load %arg5[%get3A_17, %get3A_18] : memref<1x128xf32, #tpu.memory_space<vmem>>, vector<1x128xf32>
    %add3A_20 = vector.broadcast %get3A_19 : vector<1x128xf32> to vector<128x128xf32>
    %add3A_21 = arith.addf %mul3A_16, %add3A_20 : vector<128x128xf32>
    %max3A = arith.constant 0.000000e+00 : f32
    %max3A_22 = vector.broadcast %max3A : f32 to vector<128x128xf32>
    %max3A_23 = arith.maximumf %add3A_21, %max3A_22 : vector<128x128xf32>
    %get3A_24 = arith.constant 0 : index
    %get3A_25 = arith.constant 0 : index
    %get3A_26 = vector.load %arg4[%get3A_24, %get3A_25] : memref<128x128xf32, #tpu.memory_space<vmem>>, vector<128x128xf32>
    %dot_general3A = arith.constant dense<0.000000e+00> : vector<128x128xf32>
    %dot_general3A_27 = tpu.matmul %max3A_23, %get3A_26, %dot_general3A {dimension_numbers = #tpu.dot_dimension_numbers<[1], [0], [0], [1], [0, 0, 1, 1], [], []>, transpose_lhs_hint = false} : vector<128x128xf32>, vector<128x128xf32>, vector<128x128xf32> -> vector<128x128xf32>
    %mul3A_28 = vector.broadcast %get3A_1 : vector<128x1xf32> to vector<128x128xf32>
    %mul3A_29 = arith.mulf %mul3A_28, %dot_general3A_27 : vector<128x128xf32>
    %swap3A = arith.constant 0 : index
    %swap3A_30 = arith.constant 0 : index
    %swap3A_31 = vector.load %arg6[%swap3A, %swap3A_30] : memref<128x128xf32, #tpu.memory_space<vmem>>, vector<128x128xf32>
    tpu.vector_store %arg6[%swap3A, %swap3A_30], %mul3A_29 {strides = array<i32>} : memref<128x128xf32, #tpu.memory_space<vmem>>, vector<128x128xf32>,
    %slice3A = vector.extract_strided_slice %mul3A_29 {offsets = [0, 0], sizes = [128, 16], strides = [1, 1]} : vector<128x128xf32> to vector<128x16xf32>
    %slice3A_32 = vector.extract_strided_slice %mul3A_29 {offsets = [0, 32], sizes = [128, 16], strides = [1, 1]} : vector<128x128xf32> to vector<128x16xf32>
    %slice3A_33 = vector.extract_strided_slice %mul3A_29 {offsets = [0, 64], sizes = [128, 16], strides = [1, 1]} : vector<128x128xf32> to vector<128x16xf32>
    %slice3A_34 = vector.extract_strided_slice %mul3A_29 {offsets = [0, 96], sizes = [128, 16], strides = [1, 1]} : vector<128x128xf32> to vector<128x16xf32>
    %concatenate3A = tpu.concatenate %slice3A, %slice3A_32, %slice3A_33, %slice3A_34 in 1 : vector<128x16xf32>, vector<128x16xf32>, vector<128x16xf32>, vector<128x16xf32> -> vector<128x64xf32>
    %slice3A_35 = vector.extract_strided_slice %mul3A_29 {offsets = [0, 16], sizes = [128, 16], strides = [1, 1]} : vector<128x128xf32> to vector<128x16xf32>
    %slice3A_36 = vector.extract_strided_slice %mul3A_29 {offsets = [0, 48], sizes = [128, 16], strides = [1, 1]} : vector<128x128xf32> to vector<128x16xf32>
    %slice3A_37 = vector.extract_strided_slice %mul3A_29 {offsets = [0, 80], sizes = [128, 16], strides = [1, 1]} : vector<128x128xf32> to vector<128x16xf32>
    %slice3A_38 = vector.extract_strided_slice %mul3A_29 {offsets = [0, 112], sizes = [128, 16], strides = [1, 1]} : vector<128x128xf32> to vector<128x16xf32>
    %concatenate3A_39 = tpu.concatenate %slice3A_35, %slice3A_36, %slice3A_37, %slice3A_38 in 1 : vector<128x16xf32>, vector<128x16xf32>, vector<128x16xf32>, vector<128x16xf32> -> vector<128x64xf32>
    %convert_element_type3A = arith.truncf %concatenate3A : vector<128x64xf32> to vector<128x64xbf16>
    %bitcast_convert_type3A = tpu.bitcast %convert_element_type3A : vector<128x64xbf16> -> vector<128x64xi16>
    %convert_element_type3A_40 = arith.truncf %concatenate3A_39 : vector<128x64xf32> to vector<128x64xbf16>
    %bitcast_convert_type3A_41 = tpu.bitcast %convert_element_type3A_40 : vector<128x64xbf16> -> vector<128x64xi16>
    %convert_element_type3A_42 = arith.extui %bitcast_convert_type3A : vector<128x64xi16> to vector<128x64xi32>
    %convert_element_type3A_43 = arith.extui %bitcast_convert_type3A_41 : vector<128x64xi16> to vector<128x64xi32>
    %shift_left3A = arith.constant 16 : i32
    %shift_left3A_44 = vector.broadcast %shift_left3A : i32 to vector<128x64xi32>
    %shift_left3A_45 = arith.shli %convert_element_type3A_43, %shift_left3A_44 : vector<128x64xi32>
    %or3A = arith.ori %convert_element_type3A_42, %shift_left3A_45 : vector<128x64xi32>
    %bitcast_convert_type3A_46 = tpu.bitcast %or3A : vector<128x64xi32> -> vector<128x64xi32>
    %swap3A_47 = arith.constant 0 : index
    %swap3A_48 = arith.constant 0 : index
    %swap3A_49 = vector.load %arg7[%swap3A_47, %swap3A_48] : memref<128x64xi32, #tpu.memory_space<vmem>>, vector<128x64xi32>
    tpu.vector_store %arg7[%swap3A_47, %swap3A_48], %bitcast_convert_type3A_46 {strides = array<i32>} : memref<128x64xi32, #tpu.memory_space<vmem>>, vector<128x64xi32>,
    return
  }
  func.func @transform_0(%arg0: i32) -> (i32, i32, i32) {
    %c0_i32 = arith.constant 0 : i32
    %c0_i32_0 = arith.constant 0 : i32
    %c0_i32_1 = arith.constant 0 : i32
    return %c0_i32, %arg0, %c0_i32_0 : i32, i32, i32
  }
  func.func @transform_1(%arg0: i32) -> (i32, i32) {
    %c0_i32 = arith.constant 0 : i32
    %c0_i32_0 = arith.constant 0 : i32
    return %arg0, %c0_i32 : i32, i32
  }
  func.func @transform_2(%arg0: i32) -> (i32, i32) {
    %c0_i32 = arith.constant 0 : i32
    %c0_i32_0 = arith.constant 0 : i32
    return %arg0, %c0_i32 : i32, i32
  }
  func.func @transform_3(%arg0: i32) -> (i32, i32) {
    %c0_i32 = arith.constant 0 : i32
    %c0_i32_0 = arith.constant 0 : i32
    %c0_i32_1 = arith.constant 0 : i32
    return %c0_i32, %c0_i32_0 : i32, i32
  }
  func.func @transform_4(%arg0: i32) -> (i32, i32) {
    %c0_i32 = arith.constant 0 : i32
    %c0_i32_0 = arith.constant 0 : i32
    %c0_i32_1 = arith.constant 0 : i32
    return %c0_i32, %c0_i32_0 : i32, i32
  }
  func.func @transform_5(%arg0: i32) -> (i32, i32) {
    %c0_i32 = arith.constant 0 : i32
    %c0_i32_0 = arith.constant 0 : i32
    return %arg0, %c0_i32 : i32, i32
  }
  func.func @transform_6(%arg0: i32) -> (i32, i32) {
    %c0_i32 = arith.constant 0 : i32
    %c0_i32_0 = arith.constant 0 : i32
    return %arg0, %c0_i32 : i32, i32
  }
}

module attributes {stable_mosaic.version = 14 : i64} {
  func.func @_tc_c_body(%arg0: i32, %arg1: memref<2x128x128xf32, #tpu.memory_space<vmem>>, %arg2: memref<128x128xf32, #tpu.memory_space<vmem>>, %arg3: memref<128x1xf32, #tpu.memory_space<vmem>>, %arg4: memref<128x2xf32, #tpu.memory_space<vmem>>, %arg5: memref<1x128xf32, #tpu.memory_space<vmem>>, %arg6: memref<1x1xf32, #tpu.memory_space<smem>>, %arg7: memref<128x2xf32, #tpu.memory_space<vmem>>) attributes {dimension_semantics = [#tpu.dimension_semantics<arbitrary>], iteration_bounds = array<i64: 80>, scalar_prefetch = 0 : i64, scratch_operands = 0 : i64, tpu.core_type = #tpu.core_type<tc>, window_params = [{transform_indices = @transform_0, window_bounds = array<i64: 2, 128, 128>}, {transform_indices = @transform_1, window_bounds = array<i64: 128, 128>}, {transform_indices = @transform_2, window_bounds = array<i64: 128, 1>}, {pipeline_mode = #tpu.pipeline_mode<synchronous>, transform_indices = @transform_3, window_bounds = array<i64: 128, 2>}, {pipeline_mode = #tpu.pipeline_mode<synchronous>, transform_indices = @transform_4, window_bounds = array<i64: 1, 128>}, {transform_indices = @transform_5, window_bounds = array<i64: 1, 1>}, {transform_indices = @transform_6, window_bounds = array<i64: 128, 2>}]} {
    %get3A = arith.constant 0 : index
    %get3A_0 = arith.constant 0 : index
    %get3A_1 = vector.load %arg3[%get3A, %get3A_0] : memref<128x1xf32, #tpu.memory_space<vmem>>, vector<128x1xf32>
    %get3A_2 = arith.constant 0 : index
    %get3A_3 = arith.constant 0 : index
    %get3A_4 = arith.constant 0 : index
    %get3A_5 = vector.load %arg1[%get3A_2, %get3A_3, %get3A_4] : memref<2x128x128xf32, #tpu.memory_space<vmem>>, vector<1x128x128xf32>
    %get3A_6 = vector.shape_cast %get3A_5 : vector<1x128x128xf32> to vector<128x128xf32>
    %get3A_7 = arith.constant 1 : index
    %get3A_8 = arith.constant 0 : index
    %get3A_9 = arith.constant 0 : index
    %get3A_10 = vector.load %arg1[%get3A_7, %get3A_8, %get3A_9] : memref<2x128x128xf32, #tpu.memory_space<vmem>>, vector<1x128x128xf32>
    %get3A_11 = vector.shape_cast %get3A_10 : vector<1x128x128xf32> to vector<128x128xf32>
    %add3A = arith.addf %get3A_6, %get3A_11 : vector<128x128xf32>
    %get3A_12 = arith.constant 0 : index
    %get3A_13 = arith.constant 0 : index
    %get3A_14 = vector.load %arg2[%get3A_12, %get3A_13] : memref<128x128xf32, #tpu.memory_space<vmem>>, vector<128x128xf32>
    %add3A_15 = arith.addf %add3A, %get3A_14 : vector<128x128xf32>
    %mul3A = vector.broadcast %get3A_1 : vector<128x1xf32> to vector<128x128xf32>
    %mul3A_16 = arith.mulf %mul3A, %add3A_15 : vector<128x128xf32>
    %get3A_17 = arith.constant 0 : index
    %get3A_18 = arith.constant 0 : index
    %get3A_19 = vector.load %arg5[%get3A_17, %get3A_18] : memref<1x128xf32, #tpu.memory_space<vmem>>, vector<1x128xf32>
    %add3A_20 = vector.broadcast %get3A_19 : vector<1x128xf32> to vector<128x128xf32>
    %add3A_21 = arith.addf %mul3A_16, %add3A_20 : vector<128x128xf32>
    %max3A = arith.constant 0.000000e+00 : f32
    %max3A_22 = vector.broadcast %max3A : f32 to vector<128x128xf32>
    %max3A_23 = arith.maximumf %add3A_21, %max3A_22 : vector<128x128xf32>
    %get3A_24 = arith.constant 0 : index
    %get3A_25 = arith.constant 0 : index
    %get3A_26 = vector.load %arg4[%get3A_24, %get3A_25] : memref<128x2xf32, #tpu.memory_space<vmem>>, vector<128x2xf32>
    %dot_general3A = arith.constant dense<0.000000e+00> : vector<128x2xf32>
    %dot_general3A_27 = tpu.matmul %max3A_23, %get3A_26, %dot_general3A {dimension_numbers = #tpu.dot_dimension_numbers<[1], [0], [0], [1], [0, 0, 1, 1], [], []>, transpose_lhs_hint = false} : vector<128x128xf32>, vector<128x2xf32>, vector<128x2xf32> -> vector<128x2xf32>
    %get3A_28 = arith.constant 0 : index
    %get3A_29 = arith.constant 0 : index
    %get3A_30 = memref.load %arg6[%get3A_28, %get3A_29] : memref<1x1xf32, #tpu.memory_space<smem>>
    %mul3A_31 = arith.constant 5.000000e-01 : f32
    %mul3A_32 = arith.mulf %mul3A_31, %get3A_30 : f32
    %add3A_33 = vector.broadcast %mul3A_32 : f32 to vector<128x2xf32>
    %add3A_34 = arith.addf %dot_general3A_27, %add3A_33 : vector<128x2xf32>
    %swap3A = arith.constant 0 : index
    %swap3A_35 = arith.constant 0 : index
    %swap3A_36 = vector.load %arg7[%swap3A, %swap3A_35] : memref<128x2xf32, #tpu.memory_space<vmem>>, vector<128x2xf32>
    tpu.vector_store %arg7[%swap3A, %swap3A_35], %add3A_34 {strides = array<i32>} : memref<128x2xf32, #tpu.memory_space<vmem>>, vector<128x2xf32>,
    return
  }
  func.func @transform_0(%arg0: i32) -> (i32, i32, i32) {
    %c0_i32 = arith.constant 0 : i32
    %c0_i32_0 = arith.constant 0 : i32
    %c0_i32_1 = arith.constant 0 : i32
    return %c0_i32, %arg0, %c0_i32_0 : i32, i32, i32
  }
  func.func @transform_1(%arg0: i32) -> (i32, i32) {
    %c0_i32 = arith.constant 0 : i32
    %c0_i32_0 = arith.constant 0 : i32
    return %arg0, %c0_i32 : i32, i32
  }
  func.func @transform_2(%arg0: i32) -> (i32, i32) {
    %c0_i32 = arith.constant 0 : i32
    %c0_i32_0 = arith.constant 0 : i32
    return %arg0, %c0_i32 : i32, i32
  }
  func.func @transform_3(%arg0: i32) -> (i32, i32) {
    %c0_i32 = arith.constant 0 : i32
    %c0_i32_0 = arith.constant 0 : i32
    %c0_i32_1 = arith.constant 0 : i32
    return %c0_i32, %c0_i32_0 : i32, i32
  }
  func.func @transform_4(%arg0: i32) -> (i32, i32) {
    %c0_i32 = arith.constant 0 : i32
    %c0_i32_0 = arith.constant 0 : i32
    %c0_i32_1 = arith.constant 0 : i32
    return %c0_i32, %c0_i32_0 : i32, i32
  }
  func.func @transform_5(%arg0: i32) -> (i32, i32) {
    %c0_i32 = arith.constant 0 : i32
    %c0_i32_0 = arith.constant 0 : i32
    %c0_i32_1 = arith.constant 0 : i32
    return %c0_i32, %c0_i32_0 : i32, i32
  }
  func.func @transform_6(%arg0: i32) -> (i32, i32) {
    %c0_i32 = arith.constant 0 : i32
    %c0_i32_0 = arith.constant 0 : i32
    return %arg0, %c0_i32 : i32, i32
  }
}

</mosaic_0001>

<sc_bundles>
// kernel: kernel.12.cloned.1.call-start
scs
__scs_entry_jumppad:
0x0: {  	(pc) =	sbr.rel $0x88, $3  }
0x1: {  	(tag) =	ssettag $0x0;
	lr =	simm.s32 $0x1  }
0x2: {  	[smem:$0x3F99] =	sst lr;
	_ =	strace $0xD0000000  }
0x3: {  	_ = 	snop  }
0x4: {  	_ = 	snop  }
0x5: {  	_ = 	snop  }
0x6: {  	_ = 	snop  }
0x7: {  	_ = 	snop  }
__scs_overlays_trampoline_lowered:
0x8: {  	[smem:$0x3FA8] =	sst s0  }
0x9: {  	[smem:$0x3FA9] =	sst s1  }
0xa: {  	[smem:$0x3FAA] =	sst s2  }
0xb: {  	[smem:$0x3FAB] =	sst s3  }
0xc: {  	[smem:$0x3FAC] =	sst s4  }
0xd: {  	[smem:$0x3FAD] =	sst s5  }
0xe: {  	[smem:$0x3FAE] =	sst s6  }
0xf: {  	[smem:$0x3FAF] =	sst s7  }
0x10: {  	[smem:$0x3FB0] =	sst s8  }
0x11: {  	[smem:$0x3FB1] =	sst s9;
	s0 =	simm.s32 @!p0 $0x0  }
0x12: {  	s1 =	sld [smem:$0x3F97];
	s0 =	simm.s32 @p0 $0x1  }
0x13: {  	[smem:$0x3FB2] =	sst s0;
	s0 =	simm.s32 @!p1 $0x0  }
0x14: {  	s2 =	sld [smem:$0x3F96];
	s0 =	simm.s32 @p1 $0x1  }
0x15: {  	[smem:$0x3FB3] =	sst s0;
	s0 =	simm.s32 @!p2 $0x0  }
0x16: {  	s3 =	sld [smem:$0x3FDB];
	s0 =	simm.s32 @p2 $0x1  }
0x17: {  	s4 =	simm.s32 $0x1BF5;
	[smem:$0x3FB5] =	sst s0  }
0x18: {  	s0 =	sld [smem:$0x3F98];
	_ =	swait.ge [sflag:s4], $0x0  }
0x19: {  	s7 =	sld [smem:$0x3F99]  }
0x1a: {  	s8 =	sadd.s32 $0xFFFFE003, lr  }
0x1b: {  	s9 =	sadd.s32 $0xFFFFFEF7, lr;
	s5 =	simm.s32 $0xFFFFFFFF;
	p2 =	slt.u32 s8, $0xFFFFF086  }
0x1c: {  	p1 =	slt.u32 s9, $0xF7A;
	s5 =	simm.s32 @!p2 $0x0  }
0x1d: {  	s5 =	simm.s32 @p1 $0x1;
	p0 =	seq.s32 s7, s2  }
0x1e: {  	s7 =	smul.u32 @!p0 $0xF7A, s2;
	p2 =	seq.s32 @!p0 s5, $0x0  }
0x1f: {  	s9 =	smul.u32 $0xF7A, s1;
	s8 =	simm.s32 @!p0 $0x1BF5;
	p2 =	por !p2, p0  }
0x20: {  	[sflag:s8] =	ssyncset.s32 @!p0 $0xFFFFF086;
	s6 =	sadd.s32 @!p0 s3, s7;
	s7 =	simm.s32 @!p0 $0x108  }
0x21: {  	s3 =	sadd.s32 s3, s9;
	s6 =	sadd.s32 @!p0 $0x88, s6;
	s7 =	simm.s32 @p2 $0x1082  }
0x22: {  	[simem:s7], [sflag:s8] =	dma.local @!p0 [hbm:s6], $0xF7A  }
0x23: {  	s9 =	sor.u32 $0xD0000000, s2;
	s6 =	simm.s32 $0x108;
	_ =	swait.ge @!p0 [sflag:s8], $0x0  }
0x24: {  	s3 =	sadd.s32 $0x88, s3;
	s6 =	simm.s32 @!p1 $0x1082;
	[sflag:s4] =	ssyncset.s32 $0xFFFFF086  }
0x25: {  	[simem:s6], [sflag:s4] =	dma.local [hbm:s3], $0xF7A  }
0x26: {  	[smem:$0x3F99] =	sst s1;
	(tag) =	ssettag s2;
	_ =	strace s9  }
0x27: {  	s1 =	sld [smem:$0x3FA9]  }
0x28: {  	s2 =	sld [smem:$0x3FAA]  }
0x29: {  	s4 =	sld [smem:$0x3FAC]  }
0x2a: {  	p0 =	seq.s32 s5, $0x0;
	s5 =	sld [smem:$0x3FAD]  }
0x2b: {  	s6 =	sld [smem:$0x3FAE]  }
0x2c: {  	s7 =	sld [smem:$0x3FAF]  }
0x2d: {  	s3 =	simm.s32 $0x108;
	s8 =	sld [smem:$0x3FB0]  }
0x2e: {  	s3 =	simm.s32 @!p0 $0x1082;
	s9 =	sld [smem:$0x3FB1]  }
0x2f: {  	lr =	sadd.s32 s0, s3;
	s0 =	sld [smem:$0x3FA8]  }
0x30: {  	s3 =	sld [smem:$0x3FAB]  }
0x31: {  	[smem:$0x3FB4] =	sst s10  }
0x32: {  	s10 =	sld [smem:$0x3FB2];
	_ =	sdelay $0x3  }
0x33: {  	p0 =	seq.s32 s10, $0x1;
	s10 =	sld [smem:$0x3FB4];
	_ =	sdelay $0x3  }
0x34: {  	[smem:$0x3FB4] =	sst s10  }
0x35: {  	s10 =	sld [smem:$0x3FB3];
	_ =	sdelay $0x3  }
0x36: {  	p1 =	seq.s32 s10, $0x1;
	s10 =	sld [smem:$0x3FB4];
	_ =	sdelay $0x3  }
0x37: {  	[smem:$0x3FB4] =	sst s10  }
0x38: {  	s10 =	sld [smem:$0x3FB5]  }
0x39: {  	_ = 	snop;
	(pc) =	sbr.ind lr, $3  }
0x3a: {  	_ = 	snop  }
0x3b: {  	_ = 	snop  }
0x3c: {  	p2 =	seq.s32 s10, $0x1;
	s10 =	sld [smem:$0x3FB4]  }
0x3d: {  	_ =	shalt  }
0x3e: {  	_ =	shalt  }
0x3f: {  	_ =	shalt  }
0x40: {  	_ =	shalt  }
0x41: {  	_ =	shalt  }
0x42: {  	_ =	shalt  }
0x43: {  	_ =	shalt  }
0x44: {  	_ =	shalt  }
0x45: {  	_ =	shalt  }
0x46: {  	_ =	shalt  }
0x47: {  	_ =	shalt  }
0x48: {  	_ =	shalt  }
0x49: {  	_ =	shalt  }
0x4a: {  	_ =	shalt  }
0x4b: {  	_ =	shalt  }
0x4c: {  	_ =	shalt  }
0x4d: {  	_ =	shalt  }
0x4e: {  	_ =	shalt  }
0x4f: {  	_ =	shalt  }
0x50: {  	_ =	shalt  }
0x51: {  	_ =	shalt  }
0x52: {  	_ =	shalt  }
0x53: {  	_ =	shalt  }
0x54: {  	_ =	shalt  }
0x55: {  	_ =	shalt  }
0x56: {  	_ =	shalt  }
0x57: {  	_ =	shalt  }
0x58: {  	_ =	shalt  }
0x59: {  	_ =	shalt  }
0x5a: {  	_ =	shalt  }
0x5b: {  	_ =	shalt  }
0x5c: {  	_ =	shalt  }
0x5d: {  	_ =	shalt  }
0x5e: {  	_ =	shalt  }
0x5f: {  	_ =	shalt  }
0x60: {  	_ =	shalt  }
0x61: {  	_ =	shalt  }
0x62: {  	_ =	shalt  }
0x63: {  	_ =	shalt  }
0x64: {  	_ =	shalt  }
0x65: {  	_ =	shalt  }
0x66: {  	_ =	shalt  }
0x67: {  	_ =	shalt  }
0x68: {  	_ =	shalt  }
0x69: {  	_ =	shalt  }
0x6a: {  	_ =	shalt  }
0x6b: {  	_ =	shalt  }
0x6c: {  	_ =	shalt  }
0x6d: {  	_ =	shalt  }
0x6e: {  	_ =	shalt  }
0x6f: {  	_ =	shalt  }
0x70: {  	_ =	shalt  }
0x71: {  	_ =	shalt  }
0x72: {  	_ =	shalt  }
0x73: {  	_ =	shalt  }
0x74: {  	_ =	shalt  }
0x75: {  	_ =	shalt  }
0x76: {  	_ =	shalt  }
0x77: {  	_ =	shalt  }
0x78: {  	_ =	shalt  }
0x79: {  	_ =	shalt  }
0x7a: {  	_ =	shalt  }
0x7b: {  	_ =	shalt  }
0x7c: {  	_ =	shalt  }
0x7d: {  	_ =	shalt  }
0x7e: {  	_ =	shalt  }
0x7f: {  	_ =	shalt  }
0x80: {  	_ =	shalt  }
0x81: {  	_ =	shalt  }
0x82: {  	_ =	shalt  }
0x83: {  	_ =	shalt  }
0x84: {  	_ =	shalt  }
0x85: {  	_ =	shalt  }
0x86: {  	_ =	shalt  }
0x87: {  	_ =	shalt  }
.Lfunc_end0:
.L_simem_size_0:
called_computation.1_lowered:
.L_overlay_start_0:
0x88: {  	s2 =	sld [smem:$0x3FD9]  }
0x89: {  	s3 =	sld [smem:$0x3FFE];
	_ =	sdelay $0x1  }
0x8a: {  	s1 =	srdreg.scid  }
0x8b: {  	s0 =	sand.u32 $0x1, s1  }
0x8c: {  	s16 =	sshll.u32 s0, $0xA;
	s2 =	sadd.s32 s3, s2  }
0x8d: {  	s2 =	sadd.s32 s2, s16  }
0x8e: {  	[smem:$0x3FC0] =	sst s2  }
0x8f: {  	_ = 	snop  }
0x90: {  	(tm) =	ssettm $0x1  }
0x91: {  	s17 =	sld [smem:$0x3FFB];
	_ =	sdelay $0x3  }
0x92: {  	_ =	strace s17  }
0x93: {  	s2 =	sld [smem:$0x3FFC];
	_ =	sdelay $0x3  }
0x94: {  	_ =	strace s2  }
0x95: {  	s2 =	sld [smem:$0x3FFD];
	_ =	sdelay $0x3  }
0x96: {  	_ =	strace s2  }
0x97: {  	_ =	strace $0x8FFFFFFF  }
0x98: {  	s18 =	sld [smem:$0x3FDB];
	_ =	sdelay $0x1  }
0x99: {  	s19 =	simm.s32 $_scs_section_size  }
0x9a: {  	s4 =	simm.s32 $_size__tile_overlayer_lowered;
	s5 =	simm.s32 $_tile_overlayer_lowered  }
0x9b: {  	s22 =	simm.s32 $0x1BFF;
	s21 =	sshll.u32 s5, $0x1;
	s2 =	sadd.s32 s19, s18  }
0x9c: {  	s6 =	simm.s32 $0x0;
	s20 =	sshll.u32 s4, $0x1;
	s4 =	sadd.s32 s21, s2  }
0x9d: {  	[timem:s6], [sflag:s22] =	dma.local [hbm:s4], s20  }
0x9e: {  	_ =	swait.ge [sflag:s22], s20  }
0x9f: {  	s3 =	ssub.s32 $0x0, s20;
	[sflag:s22] =	ssyncset.done $0x0  }
0xa0: {  	[sflag:s22] =	ssyncadd.s32 s3;
	_ =	sdelay $0x1  }
0xa1: {  	s23 =	simm.s32 $0x1B8B  }
0xa2: {  	_ =	swait.ge [sflag:s23], $0x1  }
0xa3: {  	[sflag:s23] =	ssyncset.done $0x0  }
0xa4: {  	s25 =	simm.s32 $0x1B8E;
	s24 =	sld [smem:$0x3FFE];
	[sflag:s23] =	ssyncadd.s32 $0xFFFFFFFF  }
0xa5: {  	s26 =	simm.s32 $execute0_lowered;
	[smem:$0x3FD2] =	sst s25  }
0xa6: {  	s4 =	sshll.u32 s26, $0x1;
	_ =	strace $0x80000049;
	[dreg:$0x1] =	wrdreg $0xFFFFFFFF  }
0xa7: {  	s28 =	simm.s32 $_size_execute0_lowered;
	s2 =	sadd.s32 s2, s4;
	[dreg:$0x0] =	wrdreg $0x0  }
0xa8: {  	s4 =	sshll.u32 s28, $0x1;
	[dreg:$0x2] =	wrdreg s2  }
0xa9: {  	[dreg:$0x3] =	wrdreg s4  }
0xaa: {  	[dreg:$0x4] =	wrdreg $0xC0  }
0xab: {  	_ =	task [dreg:s6], $0x5FFFF  }
0xac: {  	[dreg:$0x1] =	wrdreg $0xFFFFFFFF  }
0xad: {  	[dreg:$0x0] =	wrdreg $0x60  }
0xae: {  	[dreg:$0x2] =	wrdreg s24  }
0xaf: {  	[dreg:$0x3] =	wrdreg $0xA8000  }
0xb0: {  	[dreg:$0x4] =	wrdreg $0x9  }
0xb1: {  	_ =	task.clear_ibuf [dreg:s6], $0x5FFFF;
	_ =	strace $0x90000049  }
0xb2: {  	s29 =	simm.s32 $0x9;
	_ =	strace $0x8000004B  }
0xb3: {  	_ =	swait.ge [sflag:s29], $0x1  }
0xb4: {  	[sflag:s29] =	ssyncadd.s32 $0xFFFFFFFF  }
0xb5: {  	_ =	strace $0x9000004B  }
0xb6: {  	_ =	sfence  }
0xb7: {  	s30 =	sld [smem:$0x0];
	_ =	sdelay $0x2  }
0xb8: {  	s31 =	sshll.u32 s1, $0xD;
	s1 =	sshrl.u32 s1, $0x2  }
0xb9: {  	s3 =	sand.u32 $0x4000, s31;
	s1 =	sadd.s32 s1, s30  }
0xba: {  	s0 =	sor.u32 s3, s0;
	s1 =	sshll.u32 s1, $0x11  }
0xbb: {  	s0 =	sor.u32 s1, s0  }
0xbc: {  	s0 =	sadd.s32 $0x8F2B, s0  }
0xbd: {  	[sflag:s0] =	ssyncadd.remote.s32 $0x1  }
0xbe: {  	_ =	sfence.sel $0xFFFF  }
0xbf: {  	[dreg:$0x0] =	wrdreg $0xFFFFFFFF;
	(pc) =	sbr.abs _section_cstart, $3  }
0xc0: {  	[dreg:$0x1] =	wrdreg $0xFFFFFFFF  }
0xc1: {  	_ =	task.clear_ibuf [dreg:s6], $0x2FFFF;
	_ =	strace $0x9FFFFFFF  }
0xc2: {  	(tm) =	ssettm $0x7FFFFFFF  }
0xc3: {  	_ =	shalt  }
tec
execute0_lowered:
.L_overlay_start_1:
0x0: {  	(tag) =	ssettag $0x1  }
0x1: {  	s0 =	rddreg [dreg:$0x0]  }
0x2: {  	s2 =	rddreg [dreg:$0x1];
	s3 =	simm.s32 $0x0;
	s1 =	srdreg.scid  }
0x3: {  	s9 =	stileid.u32;
	s20 =	simm.s32 $0x6800;
	s21 =	simm.s32 $0x4  }
0x4: {  	s22 =	simm.s32 $0x1400;
	s28 =	simm.s32 $0x3;
	s29 =	simm.s32 $0x2  }
0x5: {  	s30 =	simm.s32 $0x0;
	[smem:$0x7FF] =	sst s3;
	s1 =	sand.u32 $0x1, s1  }
0x6: {  	s5 =	smul.u32 $0x280, s9;
	s4 =	sadd.s32 $0x2A400, s0;
	s7 =	sadd.s32 $0x2400, s0  }
0x7: {  	s8 =	sshll.u32 s9, $0x1;
	s24 =	smul.u32 $0x50000, s9;
	s10 =	sadd.s32 $0xC400, s0  }
0x8: {  	s6 =	smul.u32 $0x2800, s1;
	s23 =	sor.u32 s1, s8;
	s1 =	ssub.s32 $0x2, s1  }
0x9: {  	_ =	strace $0x8000004A;
	s25 =	smul.u32 $0x2800, s23;
	s26 =	sshrl.u32 s1, $0x1  }
0xa: {  	s8 =	sshrl.u32 s24, $0x2;
	s24 =	simm.s32 $0x2800;
	s5 =	sadd.s32 s6, s5  }
0xb: {  	s6 =	smul.u32 $0x500, s23;
	s1 =	ssub.s32 s1, s26;
	s23 =	simm.s32 $0x80  }
0xc: {  	s26 =	simm.s32 $0x1;
	s5 =	sshll.u32 s5, $0x4;
	s9 =	sshrl.u32 s25, $0x3  }
0xd: {  	s25 =	simm.s32 $0x4800;
	s0 =	sadd.s32 s5, s0;
	s31 =	sadd.s32 s7, s6  }
0xe: {  	s5 =	sadd.s32 s8, s2;
	s6 =	sadd.s32 s10, s6;
	[dreg:$0x3] =	wrdreg s31  }
.Ltmp0:
0xf: {  	s9 =	sadd.s32 $0x280, s9;
	[dreg:$0x4] =	wrdreg s6;
	(pc) =	sbr.rel .LBB2_1-.Ltmp0, $4  }
0x10: {  	s8 =	sadd.s32 s7, s9;
	s9 =	sadd.s32 s10, s9;
	s10 =	smax.u32 s1, $0x1  }
0x11: {  	s11 =	sadd.s32 $0x4000, s5;
	s12 =	sadd.s32 $0x8000, s5;
	s13 =	sadd.s32 $0xC000, s5  }
0x12: {  	s14 =	sadd.s32 $0x10000, s5;
	s15 =	sadd.s32 $0x3E400, s0;
	s16 =	sadd.s32 $0x3EC00, s0  }
0x13: {  	v0 =	vimm.f32 $0.0e+00;
	s17 =	sadd.s32 $0x3F400, s0;
	s18 =	sadd.s32 $0x3FC00, s0;
	s19 =	sadd.s32 $0x40400, s0  }
.LBB2_17:
0x14: {  	[bflag:$0x0] =	sbarrier.arrive $0xFFFF  }
0x15: {  	[tilespmem:s20], [sflag:$0x4] =	stream.linear.gather [spmem:s5], $0x4000, $0x38;
	[tilespmem:$0x1E800] =	vst v63  }
0x16: {  	_ =	swait.ge [sflag:s21], $0x4000  }
0x17: {  	[sflag:s21] =	ssyncset.done $0x0  }
0x18: {  	[sflag:s21] =	ssyncadd.s32 $0xFFFFC000  }
0x19: {  	[hbm4b:s15+s3] =	stream.linear.scatter [tilespmem:s20], [sflag:$0x4], $0x4000, $0x38;
	[tilespmem:$0x1E800] =	vst v63  }
0x1a: {  	_ =	swait.ge [sflag:s21], $0x4000  }
0x1b: {  	[sflag:s21] =	ssyncset.done $0x0  }
0x1c: {  	[sflag:s21] =	ssyncadd.s32 $0xFFFFC000  }
0x1d: {  	[tilespmem:s20], [sflag:$0x4] =	stream.linear.gather [spmem:s11], $0x4000, $0x38;
	[tilespmem:$0x1E800] =	vst v63  }
0x1e: {  	_ =	swait.ge [sflag:s21], $0x4000  }
0x1f: {  	[sflag:s21] =	ssyncset.done $0x0  }
0x20: {  	[sflag:s21] =	ssyncadd.s32 $0xFFFFC000  }
0x21: {  	[hbm4b:s16+s3] =	stream.linear.scatter [tilespmem:s20], [sflag:$0x4], $0x4000, $0x38;
	[tilespmem:$0x1E800] =	vst v63  }
0x22: {  	_ =	swait.ge [sflag:s21], $0x4000  }
0x23: {  	[sflag:s21] =	ssyncset.done $0x0  }
0x24: {  	[sflag:s21] =	ssyncadd.s32 $0xFFFFC000  }
0x25: {  	[tilespmem:s20], [sflag:$0x4] =	stream.linear.gather [spmem:s12], $0x4000, $0x38;
	[tilespmem:$0x1E800] =	vst v63  }
0x26: {  	_ =	swait.ge [sflag:s21], $0x4000  }
0x27: {  	[sflag:s21] =	ssyncset.done $0x0  }
0x28: {  	[sflag:s21] =	ssyncadd.s32 $0xFFFFC000  }
0x29: {  	[hbm4b:s17+s3] =	stream.linear.scatter [tilespmem:s20], [sflag:$0x4], $0x4000, $0x38;
	[tilespmem:$0x1E800] =	vst v63  }
0x2a: {  	_ =	swait.ge [sflag:s21], $0x4000  }
0x2b: {  	[sflag:s21] =	ssyncset.done $0x0  }
0x2c: {  	[sflag:s21] =	ssyncadd.s32 $0xFFFFC000  }
0x2d: {  	[tilespmem:s20], [sflag:$0x4] =	stream.linear.gather [spmem:s13], $0x4000, $0x38;
	[tilespmem:$0x1E800] =	vst v63  }
0x2e: {  	_ =	swait.ge [sflag:s21], $0x4000  }
0x2f: {  	[sflag:s21] =	ssyncset.done $0x0  }
0x30: {  	[sflag:s21] =	ssyncadd.s32 $0xFFFFC000  }
0x31: {  	[hbm4b:s18+s3] =	stream.linear.scatter [tilespmem:s20], [sflag:$0x4], $0x4000, $0x38;
	[tilespmem:$0x1E800] =	vst v63  }
0x32: {  	_ =	swait.ge [sflag:s21], $0x4000  }
0x33: {  	[sflag:s21] =	ssyncset.done $0x0  }
0x34: {  	[sflag:s21] =	ssyncadd.s32 $0xFFFFC000  }
0x35: {  	[tilespmem:s20], [sflag:$0x4] =	stream.linear.gather [spmem:s14], $0x4000, $0x38;
	[tilespmem:$0x1E800] =	vst v63  }
0x36: {  	s30 =	sadd.s32 $0x1, s30;
	_ =	swait.ge [sflag:s21], $0x4000  }
0x37: {  	p0 =	sne.s32 s30, s10;
	[sflag:s21] =	ssyncset.done $0x0  }
.Ltmp1:
0x38: {  	[sflag:s21] =	ssyncadd.s32 $0xFFFFC000;
	(pc) =	sbr.rel @!p0 .LBB2_18-.Ltmp1, $4  }
0x39: {  	[hbm4b:s19+s3] =	stream.linear.scatter [tilespmem:s20], [sflag:$0x4], $0x4000, $0x38;
	[tilespmem:$0x1E800] =	vst v63  }
0x3a: {  	_ =	swait.ge [sflag:s21], $0x4000  }
0x3b: {  	[sflag:s21] =	ssyncset.done $0x0  }
0x3c: {  	[sflag:s21] =	ssyncadd.s32 $0xFFFFC000  }
.LBB2_1:
0x3d: {  	s0 =	simm.s32 $0x0;
	s1 =	simm.s32 $0x200  }
.LBB2_2:
0x3e: {  	p0 =	sne.s32 s1, $0xFE00;
	[tilespmem:s0+$0x6870] =	vst v0  }
0x3f: {  	[tilespmem:s0+$0x6800] =	vst v0  }
0x40: {  	[tilespmem:s0+$0x6810] =	vst v0  }
.Ltmp2:
0x41: {  	[tilespmem:s0+$0x6820] =	vst v0;
	(pc) =	sbr.rel @p0 .LBB2_2-.Ltmp2, $4  }
0x42: {  	[tilespmem:s0+$0x6830] =	vst v0  }
0x43: {  	[tilespmem:s0+$0x6840] =	vst v0  }
0x44: {  	[tilespmem:s0+$0x6850] =	vst v0  }
0x45: {  	[tilespmem:s0+$0x6860] =	vst v0;
	s0 =	sshra.s32 s1, $0x2;
	s1 =	sadd.s32 $0x200, s1  }
0x46: {  	[tilespmem:s0+$0x6870] =	vst v0  }
0x47: {  	[tilespmem:s0+$0x6800] =	vst v0  }
0x48: {  	[tilespmem:s0+$0x6810] =	vst v0  }
0x49: {  	[tilespmem:s0+$0x6820] =	vst v0  }
0x4a: {  	[tilespmem:s0+$0x6830] =	vst v0  }
0x4b: {  	[tilespmem:s0+$0x6840] =	vst v0  }
0x4c: {  	[tilespmem:s0+$0x6850] =	vst v0  }
0x4d: {  	[tilespmem:s0+$0x6860] =	vst v0  }
0x4e: {  	[spmem:s5] =	stream.linear.scatter [tilespmem:s20], [sflag:$0x4], $0x4000, $0x38;
	[tilespmem:$0x1E800] =	vst v63  }
0x4f: {  	_ =	swait.ge [sflag:s21], $0x4000  }
0x50: {  	[sflag:s21] =	ssyncset.done $0x0  }
0x51: {  	[sflag:s21] =	ssyncadd.s32 $0xFFFFC000  }
0x52: {  	[spmem:s11] =	stream.linear.scatter [tilespmem:s20], [sflag:$0x4], $0x4000, $0x38;
	[tilespmem:$0x1E800] =	vst v63  }
0x53: {  	_ =	swait.ge [sflag:s21], $0x4000  }
0x54: {  	[sflag:s21] =	ssyncset.done $0x0  }
0x55: {  	[sflag:s21] =	ssyncadd.s32 $0xFFFFC000  }
0x56: {  	[spmem:s12] =	stream.linear.scatter [tilespmem:s20], [sflag:$0x4], $0x4000, $0x38;
	[tilespmem:$0x1E800] =	vst v63  }
0x57: {  	_ =	swait.ge [sflag:s21], $0x4000  }
0x58: {  	[sflag:s21] =	ssyncset.done $0x0  }
0x59: {  	[sflag:s21] =	ssyncadd.s32 $0xFFFFC000  }
0x5a: {  	[spmem:s13] =	stream.linear.scatter [tilespmem:s20], [sflag:$0x4], $0x4000, $0x38;
	[tilespmem:$0x1E800] =	vst v63  }
0x5b: {  	_ =	swait.ge [sflag:s21], $0x4000  }
0x5c: {  	[sflag:s21] =	ssyncset.done $0x0  }
0x5d: {  	[sflag:s21] =	ssyncadd.s32 $0xFFFFC000  }
0x5e: {  	[spmem:s14] =	stream.linear.scatter [tilespmem:s20], [sflag:$0x4], $0x4000, $0x38;
	[tilespmem:$0x1E800] =	vst v63  }
0x5f: {  	_ =	swait.ge [sflag:s21], $0x4000  }
0x60: {  	[sflag:s21] =	ssyncset.done $0x0  }
0x61: {  	[sflag:s21] =	ssyncadd.s32 $0xFFFFC000  }
0x62: {  	[bflag:$0x0] =	sbarrier.arrive $0xFFFF  }
0x63: {  	s31 =	simm.s32 $0x0;
	s6 =	rddreg [dreg:$0x3]  }
0x64: {  	[tilespmem:s31], [sflag:$0x4] =	stream.linear.gather [hbm4b:s6+s31], $0x1400, $0x38;
	[tilespmem:$0x1E800] =	vst v63  }
0x65: {  	_ =	swait.ge [sflag:s21], $0x1400  }
0x66: {  	[sflag:s21] =	ssyncset.done $0x0  }
0x67: {  	s7 =	rddreg [dreg:$0x4];
	[sflag:s21] =	ssyncadd.s32 $0xFFFFEC00  }
0x68: {  	[tilespmem:s22], [sflag:$0x4] =	stream.linear.gather [hbm4b:s7+s31], $0x1400, $0x38;
	[tilespmem:$0x1E800] =	vst v63  }
0x69: {  	_ =	swait.ge [sflag:s21], $0x1400  }
0x6a: {  	[sflag:s21] =	ssyncset.done $0x0  }
0x6b: {  	[sflag:s21] =	ssyncadd.s32 $0xFFFFEC00  }
0x6c: {  	[tilespmem:s24], [sflag:$0x1] =	stream.indirect.gather [hbm4b:s4+s23], $0x40, s31, s23, $0xb8;
	[tilespmem:$0x1E800] =	vst v63  }
0x6d: {  	_ = 	snop  }
0x6e: {  	[tilespmem:s25], [sflag:$0x2] =	stream.indirect.gather [hbm4b:s4+s23], $0x40, s23, s23, $0xb8;
	[tilespmem:$0x1E800] =	vst v63  }
.LBB2_4:
0x6f: {  	_ =	swait.ge [sflag:s26], $0x2000  }
0x70: {  	[sflag:s26] =	ssyncset.done $0x0  }
0x71: {  	s1 =	simm.s32 $0x0;
	[sflag:s26] =	ssyncadd.s32 $0xFFFFE000  }
0x72: {  	v1 =	vld [tilespmem:s1+$0x2800];
	_ =	sdelay $0x4  }
0x73: {  	s0 =	simm.s32 $0x6840;
	v2 =	vshll.u32 v1, $0x10  }
0x74: {  	v1 =	vand.u32 $0xFFFF0000, v1;
	[tilespmem:s0+$0xFFFFFFC0] =	vst v2  }
0x75: {  	[tilespmem:s0+$0xFFFFFFD0] =	vst v1  }
0x76: {  	v1 =	vld [tilespmem:s1+$0x2810];
	_ =	sdelay $0x4  }
0x77: {  	v2 =	vshll.u32 v1, $0x10  }
0x78: {  	v1 =	vand.u32 $0xFFFF0000, v1;
	[tilespmem:s0+$0xFFFFFFE0] =	vst v2  }
0x79: {  	[tilespmem:s0+$0xFFFFFFF0] =	vst v1  }
0x7a: {  	v1 =	vld [tilespmem:s1+$0x2820];
	_ =	sdelay $0x4  }
0x7b: {  	v2 =	vand.u32 $0xFFFF0000, v1  }
0x7c: {  	v1 =	vshll.u32 v1, $0x10;
	[tilespmem:s0+$0x10] =	vst v2  }
0x7d: {  	[tilespmem:s0+$0x0] =	vst v1  }
0x7e: {  	v1 =	vld [tilespmem:s1+$0x2830];
	_ =	sdelay $0x4  }
0x7f: {  	v2 =	vshll.u32 v1, $0x10  }
0x80: {  	v1 =	vand.u32 $0xFFFF0000, v1;
	[tilespmem:s0+$0x20] =	vst v2  }
0x81: {  	s1 =	simm.s32 $0x40;
	[tilespmem:s0+$0x30] =	vst v1  }
0x82: {  	v1 =	vld [tilespmem:s1+$0x2800]  }
0x83: {  	s6 =	simm.s32 $0x200  }
.LBB2_5:
0x84: {  	p0 =	sne.s32 s6, $0x7F00;
	_ =	sdelay $0x2  }
0x85: {  	s0 =	sadd.s32 $0x80, s0;
	v2 =	vshll.u32 v1, $0x10  }
0x86: {  	v1 =	vand.u32 $0xFFFF0000, v1;
	[tilespmem:s0+$0xFFFFFFC0] =	vst v2  }
0x87: {  	[tilespmem:s0+$0xFFFFFFD0] =	vst v1  }
0x88: {  	v1 =	vld [tilespmem:s1+$0x2810];
	_ =	sdelay $0x4  }
0x89: {  	v2 =	vshll.u32 v1, $0x10  }
0x8a: {  	v1 =	vand.u32 $0xFFFF0000, v1;
	[tilespmem:s0+$0xFFFFFFE0] =	vst v2  }
0x8b: {  	[tilespmem:s0+$0xFFFFFFF0] =	vst v1  }
0x8c: {  	v1 =	vld [tilespmem:s1+$0x2820];
	_ =	sdelay $0x4  }
0x8d: {  	v2 =	vshll.u32 v1, $0x10;
	v1 =	vand.u32 $0xFFFF0000, v1  }
0x8e: {  	[tilespmem:s0+$0x10] =	vst v1  }
0x8f: {  	[tilespmem:s0+$0x0] =	vst v2  }
0x90: {  	v1 =	vld [tilespmem:s1+$0x2830];
	_ =	sdelay $0x4  }
.Ltmp3:
0x91: {  	v2 =	vshll.u32 v1, $0x10;
	v1 =	vand.u32 $0xFFFF0000, v1;
	(pc) =	sbr.rel @p0 .LBB2_5-.Ltmp3, $4  }
0x92: {  	[tilespmem:s0+$0x20] =	vst v2  }
0x93: {  	s1 =	sshra.s32 s6, $0x2;
	[tilespmem:s0+$0x30] =	vst v1  }
0x94: {  	v1 =	vld [tilespmem:s1+$0x2800]  }
0x95: {  	s6 =	sadd.s32 $0x100, s6  }
0x96: {  	_ =	sdelay $0x2  }
0x97: {  	s6 =	sadd.s32 $0x80, s0;
	v2 =	vshll.u32 v1, $0x10  }
0x98: {  	v1 =	vand.u32 $0xFFFF0000, v1;
	[tilespmem:s6+$0xFFFFFFC0] =	vst v2  }
0x99: {  	[tilespmem:s6+$0xFFFFFFD0] =	vst v1  }
0x9a: {  	v1 =	vld [tilespmem:s1+$0x2810];
	_ =	sdelay $0x4  }
0x9b: {  	v2 =	vshll.u32 v1, $0x10  }
0x9c: {  	v1 =	vand.u32 $0xFFFF0000, v1;
	[tilespmem:s6+$0xFFFFFFE0] =	vst v2  }
0x9d: {  	[tilespmem:s6+$0xFFFFFFF0] =	vst v1  }
0x9e: {  	v1 =	vld [tilespmem:s1+$0x2820];
	_ =	sdelay $0x4  }
0x9f: {  	v2 =	vand.u32 $0xFFFF0000, v1  }
0xa0: {  	v1 =	vshll.u32 v1, $0x10;
	[tilespmem:s6+$0x10] =	vst v2  }
0xa1: {  	[tilespmem:s6+$0x0] =	vst v1  }
0xa2: {  	v1 =	vld [tilespmem:s1+$0x2830];
	_ =	sdelay $0x4  }
0xa3: {  	s1 =	sshll.u32 s31, $0xA;
	v2 =	vshll.u32 v1, $0x10  }
0xa4: {  	s0 =	sshrl.u32 s1, $0x2;
	v1 =	vand.u32 $0xFFFF0000, v1;
	[tilespmem:s6+$0x20] =	vst v2  }
0xa5: {  	p0 =	seq.s32 s31, $0x13;
	s7 =	sadd.s32 $0x1400, s0;
	[tilespmem:s6+$0x30] =	vst v1  }
0xa6: {  	[spmem:s2] =	stream.indirect.scatter.add.f32 [tilespmem:s20], [sflag:$0x3], $0x80, s7, s23, $0xb8;
	[tilespmem:$0x1E800] =	vst v63  }
0xa7: {  	s1 =	sshrl.u32 @!p0 s1, $0x2;
	_ =	swait.ge [sflag:s28], $0x4000  }
0xa8: {  	s1 =	sadd.s32 @!p0 $0x100, s1;
	[sflag:s28] =	ssyncset.done $0x0  }
0xa9: {  	s6 =	simm.s32 @!p0 $0x80;
	s7 =	simm.s32 @!p0 $0x2800;
	[sflag:s28] =	ssyncadd.s32 $0xFFFFC000  }
0xaa: {  	[tilespmem:s7], [sflag:$0x1] =	stream.indirect.gather @!p0 [hbm4b:s4+s6], $0x40, s1, s6, $0xb8;
	[tilespmem:$0x1E800] =	vst v63  }
0xab: {  	_ =	swait.ge [sflag:s29], $0x2000  }
0xac: {  	[sflag:s29] =	ssyncset.done $0x0  }
0xad: {  	s7 =	simm.s32 $0x0;
	[sflag:s29] =	ssyncadd.s32 $0xFFFFE000  }
0xae: {  	v1 =	vld [tilespmem:s7+$0x4800];
	_ =	sdelay $0x4  }
0xaf: {  	s1 =	simm.s32 $0x6840;
	v2 =	vshll.u32 v1, $0x10  }
0xb0: {  	v1 =	vand.u32 $0xFFFF0000, v1;
	[tilespmem:s1+$0xFFFFFFC0] =	vst v2  }
0xb1: {  	[tilespmem:s1+$0xFFFFFFD0] =	vst v1  }
0xb2: {  	v1 =	vld [tilespmem:s7+$0x4810];
	_ =	sdelay $0x4  }
0xb3: {  	v2 =	vshll.u32 v1, $0x10  }
0xb4: {  	v1 =	vand.u32 $0xFFFF0000, v1;
	[tilespmem:s1+$0xFFFFFFE0] =	vst v2  }
0xb5: {  	[tilespmem:s1+$0xFFFFFFF0] =	vst v1  }
0xb6: {  	v1 =	vld [tilespmem:s7+$0x4820];
	_ =	sdelay $0x4  }
0xb7: {  	v2 =	vand.u32 $0xFFFF0000, v1  }
0xb8: {  	v1 =	vshll.u32 v1, $0x10;
	[tilespmem:s1+$0x10] =	vst v2  }
0xb9: {  	[tilespmem:s1+$0x0] =	vst v1  }
0xba: {  	v1 =	vld [tilespmem:s7+$0x4830];
	_ =	sdelay $0x4  }
0xbb: {  	v2 =	vshll.u32 v1, $0x10  }
0xbc: {  	v1 =	vand.u32 $0xFFFF0000, v1;
	[tilespmem:s1+$0x20] =	vst v2  }
0xbd: {  	s6 =	simm.s32 $0x40;
	[tilespmem:s1+$0x30] =	vst v1  }
0xbe: {  	v1 =	vld [tilespmem:s6+$0x4800]  }
0xbf: {  	s7 =	simm.s32 $0x200  }
.LBB2_7:
0xc0: {  	p1 =	sne.s32 s7, $0x7F00;
	_ =	sdelay $0x2  }
0xc1: {  	s1 =	sadd.s32 $0x80, s1;
	v2 =	vshll.u32 v1, $0x10  }
0xc2: {  	v1 =	vand.u32 $0xFFFF0000, v1;
	[tilespmem:s1+$0xFFFFFFC0] =	vst v2  }
0xc3: {  	[tilespmem:s1+$0xFFFFFFD0] =	vst v1  }
0xc4: {  	v1 =	vld [tilespmem:s6+$0x4810];
	_ =	sdelay $0x4  }
0xc5: {  	v2 =	vshll.u32 v1, $0x10  }
0xc6: {  	v1 =	vand.u32 $0xFFFF0000, v1;
	[tilespmem:s1+$0xFFFFFFE0] =	vst v2  }
0xc7: {  	[tilespmem:s1+$0xFFFFFFF0] =	vst v1  }
0xc8: {  	v1 =	vld [tilespmem:s6+$0x4820];
	_ =	sdelay $0x4  }
0xc9: {  	v2 =	vshll.u32 v1, $0x10;
	v1 =	vand.u32 $0xFFFF0000, v1  }
0xca: {  	[tilespmem:s1+$0x10] =	vst v1  }
0xcb: {  	[tilespmem:s1+$0x0] =	vst v2  }
0xcc: {  	v1 =	vld [tilespmem:s6+$0x4830];
	_ =	sdelay $0x4  }
.Ltmp4:
0xcd: {  	v2 =	vshll.u32 v1, $0x10;
	v1 =	vand.u32 $0xFFFF0000, v1;
	(pc) =	sbr.rel @p1 .LBB2_7-.Ltmp4, $4  }
0xce: {  	[tilespmem:s1+$0x20] =	vst v2  }
0xcf: {  	s6 =	sshra.s32 s7, $0x2;
	[tilespmem:s1+$0x30] =	vst v1  }
0xd0: {  	v1 =	vld [tilespmem:s6+$0x4800]  }
0xd1: {  	s7 =	sadd.s32 $0x100, s7  }
0xd2: {  	_ =	sdelay $0x2  }
0xd3: {  	s1 =	sadd.s32 $0x80, s1;
	v2 =	vshll.u32 v1, $0x10  }
0xd4: {  	v1 =	vand.u32 $0xFFFF0000, v1;
	[tilespmem:s1+$0xFFFFFFC0] =	vst v2  }
0xd5: {  	[tilespmem:s1+$0xFFFFFFD0] =	vst v1  }
0xd6: {  	v1 =	vld [tilespmem:s6+$0x4810];
	_ =	sdelay $0x4  }
0xd7: {  	v2 =	vshll.u32 v1, $0x10  }
0xd8: {  	v1 =	vand.u32 $0xFFFF0000, v1;
	[tilespmem:s1+$0xFFFFFFE0] =	vst v2  }
0xd9: {  	[tilespmem:s1+$0xFFFFFFF0] =	vst v1  }
0xda: {  	v1 =	vld [tilespmem:s6+$0x4820];
	_ =	sdelay $0x4  }
0xdb: {  	v2 =	vand.u32 $0xFFFF0000, v1  }
0xdc: {  	v1 =	vshll.u32 v1, $0x10;
	[tilespmem:s1+$0x10] =	vst v2  }
0xdd: {  	[tilespmem:s1+$0x0] =	vst v1  }
0xde: {  	v1 =	vld [tilespmem:s6+$0x4830];
	_ =	sdelay $0x4  }
0xdf: {  	v2 =	vshll.u32 v1, $0x10  }
0xe0: {  	v1 =	vand.u32 $0xFFFF0000, v1;
	[tilespmem:s1+$0x20] =	vst v2  }
.Ltmp5:
0xe1: {  	s7 =	sadd.s32 $0x1480, s0;
	[tilespmem:s1+$0x30] =	vst v1;
	(pc) =	sbr.rel @p0 .LBB2_10-.Ltmp5, $4  }
0xe2: {  	[spmem:s2] =	stream.indirect.scatter.add.f32 [tilespmem:s20], [sflag:$0x3], $0x80, s7, s23, $0xb8;
	[tilespmem:$0x1E800] =	vst v63  }
0xe3: {  	_ =	swait.ge [sflag:s28], $0x4000  }
0xe4: {  	[sflag:s28] =	ssyncset.done $0x0  }
0xe5: {  	[sflag:s28] =	ssyncadd.s32 $0xFFFFC000  }
.Ltmp6:
0xe6: {  	(pc) =	sbr.rel .LBB2_4-.Ltmp6, $3  }
0xe7: {  	_ =	sdelay $0x1  }
0xe8: {  	s0 =	sadd.s32 $0x180, s0;
	s31 =	sadd.s32 $0x1, s31  }
0xe9: {  	[tilespmem:s25], [sflag:$0x2] =	stream.indirect.gather [hbm4b:s4+s23], $0x40, s0, s23, $0xb8;
	[tilespmem:$0x1E800] =	vst v63  }
.LBB2_10:
0xea: {  	s31 =	simm.s32 $0x0  }
0xeb: {  	[tilespmem:s31], [sflag:$0x4] =	stream.linear.gather [hbm4b:s8+s31], $0x1400, $0x38;
	[tilespmem:$0x1E800] =	vst v63  }
0xec: {  	_ =	swait.ge [sflag:s21], $0x1400  }
0xed: {  	[sflag:s21] =	ssyncset.done $0x0  }
0xee: {  	[sflag:s21] =	ssyncadd.s32 $0xFFFFEC00  }
0xef: {  	[tilespmem:s22], [sflag:$0x4] =	stream.linear.gather [hbm4b:s9+s31], $0x1400, $0x38;
	[tilespmem:$0x1E800] =	vst v63  }
0xf0: {  	_ =	swait.ge [sflag:s21], $0x1400  }
0xf1: {  	[sflag:s21] =	ssyncset.done $0x0  }
0xf2: {  	[sflag:s21] =	ssyncadd.s32 $0xFFFFEC00  }
0xf3: {  	[tilespmem:s24], [sflag:$0x1] =	stream.indirect.gather [hbm4b:s4+s23], $0x40, s31, s23, $0xb8;
	[tilespmem:$0x1E800] =	vst v63  }
0xf4: {  	_ = 	snop  }
0xf5: {  	[tilespmem:s25], [sflag:$0x2] =	stream.indirect.gather [hbm4b:s4+s23], $0x40, s23, s23, $0xb8;
	[tilespmem:$0x1E800] =	vst v63  }
.LBB2_11:
0xf6: {  	_ =	swait.ge [sflag:s26], $0x2000  }
0xf7: {  	[sflag:s26] =	ssyncset.done $0x0  }
0xf8: {  	s1 =	simm.s32 $0x0;
	[sflag:s26] =	ssyncadd.s32 $0xFFFFE000  }
0xf9: {  	v1 =	vld [tilespmem:s1+$0x2800];
	_ =	sdelay $0x4  }
0xfa: {  	s0 =	simm.s32 $0x6840;
	v2 =	vshll.u32 v1, $0x10  }
0xfb: {  	v1 =	vand.u32 $0xFFFF0000, v1;
	[tilespmem:s0+$0xFFFFFFC0] =	vst v2  }
0xfc: {  	[tilespmem:s0+$0xFFFFFFD0] =	vst v1  }
0xfd: {  	v1 =	vld [tilespmem:s1+$0x2810];
	_ =	sdelay $0x4  }
0xfe: {  	v2 =	vshll.u32 v1, $0x10  }
0xff: {  	v1 =	vand.u32 $0xFFFF0000, v1;
	[tilespmem:s0+$0xFFFFFFE0] =	vst v2  }
0x100: {  	[tilespmem:s0+$0xFFFFFFF0] =	vst v1  }
0x101: {  	v1 =	vld [tilespmem:s1+$0x2820];
	_ =	sdelay $0x4  }
0x102: {  	v2 =	vand.u32 $0xFFFF0000, v1  }
0x103: {  	v1 =	vshll.u32 v1, $0x10;
	[tilespmem:s0+$0x10] =	vst v2  }
0x104: {  	[tilespmem:s0+$0x0] =	vst v1  }
0x105: {  	v1 =	vld [tilespmem:s1+$0x2830];
	_ =	sdelay $0x4  }
0x106: {  	v2 =	vshll.u32 v1, $0x10  }
0x107: {  	v1 =	vand.u32 $0xFFFF0000, v1;
	[tilespmem:s0+$0x20] =	vst v2  }
0x108: {  	s1 =	simm.s32 $0x40;
	[tilespmem:s0+$0x30] =	vst v1  }
0x109: {  	v1 =	vld [tilespmem:s1+$0x2800]  }
0x10a: {  	s6 =	simm.s32 $0x200  }
.LBB2_12:
0x10b: {  	p0 =	sne.s32 s6, $0x7F00;
	_ =	sdelay $0x2  }
0x10c: {  	s0 =	sadd.s32 $0x80, s0;
	v2 =	vshll.u32 v1, $0x10  }
0x10d: {  	v1 =	vand.u32 $0xFFFF0000, v1;
	[tilespmem:s0+$0xFFFFFFC0] =	vst v2  }
0x10e: {  	[tilespmem:s0+$0xFFFFFFD0] =	vst v1  }
0x10f: {  	v1 =	vld [tilespmem:s1+$0x2810];
	_ =	sdelay $0x4  }
0x110: {  	v2 =	vshll.u32 v1, $0x10  }
0x111: {  	v1 =	vand.u32 $0xFFFF0000, v1;
	[tilespmem:s0+$0xFFFFFFE0] =	vst v2  }
0x112: {  	[tilespmem:s0+$0xFFFFFFF0] =	vst v1  }
0x113: {  	v1 =	vld [tilespmem:s1+$0x2820];
	_ =	sdelay $0x4  }
0x114: {  	v2 =	vshll.u32 v1, $0x10;
	v1 =	vand.u32 $0xFFFF0000, v1  }
0x115: {  	[tilespmem:s0+$0x10] =	vst v1  }
0x116: {  	[tilespmem:s0+$0x0] =	vst v2  }
0x117: {  	v1 =	vld [tilespmem:s1+$0x2830];
	_ =	sdelay $0x4  }
.Ltmp7:
0x118: {  	v2 =	vshll.u32 v1, $0x10;
	v1 =	vand.u32 $0xFFFF0000, v1;
	(pc) =	sbr.rel @p0 .LBB2_12-.Ltmp7, $4  }
0x119: {  	[tilespmem:s0+$0x20] =	vst v2  }
0x11a: {  	s1 =	sshra.s32 s6, $0x2;
	[tilespmem:s0+$0x30] =	vst v1  }
0x11b: {  	v1 =	vld [tilespmem:s1+$0x2800]  }
0x11c: {  	s6 =	sadd.s32 $0x100, s6  }
0x11d: {  	_ =	sdelay $0x2  }
0x11e: {  	s6 =	sadd.s32 $0x80, s0;
	v2 =	vshll.u32 v1, $0x10  }
0x11f: {  	v1 =	vand.u32 $0xFFFF0000, v1;
	[tilespmem:s6+$0xFFFFFFC0] =	vst v2  }
0x120: {  	[tilespmem:s6+$0xFFFFFFD0] =	vst v1  }
0x121: {  	v1 =	vld [tilespmem:s1+$0x2810];
	_ =	sdelay $0x4  }
0x122: {  	v2 =	vshll.u32 v1, $0x10  }
0x123: {  	v1 =	vand.u32 $0xFFFF0000, v1;
	[tilespmem:s6+$0xFFFFFFE0] =	vst v2  }
0x124: {  	[tilespmem:s6+$0xFFFFFFF0] =	vst v1  }
0x125: {  	v1 =	vld [tilespmem:s1+$0x2820];
	_ =	sdelay $0x4  }
0x126: {  	v2 =	vand.u32 $0xFFFF0000, v1  }
0x127: {  	v1 =	vshll.u32 v1, $0x10;
	[tilespmem:s6+$0x10] =	vst v2  }
0x128: {  	[tilespmem:s6+$0x0] =	vst v1  }
0x129: {  	v1 =	vld [tilespmem:s1+$0x2830];
	_ =	sdelay $0x4  }
0x12a: {  	s1 =	sshll.u32 s31, $0xA;
	v2 =	vshll.u32 v1, $0x10  }
0x12b: {  	s0 =	sshrl.u32 s1, $0x2;
	v1 =	vand.u32 $0xFFFF0000, v1;
	[tilespmem:s6+$0x20] =	vst v2  }
0x12c: {  	p0 =	seq.s32 s31, $0x13;
	s7 =	sadd.s32 $0x1400, s0;
	[tilespmem:s6+$0x30] =	vst v1  }
0x12d: {  	[spmem:s2] =	stream.indirect.scatter.add.f32 [tilespmem:s20], [sflag:$0x3], $0x80, s7, s23, $0xb8;
	[tilespmem:$0x1E800] =	vst v63  }
0x12e: {  	s1 =	sshrl.u32 @!p0 s1, $0x2;
	_ =	swait.ge [sflag:s28], $0x4000  }
0x12f: {  	s1 =	sadd.s32 @!p0 $0x100, s1;
	[sflag:s28] =	ssyncset.done $0x0  }
0x130: {  	s6 =	simm.s32 @!p0 $0x80;
	s7 =	simm.s32 @!p0 $0x2800;
	[sflag:s28] =	ssyncadd.s32 $0xFFFFC000  }
0x131: {  	[tilespmem:s7], [sflag:$0x1] =	stream.indirect.gather @!p0 [hbm4b:s4+s6], $0x40, s1, s6, $0xb8;
	[tilespmem:$0x1E800] =	vst v63  }
0x132: {  	_ =	swait.ge [sflag:s29], $0x2000  }
0x133: {  	[sflag:s29] =	ssyncset.done $0x0  }
0x134: {  	s7 =	simm.s32 $0x0;
	[sflag:s29] =	ssyncadd.s32 $0xFFFFE000  }
0x135: {  	v1 =	vld [tilespmem:s7+$0x4800];
	_ =	sdelay $0x4  }
0x136: {  	s1 =	simm.s32 $0x6840;
	v2 =	vshll.u32 v1, $0x10  }
0x137: {  	v1 =	vand.u32 $0xFFFF0000, v1;
	[tilespmem:s1+$0xFFFFFFC0] =	vst v2  }
0x138: {  	[tilespmem:s1+$0xFFFFFFD0] =	vst v1  }
0x139: {  	v1 =	vld [tilespmem:s7+$0x4810];
	_ =	sdelay $0x4  }
0x13a: {  	v2 =	vshll.u32 v1, $0x10  }
0x13b: {  	v1 =	vand.u32 $0xFFFF0000, v1;
	[tilespmem:s1+$0xFFFFFFE0] =	vst v2  }
0x13c: {  	[tilespmem:s1+$0xFFFFFFF0] =	vst v1  }
0x13d: {  	v1 =	vld [tilespmem:s7+$0x4820];
	_ =	sdelay $0x4  }
0x13e: {  	v2 =	vand.u32 $0xFFFF0000, v1  }
0x13f: {  	v1 =	vshll.u32 v1, $0x10;
	[tilespmem:s1+$0x10] =	vst v2  }
0x140: {  	[tilespmem:s1+$0x0] =	vst v1  }
0x141: {  	v1 =	vld [tilespmem:s7+$0x4830];
	_ =	sdelay $0x4  }
0x142: {  	v2 =	vshll.u32 v1, $0x10  }
0x143: {  	v1 =	vand.u32 $0xFFFF0000, v1;
	[tilespmem:s1+$0x20] =	vst v2  }
0x144: {  	s6 =	simm.s32 $0x40;
	[tilespmem:s1+$0x30] =	vst v1  }
0x145: {  	v1 =	vld [tilespmem:s6+$0x4800]  }
0x146: {  	s7 =	simm.s32 $0x200  }
.LBB2_14:
0x147: {  	p1 =	sne.s32 s7, $0x7F00;
	_ =	sdelay $0x2  }
0x148: {  	s1 =	sadd.s32 $0x80, s1;
	v2 =	vshll.u32 v1, $0x10  }
0x149: {  	v1 =	vand.u32 $0xFFFF0000, v1;
	[tilespmem:s1+$0xFFFFFFC0] =	vst v2  }
0x14a: {  	[tilespmem:s1+$0xFFFFFFD0] =	vst v1  }
0x14b: {  	v1 =	vld [tilespmem:s6+$0x4810];
	_ =	sdelay $0x4  }
0x14c: {  	v2 =	vshll.u32 v1, $0x10  }
0x14d: {  	v1 =	vand.u32 $0xFFFF0000, v1;
	[tilespmem:s1+$0xFFFFFFE0] =	vst v2  }
0x14e: {  	[tilespmem:s1+$0xFFFFFFF0] =	vst v1  }
0x14f: {  	v1 =	vld [tilespmem:s6+$0x4820];
	_ =	sdelay $0x4  }
0x150: {  	v2 =	vshll.u32 v1, $0x10;
	v1 =	vand.u32 $0xFFFF0000, v1  }
0x151: {  	[tilespmem:s1+$0x10] =	vst v1  }
0x152: {  	[tilespmem:s1+$0x0] =	vst v2  }
0x153: {  	v1 =	vld [tilespmem:s6+$0x4830];
	_ =	sdelay $0x4  }
.Ltmp8:
0x154: {  	v2 =	vshll.u32 v1, $0x10;
	v1 =	vand.u32 $0xFFFF0000, v1;
	(pc) =	sbr.rel @p1 .LBB2_14-.Ltmp8, $4  }
0x155: {  	[tilespmem:s1+$0x20] =	vst v2  }
0x156: {  	s6 =	sshra.s32 s7, $0x2;
	[tilespmem:s1+$0x30] =	vst v1  }
0x157: {  	v1 =	vld [tilespmem:s6+$0x4800]  }
0x158: {  	s7 =	sadd.s32 $0x100, s7  }
0x159: {  	_ =	sdelay $0x2  }
0x15a: {  	s1 =	sadd.s32 $0x80, s1;
	v2 =	vshll.u32 v1, $0x10  }
0x15b: {  	v1 =	vand.u32 $0xFFFF0000, v1;
	[tilespmem:s1+$0xFFFFFFC0] =	vst v2  }
0x15c: {  	[tilespmem:s1+$0xFFFFFFD0] =	vst v1  }
0x15d: {  	v1 =	vld [tilespmem:s6+$0x4810];
	_ =	sdelay $0x4  }
0x15e: {  	v2 =	vshll.u32 v1, $0x10  }
0x15f: {  	v1 =	vand.u32 $0xFFFF0000, v1;
	[tilespmem:s1+$0xFFFFFFE0] =	vst v2  }
0x160: {  	[tilespmem:s1+$0xFFFFFFF0] =	vst v1  }
0x161: {  	v1 =	vld [tilespmem:s6+$0x4820];
	_ =	sdelay $0x4  }
0x162: {  	v2 =	vand.u32 $0xFFFF0000, v1  }
0x163: {  	v1 =	vshll.u32 v1, $0x10;
	[tilespmem:s1+$0x10] =	vst v2  }
0x164: {  	[tilespmem:s1+$0x0] =	vst v1  }
0x165: {  	v1 =	vld [tilespmem:s6+$0x4830];
	_ =	sdelay $0x4  }
0x166: {  	v2 =	vshll.u32 v1, $0x10  }
0x167: {  	v1 =	vand.u32 $0xFFFF0000, v1;
	[tilespmem:s1+$0x20] =	vst v2  }
.Ltmp9:
0x168: {  	s7 =	sadd.s32 $0x1480, s0;
	[tilespmem:s1+$0x30] =	vst v1;
	(pc) =	sbr.rel @p0 .LBB2_17-.Ltmp9, $4  }
0x169: {  	[spmem:s2] =	stream.indirect.scatter.add.f32 [tilespmem:s20], [sflag:$0x3], $0x80, s7, s23, $0xb8;
	[tilespmem:$0x1E800] =	vst v63  }
0x16a: {  	_ =	swait.ge [sflag:s28], $0x4000  }
0x16b: {  	[sflag:s28] =	ssyncset.done $0x0  }
0x16c: {  	[sflag:s28] =	ssyncadd.s32 $0xFFFFC000  }
.Ltmp10:
0x16d: {  	(pc) =	sbr.rel .LBB2_11-.Ltmp10, $3  }
0x16e: {  	_ =	sdelay $0x1  }
0x16f: {  	s0 =	sadd.s32 $0x180, s0;
	s31 =	sadd.s32 $0x1, s31  }
0x170: {  	[tilespmem:s25], [sflag:$0x2] =	stream.indirect.gather [hbm4b:s4+s23], $0x40, s0, s23, $0xb8;
	[tilespmem:$0x1E800] =	vst v63  }
.LBB2_18:
0x171: {  	_ =	sfence.sel $0x180000  }
0x172: {  	[bflag:$0x0] =	sbarrier.arrive $0xFFFF  }
0x173: {  	_ =	strace $0x9000004A  }
0x174: {  	s0 =	stileid.u32;
	[bflag:$0x2] =	sbarrier.arrive $0xFFFF  }
0x175: {  	p0 =	sne.s32 s0, $0x0;
	s0 =	rddreg [dreg:$0x2]  }
0x176: {  	s0 =	sadd.s32 @!p0 $0x100000, s0  }
0x177: {  	[sflag:s0] =	ssyncadd.tile.s32 @!p0 $0x1;
	_ =	shalt  }
.Lfunc_end2:
_tile_overlayer_lowered:
.L_overlay_start_2:
0x178: {  	(tag) =	ssettag $0x2  }
0x179: {  	s0 =	rddreg [dreg:$0x0];
	s2 =	stileid.u32  }
0x17a: {  	s1 =	rddreg [dreg:$0x1];
	p0 =	sne.s32 s2, $0x0  }
0x17b: {  	s3 =	rddreg [dreg:$0x2];
	[bflag:$0x3] =	sbarrier.arrive $0xFFFF;
	s2 =	simm.s32 @!p0 $0x1C04  }
0x17c: {  	[timem:s3], [sflag:s2] =	dma.local @!p0 [hbm:s0], s1  }
0x17d: {  	s0 =	simm.s32 @!p0 $0x4  }
0x17e: {  	_ =	swait.ge @!p0 [sflag:s0], s1  }
0x17f: {  	s1 =	ssub.s32 @!p0 $0x0, s1;
	[sflag:s0] =	ssyncset.done @!p0 $0x0  }
0x180: {  	[sflag:s0] =	ssyncadd.s32 @!p0 s1  }
0x181: {  	[bflag:$0x3] =	sbarrier.arrive $0xFFFF  }
0x182: {  	_ =	shalt  }

// kernel: kernel.15.cloned.1.call-start
scs
__scs_entry_jumppad:
0x0: {  	(pc) =	sbr.rel $0x88, $3  }
0x1: {  	(tag) =	ssettag $0x0;
	lr =	simm.s32 $0x1  }
0x2: {  	[smem:$0x3F99] =	sst lr;
	_ =	strace $0xD0000000  }
0x3: {  	_ = 	snop  }
0x4: {  	_ = 	snop  }
0x5: {  	_ = 	snop  }
0x6: {  	_ = 	snop  }
0x7: {  	_ = 	snop  }
__scs_overlays_trampoline_lowered:
0x8: {  	[smem:$0x3FA8] =	sst s0  }
0x9: {  	[smem:$0x3FA9] =	sst s1  }
0xa: {  	[smem:$0x3FAA] =	sst s2  }
0xb: {  	[smem:$0x3FAB] =	sst s3  }
0xc: {  	[smem:$0x3FAC] =	sst s4  }
0xd: {  	[smem:$0x3FAD] =	sst s5  }
0xe: {  	[smem:$0x3FAE] =	sst s6  }
0xf: {  	[smem:$0x3FAF] =	sst s7  }
0x10: {  	[smem:$0x3FB0] =	sst s8  }
0x11: {  	[smem:$0x3FB1] =	sst s9;
	s0 =	simm.s32 @!p0 $0x0  }
0x12: {  	s1 =	sld [smem:$0x3F97];
	s0 =	simm.s32 @p0 $0x1  }
0x13: {  	[smem:$0x3FB2] =	sst s0;
	s0 =	simm.s32 @!p1 $0x0  }
0x14: {  	s2 =	sld [smem:$0x3F96];
	s0 =	simm.s32 @p1 $0x1  }
0x15: {  	[smem:$0x3FB3] =	sst s0;
	s0 =	simm.s32 @!p2 $0x0  }
0x16: {  	s3 =	sld [smem:$0x3FDB];
	s0 =	simm.s32 @p2 $0x1  }
0x17: {  	s4 =	simm.s32 $0x1BF5;
	[smem:$0x3FB5] =	sst s0  }
0x18: {  	s0 =	sld [smem:$0x3F98];
	_ =	swait.ge [sflag:s4], $0x0  }
0x19: {  	s7 =	sld [smem:$0x3F99]  }
0x1a: {  	s8 =	sadd.s32 $0xFFFFE003, lr  }
0x1b: {  	s9 =	sadd.s32 $0xFFFFFEF7, lr;
	s5 =	simm.s32 $0xFFFFFFFF;
	p2 =	slt.u32 s8, $0xFFFFF086  }
0x1c: {  	p1 =	slt.u32 s9, $0xF7A;
	s5 =	simm.s32 @!p2 $0x0  }
0x1d: {  	s5 =	simm.s32 @p1 $0x1;
	p0 =	seq.s32 s7, s2  }
0x1e: {  	s7 =	smul.u32 @!p0 $0xF7A, s2;
	p2 =	seq.s32 @!p0 s5, $0x0  }
0x1f: {  	s9 =	smul.u32 $0xF7A, s1;
	s8 =	simm.s32 @!p0 $0x1BF5;
	p2 =	por !p2, p0  }
0x20: {  	[sflag:s8] =	ssyncset.s32 @!p0 $0xFFFFF086;
	s6 =	sadd.s32 @!p0 s3, s7;
	s7 =	simm.s32 @!p0 $0x108  }
0x21: {  	s3 =	sadd.s32 s3, s9;
	s6 =	sadd.s32 @!p0 $0x88, s6;
	s7 =	simm.s32 @p2 $0x1082  }
0x22: {  	[simem:s7], [sflag:s8] =	dma.local @!p0 [hbm:s6], $0xF7A  }
0x23: {  	s9 =	sor.u32 $0xD0000000, s2;
	s6 =	simm.s32 $0x108;
	_ =	swait.ge @!p0 [sflag:s8], $0x0  }
0x24: {  	s3 =	sadd.s32 $0x88, s3;
	s6 =	simm.s32 @!p1 $0x1082;
	[sflag:s4] =	ssyncset.s32 $0xFFFFF086  }
0x25: {  	[simem:s6], [sflag:s4] =	dma.local [hbm:s3], $0xF7A  }
0x26: {  	[smem:$0x3F99] =	sst s1;
	(tag) =	ssettag s2;
	_ =	strace s9  }
0x27: {  	s1 =	sld [smem:$0x3FA9]  }
0x28: {  	s2 =	sld [smem:$0x3FAA]  }
0x29: {  	s4 =	sld [smem:$0x3FAC]  }
0x2a: {  	p0 =	seq.s32 s5, $0x0;
	s5 =	sld [smem:$0x3FAD]  }
0x2b: {  	s6 =	sld [smem:$0x3FAE]  }
0x2c: {  	s7 =	sld [smem:$0x3FAF]  }
0x2d: {  	s3 =	simm.s32 $0x108;
	s8 =	sld [smem:$0x3FB0]  }
0x2e: {  	s3 =	simm.s32 @!p0 $0x1082;
	s9 =	sld [smem:$0x3FB1]  }
0x2f: {  	lr =	sadd.s32 s0, s3;
	s0 =	sld [smem:$0x3FA8]  }
0x30: {  	s3 =	sld [smem:$0x3FAB]  }
0x31: {  	[smem:$0x3FB4] =	sst s10  }
0x32: {  	s10 =	sld [smem:$0x3FB2];
	_ =	sdelay $0x3  }
0x33: {  	p0 =	seq.s32 s10, $0x1;
	s10 =	sld [smem:$0x3FB4];
	_ =	sdelay $0x3  }
0x34: {  	[smem:$0x3FB4] =	sst s10  }
0x35: {  	s10 =	sld [smem:$0x3FB3];
	_ =	sdelay $0x3  }
0x36: {  	p1 =	seq.s32 s10, $0x1;
	s10 =	sld [smem:$0x3FB4];
	_ =	sdelay $0x3  }
0x37: {  	[smem:$0x3FB4] =	sst s10  }
0x38: {  	s10 =	sld [smem:$0x3FB5]  }
0x39: {  	_ = 	snop;
	(pc) =	sbr.ind lr, $3  }
0x3a: {  	_ = 	snop  }
0x3b: {  	_ = 	snop  }
0x3c: {  	p2 =	seq.s32 s10, $0x1;
	s10 =	sld [smem:$0x3FB4]  }
0x3d: {  	_ =	shalt  }
0x3e: {  	_ =	shalt  }
0x3f: {  	_ =	shalt  }
0x40: {  	_ =	shalt  }
0x41: {  	_ =	shalt  }
0x42: {  	_ =	shalt  }
0x43: {  	_ =	shalt  }
0x44: {  	_ =	shalt  }
0x45: {  	_ =	shalt  }
0x46: {  	_ =	shalt  }
0x47: {  	_ =	shalt  }
0x48: {  	_ =	shalt  }
0x49: {  	_ =	shalt  }
0x4a: {  	_ =	shalt  }
0x4b: {  	_ =	shalt  }
0x4c: {  	_ =	shalt  }
0x4d: {  	_ =	shalt  }
0x4e: {  	_ =	shalt  }
0x4f: {  	_ =	shalt  }
0x50: {  	_ =	shalt  }
0x51: {  	_ =	shalt  }
0x52: {  	_ =	shalt  }
0x53: {  	_ =	shalt  }
0x54: {  	_ =	shalt  }
0x55: {  	_ =	shalt  }
0x56: {  	_ =	shalt  }
0x57: {  	_ =	shalt  }
0x58: {  	_ =	shalt  }
0x59: {  	_ =	shalt  }
0x5a: {  	_ =	shalt  }
0x5b: {  	_ =	shalt  }
0x5c: {  	_ =	shalt  }
0x5d: {  	_ =	shalt  }
0x5e: {  	_ =	shalt  }
0x5f: {  	_ =	shalt  }
0x60: {  	_ =	shalt  }
0x61: {  	_ =	shalt  }
0x62: {  	_ =	shalt  }
0x63: {  	_ =	shalt  }
0x64: {  	_ =	shalt  }
0x65: {  	_ =	shalt  }
0x66: {  	_ =	shalt  }
0x67: {  	_ =	shalt  }
0x68: {  	_ =	shalt  }
0x69: {  	_ =	shalt  }
0x6a: {  	_ =	shalt  }
0x6b: {  	_ =	shalt  }
0x6c: {  	_ =	shalt  }
0x6d: {  	_ =	shalt  }
0x6e: {  	_ =	shalt  }
0x6f: {  	_ =	shalt  }
0x70: {  	_ =	shalt  }
0x71: {  	_ =	shalt  }
0x72: {  	_ =	shalt  }
0x73: {  	_ =	shalt  }
0x74: {  	_ =	shalt  }
0x75: {  	_ =	shalt  }
0x76: {  	_ =	shalt  }
0x77: {  	_ =	shalt  }
0x78: {  	_ =	shalt  }
0x79: {  	_ =	shalt  }
0x7a: {  	_ =	shalt  }
0x7b: {  	_ =	shalt  }
0x7c: {  	_ =	shalt  }
0x7d: {  	_ =	shalt  }
0x7e: {  	_ =	shalt  }
0x7f: {  	_ =	shalt  }
0x80: {  	_ =	shalt  }
0x81: {  	_ =	shalt  }
0x82: {  	_ =	shalt  }
0x83: {  	_ =	shalt  }
0x84: {  	_ =	shalt  }
0x85: {  	_ =	shalt  }
0x86: {  	_ =	shalt  }
0x87: {  	_ =	shalt  }
.Lfunc_end0:
.L_simem_size_0:
called_computation.2_lowered:
.L_overlay_start_0:
0x88: {  	s2 =	sld [smem:$0x3FD9]  }
0x89: {  	s3 =	sld [smem:$0x3FFE];
	_ =	sdelay $0x1  }
0x8a: {  	s1 =	srdreg.scid  }
0x8b: {  	s0 =	sand.u32 $0x1, s1  }
0x8c: {  	s16 =	sshll.u32 s0, $0xA;
	s2 =	sadd.s32 s3, s2  }
0x8d: {  	s2 =	sadd.s32 s2, s16  }
0x8e: {  	[smem:$0x3FC0] =	sst s2  }
0x8f: {  	_ = 	snop  }
0x90: {  	(tm) =	ssettm $0x1  }
0x91: {  	s17 =	sld [smem:$0x3FFB];
	_ =	sdelay $0x3  }
0x92: {  	_ =	strace s17  }
0x93: {  	s2 =	sld [smem:$0x3FFC];
	_ =	sdelay $0x3  }
0x94: {  	_ =	strace s2  }
0x95: {  	s2 =	sld [smem:$0x3FFD];
	_ =	sdelay $0x3  }
0x96: {  	_ =	strace s2  }
0x97: {  	_ =	strace $0x8FFFFFFF  }
0x98: {  	s18 =	sld [smem:$0x3FDB];
	_ =	sdelay $0x1  }
0x99: {  	s19 =	simm.s32 $_scs_section_size  }
0x9a: {  	s4 =	simm.s32 $_size__tile_overlayer_lowered;
	s5 =	simm.s32 $_tile_overlayer_lowered  }
0x9b: {  	s22 =	simm.s32 $0x1BFF;
	s21 =	sshll.u32 s5, $0x1;
	s2 =	sadd.s32 s19, s18  }
0x9c: {  	s6 =	simm.s32 $0x0;
	s20 =	sshll.u32 s4, $0x1;
	s4 =	sadd.s32 s21, s2  }
0x9d: {  	[timem:s6], [sflag:s22] =	dma.local [hbm:s4], s20  }
0x9e: {  	_ =	swait.ge [sflag:s22], s20  }
0x9f: {  	s3 =	ssub.s32 $0x0, s20;
	[sflag:s22] =	ssyncset.done $0x0  }
0xa0: {  	[sflag:s22] =	ssyncadd.s32 s3;
	_ =	sdelay $0x1  }
0xa1: {  	s23 =	simm.s32 $0x1B8B  }
0xa2: {  	_ =	swait.ge [sflag:s23], $0x1  }
0xa3: {  	[sflag:s23] =	ssyncset.done $0x0  }
0xa4: {  	s25 =	simm.s32 $0x1B8E;
	s24 =	sld [smem:$0x3FFE];
	[sflag:s23] =	ssyncadd.s32 $0xFFFFFFFF  }
0xa5: {  	s26 =	simm.s32 $execute0_lowered;
	[smem:$0x3FD2] =	sst s25  }
0xa6: {  	s4 =	sshll.u32 s26, $0x1;
	_ =	strace $0x8000004C;
	[dreg:$0x1] =	wrdreg $0xFFFFFFFF  }
0xa7: {  	s28 =	simm.s32 $_size_execute0_lowered;
	s2 =	sadd.s32 s2, s4;
	[dreg:$0x0] =	wrdreg $0x0  }
0xa8: {  	s4 =	sshll.u32 s28, $0x1;
	[dreg:$0x2] =	wrdreg s2  }
0xa9: {  	[dreg:$0x3] =	wrdreg s4  }
0xaa: {  	[dreg:$0x4] =	wrdreg $0xC0  }
0xab: {  	_ =	task [dreg:s6], $0x5FFFF  }
0xac: {  	[dreg:$0x1] =	wrdreg $0xFFFFFFFF  }
0xad: {  	[dreg:$0x0] =	wrdreg $0x60  }
0xae: {  	[dreg:$0x2] =	wrdreg s24  }
0xaf: {  	[dreg:$0x3] =	wrdreg $0xA8000  }
0xb0: {  	[dreg:$0x4] =	wrdreg $0x9  }
0xb1: {  	_ =	task.clear_ibuf [dreg:s6], $0x5FFFF;
	_ =	strace $0x9000004C  }
0xb2: {  	s29 =	simm.s32 $0x9;
	_ =	strace $0x8000004E  }
0xb3: {  	_ =	swait.ge [sflag:s29], $0x1  }
0xb4: {  	[sflag:s29] =	ssyncadd.s32 $0xFFFFFFFF  }
0xb5: {  	_ =	strace $0x9000004E  }
0xb6: {  	_ =	sfence  }
0xb7: {  	s30 =	sld [smem:$0x0];
	_ =	sdelay $0x2  }
0xb8: {  	s31 =	sshll.u32 s1, $0xD;
	s1 =	sshrl.u32 s1, $0x2  }
0xb9: {  	s3 =	sand.u32 $0x4000, s31;
	s1 =	sadd.s32 s1, s30  }
0xba: {  	s0 =	sor.u32 s3, s0;
	s1 =	sshll.u32 s1, $0x11  }
0xbb: {  	s0 =	sor.u32 s1, s0  }
0xbc: {  	s0 =	sadd.s32 $0x8F2B, s0  }
0xbd: {  	[sflag:s0] =	ssyncadd.remote.s32 $0x1  }
0xbe: {  	_ =	sfence.sel $0xFFFF  }
0xbf: {  	[dreg:$0x0] =	wrdreg $0xFFFFFFFF;
	(pc) =	sbr.abs _section_cstart, $3  }
0xc0: {  	[dreg:$0x1] =	wrdreg $0xFFFFFFFF  }
0xc1: {  	_ =	task.clear_ibuf [dreg:s6], $0x2FFFF;
	_ =	strace $0x9FFFFFFF  }
0xc2: {  	(tm) =	ssettm $0x7FFFFFFF  }
0xc3: {  	_ =	shalt  }
tec
execute0_lowered:
.L_overlay_start_1:
0x0: {  	(tag) =	ssettag $0x1  }
0x1: {  	s0 =	rddreg [dreg:$0x0]  }
0x2: {  	s2 =	rddreg [dreg:$0x1];
	s3 =	simm.s32 $0x0;
	s1 =	srdreg.scid  }
0x3: {  	s9 =	stileid.u32;
	s20 =	simm.s32 $0x6800;
	s21 =	simm.s32 $0x4  }
0x4: {  	s22 =	simm.s32 $0x1400;
	s28 =	simm.s32 $0x3;
	s29 =	simm.s32 $0x2  }
0x5: {  	s30 =	simm.s32 $0x0;
	[smem:$0x7FF] =	sst s3;
	s1 =	sand.u32 $0x1, s1  }
0x6: {  	s5 =	smul.u32 $0x280, s9;
	s4 =	sadd.s32 $0x2A400, s0;
	s7 =	sadd.s32 $0x2400, s0  }
0x7: {  	s8 =	sshll.u32 s9, $0x1;
	s24 =	smul.u32 $0x50000, s9;
	s10 =	sadd.s32 $0xC400, s0  }
0x8: {  	s6 =	smul.u32 $0x2800, s1;
	s23 =	sor.u32 s1, s8;
	s1 =	ssub.s32 $0x2, s1  }
0x9: {  	_ =	strace $0x8000004D;
	s25 =	smul.u32 $0x2800, s23;
	s26 =	sshrl.u32 s1, $0x1  }
0xa: {  	s8 =	sshrl.u32 s24, $0x2;
	s24 =	simm.s32 $0x2800;
	s5 =	sadd.s32 s6, s5  }
0xb: {  	s6 =	smul.u32 $0x500, s23;
	s1 =	ssub.s32 s1, s26;
	s23 =	simm.s32 $0x80  }
0xc: {  	s26 =	simm.s32 $0x1;
	s5 =	sshll.u32 s5, $0x4;
	s9 =	sshrl.u32 s25, $0x3  }
0xd: {  	s25 =	simm.s32 $0x4800;
	s0 =	sadd.s32 s5, s0;
	s31 =	sadd.s32 s7, s6  }
0xe: {  	s5 =	sadd.s32 s8, s2;
	s6 =	sadd.s32 s10, s6;
	[dreg:$0x3] =	wrdreg s31  }
.Ltmp0:
0xf: {  	s9 =	sadd.s32 $0x280, s9;
	[dreg:$0x4] =	wrdreg s6;
	(pc) =	sbr.rel .LBB2_1-.Ltmp0, $4  }
0x10: {  	s8 =	sadd.s32 s7, s9;
	s9 =	sadd.s32 s10, s9;
	s10 =	smax.u32 s1, $0x1  }
0x11: {  	s11 =	sadd.s32 $0x4000, s5;
	s12 =	sadd.s32 $0x8000, s5;
	s13 =	sadd.s32 $0xC000, s5  }
0x12: {  	s14 =	sadd.s32 $0x10000, s5;
	s15 =	sadd.s32 $0x3E400, s0;
	s16 =	sadd.s32 $0x3EC00, s0  }
0x13: {  	v0 =	vimm.f32 $0.0e+00;
	s17 =	sadd.s32 $0x3F400, s0;
	s18 =	sadd.s32 $0x3FC00, s0;
	s19 =	sadd.s32 $0x40400, s0  }
.LBB2_17:
0x14: {  	[bflag:$0x0] =	sbarrier.arrive $0xFFFF  }
0x15: {  	[tilespmem:s20], [sflag:$0x4] =	stream.linear.gather [spmem:s5], $0x4000, $0x38;
	[tilespmem:$0x1E800] =	vst v63  }
0x16: {  	_ =	swait.ge [sflag:s21], $0x4000  }
0x17: {  	[sflag:s21] =	ssyncset.done $0x0  }
0x18: {  	[sflag:s21] =	ssyncadd.s32 $0xFFFFC000  }
0x19: {  	[hbm4b:s15+s3] =	stream.linear.scatter [tilespmem:s20], [sflag:$0x4], $0x4000, $0x38;
	[tilespmem:$0x1E800] =	vst v63  }
0x1a: {  	_ =	swait.ge [sflag:s21], $0x4000  }
0x1b: {  	[sflag:s21] =	ssyncset.done $0x0  }
0x1c: {  	[sflag:s21] =	ssyncadd.s32 $0xFFFFC000  }
0x1d: {  	[tilespmem:s20], [sflag:$0x4] =	stream.linear.gather [spmem:s11], $0x4000, $0x38;
	[tilespmem:$0x1E800] =	vst v63  }
0x1e: {  	_ =	swait.ge [sflag:s21], $0x4000  }
0x1f: {  	[sflag:s21] =	ssyncset.done $0x0  }
0x20: {  	[sflag:s21] =	ssyncadd.s32 $0xFFFFC000  }
0x21: {  	[hbm4b:s16+s3] =	stream.linear.scatter [tilespmem:s20], [sflag:$0x4], $0x4000, $0x38;
	[tilespmem:$0x1E800] =	vst v63  }
0x22: {  	_ =	swait.ge [sflag:s21], $0x4000  }
0x23: {  	[sflag:s21] =	ssyncset.done $0x0  }
0x24: {  	[sflag:s21] =	ssyncadd.s32 $0xFFFFC000  }
0x25: {  	[tilespmem:s20], [sflag:$0x4] =	stream.linear.gather [spmem:s12], $0x4000, $0x38;
	[tilespmem:$0x1E800] =	vst v63  }
0x26: {  	_ =	swait.ge [sflag:s21], $0x4000  }
0x27: {  	[sflag:s21] =	ssyncset.done $0x0  }
0x28: {  	[sflag:s21] =	ssyncadd.s32 $0xFFFFC000  }
0x29: {  	[hbm4b:s17+s3] =	stream.linear.scatter [tilespmem:s20], [sflag:$0x4], $0x4000, $0x38;
	[tilespmem:$0x1E800] =	vst v63  }
0x2a: {  	_ =	swait.ge [sflag:s21], $0x4000  }
0x2b: {  	[sflag:s21] =	ssyncset.done $0x0  }
0x2c: {  	[sflag:s21] =	ssyncadd.s32 $0xFFFFC000  }
0x2d: {  	[tilespmem:s20], [sflag:$0x4] =	stream.linear.gather [spmem:s13], $0x4000, $0x38;
	[tilespmem:$0x1E800] =	vst v63  }
0x2e: {  	_ =	swait.ge [sflag:s21], $0x4000  }
0x2f: {  	[sflag:s21] =	ssyncset.done $0x0  }
0x30: {  	[sflag:s21] =	ssyncadd.s32 $0xFFFFC000  }
0x31: {  	[hbm4b:s18+s3] =	stream.linear.scatter [tilespmem:s20], [sflag:$0x4], $0x4000, $0x38;
	[tilespmem:$0x1E800] =	vst v63  }
0x32: {  	_ =	swait.ge [sflag:s21], $0x4000  }
0x33: {  	[sflag:s21] =	ssyncset.done $0x0  }
0x34: {  	[sflag:s21] =	ssyncadd.s32 $0xFFFFC000  }
0x35: {  	[tilespmem:s20], [sflag:$0x4] =	stream.linear.gather [spmem:s14], $0x4000, $0x38;
	[tilespmem:$0x1E800] =	vst v63  }
0x36: {  	s30 =	sadd.s32 $0x1, s30;
	_ =	swait.ge [sflag:s21], $0x4000  }
0x37: {  	p0 =	sne.s32 s30, s10;
	[sflag:s21] =	ssyncset.done $0x0  }
.Ltmp1:
0x38: {  	[sflag:s21] =	ssyncadd.s32 $0xFFFFC000;
	(pc) =	sbr.rel @!p0 .LBB2_18-.Ltmp1, $4  }
0x39: {  	[hbm4b:s19+s3] =	stream.linear.scatter [tilespmem:s20], [sflag:$0x4], $0x4000, $0x38;
	[tilespmem:$0x1E800] =	vst v63  }
0x3a: {  	_ =	swait.ge [sflag:s21], $0x4000  }
0x3b: {  	[sflag:s21] =	ssyncset.done $0x0  }
0x3c: {  	[sflag:s21] =	ssyncadd.s32 $0xFFFFC000  }
.LBB2_1:
0x3d: {  	s0 =	simm.s32 $0x0;
	s1 =	simm.s32 $0x200  }
.LBB2_2:
0x3e: {  	p0 =	sne.s32 s1, $0xFE00;
	[tilespmem:s0+$0x6870] =	vst v0  }
0x3f: {  	[tilespmem:s0+$0x6800] =	vst v0  }
0x40: {  	[tilespmem:s0+$0x6810] =	vst v0  }
.Ltmp2:
0x41: {  	[tilespmem:s0+$0x6820] =	vst v0;
	(pc) =	sbr.rel @p0 .LBB2_2-.Ltmp2, $4  }
0x42: {  	[tilespmem:s0+$0x6830] =	vst v0  }
0x43: {  	[tilespmem:s0+$0x6840] =	vst v0  }
0x44: {  	[tilespmem:s0+$0x6850] =	vst v0  }
0x45: {  	[tilespmem:s0+$0x6860] =	vst v0;
	s0 =	sshra.s32 s1, $0x2;
	s1 =	sadd.s32 $0x200, s1  }
0x46: {  	[tilespmem:s0+$0x6870] =	vst v0  }
0x47: {  	[tilespmem:s0+$0x6800] =	vst v0  }
0x48: {  	[tilespmem:s0+$0x6810] =	vst v0  }
0x49: {  	[tilespmem:s0+$0x6820] =	vst v0  }
0x4a: {  	[tilespmem:s0+$0x6830] =	vst v0  }
0x4b: {  	[tilespmem:s0+$0x6840] =	vst v0  }
0x4c: {  	[tilespmem:s0+$0x6850] =	vst v0  }
0x4d: {  	[tilespmem:s0+$0x6860] =	vst v0  }
0x4e: {  	[spmem:s5] =	stream.linear.scatter [tilespmem:s20], [sflag:$0x4], $0x4000, $0x38;
	[tilespmem:$0x1E800] =	vst v63  }
0x4f: {  	_ =	swait.ge [sflag:s21], $0x4000  }
0x50: {  	[sflag:s21] =	ssyncset.done $0x0  }
0x51: {  	[sflag:s21] =	ssyncadd.s32 $0xFFFFC000  }
0x52: {  	[spmem:s11] =	stream.linear.scatter [tilespmem:s20], [sflag:$0x4], $0x4000, $0x38;
	[tilespmem:$0x1E800] =	vst v63  }
0x53: {  	_ =	swait.ge [sflag:s21], $0x4000  }
0x54: {  	[sflag:s21] =	ssyncset.done $0x0  }
0x55: {  	[sflag:s21] =	ssyncadd.s32 $0xFFFFC000  }
0x56: {  	[spmem:s12] =	stream.linear.scatter [tilespmem:s20], [sflag:$0x4], $0x4000, $0x38;
	[tilespmem:$0x1E800] =	vst v63  }
0x57: {  	_ =	swait.ge [sflag:s21], $0x4000  }
0x58: {  	[sflag:s21] =	ssyncset.done $0x0  }
0x59: {  	[sflag:s21] =	ssyncadd.s32 $0xFFFFC000  }
0x5a: {  	[spmem:s13] =	stream.linear.scatter [tilespmem:s20], [sflag:$0x4], $0x4000, $0x38;
	[tilespmem:$0x1E800] =	vst v63  }
0x5b: {  	_ =	swait.ge [sflag:s21], $0x4000  }
0x5c: {  	[sflag:s21] =	ssyncset.done $0x0  }
0x5d: {  	[sflag:s21] =	ssyncadd.s32 $0xFFFFC000  }
0x5e: {  	[spmem:s14] =	stream.linear.scatter [tilespmem:s20], [sflag:$0x4], $0x4000, $0x38;
	[tilespmem:$0x1E800] =	vst v63  }
0x5f: {  	_ =	swait.ge [sflag:s21], $0x4000  }
0x60: {  	[sflag:s21] =	ssyncset.done $0x0  }
0x61: {  	[sflag:s21] =	ssyncadd.s32 $0xFFFFC000  }
0x62: {  	[bflag:$0x0] =	sbarrier.arrive $0xFFFF  }
0x63: {  	s31 =	simm.s32 $0x0;
	s6 =	rddreg [dreg:$0x3]  }
0x64: {  	[tilespmem:s31], [sflag:$0x4] =	stream.linear.gather [hbm4b:s6+s31], $0x1400, $0x38;
	[tilespmem:$0x1E800] =	vst v63  }
0x65: {  	_ =	swait.ge [sflag:s21], $0x1400  }
0x66: {  	[sflag:s21] =	ssyncset.done $0x0  }
0x67: {  	s7 =	rddreg [dreg:$0x4];
	[sflag:s21] =	ssyncadd.s32 $0xFFFFEC00  }
0x68: {  	[tilespmem:s22], [sflag:$0x4] =	stream.linear.gather [hbm4b:s7+s31], $0x1400, $0x38;
	[tilespmem:$0x1E800] =	vst v63  }
0x69: {  	_ =	swait.ge [sflag:s21], $0x1400  }
0x6a: {  	[sflag:s21] =	ssyncset.done $0x0  }
0x6b: {  	[sflag:s21] =	ssyncadd.s32 $0xFFFFEC00  }
0x6c: {  	[tilespmem:s24], [sflag:$0x1] =	stream.indirect.gather [hbm4b:s4+s23], $0x40, s31, s23, $0xb8;
	[tilespmem:$0x1E800] =	vst v63  }
0x6d: {  	_ = 	snop  }
0x6e: {  	[tilespmem:s25], [sflag:$0x2] =	stream.indirect.gather [hbm4b:s4+s23], $0x40, s23, s23, $0xb8;
	[tilespmem:$0x1E800] =	vst v63  }
.LBB2_4:
0x6f: {  	_ =	swait.ge [sflag:s26], $0x2000  }
0x70: {  	[sflag:s26] =	ssyncset.done $0x0  }
0x71: {  	s1 =	simm.s32 $0x0;
	[sflag:s26] =	ssyncadd.s32 $0xFFFFE000  }
0x72: {  	v1 =	vld [tilespmem:s1+$0x2800];
	_ =	sdelay $0x4  }
0x73: {  	s0 =	simm.s32 $0x6840;
	v2 =	vshll.u32 v1, $0x10  }
0x74: {  	v1 =	vand.u32 $0xFFFF0000, v1;
	[tilespmem:s0+$0xFFFFFFC0] =	vst v2  }
0x75: {  	[tilespmem:s0+$0xFFFFFFD0] =	vst v1  }
0x76: {  	v1 =	vld [tilespmem:s1+$0x2810];
	_ =	sdelay $0x4  }
0x77: {  	v2 =	vshll.u32 v1, $0x10  }
0x78: {  	v1 =	vand.u32 $0xFFFF0000, v1;
	[tilespmem:s0+$0xFFFFFFE0] =	vst v2  }
0x79: {  	[tilespmem:s0+$0xFFFFFFF0] =	vst v1  }
0x7a: {  	v1 =	vld [tilespmem:s1+$0x2820];
	_ =	sdelay $0x4  }
0x7b: {  	v2 =	vand.u32 $0xFFFF0000, v1  }
0x7c: {  	v1 =	vshll.u32 v1, $0x10;
	[tilespmem:s0+$0x10] =	vst v2  }
0x7d: {  	[tilespmem:s0+$0x0] =	vst v1  }
0x7e: {  	v1 =	vld [tilespmem:s1+$0x2830];
	_ =	sdelay $0x4  }
0x7f: {  	v2 =	vshll.u32 v1, $0x10  }
0x80: {  	v1 =	vand.u32 $0xFFFF0000, v1;
	[tilespmem:s0+$0x20] =	vst v2  }
0x81: {  	s1 =	simm.s32 $0x40;
	[tilespmem:s0+$0x30] =	vst v1  }
0x82: {  	v1 =	vld [tilespmem:s1+$0x2800]  }
0x83: {  	s6 =	simm.s32 $0x200  }
.LBB2_5:
0x84: {  	p0 =	sne.s32 s6, $0x7F00;
	_ =	sdelay $0x2  }
0x85: {  	s0 =	sadd.s32 $0x80, s0;
	v2 =	vshll.u32 v1, $0x10  }
0x86: {  	v1 =	vand.u32 $0xFFFF0000, v1;
	[tilespmem:s0+$0xFFFFFFC0] =	vst v2  }
0x87: {  	[tilespmem:s0+$0xFFFFFFD0] =	vst v1  }
0x88: {  	v1 =	vld [tilespmem:s1+$0x2810];
	_ =	sdelay $0x4  }
0x89: {  	v2 =	vshll.u32 v1, $0x10  }
0x8a: {  	v1 =	vand.u32 $0xFFFF0000, v1;
	[tilespmem:s0+$0xFFFFFFE0] =	vst v2  }
0x8b: {  	[tilespmem:s0+$0xFFFFFFF0] =	vst v1  }
0x8c: {  	v1 =	vld [tilespmem:s1+$0x2820];
	_ =	sdelay $0x4  }
0x8d: {  	v2 =	vshll.u32 v1, $0x10;
	v1 =	vand.u32 $0xFFFF0000, v1  }
0x8e: {  	[tilespmem:s0+$0x10] =	vst v1  }
0x8f: {  	[tilespmem:s0+$0x0] =	vst v2  }
0x90: {  	v1 =	vld [tilespmem:s1+$0x2830];
	_ =	sdelay $0x4  }
.Ltmp3:
0x91: {  	v2 =	vshll.u32 v1, $0x10;
	v1 =	vand.u32 $0xFFFF0000, v1;
	(pc) =	sbr.rel @p0 .LBB2_5-.Ltmp3, $4  }
0x92: {  	[tilespmem:s0+$0x20] =	vst v2  }
0x93: {  	s1 =	sshra.s32 s6, $0x2;
	[tilespmem:s0+$0x30] =	vst v1  }
0x94: {  	v1 =	vld [tilespmem:s1+$0x2800]  }
0x95: {  	s6 =	sadd.s32 $0x100, s6  }
0x96: {  	_ =	sdelay $0x2  }
0x97: {  	s6 =	sadd.s32 $0x80, s0;
	v2 =	vshll.u32 v1, $0x10  }
0x98: {  	v1 =	vand.u32 $0xFFFF0000, v1;
	[tilespmem:s6+$0xFFFFFFC0] =	vst v2  }
0x99: {  	[tilespmem:s6+$0xFFFFFFD0] =	vst v1  }
0x9a: {  	v1 =	vld [tilespmem:s1+$0x2810];
	_ =	sdelay $0x4  }
0x9b: {  	v2 =	vshll.u32 v1, $0x10  }
0x9c: {  	v1 =	vand.u32 $0xFFFF0000, v1;
	[tilespmem:s6+$0xFFFFFFE0] =	vst v2  }
0x9d: {  	[tilespmem:s6+$0xFFFFFFF0] =	vst v1  }
0x9e: {  	v1 =	vld [tilespmem:s1+$0x2820];
	_ =	sdelay $0x4  }
0x9f: {  	v2 =	vand.u32 $0xFFFF0000, v1  }
0xa0: {  	v1 =	vshll.u32 v1, $0x10;
	[tilespmem:s6+$0x10] =	vst v2  }
0xa1: {  	[tilespmem:s6+$0x0] =	vst v1  }
0xa2: {  	v1 =	vld [tilespmem:s1+$0x2830];
	_ =	sdelay $0x4  }
0xa3: {  	s1 =	sshll.u32 s31, $0xA;
	v2 =	vshll.u32 v1, $0x10  }
0xa4: {  	s0 =	sshrl.u32 s1, $0x2;
	v1 =	vand.u32 $0xFFFF0000, v1;
	[tilespmem:s6+$0x20] =	vst v2  }
0xa5: {  	p0 =	seq.s32 s31, $0x13;
	s7 =	sadd.s32 $0x1400, s0;
	[tilespmem:s6+$0x30] =	vst v1  }
0xa6: {  	[spmem:s2] =	stream.indirect.scatter.add.f32 [tilespmem:s20], [sflag:$0x3], $0x80, s7, s23, $0xb8;
	[tilespmem:$0x1E800] =	vst v63  }
0xa7: {  	s1 =	sshrl.u32 @!p0 s1, $0x2;
	_ =	swait.ge [sflag:s28], $0x4000  }
0xa8: {  	s1 =	sadd.s32 @!p0 $0x100, s1;
	[sflag:s28] =	ssyncset.done $0x0  }
0xa9: {  	s6 =	simm.s32 @!p0 $0x80;
	s7 =	simm.s32 @!p0 $0x2800;
	[sflag:s28] =	ssyncadd.s32 $0xFFFFC000  }
0xaa: {  	[tilespmem:s7], [sflag:$0x1] =	stream.indirect.gather @!p0 [hbm4b:s4+s6], $0x40, s1, s6, $0xb8;
	[tilespmem:$0x1E800] =	vst v63  }
0xab: {  	_ =	swait.ge [sflag:s29], $0x2000  }
0xac: {  	[sflag:s29] =	ssyncset.done $0x0  }
0xad: {  	s7 =	simm.s32 $0x0;
	[sflag:s29] =	ssyncadd.s32 $0xFFFFE000  }
0xae: {  	v1 =	vld [tilespmem:s7+$0x4800];
	_ =	sdelay $0x4  }
0xaf: {  	s1 =	simm.s32 $0x6840;
	v2 =	vshll.u32 v1, $0x10  }
0xb0: {  	v1 =	vand.u32 $0xFFFF0000, v1;
	[tilespmem:s1+$0xFFFFFFC0] =	vst v2  }
0xb1: {  	[tilespmem:s1+$0xFFFFFFD0] =	vst v1  }
0xb2: {  	v1 =	vld [tilespmem:s7+$0x4810];
	_ =	sdelay $0x4  }
0xb3: {  	v2 =	vshll.u32 v1, $0x10  }
0xb4: {  	v1 =	vand.u32 $0xFFFF0000, v1;
	[tilespmem:s1+$0xFFFFFFE0] =	vst v2  }
0xb5: {  	[tilespmem:s1+$0xFFFFFFF0] =	vst v1  }
0xb6: {  	v1 =	vld [tilespmem:s7+$0x4820];
	_ =	sdelay $0x4  }
0xb7: {  	v2 =	vand.u32 $0xFFFF0000, v1  }
0xb8: {  	v1 =	vshll.u32 v1, $0x10;
	[tilespmem:s1+$0x10] =	vst v2  }
0xb9: {  	[tilespmem:s1+$0x0] =	vst v1  }
0xba: {  	v1 =	vld [tilespmem:s7+$0x4830];
	_ =	sdelay $0x4  }
0xbb: {  	v2 =	vshll.u32 v1, $0x10  }
0xbc: {  	v1 =	vand.u32 $0xFFFF0000, v1;
	[tilespmem:s1+$0x20] =	vst v2  }
0xbd: {  	s6 =	simm.s32 $0x40;
	[tilespmem:s1+$0x30] =	vst v1  }
0xbe: {  	v1 =	vld [tilespmem:s6+$0x4800]  }
0xbf: {  	s7 =	simm.s32 $0x200  }
.LBB2_7:
0xc0: {  	p1 =	sne.s32 s7, $0x7F00;
	_ =	sdelay $0x2  }
0xc1: {  	s1 =	sadd.s32 $0x80, s1;
	v2 =	vshll.u32 v1, $0x10  }
0xc2: {  	v1 =	vand.u32 $0xFFFF0000, v1;
	[tilespmem:s1+$0xFFFFFFC0] =	vst v2  }
0xc3: {  	[tilespmem:s1+$0xFFFFFFD0] =	vst v1  }
0xc4: {  	v1 =	vld [tilespmem:s6+$0x4810];
	_ =	sdelay $0x4  }
0xc5: {  	v2 =	vshll.u32 v1, $0x10  }
0xc6: {  	v1 =	vand.u32 $0xFFFF0000, v1;
	[tilespmem:s1+$0xFFFFFFE0] =	vst v2  }
0xc7: {  	[tilespmem:s1+$0xFFFFFFF0] =	vst v1  }
0xc8: {  	v1 =	vld [tilespmem:s6+$0x4820];
	_ =	sdelay $0x4  }
0xc9: {  	v2 =	vshll.u32 v1, $0x10;
	v1 =	vand.u32 $0xFFFF0000, v1  }
0xca: {  	[tilespmem:s1+$0x10] =	vst v1  }
0xcb: {  	[tilespmem:s1+$0x0] =	vst v2  }
0xcc: {  	v1 =	vld [tilespmem:s6+$0x4830];
	_ =	sdelay $0x4  }
.Ltmp4:
0xcd: {  	v2 =	vshll.u32 v1, $0x10;
	v1 =	vand.u32 $0xFFFF0000, v1;
	(pc) =	sbr.rel @p1 .LBB2_7-.Ltmp4, $4  }
0xce: {  	[tilespmem:s1+$0x20] =	vst v2  }
0xcf: {  	s6 =	sshra.s32 s7, $0x2;
	[tilespmem:s1+$0x30] =	vst v1  }
0xd0: {  	v1 =	vld [tilespmem:s6+$0x4800]  }
0xd1: {  	s7 =	sadd.s32 $0x100, s7  }
0xd2: {  	_ =	sdelay $0x2  }
0xd3: {  	s1 =	sadd.s32 $0x80, s1;
	v2 =	vshll.u32 v1, $0x10  }
0xd4: {  	v1 =	vand.u32 $0xFFFF0000, v1;
	[tilespmem:s1+$0xFFFFFFC0] =	vst v2  }
0xd5: {  	[tilespmem:s1+$0xFFFFFFD0] =	vst v1  }
0xd6: {  	v1 =	vld [tilespmem:s6+$0x4810];
	_ =	sdelay $0x4  }
0xd7: {  	v2 =	vshll.u32 v1, $0x10  }
0xd8: {  	v1 =	vand.u32 $0xFFFF0000, v1;
	[tilespmem:s1+$0xFFFFFFE0] =	vst v2  }
0xd9: {  	[tilespmem:s1+$0xFFFFFFF0] =	vst v1  }
0xda: {  	v1 =	vld [tilespmem:s6+$0x4820];
	_ =	sdelay $0x4  }
0xdb: {  	v2 =	vand.u32 $0xFFFF0000, v1  }
0xdc: {  	v1 =	vshll.u32 v1, $0x10;
	[tilespmem:s1+$0x10] =	vst v2  }
0xdd: {  	[tilespmem:s1+$0x0] =	vst v1  }
0xde: {  	v1 =	vld [tilespmem:s6+$0x4830];
	_ =	sdelay $0x4  }
0xdf: {  	v2 =	vshll.u32 v1, $0x10  }
0xe0: {  	v1 =	vand.u32 $0xFFFF0000, v1;
	[tilespmem:s1+$0x20] =	vst v2  }
.Ltmp5:
0xe1: {  	s7 =	sadd.s32 $0x1480, s0;
	[tilespmem:s1+$0x30] =	vst v1;
	(pc) =	sbr.rel @p0 .LBB2_10-.Ltmp5, $4  }
0xe2: {  	[spmem:s2] =	stream.indirect.scatter.add.f32 [tilespmem:s20], [sflag:$0x3], $0x80, s7, s23, $0xb8;
	[tilespmem:$0x1E800] =	vst v63  }
0xe3: {  	_ =	swait.ge [sflag:s28], $0x4000  }
0xe4: {  	[sflag:s28] =	ssyncset.done $0x0  }
0xe5: {  	[sflag:s28] =	ssyncadd.s32 $0xFFFFC000  }
.Ltmp6:
0xe6: {  	(pc) =	sbr.rel .LBB2_4-.Ltmp6, $3  }
0xe7: {  	_ =	sdelay $0x1  }
0xe8: {  	s0 =	sadd.s32 $0x180, s0;
	s31 =	sadd.s32 $0x1, s31  }
0xe9: {  	[tilespmem:s25], [sflag:$0x2] =	stream.indirect.gather [hbm4b:s4+s23], $0x40, s0, s23, $0xb8;
	[tilespmem:$0x1E800] =	vst v63  }
.LBB2_10:
0xea: {  	s31 =	simm.s32 $0x0  }
0xeb: {  	[tilespmem:s31], [sflag:$0x4] =	stream.linear.gather [hbm4b:s8+s31], $0x1400, $0x38;
	[tilespmem:$0x1E800] =	vst v63  }
0xec: {  	_ =	swait.ge [sflag:s21], $0x1400  }
0xed: {  	[sflag:s21] =	ssyncset.done $0x0  }
0xee: {  	[sflag:s21] =	ssyncadd.s32 $0xFFFFEC00  }
0xef: {  	[tilespmem:s22], [sflag:$0x4] =	stream.linear.gather [hbm4b:s9+s31], $0x1400, $0x38;
	[tilespmem:$0x1E800] =	vst v63  }
0xf0: {  	_ =	swait.ge [sflag:s21], $0x1400  }
0xf1: {  	[sflag:s21] =	ssyncset.done $0x0  }
0xf2: {  	[sflag:s21] =	ssyncadd.s32 $0xFFFFEC00  }
0xf3: {  	[tilespmem:s24], [sflag:$0x1] =	stream.indirect.gather [hbm4b:s4+s23], $0x40, s31, s23, $0xb8;
	[tilespmem:$0x1E800] =	vst v63  }
0xf4: {  	_ = 	snop  }
0xf5: {  	[tilespmem:s25], [sflag:$0x2] =	stream.indirect.gather [hbm4b:s4+s23], $0x40, s23, s23, $0xb8;
	[tilespmem:$0x1E800] =	vst v63  }
.LBB2_11:
0xf6: {  	_ =	swait.ge [sflag:s26], $0x2000  }
0xf7: {  	[sflag:s26] =	ssyncset.done $0x0  }
0xf8: {  	s1 =	simm.s32 $0x0;
	[sflag:s26] =	ssyncadd.s32 $0xFFFFE000  }
0xf9: {  	v1 =	vld [tilespmem:s1+$0x2800];
	_ =	sdelay $0x4  }
0xfa: {  	s0 =	simm.s32 $0x6840;
	v2 =	vshll.u32 v1, $0x10  }
0xfb: {  	v1 =	vand.u32 $0xFFFF0000, v1;
	[tilespmem:s0+$0xFFFFFFC0] =	vst v2  }
0xfc: {  	[tilespmem:s0+$0xFFFFFFD0] =	vst v1  }
0xfd: {  	v1 =	vld [tilespmem:s1+$0x2810];
	_ =	sdelay $0x4  }
0xfe: {  	v2 =	vshll.u32 v1, $0x10  }
0xff: {  	v1 =	vand.u32 $0xFFFF0000, v1;
	[tilespmem:s0+$0xFFFFFFE0] =	vst v2  }
0x100: {  	[tilespmem:s0+$0xFFFFFFF0] =	vst v1  }
0x101: {  	v1 =	vld [tilespmem:s1+$0x2820];
	_ =	sdelay $0x4  }
0x102: {  	v2 =	vand.u32 $0xFFFF0000, v1  }
0x103: {  	v1 =	vshll.u32 v1, $0x10;
	[tilespmem:s0+$0x10] =	vst v2  }
0x104: {  	[tilespmem:s0+$0x0] =	vst v1  }
0x105: {  	v1 =	vld [tilespmem:s1+$0x2830];
	_ =	sdelay $0x4  }
0x106: {  	v2 =	vshll.u32 v1, $0x10  }
0x107: {  	v1 =	vand.u32 $0xFFFF0000, v1;
	[tilespmem:s0+$0x20] =	vst v2  }
0x108: {  	s1 =	simm.s32 $0x40;
	[tilespmem:s0+$0x30] =	vst v1  }
0x109: {  	v1 =	vld [tilespmem:s1+$0x2800]  }
0x10a: {  	s6 =	simm.s32 $0x200  }
.LBB2_12:
0x10b: {  	p0 =	sne.s32 s6, $0x7F00;
	_ =	sdelay $0x2  }
0x10c: {  	s0 =	sadd.s32 $0x80, s0;
	v2 =	vshll.u32 v1, $0x10  }
0x10d: {  	v1 =	vand.u32 $0xFFFF0000, v1;
	[tilespmem:s0+$0xFFFFFFC0] =	vst v2  }
0x10e: {  	[tilespmem:s0+$0xFFFFFFD0] =	vst v1  }
0x10f: {  	v1 =	vld [tilespmem:s1+$0x2810];
	_ =	sdelay $0x4  }
0x110: {  	v2 =	vshll.u32 v1, $0x10  }
0x111: {  	v1 =	vand.u32 $0xFFFF0000, v1;
	[tilespmem:s0+$0xFFFFFFE0] =	vst v2  }
0x112: {  	[tilespmem:s0+$0xFFFFFFF0] =	vst v1  }
0x113: {  	v1 =	vld [tilespmem:s1+$0x2820];
	_ =	sdelay $0x4  }
0x114: {  	v2 =	vshll.u32 v1, $0x10;
	v1 =	vand.u32 $0xFFFF0000, v1  }
0x115: {  	[tilespmem:s0+$0x10] =	vst v1  }
0x116: {  	[tilespmem:s0+$0x0] =	vst v2  }
0x117: {  	v1 =	vld [tilespmem:s1+$0x2830];
	_ =	sdelay $0x4  }
.Ltmp7:
0x118: {  	v2 =	vshll.u32 v1, $0x10;
	v1 =	vand.u32 $0xFFFF0000, v1;
	(pc) =	sbr.rel @p0 .LBB2_12-.Ltmp7, $4  }
0x119: {  	[tilespmem:s0+$0x20] =	vst v2  }
0x11a: {  	s1 =	sshra.s32 s6, $0x2;
	[tilespmem:s0+$0x30] =	vst v1  }
0x11b: {  	v1 =	vld [tilespmem:s1+$0x2800]  }
0x11c: {  	s6 =	sadd.s32 $0x100, s6  }
0x11d: {  	_ =	sdelay $0x2  }
0x11e: {  	s6 =	sadd.s32 $0x80, s0;
	v2 =	vshll.u32 v1, $0x10  }
0x11f: {  	v1 =	vand.u32 $0xFFFF0000, v1;
	[tilespmem:s6+$0xFFFFFFC0] =	vst v2  }
0x120: {  	[tilespmem:s6+$0xFFFFFFD0] =	vst v1  }
0x121: {  	v1 =	vld [tilespmem:s1+$0x2810];
	_ =	sdelay $0x4  }
0x122: {  	v2 =	vshll.u32 v1, $0x10  }
0x123: {  	v1 =	vand.u32 $0xFFFF0000, v1;
	[tilespmem:s6+$0xFFFFFFE0] =	vst v2  }
0x124: {  	[tilespmem:s6+$0xFFFFFFF0] =	vst v1  }
0x125: {  	v1 =	vld [tilespmem:s1+$0x2820];
	_ =	sdelay $0x4  }
0x126: {  	v2 =	vand.u32 $0xFFFF0000, v1  }
0x127: {  	v1 =	vshll.u32 v1, $0x10;
	[tilespmem:s6+$0x10] =	vst v2  }
0x128: {  	[tilespmem:s6+$0x0] =	vst v1  }
0x129: {  	v1 =	vld [tilespmem:s1+$0x2830];
	_ =	sdelay $0x4  }
0x12a: {  	s1 =	sshll.u32 s31, $0xA;
	v2 =	vshll.u32 v1, $0x10  }
0x12b: {  	s0 =	sshrl.u32 s1, $0x2;
	v1 =	vand.u32 $0xFFFF0000, v1;
	[tilespmem:s6+$0x20] =	vst v2  }
0x12c: {  	p0 =	seq.s32 s31, $0x13;
	s7 =	sadd.s32 $0x1400, s0;
	[tilespmem:s6+$0x30] =	vst v1  }
0x12d: {  	[spmem:s2] =	stream.indirect.scatter.add.f32 [tilespmem:s20], [sflag:$0x3], $0x80, s7, s23, $0xb8;
	[tilespmem:$0x1E800] =	vst v63  }
0x12e: {  	s1 =	sshrl.u32 @!p0 s1, $0x2;
	_ =	swait.ge [sflag:s28], $0x4000  }
0x12f: {  	s1 =	sadd.s32 @!p0 $0x100, s1;
	[sflag:s28] =	ssyncset.done $0x0  }
0x130: {  	s6 =	simm.s32 @!p0 $0x80;
	s7 =	simm.s32 @!p0 $0x2800;
	[sflag:s28] =	ssyncadd.s32 $0xFFFFC000  }
0x131: {  	[tilespmem:s7], [sflag:$0x1] =	stream.indirect.gather @!p0 [hbm4b:s4+s6], $0x40, s1, s6, $0xb8;
	[tilespmem:$0x1E800] =	vst v63  }
0x132: {  	_ =	swait.ge [sflag:s29], $0x2000  }
0x133: {  	[sflag:s29] =	ssyncset.done $0x0  }
0x134: {  	s7 =	simm.s32 $0x0;
	[sflag:s29] =	ssyncadd.s32 $0xFFFFE000  }
0x135: {  	v1 =	vld [tilespmem:s7+$0x4800];
	_ =	sdelay $0x4  }
0x136: {  	s1 =	simm.s32 $0x6840;
	v2 =	vshll.u32 v1, $0x10  }
0x137: {  	v1 =	vand.u32 $0xFFFF0000, v1;
	[tilespmem:s1+$0xFFFFFFC0] =	vst v2  }
0x138: {  	[tilespmem:s1+$0xFFFFFFD0] =	vst v1  }
0x139: {  	v1 =	vld [tilespmem:s7+$0x4810];
	_ =	sdelay $0x4  }
0x13a: {  	v2 =	vshll.u32 v1, $0x10  }
0x13b: {  	v1 =	vand.u32 $0xFFFF0000, v1;
	[tilespmem:s1+$0xFFFFFFE0] =	vst v2  }
0x13c: {  	[tilespmem:s1+$0xFFFFFFF0] =	vst v1  }
0x13d: {  	v1 =	vld [tilespmem:s7+$0x4820];
	_ =	sdelay $0x4  }
0x13e: {  	v2 =	vand.u32 $0xFFFF0000, v1  }
0x13f: {  	v1 =	vshll.u32 v1, $0x10;
	[tilespmem:s1+$0x10] =	vst v2  }
0x140: {  	[tilespmem:s1+$0x0] =	vst v1  }
0x141: {  	v1 =	vld [tilespmem:s7+$0x4830];
	_ =	sdelay $0x4  }
0x142: {  	v2 =	vshll.u32 v1, $0x10  }
0x143: {  	v1 =	vand.u32 $0xFFFF0000, v1;
	[tilespmem:s1+$0x20] =	vst v2  }
0x144: {  	s6 =	simm.s32 $0x40;
	[tilespmem:s1+$0x30] =	vst v1  }
0x145: {  	v1 =	vld [tilespmem:s6+$0x4800]  }
0x146: {  	s7 =	simm.s32 $0x200  }
.LBB2_14:
0x147: {  	p1 =	sne.s32 s7, $0x7F00;
	_ =	sdelay $0x2  }
0x148: {  	s1 =	sadd.s32 $0x80, s1;
	v2 =	vshll.u32 v1, $0x10  }
0x149: {  	v1 =	vand.u32 $0xFFFF0000, v1;
	[tilespmem:s1+$0xFFFFFFC0] =	vst v2  }
0x14a: {  	[tilespmem:s1+$0xFFFFFFD0] =	vst v1  }
0x14b: {  	v1 =	vld [tilespmem:s6+$0x4810];
	_ =	sdelay $0x4  }
0x14c: {  	v2 =	vshll.u32 v1, $0x10  }
0x14d: {  	v1 =	vand.u32 $0xFFFF0000, v1;
	[tilespmem:s1+$0xFFFFFFE0] =	vst v2  }
0x14e: {  	[tilespmem:s1+$0xFFFFFFF0] =	vst v1  }
0x14f: {  	v1 =	vld [tilespmem:s6+$0x4820];
	_ =	sdelay $0x4  }
0x150: {  	v2 =	vshll.u32 v1, $0x10;
	v1 =	vand.u32 $0xFFFF0000, v1  }
0x151: {  	[tilespmem:s1+$0x10] =	vst v1  }
0x152: {  	[tilespmem:s1+$0x0] =	vst v2  }
0x153: {  	v1 =	vld [tilespmem:s6+$0x4830];
	_ =	sdelay $0x4  }
.Ltmp8:
0x154: {  	v2 =	vshll.u32 v1, $0x10;
	v1 =	vand.u32 $0xFFFF0000, v1;
	(pc) =	sbr.rel @p1 .LBB2_14-.Ltmp8, $4  }
0x155: {  	[tilespmem:s1+$0x20] =	vst v2  }
0x156: {  	s6 =	sshra.s32 s7, $0x2;
	[tilespmem:s1+$0x30] =	vst v1  }
0x157: {  	v1 =	vld [tilespmem:s6+$0x4800]  }
0x158: {  	s7 =	sadd.s32 $0x100, s7  }
0x159: {  	_ =	sdelay $0x2  }
0x15a: {  	s1 =	sadd.s32 $0x80, s1;
	v2 =	vshll.u32 v1, $0x10  }
0x15b: {  	v1 =	vand.u32 $0xFFFF0000, v1;
	[tilespmem:s1+$0xFFFFFFC0] =	vst v2  }
0x15c: {  	[tilespmem:s1+$0xFFFFFFD0] =	vst v1  }
0x15d: {  	v1 =	vld [tilespmem:s6+$0x4810];
	_ =	sdelay $0x4  }
0x15e: {  	v2 =	vshll.u32 v1, $0x10  }
0x15f: {  	v1 =	vand.u32 $0xFFFF0000, v1;
	[tilespmem:s1+$0xFFFFFFE0] =	vst v2  }
0x160: {  	[tilespmem:s1+$0xFFFFFFF0] =	vst v1  }
0x161: {  	v1 =	vld [tilespmem:s6+$0x4820];
	_ =	sdelay $0x4  }
0x162: {  	v2 =	vand.u32 $0xFFFF0000, v1  }
0x163: {  	v1 =	vshll.u32 v1, $0x10;
	[tilespmem:s1+$0x10] =	vst v2  }
0x164: {  	[tilespmem:s1+$0x0] =	vst v1  }
0x165: {  	v1 =	vld [tilespmem:s6+$0x4830];
	_ =	sdelay $0x4  }
0x166: {  	v2 =	vshll.u32 v1, $0x10  }
0x167: {  	v1 =	vand.u32 $0xFFFF0000, v1;
	[tilespmem:s1+$0x20] =	vst v2  }
.Ltmp9:
0x168: {  	s7 =	sadd.s32 $0x1480, s0;
	[tilespmem:s1+$0x30] =	vst v1;
	(pc) =	sbr.rel @p0 .LBB2_17-.Ltmp9, $4  }
0x169: {  	[spmem:s2] =	stream.indirect.scatter.add.f32 [tilespmem:s20], [sflag:$0x3], $0x80, s7, s23, $0xb8;
	[tilespmem:$0x1E800] =	vst v63  }
0x16a: {  	_ =	swait.ge [sflag:s28], $0x4000  }
0x16b: {  	[sflag:s28] =	ssyncset.done $0x0  }
0x16c: {  	[sflag:s28] =	ssyncadd.s32 $0xFFFFC000  }
.Ltmp10:
0x16d: {  	(pc) =	sbr.rel .LBB2_11-.Ltmp10, $3  }
0x16e: {  	_ =	sdelay $0x1  }
0x16f: {  	s0 =	sadd.s32 $0x180, s0;
	s31 =	sadd.s32 $0x1, s31  }
0x170: {  	[tilespmem:s25], [sflag:$0x2] =	stream.indirect.gather [hbm4b:s4+s23], $0x40, s0, s23, $0xb8;
	[tilespmem:$0x1E800] =	vst v63  }
.LBB2_18:
0x171: {  	_ =	sfence.sel $0x180000  }
0x172: {  	[bflag:$0x0] =	sbarrier.arrive $0xFFFF  }
0x173: {  	_ =	strace $0x9000004D  }
0x174: {  	s0 =	stileid.u32;
	[bflag:$0x2] =	sbarrier.arrive $0xFFFF  }
0x175: {  	p0 =	sne.s32 s0, $0x0;
	s0 =	rddreg [dreg:$0x2]  }
0x176: {  	s0 =	sadd.s32 @!p0 $0x100000, s0  }
0x177: {  	[sflag:s0] =	ssyncadd.tile.s32 @!p0 $0x1;
	_ =	shalt  }
.Lfunc_end2:
_tile_overlayer_lowered:
.L_overlay_start_2:
0x178: {  	(tag) =	ssettag $0x2  }
0x179: {  	s0 =	rddreg [dreg:$0x0];
	s2 =	stileid.u32  }
0x17a: {  	s1 =	rddreg [dreg:$0x1];
	p0 =	sne.s32 s2, $0x0  }
0x17b: {  	s3 =	rddreg [dreg:$0x2];
	[bflag:$0x3] =	sbarrier.arrive $0xFFFF;
	s2 =	simm.s32 @!p0 $0x1C04  }
0x17c: {  	[timem:s3], [sflag:s2] =	dma.local @!p0 [hbm:s0], s1  }
0x17d: {  	s0 =	simm.s32 @!p0 $0x4  }
0x17e: {  	_ =	swait.ge @!p0 [sflag:s0], s1  }
0x17f: {  	s1 =	ssub.s32 @!p0 $0x0, s1;
	[sflag:s0] =	ssyncset.done @!p0 $0x0  }
0x180: {  	[sflag:s0] =	ssyncadd.s32 @!p0 s1  }
0x181: {  	[bflag:$0x3] =	sbarrier.arrive $0xFFFF  }
0x182: {  	_ =	shalt  }

// kernel: kernel.18.cloned.1.call-start
scs
__scs_entry_jumppad:
0x0: {  	(pc) =	sbr.rel $0x88, $3  }
0x1: {  	(tag) =	ssettag $0x0;
	lr =	simm.s32 $0x1  }
0x2: {  	[smem:$0x3F99] =	sst lr;
	_ =	strace $0xD0000000  }
0x3: {  	_ = 	snop  }
0x4: {  	_ = 	snop  }
0x5: {  	_ = 	snop  }
0x6: {  	_ = 	snop  }
0x7: {  	_ = 	snop  }
__scs_overlays_trampoline_lowered:
0x8: {  	[smem:$0x3FA8] =	sst s0  }
0x9: {  	[smem:$0x3FA9] =	sst s1  }
0xa: {  	[smem:$0x3FAA] =	sst s2  }
0xb: {  	[smem:$0x3FAB] =	sst s3  }
0xc: {  	[smem:$0x3FAC] =	sst s4  }
0xd: {  	[smem:$0x3FAD] =	sst s5  }
0xe: {  	[smem:$0x3FAE] =	sst s6  }
0xf: {  	[smem:$0x3FAF] =	sst s7  }
0x10: {  	[smem:$0x3FB0] =	sst s8  }
0x11: {  	[smem:$0x3FB1] =	sst s9;
	s0 =	simm.s32 @!p0 $0x0  }
0x12: {  	s1 =	sld [smem:$0x3F97];
	s0 =	simm.s32 @p0 $0x1  }
0x13: {  	[smem:$0x3FB2] =	sst s0;
	s0 =	simm.s32 @!p1 $0x0  }
0x14: {  	s2 =	sld [smem:$0x3F96];
	s0 =	simm.s32 @p1 $0x1  }
0x15: {  	[smem:$0x3FB3] =	sst s0;
	s0 =	simm.s32 @!p2 $0x0  }
0x16: {  	s3 =	sld [smem:$0x3FDB];
	s0 =	simm.s32 @p2 $0x1  }
0x17: {  	s4 =	simm.s32 $0x1BF5;
	[smem:$0x3FB5] =	sst s0  }
0x18: {  	s0 =	sld [smem:$0x3F98];
	_ =	swait.ge [sflag:s4], $0x0  }
0x19: {  	s7 =	sld [smem:$0x3F99]  }
0x1a: {  	s8 =	sadd.s32 $0xFFFFE003, lr  }
0x1b: {  	s9 =	sadd.s32 $0xFFFFFEF7, lr;
	s5 =	simm.s32 $0xFFFFFFFF;
	p2 =	slt.u32 s8, $0xFFFFF086  }
0x1c: {  	p1 =	slt.u32 s9, $0xF7A;
	s5 =	simm.s32 @!p2 $0x0  }
0x1d: {  	s5 =	simm.s32 @p1 $0x1;
	p0 =	seq.s32 s7, s2  }
0x1e: {  	s7 =	smul.u32 @!p0 $0xF7A, s2;
	p2 =	seq.s32 @!p0 s5, $0x0  }
0x1f: {  	s9 =	smul.u32 $0xF7A, s1;
	s8 =	simm.s32 @!p0 $0x1BF5;
	p2 =	por !p2, p0  }
0x20: {  	[sflag:s8] =	ssyncset.s32 @!p0 $0xFFFFF086;
	s6 =	sadd.s32 @!p0 s3, s7;
	s7 =	simm.s32 @!p0 $0x108  }
0x21: {  	s3 =	sadd.s32 s3, s9;
	s6 =	sadd.s32 @!p0 $0x88, s6;
	s7 =	simm.s32 @p2 $0x1082  }
0x22: {  	[simem:s7], [sflag:s8] =	dma.local @!p0 [hbm:s6], $0xF7A  }
0x23: {  	s9 =	sor.u32 $0xD0000000, s2;
	s6 =	simm.s32 $0x108;
	_ =	swait.ge @!p0 [sflag:s8], $0x0  }
0x24: {  	s3 =	sadd.s32 $0x88, s3;
	s6 =	simm.s32 @!p1 $0x1082;
	[sflag:s4] =	ssyncset.s32 $0xFFFFF086  }
0x25: {  	[simem:s6], [sflag:s4] =	dma.local [hbm:s3], $0xF7A  }
0x26: {  	[smem:$0x3F99] =	sst s1;
	(tag) =	ssettag s2;
	_ =	strace s9  }
0x27: {  	s1 =	sld [smem:$0x3FA9]  }
0x28: {  	s2 =	sld [smem:$0x3FAA]  }
0x29: {  	s4 =	sld [smem:$0x3FAC]  }
0x2a: {  	p0 =	seq.s32 s5, $0x0;
	s5 =	sld [smem:$0x3FAD]  }
0x2b: {  	s6 =	sld [smem:$0x3FAE]  }
0x2c: {  	s7 =	sld [smem:$0x3FAF]  }
0x2d: {  	s3 =	simm.s32 $0x108;
	s8 =	sld [smem:$0x3FB0]  }
0x2e: {  	s3 =	simm.s32 @!p0 $0x1082;
	s9 =	sld [smem:$0x3FB1]  }
0x2f: {  	lr =	sadd.s32 s0, s3;
	s0 =	sld [smem:$0x3FA8]  }
0x30: {  	s3 =	sld [smem:$0x3FAB]  }
0x31: {  	[smem:$0x3FB4] =	sst s10  }
0x32: {  	s10 =	sld [smem:$0x3FB2];
	_ =	sdelay $0x3  }
0x33: {  	p0 =	seq.s32 s10, $0x1;
	s10 =	sld [smem:$0x3FB4];
	_ =	sdelay $0x3  }
0x34: {  	[smem:$0x3FB4] =	sst s10  }
0x35: {  	s10 =	sld [smem:$0x3FB3];
	_ =	sdelay $0x3  }
0x36: {  	p1 =	seq.s32 s10, $0x1;
	s10 =	sld [smem:$0x3FB4];
	_ =	sdelay $0x3  }
0x37: {  	[smem:$0x3FB4] =	sst s10  }
0x38: {  	s10 =	sld [smem:$0x3FB5]  }
0x39: {  	_ = 	snop;
	(pc) =	sbr.ind lr, $3  }
0x3a: {  	_ = 	snop  }
0x3b: {  	_ = 	snop  }
0x3c: {  	p2 =	seq.s32 s10, $0x1;
	s10 =	sld [smem:$0x3FB4]  }
0x3d: {  	_ =	shalt  }
0x3e: {  	_ =	shalt  }
0x3f: {  	_ =	shalt  }
0x40: {  	_ =	shalt  }
0x41: {  	_ =	shalt  }
0x42: {  	_ =	shalt  }
0x43: {  	_ =	shalt  }
0x44: {  	_ =	shalt  }
0x45: {  	_ =	shalt  }
0x46: {  	_ =	shalt  }
0x47: {  	_ =	shalt  }
0x48: {  	_ =	shalt  }
0x49: {  	_ =	shalt  }
0x4a: {  	_ =	shalt  }
0x4b: {  	_ =	shalt  }
0x4c: {  	_ =	shalt  }
0x4d: {  	_ =	shalt  }
0x4e: {  	_ =	shalt  }
0x4f: {  	_ =	shalt  }
0x50: {  	_ =	shalt  }
0x51: {  	_ =	shalt  }
0x52: {  	_ =	shalt  }
0x53: {  	_ =	shalt  }
0x54: {  	_ =	shalt  }
0x55: {  	_ =	shalt  }
0x56: {  	_ =	shalt  }
0x57: {  	_ =	shalt  }
0x58: {  	_ =	shalt  }
0x59: {  	_ =	shalt  }
0x5a: {  	_ =	shalt  }
0x5b: {  	_ =	shalt  }
0x5c: {  	_ =	shalt  }
0x5d: {  	_ =	shalt  }
0x5e: {  	_ =	shalt  }
0x5f: {  	_ =	shalt  }
0x60: {  	_ =	shalt  }
0x61: {  	_ =	shalt  }
0x62: {  	_ =	shalt  }
0x63: {  	_ =	shalt  }
0x64: {  	_ =	shalt  }
0x65: {  	_ =	shalt  }
0x66: {  	_ =	shalt  }
0x67: {  	_ =	shalt  }
0x68: {  	_ =	shalt  }
0x69: {  	_ =	shalt  }
0x6a: {  	_ =	shalt  }
0x6b: {  	_ =	shalt  }
0x6c: {  	_ =	shalt  }
0x6d: {  	_ =	shalt  }
0x6e: {  	_ =	shalt  }
0x6f: {  	_ =	shalt  }
0x70: {  	_ =	shalt  }
0x71: {  	_ =	shalt  }
0x72: {  	_ =	shalt  }
0x73: {  	_ =	shalt  }
0x74: {  	_ =	shalt  }
0x75: {  	_ =	shalt  }
0x76: {  	_ =	shalt  }
0x77: {  	_ =	shalt  }
0x78: {  	_ =	shalt  }
0x79: {  	_ =	shalt  }
0x7a: {  	_ =	shalt  }
0x7b: {  	_ =	shalt  }
0x7c: {  	_ =	shalt  }
0x7d: {  	_ =	shalt  }
0x7e: {  	_ =	shalt  }
0x7f: {  	_ =	shalt  }
0x80: {  	_ =	shalt  }
0x81: {  	_ =	shalt  }
0x82: {  	_ =	shalt  }
0x83: {  	_ =	shalt  }
0x84: {  	_ =	shalt  }
0x85: {  	_ =	shalt  }
0x86: {  	_ =	shalt  }
0x87: {  	_ =	shalt  }
.Lfunc_end0:
.L_simem_size_0:
called_computation.3_lowered:
.L_overlay_start_0:
0x88: {  	s2 =	sld [smem:$0x3FD9]  }
0x89: {  	s3 =	sld [smem:$0x3FFE];
	_ =	sdelay $0x1  }
0x8a: {  	s1 =	srdreg.scid  }
0x8b: {  	s0 =	sand.u32 $0x1, s1  }
0x8c: {  	s17 =	sshll.u32 s0, $0xA;
	s2 =	sadd.s32 s3, s2  }
0x8d: {  	s2 =	sadd.s32 s2, s17  }
0x8e: {  	[smem:$0x3FC0] =	sst s2  }
0x8f: {  	_ = 	snop  }
0x90: {  	s2 =	sld [smem:$0x3FD0];
	(tm) =	ssettm $0x1  }
0x91: {  	s18 =	sld [smem:$0x3FFB];
	_ =	sdelay $0x3  }
0x92: {  	_ =	strace s18  }
0x93: {  	s3 =	sld [smem:$0x3FFC];
	_ =	sdelay $0x3  }
0x94: {  	_ =	strace s3  }
0x95: {  	s3 =	sld [smem:$0x3FFD];
	_ =	sdelay $0x3  }
0x96: {  	_ =	strace s3  }
0x97: {  	_ =	strace $0x8FFFFFFF  }
0x98: {  	s19 =	sld [smem:$0x3FDB];
	_ =	sdelay $0x1  }
0x99: {  	s4 =	simm.s32 $_scs_section_size  }
0x9a: {  	s5 =	simm.s32 $_size__tile_overlayer_lowered;
	s6 =	simm.s32 $_tile_overlayer_lowered  }
0x9b: {  	s22 =	simm.s32 $0x1BFF;
	s21 =	sshll.u32 s6, $0x1;
	s3 =	sadd.s32 s4, s19  }
0x9c: {  	s7 =	simm.s32 $0x0;
	s20 =	sshll.u32 s5, $0x1;
	s5 =	sadd.s32 s21, s3  }
0x9d: {  	[timem:s7], [sflag:s22] =	dma.local [hbm:s5], s20  }
0x9e: {  	_ =	swait.ge [sflag:s22], s20  }
0x9f: {  	s4 =	ssub.s32 $0x0, s20;
	[sflag:s22] =	ssyncset.done $0x0  }
0xa0: {  	[sflag:s22] =	ssyncadd.s32 s4;
	_ =	sdelay $0x1  }
0xa1: {  	s23 =	simm.s32 $0x1B8B  }
0xa2: {  	_ =	swait.ge [sflag:s23], $0x1  }
0xa3: {  	[sflag:s23] =	ssyncset.done $0x0  }
0xa4: {  	s25 =	simm.s32 $0x1B8E;
	s24 =	sld [smem:$0x3FFE];
	[sflag:s23] =	ssyncadd.s32 $0xFFFFFFFF  }
0xa5: {  	s26 =	simm.s32 $execute0_lowered;
	[smem:$0x3FD2] =	sst s25  }
0xa6: {  	s5 =	sshll.u32 s26, $0x1;
	_ =	strace $0x8000004F;
	[dreg:$0x1] =	wrdreg $0xFFFFFFFF  }
0xa7: {  	s28 =	simm.s32 $_size_execute0_lowered;
	s3 =	sadd.s32 s3, s5;
	[dreg:$0x0] =	wrdreg $0x0  }
0xa8: {  	s5 =	sshll.u32 s28, $0x1;
	[dreg:$0x2] =	wrdreg s3  }
0xa9: {  	[dreg:$0x3] =	wrdreg s5  }
0xaa: {  	[dreg:$0x4] =	wrdreg $0xC0  }
0xab: {  	_ =	task [dreg:s7], $0x5FFFF  }
0xac: {  	[dreg:$0x1] =	wrdreg $0xFFFFFFFF  }
0xad: {  	[dreg:$0x0] =	wrdreg $0x60  }
0xae: {  	[dreg:$0x2] =	wrdreg s2  }
0xaf: {  	[dreg:$0x3] =	wrdreg s24  }
0xb0: {  	[dreg:$0x4] =	wrdreg $0x9  }
0xb1: {  	_ =	task.clear_ibuf [dreg:s7], $0x5FFFF;
	_ =	strace $0x9000004F  }
0xb2: {  	s29 =	simm.s32 $0x9;
	_ =	strace $0x80000051  }
0xb3: {  	_ =	swait.ge [sflag:s29], $0x1  }
0xb4: {  	[sflag:s29] =	ssyncadd.s32 $0xFFFFFFFF  }
0xb5: {  	_ =	strace $0x90000051  }
0xb6: {  	_ =	sfence  }
0xb7: {  	s30 =	sld [smem:$0x0];
	_ =	sdelay $0x2  }
0xb8: {  	s31 =	sshll.u32 s1, $0xD;
	s1 =	sshrl.u32 s1, $0x2  }
0xb9: {  	s3 =	sand.u32 $0x4000, s31;
	s1 =	sadd.s32 s1, s30  }
0xba: {  	s0 =	sor.u32 s3, s0;
	s1 =	sshll.u32 s1, $0x11  }
0xbb: {  	s0 =	sor.u32 s1, s0  }
0xbc: {  	s0 =	sadd.s32 $0x8F2B, s0  }
0xbd: {  	[sflag:s0] =	ssyncadd.remote.s32 $0x1  }
0xbe: {  	_ =	sfence.sel $0xFFFF  }
0xbf: {  	[dreg:$0x0] =	wrdreg $0xFFFFFFFF;
	(pc) =	sbr.abs _section_cstart, $3  }
0xc0: {  	[dreg:$0x1] =	wrdreg $0xFFFFFFFF  }
0xc1: {  	_ =	task.clear_ibuf [dreg:s7], $0x2FFFF;
	_ =	strace $0x9FFFFFFF  }
0xc2: {  	(tm) =	ssettm $0x7FFFFFFF  }
0xc3: {  	_ =	shalt  }
tec
execute0_lowered:
.L_overlay_start_1:
0x0: {  	(tag) =	ssettag $0x1  }
0x1: {  	s2 =	rddreg [dreg:$0x0];
	s1 =	srdreg.scid  }
0x2: {  	s0 =	stileid.u32;
	s4 =	rddreg [dreg:$0x1]  }
0x3: {  	s8 =	simm.s32 $0x1;
	s9 =	simm.s32 $0x5000;
	s10 =	simm.s32 $0x7800  }
0x4: {  	s11 =	simm.s32 $0xA000;
	s5 =	sand.u32 $0x1, s1;
	s3 =	sshll.u32 s0, $0x1  }
0x5: {  	s1 =	rddreg [dreg:$0x2];
	s6 =	sor.u32 s5, s3;
	s5 =	ssub.s32 $0x2, s5  }
0x6: {  	s3 =	simm.s32 $0x0;
	s6 =	smul.u32 $0x500, s6;
	s7 =	sshrl.u32 s5, $0x1  }
0x7: {  	s12 =	simm.s32 $0x0;
	[smem:$0x7FF] =	sst s3;
	s7 =	ssub.s32 s5, s7  }
0x8: {  	_ =	strace $0x80000050;
	s6 =	sadd.s32 s6, s4;
	s7 =	smax.u32 s7, $0x1  }
0x9: {  	s4 =	sadd.s32 $0x16400, s6;
	s5 =	sadd.s32 $0x20400, s6;
	s6 =	sadd.s32 $0x2400, s6  }
.LBB2_1:
0xa: {  	[tilespmem:s3], [sflag:$0x1] =	stream.linear.gather [hbm4b:s2+s3], $0x5000, $0x38;
	[tilespmem:$0xC800] =	vst v63  }
0xb: {  	_ =	swait.ge [sflag:s8], $0x5000  }
0xc: {  	[sflag:s8] =	ssyncset.done $0x0  }
0xd: {  	[sflag:s8] =	ssyncadd.s32 $0xFFFFB000  }
0xe: {  	[tilespmem:s9], [sflag:$0x1] =	stream.linear.gather [hbm4b:s4+s3], $0x2800, $0x38;
	[tilespmem:$0xC800] =	vst v63  }
0xf: {  	_ =	swait.ge [sflag:s8], $0x2800  }
0x10: {  	[sflag:s8] =	ssyncset.done $0x0  }
0x11: {  	[sflag:s8] =	ssyncadd.s32 $0xFFFFD800  }
0x12: {  	[tilespmem:s10], [sflag:$0x1] =	stream.linear.gather [hbm4b:s5+s3], $0x2800, $0x38;
	[tilespmem:$0xC800] =	vst v63  }
0x13: {  	_ =	swait.ge [sflag:s8], $0x2800  }
0x14: {  	[sflag:s8] =	ssyncset.done $0x0  }
0x15: {  	s13 =	simm.s32 $0x0;
	[sflag:s8] =	ssyncadd.s32 $0xFFFFD800  }
0x16: {  	v0 =	vld [tilespmem:s13+$0x5000]  }
0x17: {  	v1 =	vld [tilespmem:s13+$0x7800];
	_ =	sdelay $0x4  }
0x18: {  	v0 =	vshll.u32 v0, $0x1;
	v1 =	vshll.u32 v1, $0x1  }
0x19: {  	v1 =	vor.u32 $0x1, v1;
	_ =	sdelay $0x1  }
0x1a: {  	v2 =	vld [tilespmem:s13+$0x5010]  }
0x1b: {  	v3 =	vld [tilespmem:s13+$0x7810]  }
0x1c: {  	v0 =	vld.idx.msk [tilespmem:v0+s3+$0x0], $0xffff  }
0x1d: {  	v1 =	vld.idx.msk [tilespmem:v1+s3+$0x0], $0xffff;
	_ =	sdelay $0x2  }
0x1e: {  	v3 =	vshll.u32 v3, $0x1;
	v2 =	vshll.u32 v2, $0x1  }
0x1f: {  	v3 =	vor.u32 $0x1, v3  }
0x20: {  	v0 =	vadd.f32 v1, v0  }
0x21: {  	v4 =	vld [tilespmem:s13+$0x5020]  }
0x22: {  	v5 =	vld [tilespmem:s13+$0x7820];
	[tilespmem:s13+$0xA000] =	vst v0  }
0x23: {  	v0 =	vld.idx.msk [tilespmem:v2+s3+$0x0], $0xffff  }
0x24: {  	v1 =	vld.idx.msk [tilespmem:v3+s3+$0x0], $0xffff;
	_ =	sdelay $0x2  }
0x25: {  	v2 =	vshll.u32 v4, $0x1;
	v3 =	vshll.u32 v5, $0x1  }
0x26: {  	v3 =	vor.u32 $0x1, v3  }
0x27: {  	v0 =	vadd.f32 v1, v0  }
0x28: {  	v6 =	vld [tilespmem:s13+$0x5030]  }
0x29: {  	v7 =	vld [tilespmem:s13+$0x7830];
	[tilespmem:s13+$0xA010] =	vst v0  }
0x2a: {  	v0 =	vld.idx.msk [tilespmem:v2+s3+$0x0], $0xffff  }
0x2b: {  	v1 =	vld.idx.msk [tilespmem:v3+s3+$0x0], $0xffff;
	_ =	sdelay $0x2  }
0x2c: {  	v2 =	vshll.u32 v7, $0x1;
	v3 =	vshll.u32 v6, $0x1  }
0x2d: {  	v2 =	vor.u32 $0x1, v2  }
0x2e: {  	v0 =	vadd.f32 v1, v0  }
0x2f: {  	v8 =	vld [tilespmem:s13+$0x5040]  }
0x30: {  	v9 =	vld [tilespmem:s13+$0x7840];
	[tilespmem:s13+$0xA020] =	vst v0  }
0x31: {  	v0 =	vld.idx.msk [tilespmem:v3+s3+$0x0], $0xffff  }
0x32: {  	v1 =	vld.idx.msk [tilespmem:v2+s3+$0x0], $0xffff;
	_ =	sdelay $0x2  }
0x33: {  	v2 =	vshll.u32 v9, $0x1;
	v3 =	vshll.u32 v8, $0x1  }
0x34: {  	v2 =	vor.u32 $0x1, v2  }
0x35: {  	v0 =	vadd.f32 v1, v0  }
0x36: {  	v10 =	vld [tilespmem:s13+$0x5050]  }
0x37: {  	v11 =	vld [tilespmem:s13+$0x7850];
	[tilespmem:s13+$0xA030] =	vst v0  }
0x38: {  	v0 =	vld.idx.msk [tilespmem:v3+s3+$0x0], $0xffff  }
0x39: {  	v1 =	vld.idx.msk [tilespmem:v2+s3+$0x0], $0xffff;
	_ =	sdelay $0x2  }
0x3a: {  	v2 =	vshll.u32 v11, $0x1;
	v3 =	vshll.u32 v10, $0x1  }
0x3b: {  	v2 =	vor.u32 $0x1, v2  }
0x3c: {  	v0 =	vadd.f32 v1, v0  }
0x3d: {  	v12 =	vld [tilespmem:s13+$0x5060]  }
0x3e: {  	v13 =	vld [tilespmem:s13+$0x7860];
	[tilespmem:s13+$0xA040] =	vst v0  }
0x3f: {  	v0 =	vld.idx.msk [tilespmem:v3+s3+$0x0], $0xffff  }
0x40: {  	v1 =	vld.idx.msk [tilespmem:v2+s3+$0x0], $0xffff;
	_ =	sdelay $0x2  }
0x41: {  	v2 =	vshll.u32 v13, $0x1;
	v3 =	vshll.u32 v12, $0x1  }
0x42: {  	v2 =	vor.u32 $0x1, v2  }
0x43: {  	v0 =	vadd.f32 v1, v0  }
0x44: {  	v14 =	vld [tilespmem:s13+$0x7870]  }
0x45: {  	v15 =	vld [tilespmem:s13+$0x5070];
	[tilespmem:s13+$0xA050] =	vst v0  }
0x46: {  	v0 =	vld.idx.msk [tilespmem:v3+s3+$0x0], $0xffff  }
0x47: {  	v1 =	vld.idx.msk [tilespmem:v2+s3+$0x0], $0xffff;
	_ =	sdelay $0x2  }
0x48: {  	v2 =	vshll.u32 v14, $0x1;
	v3 =	vshll.u32 v15, $0x1  }
0x49: {  	v2 =	vor.u32 $0x1, v2  }
0x4a: {  	s16 =	simm.s32 $0x80;
	v4 =	vadd.f32 v1, v0  }
0x4b: {  	v0 =	vld [tilespmem:s16+$0x5000]  }
0x4c: {  	s14 =	simm.s32 $0x400;
	v1 =	vld [tilespmem:s16+$0x7800];
	[tilespmem:s13+$0xA060] =	vst v4  }
.LBB2_2:
0x4d: {  	p0 =	sne.s32 s14, $0x9E00;
	v3 =	vld.idx.msk [tilespmem:v3+s3+$0x0], $0xffff;
	s15 =	smov.u32 s14;
	s14 =	sadd.s32 $0x200, s14  }
0x4e: {  	v2 =	vld.idx.msk [tilespmem:v2+s3+$0x0], $0xffff  }
0x4f: {  	v4 =	vld [tilespmem:s16+$0x5010]  }
0x50: {  	v5 =	vld [tilespmem:s16+$0x7810]  }
0x51: {  	v6 =	vld [tilespmem:s16+$0x5020]  }
0x52: {  	v0 =	vshll.u32 v0, $0x1;
	v1 =	vshll.u32 v1, $0x1;
	v7 =	vld [tilespmem:s16+$0x7820]  }
0x53: {  	v1 =	vor.u32 $0x1, v1;
	v8 =	vld [tilespmem:s16+$0x5030]  }
0x54: {  	v2 =	vadd.f32 v2, v3;
	v9 =	vld [tilespmem:s16+$0x7830]  }
0x55: {  	v3 =	vshll.u32 v5, $0x1;
	v5 =	vld [tilespmem:s16+$0x5040]  }
0x56: {  	v10 =	vld [tilespmem:s16+$0x7840];
	[tilespmem:s13+$0xA070] =	vst v2;
	s13 =	smov.u32 s16  }
0x57: {  	v0 =	vld.idx.msk [tilespmem:v0+s3+$0x0], $0xffff  }
0x58: {  	v1 =	vld.idx.msk [tilespmem:v1+s3+$0x0], $0xffff  }
0x59: {  	v2 =	vshll.u32 v9, $0x1;
	v9 =	vld [tilespmem:s13+$0x5050]  }
0x5a: {  	v11 =	vld [tilespmem:s13+$0x7850]  }
0x5b: {  	v10 =	vshll.u32 v10, $0x1;
	v12 =	vld [tilespmem:s13+$0x5060]  }
0x5c: {  	v4 =	vshll.u32 v4, $0x1;
	v13 =	vld [tilespmem:s13+$0x7860]  }
0x5d: {  	v3 =	vor.u32 $0x1, v3;
	v14 =	vld [tilespmem:s13+$0x7870]  }
0x5e: {  	v0 =	vadd.f32 v1, v0;
	v1 =	vld [tilespmem:s13+$0x5070]  }
0x5f: {  	v11 =	vshll.u32 v11, $0x1  }
0x60: {  	[tilespmem:s13+$0xA000] =	vst v0  }
0x61: {  	v0 =	vld.idx.msk [tilespmem:v4+s3+$0x0], $0xffff;
	v4 =	vshll.u32 v13, $0x1  }
0x62: {  	v3 =	vld.idx.msk [tilespmem:v3+s3+$0x0], $0xffff;
	v13 =	vshll.u32 v14, $0x1;
	_ =	sdelay $0x3  }
0x63: {  	v6 =	vshll.u32 v6, $0x1;
	v7 =	vshll.u32 v7, $0x1  }
0x64: {  	v7 =	vor.u32 $0x1, v7  }
0x65: {  	v0 =	vadd.f32 v3, v0;
	_ =	sdelay $0x1  }
0x66: {  	[tilespmem:s13+$0xA010] =	vst v0  }
0x67: {  	v0 =	vld.idx.msk [tilespmem:v6+s3+$0x0], $0xffff  }
0x68: {  	v3 =	vld.idx.msk [tilespmem:v7+s3+$0x0], $0xffff;
	_ =	sdelay $0x3  }
0x69: {  	v6 =	vshll.u32 v8, $0x1  }
0x6a: {  	v2 =	vor.u32 $0x1, v2  }
0x6b: {  	v0 =	vadd.f32 v3, v0;
	_ =	sdelay $0x1  }
0x6c: {  	[tilespmem:s13+$0xA020] =	vst v0  }
0x6d: {  	v0 =	vld.idx.msk [tilespmem:v6+s3+$0x0], $0xffff  }
0x6e: {  	v2 =	vld.idx.msk [tilespmem:v2+s3+$0x0], $0xffff;
	_ =	sdelay $0x3  }
0x6f: {  	v3 =	vshll.u32 v5, $0x1  }
0x70: {  	v5 =	vor.u32 $0x1, v10  }
0x71: {  	v0 =	vadd.f32 v2, v0;
	_ =	sdelay $0x1  }
0x72: {  	[tilespmem:s13+$0xA030] =	vst v0  }
0x73: {  	v0 =	vld.idx.msk [tilespmem:v3+s3+$0x0], $0xffff  }
0x74: {  	v2 =	vld.idx.msk [tilespmem:v5+s3+$0x0], $0xffff;
	_ =	sdelay $0x3  }
0x75: {  	v3 =	vshll.u32 v9, $0x1  }
0x76: {  	v5 =	vor.u32 $0x1, v11  }
0x77: {  	v0 =	vadd.f32 v2, v0;
	_ =	sdelay $0x1  }
0x78: {  	[tilespmem:s13+$0xA040] =	vst v0  }
0x79: {  	v0 =	vld.idx.msk [tilespmem:v3+s3+$0x0], $0xffff  }
0x7a: {  	v2 =	vld.idx.msk [tilespmem:v5+s3+$0x0], $0xffff;
	_ =	sdelay $0x3  }
0x7b: {  	v3 =	vshll.u32 v12, $0x1  }
0x7c: {  	v4 =	vor.u32 $0x1, v4  }
0x7d: {  	v0 =	vadd.f32 v2, v0;
	_ =	sdelay $0x1  }
0x7e: {  	[tilespmem:s13+$0xA050] =	vst v0  }
0x7f: {  	v0 =	vld.idx.msk [tilespmem:v3+s3+$0x0], $0xffff  }
0x80: {  	v4 =	vld.idx.msk [tilespmem:v4+s3+$0x0], $0xffff;
	_ =	sdelay $0x3  }
.Ltmp0:
0x81: {  	v2 =	vor.u32 $0x1, v13;
	v3 =	vshll.u32 v1, $0x1;
	(pc) =	sbr.rel @p0 .LBB2_2-.Ltmp0, $4  }
0x82: {  	_ = 	snop  }
0x83: {  	s16 =	sshra.s32 s15, $0x2;
	v4 =	vadd.f32 v4, v0  }
0x84: {  	v0 =	vld [tilespmem:s16+$0x5000]  }
0x85: {  	v1 =	vld [tilespmem:s16+$0x7800];
	[tilespmem:s13+$0xA060] =	vst v4  }
0x86: {  	_ =	sdelay $0x3  }
0x87: {  	v3 =	vld.idx.msk [tilespmem:v3+s3+$0x0], $0xffff  }
0x88: {  	v2 =	vld.idx.msk [tilespmem:v2+s3+$0x0], $0xffff  }
0x89: {  	v4 =	vld [tilespmem:s16+$0x5010]  }
0x8a: {  	v5 =	vld [tilespmem:s16+$0x7810]  }
0x8b: {  	v6 =	vld [tilespmem:s16+$0x5020]  }
0x8c: {  	v7 =	vld [tilespmem:s16+$0x7820];
	v0 =	vshll.u32 v0, $0x1;
	v1 =	vshll.u32 v1, $0x1  }
0x8d: {  	v8 =	vld [tilespmem:s16+$0x5030];
	v1 =	vor.u32 $0x1, v1  }
0x8e: {  	v9 =	vld [tilespmem:s16+$0x7830];
	v2 =	vadd.f32 v2, v3  }
0x8f: {  	v46 =	vld [tilespmem:s16+$0x5040]  }
0x90: {  	v10 =	vld [tilespmem:s16+$0x7840];
	[tilespmem:s13+$0xA070] =	vst v2  }
0x91: {  	v0 =	vld.idx.msk [tilespmem:v0+s3+$0x0], $0xffff  }
0x92: {  	v1 =	vld.idx.msk [tilespmem:v1+s3+$0x0], $0xffff;
	_ =	sdelay $0x2  }
0x93: {  	v5 =	vshll.u32 v5, $0x1;
	v4 =	vshll.u32 v4, $0x1  }
0x94: {  	v5 =	vor.u32 $0x1, v5  }
0x95: {  	v0 =	vadd.f32 v1, v0;
	_ =	sdelay $0x1  }
0x96: {  	[tilespmem:s16+$0xA000] =	vst v0  }
0x97: {  	v0 =	vld.idx.msk [tilespmem:v4+s3+$0x0], $0xffff  }
0x98: {  	v48 =	vld.idx.msk [tilespmem:v5+s3+$0x0], $0xffff;
	_ =	sdelay $0x2  }
0x99: {  	v49 =	vshll.u32 v6, $0x1;
	v50 =	vshll.u32 v7, $0x1  }
0x9a: {  	v6 =	vor.u32 $0x1, v50  }
0x9b: {  	v0 =	vadd.f32 v48, v0;
	_ =	sdelay $0x1  }
0x9c: {  	[tilespmem:s16+$0xA010] =	vst v0  }
0x9d: {  	v0 =	vld.idx.msk [tilespmem:v49+s3+$0x0], $0xffff  }
0x9e: {  	v51 =	vld.idx.msk [tilespmem:v6+s3+$0x0], $0xffff;
	_ =	sdelay $0x2  }
0x9f: {  	v52 =	vshll.u32 v9, $0x1;
	v53 =	vshll.u32 v8, $0x1  }
0xa0: {  	v5 =	vor.u32 $0x1, v52  }
0xa1: {  	v0 =	vadd.f32 v51, v0;
	_ =	sdelay $0x1  }
0xa2: {  	[tilespmem:s16+$0xA020] =	vst v0  }
0xa3: {  	v0 =	vld.idx.msk [tilespmem:v53+s3+$0x0], $0xffff  }
0xa4: {  	v54 =	vld.idx.msk [tilespmem:v5+s3+$0x0], $0xffff;
	_ =	sdelay $0x2  }
0xa5: {  	v55 =	vshll.u32 v10, $0x1;
	v3 =	vshll.u32 v46, $0x1  }
0xa6: {  	v5 =	vor.u32 $0x1, v55  }
0xa7: {  	v0 =	vadd.f32 v54, v0  }
0xa8: {  	v2 =	vld [tilespmem:s16+$0x5050]  }
0xa9: {  	v11 =	vld [tilespmem:s16+$0x7850];
	[tilespmem:s16+$0xA030] =	vst v0  }
0xaa: {  	v0 =	vld.idx.msk [tilespmem:v3+s3+$0x0], $0xffff  }
0xab: {  	v56 =	vld.idx.msk [tilespmem:v5+s3+$0x0], $0xffff;
	_ =	sdelay $0x2  }
0xac: {  	v57 =	vshll.u32 v11, $0x1;
	v2 =	vshll.u32 v2, $0x1  }
0xad: {  	v4 =	vor.u32 $0x1, v57  }
0xae: {  	v0 =	vadd.f32 v56, v0  }
0xaf: {  	v12 =	vld [tilespmem:s16+$0x5060]  }
0xb0: {  	v13 =	vld [tilespmem:s16+$0x7860];
	[tilespmem:s16+$0xA040] =	vst v0  }
0xb1: {  	v0 =	vld.idx.msk [tilespmem:v2+s3+$0x0], $0xffff  }
0xb2: {  	v58 =	vld.idx.msk [tilespmem:v4+s3+$0x0], $0xffff;
	_ =	sdelay $0x2  }
0xb3: {  	v59 =	vshll.u32 v13, $0x1;
	v60 =	vshll.u32 v12, $0x1  }
0xb4: {  	v3 =	vor.u32 $0x1, v59  }
0xb5: {  	v0 =	vadd.f32 v58, v0  }
0xb6: {  	v14 =	vld [tilespmem:s16+$0x7870]  }
0xb7: {  	v47 =	vld [tilespmem:s16+$0x5070];
	[tilespmem:s16+$0xA050] =	vst v0  }
0xb8: {  	v0 =	vld.idx.msk [tilespmem:v60+s3+$0x0], $0xffff  }
0xb9: {  	v61 =	vld.idx.msk [tilespmem:v3+s3+$0x0], $0xffff;
	_ =	sdelay $0x2  }
0xba: {  	v62 =	vshll.u32 v14, $0x1;
	v1 =	vshll.u32 v47, $0x1  }
0xbb: {  	v3 =	vor.u32 $0x1, v62  }
0xbc: {  	v0 =	vadd.f32 v61, v0;
	_ =	sdelay $0x1  }
0xbd: {  	[tilespmem:s16+$0xA060] =	vst v0  }
0xbe: {  	v0 =	vld.idx.msk [tilespmem:v1+s3+$0x0], $0xffff  }
0xbf: {  	v63 =	vld.idx.msk [tilespmem:v3+s3+$0x0], $0xffff;
	_ =	sdelay $0x4  }
0xc0: {  	s12 =	sadd.s32 $0x1, s12;
	v0 =	vadd.f32 v63, v0  }
0xc1: {  	p0 =	sne.s32 s12, s7  }
.Ltmp1:
0xc2: {  	[tilespmem:s16+$0xA070] =	vst v0;
	(pc) =	sbr.rel @p0 .LBB2_1-.Ltmp1, $4  }
0xc3: {  	[hbm4b:s6+s3] =	stream.linear.scatter [tilespmem:s11], [sflag:$0x1], $0x2800, $0x38;
	[tilespmem:$0xC800] =	vst v63  }
0xc4: {  	_ =	swait.ge [sflag:s8], $0x2800  }
0xc5: {  	[sflag:s8] =	ssyncset.done $0x0  }
0xc6: {  	[sflag:s8] =	ssyncadd.s32 $0xFFFFD800  }
0xc7: {  	_ =	sfence.sel $0x180000  }
0xc8: {  	[bflag:$0x0] =	sbarrier.arrive $0xFFFF  }
0xc9: {  	p0 =	sne.s32 s0, $0x0;
	_ =	strace $0x90000050  }
0xca: {  	s0 =	sadd.s32 @!p0 $0x100000, s1;
	[bflag:$0x2] =	sbarrier.arrive $0xFFFF  }
0xcb: {  	[sflag:s0] =	ssyncadd.tile.s32 @!p0 $0x1;
	_ =	shalt  }
.Lfunc_end2:
_tile_overlayer_lowered:
.L_overlay_start_2:
0xcc: {  	(tag) =	ssettag $0x2  }
0xcd: {  	s0 =	rddreg [dreg:$0x0];
	s2 =	stileid.u32  }
0xce: {  	s1 =	rddreg [dreg:$0x1];
	p0 =	sne.s32 s2, $0x0  }
0xcf: {  	s3 =	rddreg [dreg:$0x2];
	[bflag:$0x3] =	sbarrier.arrive $0xFFFF;
	s2 =	simm.s32 @!p0 $0x1C01  }
0xd0: {  	[timem:s3], [sflag:s2] =	dma.local @!p0 [hbm:s0], s1  }
0xd1: {  	s0 =	simm.s32 @!p0 $0x1  }
0xd2: {  	_ =	swait.ge @!p0 [sflag:s0], s1  }
0xd3: {  	s1 =	ssub.s32 @!p0 $0x0, s1;
	[sflag:s0] =	ssyncset.done @!p0 $0x0  }
0xd4: {  	[sflag:s0] =	ssyncadd.s32 @!p0 s1  }
0xd5: {  	[bflag:$0x3] =	sbarrier.arrive $0xFFFF  }
0xd6: {  	_ =	shalt  }

// kernel: kernel.9.cloned.1.call-start
scs
__scs_entry_jumppad:
0x0: {  	(pc) =	sbr.rel $0x88, $3  }
0x1: {  	(tag) =	ssettag $0x0;
	lr =	simm.s32 $0x1  }
0x2: {  	[smem:$0x3F99] =	sst lr;
	_ =	strace $0xD0000000  }
0x3: {  	_ = 	snop  }
0x4: {  	_ = 	snop  }
0x5: {  	_ = 	snop  }
0x6: {  	_ = 	snop  }
0x7: {  	_ = 	snop  }
__scs_overlays_trampoline_lowered:
0x8: {  	[smem:$0x3FA8] =	sst s0  }
0x9: {  	[smem:$0x3FA9] =	sst s1  }
0xa: {  	[smem:$0x3FAA] =	sst s2  }
0xb: {  	[smem:$0x3FAB] =	sst s3  }
0xc: {  	[smem:$0x3FAC] =	sst s4  }
0xd: {  	[smem:$0x3FAD] =	sst s5  }
0xe: {  	[smem:$0x3FAE] =	sst s6  }
0xf: {  	[smem:$0x3FAF] =	sst s7  }
0x10: {  	[smem:$0x3FB0] =	sst s8  }
0x11: {  	[smem:$0x3FB1] =	sst s9;
	s0 =	simm.s32 @!p0 $0x0  }
0x12: {  	s1 =	sld [smem:$0x3F97];
	s0 =	simm.s32 @p0 $0x1  }
0x13: {  	[smem:$0x3FB2] =	sst s0;
	s0 =	simm.s32 @!p1 $0x0  }
0x14: {  	s2 =	sld [smem:$0x3F96];
	s0 =	simm.s32 @p1 $0x1  }
0x15: {  	[smem:$0x3FB3] =	sst s0;
	s0 =	simm.s32 @!p2 $0x0  }
0x16: {  	s3 =	sld [smem:$0x3FDB];
	s0 =	simm.s32 @p2 $0x1  }
0x17: {  	s4 =	simm.s32 $0x1BF5;
	[smem:$0x3FB5] =	sst s0  }
0x18: {  	s0 =	sld [smem:$0x3F98];
	_ =	swait.ge [sflag:s4], $0x0  }
0x19: {  	s7 =	sld [smem:$0x3F99]  }
0x1a: {  	s8 =	sadd.s32 $0xFFFFE003, lr  }
0x1b: {  	s9 =	sadd.s32 $0xFFFFFEF7, lr;
	s5 =	simm.s32 $0xFFFFFFFF;
	p2 =	slt.u32 s8, $0xFFFFF086  }
0x1c: {  	p1 =	slt.u32 s9, $0xF7A;
	s5 =	simm.s32 @!p2 $0x0  }
0x1d: {  	s5 =	simm.s32 @p1 $0x1;
	p0 =	seq.s32 s7, s2  }
0x1e: {  	s7 =	smul.u32 @!p0 $0xF7A, s2;
	p2 =	seq.s32 @!p0 s5, $0x0  }
0x1f: {  	s9 =	smul.u32 $0xF7A, s1;
	s8 =	simm.s32 @!p0 $0x1BF5;
	p2 =	por !p2, p0  }
0x20: {  	[sflag:s8] =	ssyncset.s32 @!p0 $0xFFFFF086;
	s6 =	sadd.s32 @!p0 s3, s7;
	s7 =	simm.s32 @!p0 $0x108  }
0x21: {  	s3 =	sadd.s32 s3, s9;
	s6 =	sadd.s32 @!p0 $0x88, s6;
	s7 =	simm.s32 @p2 $0x1082  }
0x22: {  	[simem:s7], [sflag:s8] =	dma.local @!p0 [hbm:s6], $0xF7A  }
0x23: {  	s9 =	sor.u32 $0xD0000000, s2;
	s6 =	simm.s32 $0x108;
	_ =	swait.ge @!p0 [sflag:s8], $0x0  }
0x24: {  	s3 =	sadd.s32 $0x88, s3;
	s6 =	simm.s32 @!p1 $0x1082;
	[sflag:s4] =	ssyncset.s32 $0xFFFFF086  }
0x25: {  	[simem:s6], [sflag:s4] =	dma.local [hbm:s3], $0xF7A  }
0x26: {  	[smem:$0x3F99] =	sst s1;
	(tag) =	ssettag s2;
	_ =	strace s9  }
0x27: {  	s1 =	sld [smem:$0x3FA9]  }
0x28: {  	s2 =	sld [smem:$0x3FAA]  }
0x29: {  	s4 =	sld [smem:$0x3FAC]  }
0x2a: {  	p0 =	seq.s32 s5, $0x0;
	s5 =	sld [smem:$0x3FAD]  }
0x2b: {  	s6 =	sld [smem:$0x3FAE]  }
0x2c: {  	s7 =	sld [smem:$0x3FAF]  }
0x2d: {  	s3 =	simm.s32 $0x108;
	s8 =	sld [smem:$0x3FB0]  }
0x2e: {  	s3 =	simm.s32 @!p0 $0x1082;
	s9 =	sld [smem:$0x3FB1]  }
0x2f: {  	lr =	sadd.s32 s0, s3;
	s0 =	sld [smem:$0x3FA8]  }
0x30: {  	s3 =	sld [smem:$0x3FAB]  }
0x31: {  	[smem:$0x3FB4] =	sst s10  }
0x32: {  	s10 =	sld [smem:$0x3FB2];
	_ =	sdelay $0x3  }
0x33: {  	p0 =	seq.s32 s10, $0x1;
	s10 =	sld [smem:$0x3FB4];
	_ =	sdelay $0x3  }
0x34: {  	[smem:$0x3FB4] =	sst s10  }
0x35: {  	s10 =	sld [smem:$0x3FB3];
	_ =	sdelay $0x3  }
0x36: {  	p1 =	seq.s32 s10, $0x1;
	s10 =	sld [smem:$0x3FB4];
	_ =	sdelay $0x3  }
0x37: {  	[smem:$0x3FB4] =	sst s10  }
0x38: {  	s10 =	sld [smem:$0x3FB5]  }
0x39: {  	_ = 	snop;
	(pc) =	sbr.ind lr, $3  }
0x3a: {  	_ = 	snop  }
0x3b: {  	_ = 	snop  }
0x3c: {  	p2 =	seq.s32 s10, $0x1;
	s10 =	sld [smem:$0x3FB4]  }
0x3d: {  	_ =	shalt  }
0x3e: {  	_ =	shalt  }
0x3f: {  	_ =	shalt  }
0x40: {  	_ =	shalt  }
0x41: {  	_ =	shalt  }
0x42: {  	_ =	shalt  }
0x43: {  	_ =	shalt  }
0x44: {  	_ =	shalt  }
0x45: {  	_ =	shalt  }
0x46: {  	_ =	shalt  }
0x47: {  	_ =	shalt  }
0x48: {  	_ =	shalt  }
0x49: {  	_ =	shalt  }
0x4a: {  	_ =	shalt  }
0x4b: {  	_ =	shalt  }
0x4c: {  	_ =	shalt  }
0x4d: {  	_ =	shalt  }
0x4e: {  	_ =	shalt  }
0x4f: {  	_ =	shalt  }
0x50: {  	_ =	shalt  }
0x51: {  	_ =	shalt  }
0x52: {  	_ =	shalt  }
0x53: {  	_ =	shalt  }
0x54: {  	_ =	shalt  }
0x55: {  	_ =	shalt  }
0x56: {  	_ =	shalt  }
0x57: {  	_ =	shalt  }
0x58: {  	_ =	shalt  }
0x59: {  	_ =	shalt  }
0x5a: {  	_ =	shalt  }
0x5b: {  	_ =	shalt  }
0x5c: {  	_ =	shalt  }
0x5d: {  	_ =	shalt  }
0x5e: {  	_ =	shalt  }
0x5f: {  	_ =	shalt  }
0x60: {  	_ =	shalt  }
0x61: {  	_ =	shalt  }
0x62: {  	_ =	shalt  }
0x63: {  	_ =	shalt  }
0x64: {  	_ =	shalt  }
0x65: {  	_ =	shalt  }
0x66: {  	_ =	shalt  }
0x67: {  	_ =	shalt  }
0x68: {  	_ =	shalt  }
0x69: {  	_ =	shalt  }
0x6a: {  	_ =	shalt  }
0x6b: {  	_ =	shalt  }
0x6c: {  	_ =	shalt  }
0x6d: {  	_ =	shalt  }
0x6e: {  	_ =	shalt  }
0x6f: {  	_ =	shalt  }
0x70: {  	_ =	shalt  }
0x71: {  	_ =	shalt  }
0x72: {  	_ =	shalt  }
0x73: {  	_ =	shalt  }
0x74: {  	_ =	shalt  }
0x75: {  	_ =	shalt  }
0x76: {  	_ =	shalt  }
0x77: {  	_ =	shalt  }
0x78: {  	_ =	shalt  }
0x79: {  	_ =	shalt  }
0x7a: {  	_ =	shalt  }
0x7b: {  	_ =	shalt  }
0x7c: {  	_ =	shalt  }
0x7d: {  	_ =	shalt  }
0x7e: {  	_ =	shalt  }
0x7f: {  	_ =	shalt  }
0x80: {  	_ =	shalt  }
0x81: {  	_ =	shalt  }
0x82: {  	_ =	shalt  }
0x83: {  	_ =	shalt  }
0x84: {  	_ =	shalt  }
0x85: {  	_ =	shalt  }
0x86: {  	_ =	shalt  }
0x87: {  	_ =	shalt  }
.Lfunc_end0:
.L_simem_size_0:
called_computation_lowered:
.L_overlay_start_0:
0x88: {  	s2 =	sld [smem:$0x3FD9]  }
0x89: {  	s3 =	sld [smem:$0x3FFE];
	_ =	sdelay $0x1  }
0x8a: {  	s1 =	srdreg.scid  }
0x8b: {  	s0 =	sand.u32 $0x1, s1  }
0x8c: {  	s16 =	sshll.u32 s0, $0xA;
	s2 =	sadd.s32 s3, s2  }
0x8d: {  	s2 =	sadd.s32 s2, s16  }
0x8e: {  	[smem:$0x3FC0] =	sst s2  }
0x8f: {  	_ = 	snop  }
0x90: {  	(tm) =	ssettm $0x1  }
0x91: {  	s17 =	sld [smem:$0x3FFB];
	_ =	sdelay $0x3  }
0x92: {  	_ =	strace s17  }
0x93: {  	s2 =	sld [smem:$0x3FFC];
	_ =	sdelay $0x3  }
0x94: {  	_ =	strace s2  }
0x95: {  	s2 =	sld [smem:$0x3FFD];
	_ =	sdelay $0x3  }
0x96: {  	_ =	strace s2  }
0x97: {  	_ =	strace $0x8FFFFFFF  }
0x98: {  	s18 =	sld [smem:$0x3FDB];
	_ =	sdelay $0x1  }
0x99: {  	s19 =	simm.s32 $_scs_section_size  }
0x9a: {  	s4 =	simm.s32 $_size__tile_overlayer_lowered;
	s5 =	simm.s32 $_tile_overlayer_lowered  }
0x9b: {  	s22 =	simm.s32 $0x1BFF;
	s21 =	sshll.u32 s5, $0x1;
	s2 =	sadd.s32 s19, s18  }
0x9c: {  	s6 =	simm.s32 $0x0;
	s20 =	sshll.u32 s4, $0x1;
	s4 =	sadd.s32 s21, s2  }
0x9d: {  	[timem:s6], [sflag:s22] =	dma.local [hbm:s4], s20  }
0x9e: {  	_ =	swait.ge [sflag:s22], s20  }
0x9f: {  	s3 =	ssub.s32 $0x0, s20;
	[sflag:s22] =	ssyncset.done $0x0  }
0xa0: {  	[sflag:s22] =	ssyncadd.s32 s3;
	_ =	sdelay $0x1  }
0xa1: {  	s23 =	simm.s32 $0x1B8B  }
0xa2: {  	_ =	swait.ge [sflag:s23], $0x1  }
0xa3: {  	[sflag:s23] =	ssyncset.done $0x0  }
0xa4: {  	s25 =	simm.s32 $0x1B8E;
	s24 =	sld [smem:$0x3FFE];
	[sflag:s23] =	ssyncadd.s32 $0xFFFFFFFF  }
0xa5: {  	s26 =	simm.s32 $execute0_lowered;
	[smem:$0x3FD2] =	sst s25  }
0xa6: {  	s4 =	sshll.u32 s26, $0x1;
	_ =	strace $0x80000046;
	[dreg:$0x1] =	wrdreg $0xFFFFFFFF  }
0xa7: {  	s28 =	simm.s32 $_size_execute0_lowered;
	s2 =	sadd.s32 s2, s4;
	[dreg:$0x0] =	wrdreg $0x0  }
0xa8: {  	s4 =	sshll.u32 s28, $0x1;
	[dreg:$0x2] =	wrdreg s2  }
0xa9: {  	[dreg:$0x3] =	wrdreg s4  }
0xaa: {  	[dreg:$0x4] =	wrdreg $0xC0  }
0xab: {  	_ =	task [dreg:s6], $0x5FFFF  }
0xac: {  	[dreg:$0x1] =	wrdreg $0xFFFFFFFF  }
0xad: {  	[dreg:$0x0] =	wrdreg $0x60  }
0xae: {  	[dreg:$0x2] =	wrdreg s24  }
0xaf: {  	[dreg:$0x3] =	wrdreg $0x9  }
0xb0: {  	_ =	task.clear_ibuf [dreg:s6], $0x4FFFF;
	_ =	strace $0x90000046  }
0xb1: {  	s29 =	simm.s32 $0x9;
	_ =	strace $0x80000048  }
0xb2: {  	_ =	swait.ge [sflag:s29], $0x1  }
0xb3: {  	[sflag:s29] =	ssyncadd.s32 $0xFFFFFFFF  }
0xb4: {  	_ =	strace $0x90000048  }
0xb5: {  	_ =	sfence  }
0xb6: {  	s30 =	sld [smem:$0x0];
	_ =	sdelay $0x2  }
0xb7: {  	s31 =	sshll.u32 s1, $0xD;
	s1 =	sshrl.u32 s1, $0x2  }
0xb8: {  	s3 =	sand.u32 $0x4000, s31;
	s1 =	sadd.s32 s1, s30  }
0xb9: {  	s0 =	sor.u32 s3, s0;
	s1 =	sshll.u32 s1, $0x11  }
0xba: {  	s0 =	sor.u32 s1, s0  }
0xbb: {  	s0 =	sadd.s32 $0x8F2B, s0  }
0xbc: {  	[sflag:s0] =	ssyncadd.remote.s32 $0x1  }
0xbd: {  	_ =	sfence.sel $0xFFFF  }
0xbe: {  	[dreg:$0x0] =	wrdreg $0xFFFFFFFF;
	(pc) =	sbr.abs _section_cstart, $3  }
0xbf: {  	[dreg:$0x1] =	wrdreg $0xFFFFFFFF  }
0xc0: {  	_ =	task.clear_ibuf [dreg:s6], $0x2FFFF;
	_ =	strace $0x9FFFFFFF  }
0xc1: {  	(tm) =	ssettm $0x7FFFFFFF  }
tec
execute0_lowered:
.L_overlay_start_1:
0x0: {  	(tag) =	ssettag $0x1  }
0x1: {  	s1 =	srdreg.scid;
	s0 =	stileid.u32  }
0x2: {  	s4 =	sand.u32 $0x1, s1;
	s2 =	sshll.u32 s0, $0x1  }
0x3: {  	s3 =	rddreg [dreg:$0x0];
	s5 =	sor.u32 s4, s2  }
0x4: {  	s7 =	simm.s32 $0x2800;
	s8 =	simm.s32 $0x0;
	s5 =	smul.u32 $0x500, s5  }
0x5: {  	s1 =	rddreg [dreg:$0x1];
	s2 =	simm.s32 $0x0;
	s4 =	ssub.s32 $0x2, s4  }
0x6: {  	[smem:$0x7FF] =	sst s2;
	s6 =	sshrl.u32 s4, $0x1;
	s5 =	sadd.s32 s5, s3  }
0x7: {  	_ =	strace $0x80000047;
	s6 =	ssub.s32 s4, s6;
	s3 =	sadd.s32 $0x20400, s5  }
0x8: {  	v0 =	vimm.f32 $0.0e+00;
	v1 =	vimm.f32 $1.000000000e+00;
	s4 =	sadd.s32 $0x2A400, s5;
	s5 =	smax.u32 s6, $0x1;
	s6 =	simm.s32 $0x1  }
.LBB2_1:
0x9: {  	[tilespmem:s2], [sflag:$0x1] =	stream.linear.gather [hbm4b:s3+s2], $0x2800, $0x38;
	[tilespmem:$0x5000] =	vst v63  }
0xa: {  	_ =	swait.ge [sflag:s6], $0x2800  }
0xb: {  	[sflag:s6] =	ssyncset.done $0x0  }
0xc: {  	s9 =	simm.s32 $0x0;
	s10 =	simm.s32 $0x200;
	[sflag:s6] =	ssyncadd.s32 $0xFFFFD800  }
.LBB2_2:
0xd: {  	p0 =	sne.s32 s10, $0x9E00;
	[tilespmem:s9+$0x2870] =	vst v0  }
0xe: {  	[tilespmem:s9+$0x2800] =	vst v0  }
0xf: {  	[tilespmem:s9+$0x2810] =	vst v0  }
.Ltmp0:
0x10: {  	[tilespmem:s9+$0x2820] =	vst v0;
	(pc) =	sbr.rel @p0 .LBB2_2-.Ltmp0, $4  }
0x11: {  	[tilespmem:s9+$0x2830] =	vst v0  }
0x12: {  	[tilespmem:s9+$0x2840] =	vst v0  }
0x13: {  	[tilespmem:s9+$0x2850] =	vst v0  }
0x14: {  	[tilespmem:s9+$0x2860] =	vst v0;
	s9 =	sshra.s32 s10, $0x2;
	s10 =	sadd.s32 $0x200, s10  }
0x15: {  	[tilespmem:s9+$0x2870] =	vst v0  }
0x16: {  	[tilespmem:s9+$0x2800] =	vst v0  }
0x17: {  	[tilespmem:s9+$0x2810] =	vst v0  }
0x18: {  	[tilespmem:s9+$0x2820] =	vst v0  }
0x19: {  	[tilespmem:s9+$0x2830] =	vst v0  }
0x1a: {  	[tilespmem:s9+$0x2840] =	vst v0  }
0x1b: {  	[tilespmem:s9+$0x2850] =	vst v0  }
0x1c: {  	[tilespmem:s9+$0x2860] =	vst v0;
	s9 =	simm.s32 $0x0  }
.LBB2_4:
0x1d: {  	s10 =	sshra.s32 s9, $0x2  }
0x1e: {  	v2 =	vld [tilespmem:s10+$0x0];
	_ =	sdelay $0x7  }
0x1f: {  	[tilespmem:v2+s7+$0x0] =	vst.idx.add.f32.msk $0xffff, v1  }
0x20: {  	v2 =	vld [tilespmem:s10+$0x10];
	_ =	sdelay $0x7  }
0x21: {  	[tilespmem:v2+s7+$0x0] =	vst.idx.add.f32.msk $0xffff, v1  }
0x22: {  	v2 =	vld [tilespmem:s10+$0x20];
	_ =	sdelay $0x7  }
0x23: {  	[tilespmem:v2+s7+$0x0] =	vst.idx.add.f32.msk $0xffff, v1  }
0x24: {  	v2 =	vld [tilespmem:s10+$0x30];
	_ =	sdelay $0x7  }
0x25: {  	[tilespmem:v2+s7+$0x0] =	vst.idx.add.f32.msk $0xffff, v1  }
0x26: {  	v2 =	vld [tilespmem:s10+$0x40];
	_ =	sdelay $0x7  }
0x27: {  	[tilespmem:v2+s7+$0x0] =	vst.idx.add.f32.msk $0xffff, v1  }
0x28: {  	v2 =	vld [tilespmem:s10+$0x50];
	_ =	sdelay $0x7  }
0x29: {  	[tilespmem:v2+s7+$0x0] =	vst.idx.add.f32.msk $0xffff, v1  }
0x2a: {  	v2 =	vld [tilespmem:s10+$0x60];
	_ =	sdelay $0x7  }
0x2b: {  	[tilespmem:v2+s7+$0x0] =	vst.idx.add.f32.msk $0xffff, v1  }
0x2c: {  	v2 =	vld [tilespmem:s10+$0x70];
	_ =	sdelay $0x2  }
0x2d: {  	p0 =	sne.s32 s9, $0x9E00  }
.Ltmp1:
0x2e: {  	_ = 	snop;
	(pc) =	sbr.rel @p0 .LBB2_4-.Ltmp1, $2  }
0x2f: {  	_ =	sdelay $0x2  }
0x30: {  	s9 =	sadd.s32 $0x200, s9;
	[tilespmem:v2+s7+$0x0] =	vst.idx.add.f32.msk $0xffff, v1  }
0x31: {  	s8 =	sadd.s32 $0x1, s8  }
0x32: {  	p0 =	sne.s32 s8, s5  }
.Ltmp2:
0x33: {  	_ = 	snop;
	(pc) =	sbr.rel @p0 .LBB2_1-.Ltmp2, $4  }
0x34: {  	[hbm4b:s4+s2] =	stream.linear.scatter [tilespmem:s7], [sflag:$0x1], $0x2800, $0x38;
	[tilespmem:$0x5000] =	vst v63  }
0x35: {  	_ =	swait.ge [sflag:s6], $0x2800  }
0x36: {  	[sflag:s6] =	ssyncset.done $0x0  }
0x37: {  	[sflag:s6] =	ssyncadd.s32 $0xFFFFD800  }
0x38: {  	_ =	sfence.sel $0x180000  }
0x39: {  	[bflag:$0x0] =	sbarrier.arrive $0xFFFF  }
0x3a: {  	p0 =	sne.s32 s0, $0x0;
	_ =	strace $0x90000047  }
0x3b: {  	s0 =	sadd.s32 @!p0 $0x100000, s1;
	[bflag:$0x2] =	sbarrier.arrive $0xFFFF  }
0x3c: {  	[sflag:s0] =	ssyncadd.tile.s32 @!p0 $0x1;
	_ =	shalt  }
.Lfunc_end2:
_tile_overlayer_lowered:
.L_overlay_start_2:
0x3d: {  	(tag) =	ssettag $0x2  }
0x3e: {  	s0 =	rddreg [dreg:$0x0];
	s2 =	stileid.u32  }
0x3f: {  	s1 =	rddreg [dreg:$0x1];
	p0 =	sne.s32 s2, $0x0  }
0x40: {  	s3 =	rddreg [dreg:$0x2];
	[bflag:$0x3] =	sbarrier.arrive $0xFFFF;
	s2 =	simm.s32 @!p0 $0x1C01  }
0x41: {  	[timem:s3], [sflag:s2] =	dma.local @!p0 [hbm:s0], s1  }
0x42: {  	s0 =	simm.s32 @!p0 $0x1  }
0x43: {  	_ =	swait.ge @!p0 [sflag:s0], s1  }
0x44: {  	s1 =	ssub.s32 @!p0 $0x0, s1;
	[sflag:s0] =	ssyncset.done @!p0 $0x0  }
0x45: {  	[sflag:s0] =	ssyncadd.s32 @!p0 s1  }
0x46: {  	[bflag:$0x3] =	sbarrier.arrive $0xFFFF  }
0x47: {  	_ =	shalt  }

</sc_bundles>
